<compile_context>
chip_gen: v7x
topology: tpu7x:2x2x1
jax: 0.10.2.dev20260603
libtpu: 0.0.44.dev20260713+nightly
codegen_flags: <defaults>
</compile_context>

<pallas_src>
import functools

import jax
import jax.numpy as jnp
import numpy as np
from jax import lax
from jax.experimental import pallas as pl
from jax.experimental.pallas import tpu as pltpu
from jax.experimental.pallas import tpu_sc as plsc

N = 10000
NPAD = 10240
NC, NS = 2, 16
EPW = 10240
EPAD = NC * NS * EPW
EROWS = EPAD // 128
RW = EPW // 128
GC = 8
NG = RW // GC
ZW = NPAD // NS
ZROWS = 16

_NPAD_EDGES = EPAD - 320000
_PAD_EDGES = np.stack([
    (np.arange(_NPAD_EDGES, dtype=np.int32) % N).reshape(-1, 128),
    (np.arange(_NPAD_EDGES, dtype=np.int32) % (NPAD - N) + N).reshape(-1, 128),
])

_MESH = plsc.VectorSubcoreMesh(
    core_axis_name="c", subcore_axis_name="s", num_cores=NC, num_subcores=NS)


def _fill_1d(ref, n, value):
  def zf(k, _):
    ref[pl.ds(k * 16, 16)] = jnp.full((16,), value, jnp.float32)
    return 0
  lax.fori_loop(0, n // 16, zf, 0)


def _fill_rows(ref, rows, width, value):
  def zf(k, _):
    r = k // (width // 16)
    col = (k % (width // 16)) * 16
    ref[r, pl.ds(col, 16)] = jnp.full((16,), value, jnp.float32)
    return 0
  lax.fori_loop(0, rows * width // 16, zf, 0)


def _deg_body(edges_hbm, out_hbm, slab_v, ones_v, zbuf_v, dsem, deg_sh):
  c = lax.axis_index("c")
  s = lax.axis_index("s")
  w = c * NS + s
  _fill_1d(ones_v, 128, 1.0)
  _fill_1d(zbuf_v, ZW, 0.0)
  pltpu.sync_copy(edges_hbm.at[1, pl.ds(w * RW, RW)], slab_v)
  pltpu.sync_copy(zbuf_v, deg_sh.at[pl.ds(s * ZW, ZW)])
  plsc.subcore_barrier()
  def step(b, _):
    for k in range(8):
      pltpu.async_copy(ones_v, deg_sh.at[slab_v.at[b * 8 + k]], dsem,
                       add=True)
    for _k in range(8):
      pltpu.make_async_copy(ones_v, deg_sh.at[slab_v.at[0]], dsem).wait()
    return 0
  lax.fori_loop(0, RW // 8, step, 0)
  plsc.subcore_barrier()
  pltpu.sync_copy(deg_sh.at[pl.ds(s * ZW, ZW)],
                  out_hbm.at[c, pl.ds(s * ZW, ZW)])


_deg_kernel = functools.partial(
    pl.kernel,
    out_type=jax.ShapeDtypeStruct((NC, NPAD), jnp.float32),
    mesh=_MESH,
    scratch_types=[
        pltpu.VMEM((RW, 128), jnp.int32),
        pltpu.VMEM((128,), jnp.float32),
        pltpu.VMEM((ZW,), jnp.float32),
        pltpu.SemaphoreType.DMA,
        pltpu.VMEM_SHARED((NPAD,), jnp.float32),
    ],
)(_deg_body)


def _make_scatter_kernel(D, B, K, GCB):
  CH = EPW // B
  NGB = CH // GCB
  assert GCB % (2 * K) == 0

  def body(hs_hbm, idx_hbm, out_hbm, *scratch):
    (si0, di0, si1, di1), scratch = scratch[:4], scratch[4:]
    abufs, scratch = scratch[:K], scratch[K:]
    bbufs, scratch = scratch[:K], scratch[K:]
    (zbuf, isem0, isem1), scratch = scratch[:3], scratch[3:]
    asems, scratch = scratch[:K], scratch[K:]
    bsems, scratch = scratch[:K], scratch[K:]
    sasems, scratch = scratch[:K], scratch[K:]
    sbsems, scratch = scratch[:K], scratch[K:]
    (agg_sh,) = scratch
    c = lax.axis_index("c")
    s = lax.axis_index("s")
    cbase = (c * NS + s) * CH
    zb = s * ZW

    def idx_start(gidx, sbuf, dbuf, sem):
      rows = pl.ds(cbase + gidx * GCB, GCB)
      pltpu.async_copy(idx_hbm.at[0, rows], sbuf, sem)
      pltpu.async_copy(idx_hbm.at[1, rows], dbuf, sem)

    idx_start(0, si0, di0, isem0)
    _fill_rows(zbuf, ZROWS, D, 0.0)
    def zc(t, _):
      pltpu.sync_copy(zbuf, agg_sh.at[pl.ds(zb + t * ZROWS, ZROWS)])
      return 0
    lax.fori_loop(0, ZW // ZROWS, zc, 0)
    plsc.subcore_barrier()

    def idx_wait(sbuf, dbuf, sem):
      pltpu.make_async_copy(idx_hbm.at[0, pl.ds(0, GCB)], sbuf, sem).wait()
      pltpu.make_async_copy(idx_hbm.at[1, pl.ds(0, GCB)], dbuf, sem).wait()

    def gather(row_ref, buf, sem):
      return pltpu.async_copy(hs_hbm.at[row_ref], buf, sem)

    def scat(buf, row_ref, sem):
      return pltpu.async_copy(buf, agg_sh.at[row_ref], sem, add=True)

    def gwait(buf, sem):
      pltpu.make_async_copy(hs_hbm.at[si0.at[0]], buf, sem).wait()

    def prime(sbuf):
      for k in range(K):
        gather(sbuf.at[k], abufs[k], asems[k])

    def block(sbuf, dbuf, j, prefetch):
      for k in range(K):
        gather(sbuf.at[j + K + k], bbufs[k], bsems[k])
      cas = []
      for k in range(K):
        gwait(abufs[k], asems[k])
        cas.append(scat(abufs[k], dbuf.at[j + k], sasems[k]))
      cbs = []
      for k in range(K):
        gwait(bbufs[k], bsems[k])
        cbs.append(scat(bbufs[k], dbuf.at[j + K + k], sbsems[k]))
      for ca in cas:
        ca.wait()
      prefetch(j)
      for cb in cbs:
        cb.wait()

    def group(sbuf, dbuf, nsbuf, ndbuf, nsem):
      def it(t, _):
        block(sbuf, dbuf, 2 * K * t,
              lambda j: prime_rows(sbuf, j + 2 * K))
        return 0
      lax.fori_loop(0, GCB // (2 * K) - 1, it, 0)
      def cross(_j):
        idx_wait(nsbuf, ndbuf, nsem)
        prime(nsbuf)
      block(sbuf, dbuf, GCB - 2 * K, cross)

    def prime_rows(sbuf, j):
      for k in range(K):
        gather(sbuf.at[j + k], abufs[k], asems[k])

    idx_wait(si0, di0, isem0)
    prime(si0)
    def pair(p, _):
      g0 = 2 * p
      idx_start(g0 + 1, si1, di1, isem1)
      group(si0, di0, si1, di1, isem1)
      idx_start(jnp.minimum(g0 + 2, NGB - 1), si0, di0, isem0)
      group(si1, di1, si0, di0, isem0)
      return 0
    lax.fori_loop(0, NGB // 2, pair, 0)
    for k in range(K):
      gwait(abufs[k], asems[k])
    plsc.subcore_barrier()
    pltpu.sync_copy(agg_sh.at[pl.ds(zb, ZW)],
                    out_hbm.at[c, pl.ds(zb, ZW)])

  return functools.partial(
      pl.kernel,
      out_type=jax.ShapeDtypeStruct((NC, NPAD, D), jnp.float32),
      mesh=_MESH,
      compiler_params=pltpu.CompilerParams(use_tc_tiling_on_sc=(D == 128)),
      scratch_types=(
          [pltpu.VMEM((GCB, B), jnp.int32)] * 4
          + [pltpu.VMEM((B, D), jnp.float32)] * (2 * K)
          + [pltpu.VMEM((ZROWS, D), jnp.float32)]
          + [pltpu.SemaphoreType.DMA] * (2 + 4 * K)
          + [pltpu.VMEM_SHARED((NPAD, D), jnp.float32)]
      ),
  )(body)


_scatter128 = _make_scatter_kernel(128, 64, 2, 16)
_scatter64 = _make_scatter_kernel(64, 128, 2, 20)


def _tc1a_body(feat_ref, w1_ref, h_ref):
  h_ref[...] = jnp.dot(feat_ref[...], w1_ref[...],
                       preferred_element_type=jnp.float32)


def _tc1b_body(h_ref, degp_ref, hs_ref, dinv_ref):
  degt = jnp.transpose(degp_ref[...])
  deg = degt[:, 0:1] + degt[:, 1:2] + 1.0
  dinv = lax.rsqrt(deg)
  hs_ref[:N, :] = dinv[:N] * h_ref[...]
  hs_ref[N:, :] = jnp.zeros((NPAD - N, 128), jnp.float32)
  dinv_ref[...] = dinv


def _tc2_body(aggp_ref, hs1_ref, dinv_ref, b1_ref, w2_ref, hs2_ref):
  agg = aggp_ref[0, :, :] + aggp_ref[1, :, :] + hs1_ref[...]
  x1 = jnp.maximum(dinv_ref[...] * agg + b1_ref[...], 0.0)
  h2 = jnp.dot(x1, w2_ref[...], preferred_element_type=jnp.float32)
  hs2_ref[...] = dinv_ref[...] * h2


def _tc3_body(aggp_ref, hs2_ref, dinv_ref, b2_ref, out_ref):
  agg = aggp_ref[0, :, :] + aggp_ref[1, :, :] + hs2_ref[...]
  z = (dinv_ref[...] * agg + b2_ref[...])[:N, :]
  m = jnp.max(z, axis=1, keepdims=True)
  e = jnp.exp(z - m)
  lse = m + jnp.log(jnp.sum(e, axis=1, keepdims=True))
  out_ref[...] = z - lse


def kernel(feature, adj, W1, b1, W2, b2):
  edges = jnp.concatenate(
      [adj.reshape(2, -1, 128), jnp.asarray(_PAD_EDGES)], axis=1)

  h1 = pl.pallas_call(
      _tc1a_body,
      out_shape=jax.ShapeDtypeStruct((N, 128), jnp.float32),
  )(feature, W1)

  deg_parts = _deg_kernel(edges)

  hs1, dinv = pl.pallas_call(
      _tc1b_body,
      out_shape=[
          jax.ShapeDtypeStruct((NPAD, 128), jnp.float32),
          jax.ShapeDtypeStruct((NPAD, 1), jnp.float32),
      ],
  )(h1, deg_parts)

  agg1 = _scatter128(hs1, edges.reshape(2, -1, 64))

  hs2 = pl.pallas_call(
      _tc2_body,
      out_shape=jax.ShapeDtypeStruct((NPAD, 64), jnp.float32),
  )(agg1, hs1, dinv, b1.reshape(1, -1), W2)

  agg2 = _scatter64(hs2, edges)

  out = pl.pallas_call(
      _tc3_body,
      out_shape=jax.ShapeDtypeStruct((N, 64), jnp.float32),
  )(agg2, hs2, dinv, b2.reshape(1, -1))
  return out

# --- scband reference (transcript-rebuilt; emitter-appended) ---
"""Pipeline reference for scband-gcn-4879082848725 (READ-ONLY COPY).

The authoritative reference and input builder live on the scoring server;
editing this copy changes nothing except your own understanding.
"""

import jax, jax.numpy as jnp
import numpy as np

N_NODES = 10000
N_EDGES = 320000
IN_DIM = 128
HID_DIM = 128
OUT_DIM = 64


def gcn_conv(x, edge_index, W, b, num_nodes):
    # PyG-style GCNConv: add self-loops, symmetric normalization, linear transform, scatter-add aggregate
    src = edge_index[0]
    dst = edge_index[1]
    loop = jnp.arange(num_nodes, dtype=src.dtype)
    src = jnp.concatenate([src, loop])
    dst = jnp.concatenate([dst, loop])
    ones = jnp.ones(src.shape[0], dtype=x.dtype)
    deg = jnp.zeros((num_nodes,), dtype=x.dtype).at[dst].add(ones)
    deg_inv_sqrt = jnp.where(deg > 0, jax.lax.rsqrt(jnp.maximum(deg, 1e-12)), 0.0)
    norm = deg_inv_sqrt[src] * deg_inv_sqrt[dst]
    h = x @ W
    msg = h[src] * norm[:, None]
    out = jax.ops.segment_sum(msg, dst, num_segments=num_nodes)
    return out + b


def setup_inputs(seed: int = 0) -> dict:
    key = jax.random.key(seed)
    k1, k2, k3, k4 = jax.random.split(key, 4)
    feature = jax.random.normal(k1, (N_NODES, IN_DIM), dtype=jnp.float32)
    adj = jax.random.randint(k2, (2, N_EDGES), 0, N_NODES, dtype=jnp.int32)
    W1 = jax.random.normal(k3, (IN_DIM, HID_DIM), dtype=jnp.float32) * (1.0 / np.sqrt(IN_DIM))
    b1 = jnp.zeros((HID_DIM,), dtype=jnp.float32)
    W2 = jax.random.normal(k4, (HID_DIM, OUT_DIM), dtype=jnp.float32) * (1.0 / np.sqrt(HID_DIM))
    b2 = jnp.zeros((OUT_DIM,), dtype=jnp.float32)
    return {"feature": feature, "adj": adj, "W1": W1, "b1": b1, "W2": W2, "b2": b2}


def reference(feature, adj, W1, b1, W2, b2):
    x = gcn_conv(feature, adj, W1, b1, N_NODES)
    x = jax.nn.relu(x)
    x = gcn_conv(x, adj, W2, b2, N_NODES)
    return jax.nn.log_softmax(x, axis=1)

if __name__ == "__main__":
    import jax
    _d = setup_inputs()
    print(jax.jit(kernel)(*tuple(_d.values())))

</pallas_src>

<mosaic_0001>
#map = affine_map<(d0, d1) -> (0, 0, 0)>
#map1 = affine_map<(d0, d1) -> (0, 0)>
module attributes {stable_mosaic.version = 14 : i64} {
  func.func @_deg_body(%arg0: i32, %arg1: i32, %arg2: memref<2x2560x128xi32, #tpu.memory_space<hbm>>, %arg3: memref<2x10240xf32, #tpu.memory_space<hbm>>, %arg4: memref<80x128xi32, #tpu.memory_space<vmem>>, %arg5: memref<128xf32, #tpu.memory_space<vmem>>, %arg6: memref<640xf32, #tpu.memory_space<vmem>>, %arg7: memref<!tpu.dma_semaphore, #tpu.memory_space<semaphore_mem>>, %arg8: memref<10240xf32, #tpu.memory_space<vmem_shared>>) attributes {dimension_semantics = [#tpu.dimension_semantics<core_parallel>, #tpu.dimension_semantics<subcore_parallel>], iteration_bounds = array<i64: 2, 16>, scalar_prefetch = 0 : i64, scratch_operands = 5 : i64, tpu.core_type = #tpu.core_type<sc_vector_subcore>, window_params = [{transform_indices = #map}, {transform_indices = #map1}]} {
    %mul3A = arith.constant 16 : i32
    %mul3A_0 = arith.muli %arg0, %mul3A : i32
    %add3A = arith.addi %mul3A_0, %arg1 : i32
    %scan3A = arith.constant 0 : i32
    %scan3A_1 = arith.constant 0 : i32
    %scan3A_2 = arith.constant 8 : i32
    %scan3A_3 = arith.addi %scan3A_1, %scan3A_2 : i32
    %scan3A_4 = arith.constant 1 : i32
    %scan3A_5 = scf.for %scan3A_30 = %scan3A_1 to %scan3A_3 step %scan3A_4 iter_args(%scan3A_31 = %scan3A) -> (i32)  : i32 {
      %broadcast_in_dim3A = arith.constant 1.000000e+00 : f32
      %broadcast_in_dim3A_32 = vector.broadcast %broadcast_in_dim3A : f32 to vector<16xf32>
      %mul3A_33 = arith.constant 16 : i32
      %mul3A_34 = arith.muli %scan3A_30, %mul3A_33 : i32
      %swap3A = arith.index_cast %mul3A_34 : i32 to index
      %swap3A_35 = tpu.vector_load %arg5[%swap3A] {strides = array<i32>} : memref<128xf32, #tpu.memory_space<vmem>>, vector<16xf32>,
      %swap3A_36 = vector.shape_cast %swap3A_35 : vector<16xf32> to vector<16xf32>
      %swap3A_37 = vector.shape_cast %broadcast_in_dim3A_32 : vector<16xf32> to vector<16xf32>
      tpu.vector_store %arg5[%swap3A], %swap3A_37 {strides = array<i32>} : memref<128xf32, #tpu.memory_space<vmem>>, vector<16xf32>,
      %scan3A_38 = arith.constant 0 : i32
      scf.yield %scan3A_38 : i32
    }
    %scan3A_6 = arith.constant 8 : i32
    %scan3A_7 = arith.constant 0 : i32
    %scan3A_8 = arith.constant 0 : i32
    %scan3A_9 = arith.constant 40 : i32
    %scan3A_10 = arith.addi %scan3A_8, %scan3A_9 : i32
    %scan3A_11 = arith.constant 1 : i32
    %scan3A_12 = scf.for %scan3A_30 = %scan3A_8 to %scan3A_10 step %scan3A_11 iter_args(%scan3A_31 = %scan3A_7) -> (i32)  : i32 {
      %broadcast_in_dim3A = arith.constant 0.000000e+00 : f32
      %broadcast_in_dim3A_32 = vector.broadcast %broadcast_in_dim3A : f32 to vector<16xf32>
      %mul3A_33 = arith.constant 16 : i32
      %mul3A_34 = arith.muli %scan3A_30, %mul3A_33 : i32
      %swap3A = arith.index_cast %mul3A_34 : i32 to index
      %swap3A_35 = tpu.vector_load %arg6[%swap3A] {strides = array<i32>} : memref<640xf32, #tpu.memory_space<vmem>>, vector<16xf32>,
      %swap3A_36 = vector.shape_cast %swap3A_35 : vector<16xf32> to vector<16xf32>
      %swap3A_37 = vector.shape_cast %broadcast_in_dim3A_32 : vector<16xf32> to vector<16xf32>
      tpu.vector_store %arg6[%swap3A], %swap3A_37 {strides = array<i32>} : memref<640xf32, #tpu.memory_space<vmem>>, vector<16xf32>,
      %scan3A_38 = arith.constant 0 : i32
      scf.yield %scan3A_38 : i32
    }
    %scan3A_13 = arith.constant 40 : i32
    %mul3A_14 = arith.constant 80 : i32
    %mul3A_15 = arith.muli %add3A, %mul3A_14 : i32
    %run_scoped3A = arith.constant 1 : i32
    "tpu.region"() ({
      %run_scoped3A_30 = tpu.sem_alloc : memref<!tpu.dma_semaphore, #tpu.memory_space<semaphore_mem>>
      %dma_start3A = arith.constant 0 : i32
      %dma_start3A_31 = tpu.memref_slice %arg2[%run_scoped3A, %mul3A_15, %dma_start3A] : memref<2x2560x128xi32, #tpu.memory_space<hbm>> -> memref<1x80x128xi32, #tpu.memory_space<hbm>>
      %dma_start3A_32 = tpu.memref_squeeze %dma_start3A_31 : memref<1x80x128xi32, #tpu.memory_space<hbm>> -> memref<80x128xi32, #tpu.memory_space<hbm>>
      %dma_start3A_33 = arith.constant 0 : i32
      %dma_start3A_34 = tpu.memref_slice %arg2[%run_scoped3A, %mul3A_15, %dma_start3A_33] : memref<2x2560x128xi32, #tpu.memory_space<hbm>> -> memref<1x80x128xi32, #tpu.memory_space<hbm>>
      %dma_start3A_35 = tpu.memref_squeeze %dma_start3A_34 : memref<1x80x128xi32, #tpu.memory_space<hbm>> -> memref<80x128xi32, #tpu.memory_space<hbm>>
      tpu.enqueue_dma source(%dma_start3A_35 : memref<80x128xi32, #tpu.memory_space<hbm>>) target(%arg4 : memref<80x128xi32, #tpu.memory_space<vmem>>) target_semaphore(%run_scoped3A_30 : memref<!tpu.dma_semaphore, #tpu.memory_space<semaphore_mem>>)
      %dma_wait3A = arith.constant 0 : i32
      %dma_wait3A_36 = tpu.memref_slice %arg2[%run_scoped3A, %mul3A_15, %dma_wait3A] : memref<2x2560x128xi32, #tpu.memory_space<hbm>> -> memref<1x80x128xi32, #tpu.memory_space<hbm>>
      %dma_wait3A_37 = tpu.memref_squeeze %dma_wait3A_36 : memref<1x80x128xi32, #tpu.memory_space<hbm>> -> memref<80x128xi32, #tpu.memory_space<hbm>>
      %dma_wait3A_38 = arith.constant 0 : i32
      %dma_wait3A_39 = tpu.memref_slice %arg2[%run_scoped3A, %mul3A_15, %dma_wait3A_38] : memref<2x2560x128xi32, #tpu.memory_space<hbm>> -> memref<1x80x128xi32, #tpu.memory_space<hbm>>
      %dma_wait3A_40 = tpu.memref_squeeze %dma_wait3A_39 : memref<1x80x128xi32, #tpu.memory_space<hbm>> -> memref<80x128xi32, #tpu.memory_space<hbm>>
      tpu.wait_dma2 semaphore(%run_scoped3A_30 : memref<!tpu.dma_semaphore, #tpu.memory_space<semaphore_mem>>) src(%dma_wait3A_40 : memref<80x128xi32, #tpu.memory_space<hbm>>) dst(%arg4 : memref<80x128xi32, #tpu.memory_space<vmem>>)
      tpu.yield
    }) : () -> ()
    %mul3A_16 = arith.constant 640 : i32
    %mul3A_17 = arith.muli %arg1, %mul3A_16 : i32
    "tpu.region"() ({
      %run_scoped3A_30 = tpu.sem_alloc : memref<!tpu.dma_semaphore, #tpu.memory_space<semaphore_mem>>
      %dma_start3A = tpu.memref_slice %arg8[%mul3A_17] : memref<10240xf32, #tpu.memory_space<vmem_shared>> -> memref<640xf32, #tpu.memory_space<vmem_shared>>
      %dma_start3A_31 = tpu.memref_slice %arg8[%mul3A_17] : memref<10240xf32, #tpu.memory_space<vmem_shared>> -> memref<640xf32, #tpu.memory_space<vmem_shared>>
      tpu.enqueue_dma source(%arg6 : memref<640xf32, #tpu.memory_space<vmem>>) target(%dma_start3A_31 : memref<640xf32, #tpu.memory_space<vmem_shared>>) target_semaphore(%run_scoped3A_30 : memref<!tpu.dma_semaphore, #tpu.memory_space<semaphore_mem>>)
      %dma_wait3A = tpu.memref_slice %arg8[%mul3A_17] : memref<10240xf32, #tpu.memory_space<vmem_shared>> -> memref<640xf32, #tpu.memory_space<vmem_shared>>
      %dma_wait3A_32 = tpu.memref_slice %arg8[%mul3A_17] : memref<10240xf32, #tpu.memory_space<vmem_shared>> -> memref<640xf32, #tpu.memory_space<vmem_shared>>
      tpu.wait_dma2 semaphore(%run_scoped3A_30 : memref<!tpu.dma_semaphore, #tpu.memory_space<semaphore_mem>>) src(%arg6 : memref<640xf32, #tpu.memory_space<vmem>>) dst(%dma_wait3A_32 : memref<640xf32, #tpu.memory_space<vmem_shared>>)
      tpu.yield
    }) : () -> ()
    %barrier3A = arith.constant 0 : index
    tpu.barrier barrier_id(%barrier3A)
    %scan3A_18 = arith.constant 0 : i32
    %scan3A_19 = arith.constant 0 : i32
    %scan3A_20 = arith.constant 10 : i32
    %scan3A_21 = arith.addi %scan3A_19, %scan3A_20 : i32
    %scan3A_22 = arith.constant 1 : i32
    %scan3A_23 = scf.for %scan3A_30 = %scan3A_19 to %scan3A_21 step %scan3A_22 iter_args(%scan3A_31 = %scan3A_18) -> (i32)  : i32 {
      %mul3A_32 = arith.constant 8 : i32
      %mul3A_33 = arith.muli %scan3A_30, %mul3A_32 : i32
      %add3A_34 = arith.constant 0 : i32
      %add3A_35 = arith.addi %mul3A_33, %add3A_34 : i32
      %dma_start3A = arith.constant 0 : i32
      %dma_start3A_36 = tpu.memref_slice %arg4[%add3A_35, %dma_start3A] : memref<80x128xi32, #tpu.memory_space<vmem>> -> memref<1x128xi32, #tpu.memory_space<vmem>>
      %dma_start3A_37 = tpu.memref_squeeze %dma_start3A_36 : memref<1x128xi32, #tpu.memory_space<vmem>> -> memref<128xi32, #tpu.memory_space<vmem>>
      %dma_start3A_38 = arith.constant 0 : i32
      %dma_start3A_39 = tpu.memref_slice %arg8[%dma_start3A_38] : memref<10240xf32, #tpu.memory_space<vmem_shared>> -> memref<10240xf32, #tpu.memory_space<vmem_shared>>
      tpu.enqueue_indirect_dma source(%arg5 : memref<128xf32, #tpu.memory_space<vmem>>) target(%dma_start3A_39 : memref<10240xf32, #tpu.memory_space<vmem_shared>>) offsets(%dma_start3A_37 : memref<128xi32, #tpu.memory_space<vmem>>) semaphore(%arg7 : memref<!tpu.dma_semaphore, #tpu.memory_space<semaphore_mem>>) {add = true}
      %mul3A_40 = arith.constant 8 : i32
      %mul3A_41 = arith.muli %scan3A_30, %mul3A_40 : i32
      %add3A_42 = arith.constant 1 : i32
      %add3A_43 = arith.addi %mul3A_41, %add3A_42 : i32
      %dma_start3A_44 = arith.constant 0 : i32
      %dma_start3A_45 = tpu.memref_slice %arg4[%add3A_43, %dma_start3A_44] : memref<80x128xi32, #tpu.memory_space<vmem>> -> memref<1x128xi32, #tpu.memory_space<vmem>>
      %dma_start3A_46 = tpu.memref_squeeze %dma_start3A_45 : memref<1x128xi32, #tpu.memory_space<vmem>> -> memref<128xi32, #tpu.memory_space<vmem>>
      %dma_start3A_47 = arith.constant 0 : i32
      %dma_start3A_48 = tpu.memref_slice %arg8[%dma_start3A_47] : memref<10240xf32, #tpu.memory_space<vmem_shared>> -> memref<10240xf32, #tpu.memory_space<vmem_shared>>
      tpu.enqueue_indirect_dma source(%arg5 : memref<128xf32, #tpu.memory_space<vmem>>) target(%dma_start3A_48 : memref<10240xf32, #tpu.memory_space<vmem_shared>>) offsets(%dma_start3A_46 : memref<128xi32, #tpu.memory_space<vmem>>) semaphore(%arg7 : memref<!tpu.dma_semaphore, #tpu.memory_space<semaphore_mem>>) {add = true}
      %mul3A_49 = arith.constant 8 : i32
      %mul3A_50 = arith.muli %scan3A_30, %mul3A_49 : i32
      %add3A_51 = arith.constant 2 : i32
      %add3A_52 = arith.addi %mul3A_50, %add3A_51 : i32
      %dma_start3A_53 = arith.constant 0 : i32
      %dma_start3A_54 = tpu.memref_slice %arg4[%add3A_52, %dma_start3A_53] : memref<80x128xi32, #tpu.memory_space<vmem>> -> memref<1x128xi32, #tpu.memory_space<vmem>>
      %dma_start3A_55 = tpu.memref_squeeze %dma_start3A_54 : memref<1x128xi32, #tpu.memory_space<vmem>> -> memref<128xi32, #tpu.memory_space<vmem>>
      %dma_start3A_56 = arith.constant 0 : i32
      %dma_start3A_57 = tpu.memref_slice %arg8[%dma_start3A_56] : memref<10240xf32, #tpu.memory_space<vmem_shared>> -> memref<10240xf32, #tpu.memory_space<vmem_shared>>
      tpu.enqueue_indirect_dma source(%arg5 : memref<128xf32, #tpu.memory_space<vmem>>) target(%dma_start3A_57 : memref<10240xf32, #tpu.memory_space<vmem_shared>>) offsets(%dma_start3A_55 : memref<128xi32, #tpu.memory_space<vmem>>) semaphore(%arg7 : memref<!tpu.dma_semaphore, #tpu.memory_space<semaphore_mem>>) {add = true}
      %mul3A_58 = arith.constant 8 : i32
      %mul3A_59 = arith.muli %scan3A_30, %mul3A_58 : i32
      %add3A_60 = arith.constant 3 : i32
      %add3A_61 = arith.addi %mul3A_59, %add3A_60 : i32
      %dma_start3A_62 = arith.constant 0 : i32
      %dma_start3A_63 = tpu.memref_slice %arg4[%add3A_61, %dma_start3A_62] : memref<80x128xi32, #tpu.memory_space<vmem>> -> memref<1x128xi32, #tpu.memory_space<vmem>>
      %dma_start3A_64 = tpu.memref_squeeze %dma_start3A_63 : memref<1x128xi32, #tpu.memory_space<vmem>> -> memref<128xi32, #tpu.memory_space<vmem>>
      %dma_start3A_65 = arith.constant 0 : i32
      %dma_start3A_66 = tpu.memref_slice %arg8[%dma_start3A_65] : memref<10240xf32, #tpu.memory_space<vmem_shared>> -> memref<10240xf32, #tpu.memory_space<vmem_shared>>
      tpu.enqueue_indirect_dma source(%arg5 : memref<128xf32, #tpu.memory_space<vmem>>) target(%dma_start3A_66 : memref<10240xf32, #tpu.memory_space<vmem_shared>>) offsets(%dma_start3A_64 : memref<128xi32, #tpu.memory_space<vmem>>) semaphore(%arg7 : memref<!tpu.dma_semaphore, #tpu.memory_space<semaphore_mem>>) {add = true}
      %mul3A_67 = arith.constant 8 : i32
      %mul3A_68 = arith.muli %scan3A_30, %mul3A_67 : i32
      %add3A_69 = arith.constant 4 : i32
      %add3A_70 = arith.addi %mul3A_68, %add3A_69 : i32
      %dma_start3A_71 = arith.constant 0 : i32
      %dma_start3A_72 = tpu.memref_slice %arg4[%add3A_70, %dma_start3A_71] : memref<80x128xi32, #tpu.memory_space<vmem>> -> memref<1x128xi32, #tpu.memory_space<vmem>>
      %dma_start3A_73 = tpu.memref_squeeze %dma_start3A_72 : memref<1x128xi32, #tpu.memory_space<vmem>> -> memref<128xi32, #tpu.memory_space<vmem>>
      %dma_start3A_74 = arith.constant 0 : i32
      %dma_start3A_75 = tpu.memref_slice %arg8[%dma_start3A_74] : memref<10240xf32, #tpu.memory_space<vmem_shared>> -> memref<10240xf32, #tpu.memory_space<vmem_shared>>
      tpu.enqueue_indirect_dma source(%arg5 : memref<128xf32, #tpu.memory_space<vmem>>) target(%dma_start3A_75 : memref<10240xf32, #tpu.memory_space<vmem_shared>>) offsets(%dma_start3A_73 : memref<128xi32, #tpu.memory_space<vmem>>) semaphore(%arg7 : memref<!tpu.dma_semaphore, #tpu.memory_space<semaphore_mem>>) {add = true}
      %mul3A_76 = arith.constant 8 : i32
      %mul3A_77 = arith.muli %scan3A_30, %mul3A_76 : i32
      %add3A_78 = arith.constant 5 : i32
      %add3A_79 = arith.addi %mul3A_77, %add3A_78 : i32
      %dma_start3A_80 = arith.constant 0 : i32
      %dma_start3A_81 = tpu.memref_slice %arg4[%add3A_79, %dma_start3A_80] : memref<80x128xi32, #tpu.memory_space<vmem>> -> memref<1x128xi32, #tpu.memory_space<vmem>>
      %dma_start3A_82 = tpu.memref_squeeze %dma_start3A_81 : memref<1x128xi32, #tpu.memory_space<vmem>> -> memref<128xi32, #tpu.memory_space<vmem>>
      %dma_start3A_83 = arith.constant 0 : i32
      %dma_start3A_84 = tpu.memref_slice %arg8[%dma_start3A_83] : memref<10240xf32, #tpu.memory_space<vmem_shared>> -> memref<10240xf32, #tpu.memory_space<vmem_shared>>
      tpu.enqueue_indirect_dma source(%arg5 : memref<128xf32, #tpu.memory_space<vmem>>) target(%dma_start3A_84 : memref<10240xf32, #tpu.memory_space<vmem_shared>>) offsets(%dma_start3A_82 : memref<128xi32, #tpu.memory_space<vmem>>) semaphore(%arg7 : memref<!tpu.dma_semaphore, #tpu.memory_space<semaphore_mem>>) {add = true}
      %mul3A_85 = arith.constant 8 : i32
      %mul3A_86 = arith.muli %scan3A_30, %mul3A_85 : i32
      %add3A_87 = arith.constant 6 : i32
      %add3A_88 = arith.addi %mul3A_86, %add3A_87 : i32
      %dma_start3A_89 = arith.constant 0 : i32
      %dma_start3A_90 = tpu.memref_slice %arg4[%add3A_88, %dma_start3A_89] : memref<80x128xi32, #tpu.memory_space<vmem>> -> memref<1x128xi32, #tpu.memory_space<vmem>>
      %dma_start3A_91 = tpu.memref_squeeze %dma_start3A_90 : memref<1x128xi32, #tpu.memory_space<vmem>> -> memref<128xi32, #tpu.memory_space<vmem>>
      %dma_start3A_92 = arith.constant 0 : i32
      %dma_start3A_93 = tpu.memref_slice %arg8[%dma_start3A_92] : memref<10240xf32, #tpu.memory_space<vmem_shared>> -> memref<10240xf32, #tpu.memory_space<vmem_shared>>
      tpu.enqueue_indirect_dma source(%arg5 : memref<128xf32, #tpu.memory_space<vmem>>) target(%dma_start3A_93 : memref<10240xf32, #tpu.memory_space<vmem_shared>>) offsets(%dma_start3A_91 : memref<128xi32, #tpu.memory_space<vmem>>) semaphore(%arg7 : memref<!tpu.dma_semaphore, #tpu.memory_space<semaphore_mem>>) {add = true}
      %mul3A_94 = arith.constant 8 : i32
      %mul3A_95 = arith.muli %scan3A_30, %mul3A_94 : i32
      %add3A_96 = arith.constant 7 : i32
      %add3A_97 = arith.addi %mul3A_95, %add3A_96 : i32
      %dma_start3A_98 = arith.constant 0 : i32
      %dma_start3A_99 = tpu.memref_slice %arg4[%add3A_97, %dma_start3A_98] : memref<80x128xi32, #tpu.memory_space<vmem>> -> memref<1x128xi32, #tpu.memory_space<vmem>>
      %dma_start3A_100 = tpu.memref_squeeze %dma_start3A_99 : memref<1x128xi32, #tpu.memory_space<vmem>> -> memref<128xi32, #tpu.memory_space<vmem>>
      %dma_start3A_101 = arith.constant 0 : i32
      %dma_start3A_102 = tpu.memref_slice %arg8[%dma_start3A_101] : memref<10240xf32, #tpu.memory_space<vmem_shared>> -> memref<10240xf32, #tpu.memory_space<vmem_shared>>
      tpu.enqueue_indirect_dma source(%arg5 : memref<128xf32, #tpu.memory_space<vmem>>) target(%dma_start3A_102 : memref<10240xf32, #tpu.memory_space<vmem_shared>>) offsets(%dma_start3A_100 : memref<128xi32, #tpu.memory_space<vmem>>) semaphore(%arg7 : memref<!tpu.dma_semaphore, #tpu.memory_space<semaphore_mem>>) {add = true}
      %dma_wait3A = arith.constant 0 : i32
      %dma_wait3A_103 = arith.constant 0 : i32
      %dma_wait3A_104 = tpu.memref_slice %arg4[%dma_wait3A, %dma_wait3A_103] : memref<80x128xi32, #tpu.memory_space<vmem>> -> memref<1x128xi32, #tpu.memory_space<vmem>>
      %dma_wait3A_105 = tpu.memref_squeeze %dma_wait3A_104 : memref<1x128xi32, #tpu.memory_space<vmem>> -> memref<128xi32, #tpu.memory_space<vmem>>
      %dma_wait3A_106 = arith.constant 0 : i32
      %dma_wait3A_107 = tpu.memref_slice %arg8[%dma_wait3A_106] : memref<10240xf32, #tpu.memory_space<vmem_shared>> -> memref<10240xf32, #tpu.memory_space<vmem_shared>>
      tpu.wait_indirect_dma semaphore(%arg7 : memref<!tpu.dma_semaphore, #tpu.memory_space<semaphore_mem>>) src(%arg5 : memref<128xf32, #tpu.memory_space<vmem>>) dst(%dma_wait3A_107 : memref<10240xf32, #tpu.memory_space<vmem_shared>>)
      %dma_wait3A_108 = arith.constant 0 : i32
      %dma_wait3A_109 = arith.constant 0 : i32
      %dma_wait3A_110 = tpu.memref_slice %arg4[%dma_wait3A_108, %dma_wait3A_109] : memref<80x128xi32, #tpu.memory_space<vmem>> -> memref<1x128xi32, #tpu.memory_space<vmem>>
      %dma_wait3A_111 = tpu.memref_squeeze %dma_wait3A_110 : memref<1x128xi32, #tpu.memory_space<vmem>> -> memref<128xi32, #tpu.memory_space<vmem>>
      %dma_wait3A_112 = arith.constant 0 : i32
      %dma_wait3A_113 = tpu.memref_slice %arg8[%dma_wait3A_112] : memref<10240xf32, #tpu.memory_space<vmem_shared>> -> memref<10240xf32, #tpu.memory_space<vmem_shared>>
      tpu.wait_indirect_dma semaphore(%arg7 : memref<!tpu.dma_semaphore, #tpu.memory_space<semaphore_mem>>) src(%arg5 : memref<128xf32, #tpu.memory_space<vmem>>) dst(%dma_wait3A_113 : memref<10240xf32, #tpu.memory_space<vmem_shared>>)
      %dma_wait3A_114 = arith.constant 0 : i32
      %dma_wait3A_115 = arith.constant 0 : i32
      %dma_wait3A_116 = tpu.memref_slice %arg4[%dma_wait3A_114, %dma_wait3A_115] : memref<80x128xi32, #tpu.memory_space<vmem>> -> memref<1x128xi32, #tpu.memory_space<vmem>>
      %dma_wait3A_117 = tpu.memref_squeeze %dma_wait3A_116 : memref<1x128xi32, #tpu.memory_space<vmem>> -> memref<128xi32, #tpu.memory_space<vmem>>
      %dma_wait3A_118 = arith.constant 0 : i32
      %dma_wait3A_119 = tpu.memref_slice %arg8[%dma_wait3A_118] : memref<10240xf32, #tpu.memory_space<vmem_shared>> -> memref<10240xf32, #tpu.memory_space<vmem_shared>>
      tpu.wait_indirect_dma semaphore(%arg7 : memref<!tpu.dma_semaphore, #tpu.memory_space<semaphore_mem>>) src(%arg5 : memref<128xf32, #tpu.memory_space<vmem>>) dst(%dma_wait3A_119 : memref<10240xf32, #tpu.memory_space<vmem_shared>>)
      %dma_wait3A_120 = arith.constant 0 : i32
      %dma_wait3A_121 = arith.constant 0 : i32
      %dma_wait3A_122 = tpu.memref_slice %arg4[%dma_wait3A_120, %dma_wait3A_121] : memref<80x128xi32, #tpu.memory_space<vmem>> -> memref<1x128xi32, #tpu.memory_space<vmem>>
      %dma_wait3A_123 = tpu.memref_squeeze %dma_wait3A_122 : memref<1x128xi32, #tpu.memory_space<vmem>> -> memref<128xi32, #tpu.memory_space<vmem>>
      %dma_wait3A_124 = arith.constant 0 : i32
      %dma_wait3A_125 = tpu.memref_slice %arg8[%dma_wait3A_124] : memref<10240xf32, #tpu.memory_space<vmem_shared>> -> memref<10240xf32, #tpu.memory_space<vmem_shared>>
      tpu.wait_indirect_dma semaphore(%arg7 : memref<!tpu.dma_semaphore, #tpu.memory_space<semaphore_mem>>) src(%arg5 : memref<128xf32, #tpu.memory_space<vmem>>) dst(%dma_wait3A_125 : memref<10240xf32, #tpu.memory_space<vmem_shared>>)
      %dma_wait3A_126 = arith.constant 0 : i32
      %dma_wait3A_127 = arith.constant 0 : i32
      %dma_wait3A_128 = tpu.memref_slice %arg4[%dma_wait3A_126, %dma_wait3A_127] : memref<80x128xi32, #tpu.memory_space<vmem>> -> memref<1x128xi32, #tpu.memory_space<vmem>>
      %dma_wait3A_129 = tpu.memref_squeeze %dma_wait3A_128 : memref<1x128xi32, #tpu.memory_space<vmem>> -> memref<128xi32, #tpu.memory_space<vmem>>
      %dma_wait3A_130 = arith.constant 0 : i32
      %dma_wait3A_131 = tpu.memref_slice %arg8[%dma_wait3A_130] : memref<10240xf32, #tpu.memory_space<vmem_shared>> -> memref<10240xf32, #tpu.memory_space<vmem_shared>>
      tpu.wait_indirect_dma semaphore(%arg7 : memref<!tpu.dma_semaphore, #tpu.memory_space<semaphore_mem>>) src(%arg5 : memref<128xf32, #tpu.memory_space<vmem>>) dst(%dma_wait3A_131 : memref<10240xf32, #tpu.memory_space<vmem_shared>>)
      %dma_wait3A_132 = arith.constant 0 : i32
      %dma_wait3A_133 = arith.constant 0 : i32
      %dma_wait3A_134 = tpu.memref_slice %arg4[%dma_wait3A_132, %dma_wait3A_133] : memref<80x128xi32, #tpu.memory_space<vmem>> -> memref<1x128xi32, #tpu.memory_space<vmem>>
      %dma_wait3A_135 = tpu.memref_squeeze %dma_wait3A_134 : memref<1x128xi32, #tpu.memory_space<vmem>> -> memref<128xi32, #tpu.memory_space<vmem>>
      %dma_wait3A_136 = arith.constant 0 : i32
      %dma_wait3A_137 = tpu.memref_slice %arg8[%dma_wait3A_136] : memref<10240xf32, #tpu.memory_space<vmem_shared>> -> memref<10240xf32, #tpu.memory_space<vmem_shared>>
      tpu.wait_indirect_dma semaphore(%arg7 : memref<!tpu.dma_semaphore, #tpu.memory_space<semaphore_mem>>) src(%arg5 : memref<128xf32, #tpu.memory_space<vmem>>) dst(%dma_wait3A_137 : memref<10240xf32, #tpu.memory_space<vmem_shared>>)
      %dma_wait3A_138 = arith.constant 0 : i32
      %dma_wait3A_139 = arith.constant 0 : i32
      %dma_wait3A_140 = tpu.memref_slice %arg4[%dma_wait3A_138, %dma_wait3A_139] : memref<80x128xi32, #tpu.memory_space<vmem>> -> memref<1x128xi32, #tpu.memory_space<vmem>>
      %dma_wait3A_141 = tpu.memref_squeeze %dma_wait3A_140 : memref<1x128xi32, #tpu.memory_space<vmem>> -> memref<128xi32, #tpu.memory_space<vmem>>
      %dma_wait3A_142 = arith.constant 0 : i32
      %dma_wait3A_143 = tpu.memref_slice %arg8[%dma_wait3A_142] : memref<10240xf32, #tpu.memory_space<vmem_shared>> -> memref<10240xf32, #tpu.memory_space<vmem_shared>>
      tpu.wait_indirect_dma semaphore(%arg7 : memref<!tpu.dma_semaphore, #tpu.memory_space<semaphore_mem>>) src(%arg5 : memref<128xf32, #tpu.memory_space<vmem>>) dst(%dma_wait3A_143 : memref<10240xf32, #tpu.memory_space<vmem_shared>>)
      %dma_wait3A_144 = arith.constant 0 : i32
      %dma_wait3A_145 = arith.constant 0 : i32
      %dma_wait3A_146 = tpu.memref_slice %arg4[%dma_wait3A_144, %dma_wait3A_145] : memref<80x128xi32, #tpu.memory_space<vmem>> -> memref<1x128xi32, #tpu.memory_space<vmem>>
      %dma_wait3A_147 = tpu.memref_squeeze %dma_wait3A_146 : memref<1x128xi32, #tpu.memory_space<vmem>> -> memref<128xi32, #tpu.memory_space<vmem>>
      %dma_wait3A_148 = arith.constant 0 : i32
      %dma_wait3A_149 = tpu.memref_slice %arg8[%dma_wait3A_148] : memref<10240xf32, #tpu.memory_space<vmem_shared>> -> memref<10240xf32, #tpu.memory_space<vmem_shared>>
      tpu.wait_indirect_dma semaphore(%arg7 : memref<!tpu.dma_semaphore, #tpu.memory_space<semaphore_mem>>) src(%arg5 : memref<128xf32, #tpu.memory_space<vmem>>) dst(%dma_wait3A_149 : memref<10240xf32, #tpu.memory_space<vmem_shared>>)
      %scan3A_150 = arith.constant 0 : i32
      scf.yield %scan3A_150 : i32
    }
    %scan3A_24 = arith.constant 10 : i32
    %barrier3A_25 = arith.constant 0 : index
    tpu.barrier barrier_id(%barrier3A_25)
    %mul3A_26 = arith.constant 640 : i32
    %mul3A_27 = arith.muli %arg1, %mul3A_26 : i32
    %mul3A_28 = arith.constant 640 : i32
    %mul3A_29 = arith.muli %arg1, %mul3A_28 : i32
    "tpu.region"() ({
      %run_scoped3A_30 = tpu.sem_alloc : memref<!tpu.dma_semaphore, #tpu.memory_space<semaphore_mem>>
      %dma_start3A = tpu.memref_slice %arg3[%arg0, %mul3A_29] : memref<2x10240xf32, #tpu.memory_space<hbm>> -> memref<1x640xf32, #tpu.memory_space<hbm>>
      %dma_start3A_31 = tpu.memref_squeeze %dma_start3A : memref<1x640xf32, #tpu.memory_space<hbm>> -> memref<640xf32, #tpu.memory_space<hbm>>
      %dma_start3A_32 = tpu.memref_slice %arg8[%mul3A_27] : memref<10240xf32, #tpu.memory_space<vmem_shared>> -> memref<640xf32, #tpu.memory_space<vmem_shared>>
      tpu.enqueue_dma source(%dma_start3A_32 : memref<640xf32, #tpu.memory_space<vmem_shared>>) target(%dma_start3A_31 : memref<640xf32, #tpu.memory_space<hbm>>) target_semaphore(%run_scoped3A_30 : memref<!tpu.dma_semaphore, #tpu.memory_space<semaphore_mem>>)
      %dma_wait3A = tpu.memref_slice %arg3[%arg0, %mul3A_29] : memref<2x10240xf32, #tpu.memory_space<hbm>> -> memref<1x640xf32, #tpu.memory_space<hbm>>
      %dma_wait3A_33 = tpu.memref_squeeze %dma_wait3A : memref<1x640xf32, #tpu.memory_space<hbm>> -> memref<640xf32, #tpu.memory_space<hbm>>
      %dma_wait3A_34 = tpu.memref_slice %arg8[%mul3A_27] : memref<10240xf32, #tpu.memory_space<vmem_shared>> -> memref<640xf32, #tpu.memory_space<vmem_shared>>
      tpu.wait_dma2 semaphore(%run_scoped3A_30 : memref<!tpu.dma_semaphore, #tpu.memory_space<semaphore_mem>>) src(%dma_wait3A_34 : memref<640xf32, #tpu.memory_space<vmem_shared>>) dst(%dma_wait3A_33 : memref<640xf32, #tpu.memory_space<hbm>>)
      tpu.yield
    }) : () -> ()
    return
  }
}

#map = affine_map<(d0, d1) -> (0, 0)>
#map1 = affine_map<(d0, d1) -> (0, 0, 0)>
module attributes {stable_mosaic.version = 14 : i64} {
  func.func @body(%arg0: i32, %arg1: i32, %arg2: memref<10240x64xf32, #tpu.memory_space<hbm>>, %arg3: memref<2x2560x128xi32, #tpu.memory_space<hbm>>, %arg4: memref<2x10240x64xf32, #tpu.memory_space<hbm>>, %arg5: memref<20x128xi32, #tpu.memory_space<vmem>>, %arg6: memref<20x128xi32, #tpu.memory_space<vmem>>, %arg7: memref<20x128xi32, #tpu.memory_space<vmem>>, %arg8: memref<20x128xi32, #tpu.memory_space<vmem>>, %arg9: memref<128x64xf32, #tpu.memory_space<vmem>>, %arg10: memref<128x64xf32, #tpu.memory_space<vmem>>, %arg11: memref<128x64xf32, #tpu.memory_space<vmem>>, %arg12: memref<128x64xf32, #tpu.memory_space<vmem>>, %arg13: memref<16x64xf32, #tpu.memory_space<vmem>>, %arg14: memref<!tpu.dma_semaphore, #tpu.memory_space<semaphore_mem>>, %arg15: memref<!tpu.dma_semaphore, #tpu.memory_space<semaphore_mem>>, %arg16: memref<!tpu.dma_semaphore, #tpu.memory_space<semaphore_mem>>, %arg17: memref<!tpu.dma_semaphore, #tpu.memory_space<semaphore_mem>>, %arg18: memref<!tpu.dma_semaphore, #tpu.memory_space<semaphore_mem>>, %arg19: memref<!tpu.dma_semaphore, #tpu.memory_space<semaphore_mem>>, %arg20: memref<!tpu.dma_semaphore, #tpu.memory_space<semaphore_mem>>, %arg21: memref<!tpu.dma_semaphore, #tpu.memory_space<semaphore_mem>>, %arg22: memref<!tpu.dma_semaphore, #tpu.memory_space<semaphore_mem>>, %arg23: memref<!tpu.dma_semaphore, #tpu.memory_space<semaphore_mem>>, %arg24: memref<10240x64xf32, #tpu.memory_space<vmem_shared>>) attributes {dimension_semantics = [#tpu.dimension_semantics<core_parallel>, #tpu.dimension_semantics<subcore_parallel>], iteration_bounds = array<i64: 2, 16>, scalar_prefetch = 0 : i64, scratch_operands = 20 : i64, tpu.core_type = #tpu.core_type<sc_vector_subcore>, window_params = [{transform_indices = #map}, {transform_indices = #map1}, {transform_indices = #map1}]} {
    %mul3A = arith.constant 16 : i32
    %mul3A_0 = arith.muli %arg0, %mul3A : i32
    %add3A = arith.addi %mul3A_0, %arg1 : i32
    %mul3A_1 = arith.constant 80 : i32
    %mul3A_2 = arith.muli %add3A, %mul3A_1 : i32
    %mul3A_3 = arith.constant 640 : i32
    %mul3A_4 = arith.muli %arg1, %mul3A_3 : i32
    %add3A_5 = arith.constant 0 : i32
    %add3A_6 = arith.addi %mul3A_2, %add3A_5 : i32
    %dma_start3A = arith.constant 0 : i32
    %dma_start3A_7 = arith.constant 0 : i32
    %dma_start3A_8 = tpu.memref_slice %arg3[%dma_start3A, %add3A_6, %dma_start3A_7] : memref<2x2560x128xi32, #tpu.memory_space<hbm>> -> memref<1x20x128xi32, #tpu.memory_space<hbm>>
    %dma_start3A_9 = tpu.memref_squeeze %dma_start3A_8 : memref<1x20x128xi32, #tpu.memory_space<hbm>> -> memref<20x128xi32, #tpu.memory_space<hbm>>
    %dma_start3A_10 = arith.constant 0 : i32
    %dma_start3A_11 = tpu.memref_slice %arg3[%dma_start3A, %add3A_6, %dma_start3A_10] : memref<2x2560x128xi32, #tpu.memory_space<hbm>> -> memref<1x20x128xi32, #tpu.memory_space<hbm>>
    %dma_start3A_12 = tpu.memref_squeeze %dma_start3A_11 : memref<1x20x128xi32, #tpu.memory_space<hbm>> -> memref<20x128xi32, #tpu.memory_space<hbm>>
    tpu.enqueue_dma source(%dma_start3A_12 : memref<20x128xi32, #tpu.memory_space<hbm>>) target(%arg5 : memref<20x128xi32, #tpu.memory_space<vmem>>) target_semaphore(%arg14 : memref<!tpu.dma_semaphore, #tpu.memory_space<semaphore_mem>>)
    %dma_start3A_13 = arith.constant 1 : i32
    %dma_start3A_14 = arith.constant 0 : i32
    %dma_start3A_15 = tpu.memref_slice %arg3[%dma_start3A_13, %add3A_6, %dma_start3A_14] : memref<2x2560x128xi32, #tpu.memory_space<hbm>> -> memref<1x20x128xi32, #tpu.memory_space<hbm>>
    %dma_start3A_16 = tpu.memref_squeeze %dma_start3A_15 : memref<1x20x128xi32, #tpu.memory_space<hbm>> -> memref<20x128xi32, #tpu.memory_space<hbm>>
    %dma_start3A_17 = arith.constant 0 : i32
    %dma_start3A_18 = tpu.memref_slice %arg3[%dma_start3A_13, %add3A_6, %dma_start3A_17] : memref<2x2560x128xi32, #tpu.memory_space<hbm>> -> memref<1x20x128xi32, #tpu.memory_space<hbm>>
    %dma_start3A_19 = tpu.memref_squeeze %dma_start3A_18 : memref<1x20x128xi32, #tpu.memory_space<hbm>> -> memref<20x128xi32, #tpu.memory_space<hbm>>
    tpu.enqueue_dma source(%dma_start3A_19 : memref<20x128xi32, #tpu.memory_space<hbm>>) target(%arg6 : memref<20x128xi32, #tpu.memory_space<vmem>>) target_semaphore(%arg14 : memref<!tpu.dma_semaphore, #tpu.memory_space<semaphore_mem>>)
    %scan3A = arith.constant 0 : i32
    %scan3A_20 = arith.constant 0 : i32
    %scan3A_21 = arith.constant 64 : i32
    %scan3A_22 = arith.addi %scan3A_20, %scan3A_21 : i32
    %scan3A_23 = arith.constant 1 : i32
    %scan3A_24 = scf.for %scan3A_86 = %scan3A_20 to %scan3A_22 step %scan3A_23 iter_args(%scan3A_87 = %scan3A) -> (i32)  : i32 {
      %jit3A = arith.constant 4 : i32
      %div3A = arith.divsi %scan3A_86, %jit3A : i32
      %sign3A = arith.constant 0 : i32
      %sign3A_88 = arith.cmpi sgt, %scan3A_86, %sign3A : i32
      %sign3A_89 = arith.extui %sign3A_88 : i1 to i32
      %sign3A_90 = arith.constant 0 : i32
      %sign3A_91 = arith.cmpi slt, %scan3A_86, %sign3A_90 : i32
      %sign3A_92 = arith.extui %sign3A_91 : i1 to i32
      %sign3A_93 = arith.subi %sign3A_89, %sign3A_92 : i32
      %sign3A_94 = arith.constant 0 : i32
      %sign3A_95 = arith.cmpi sgt, %jit3A, %sign3A_94 : i32
      %sign3A_96 = arith.extui %sign3A_95 : i1 to i32
      %sign3A_97 = arith.constant 0 : i32
      %sign3A_98 = arith.cmpi slt, %jit3A, %sign3A_97 : i32
      %sign3A_99 = arith.extui %sign3A_98 : i1 to i32
      %sign3A_100 = arith.subi %sign3A_96, %sign3A_99 : i32
      %ne3A = arith.cmpi ne, %sign3A_93, %sign3A_100 : i32
      %rem3A = arith.remsi %scan3A_86, %jit3A : i32
      %ne3A_101 = arith.constant 0 : i32
      %ne3A_102 = arith.cmpi ne, %rem3A, %ne3A_101 : i32
      %and3A = arith.andi %ne3A, %ne3A_102 : i1
      %sub3A = arith.constant 1 : i32
      %sub3A_103 = arith.subi %div3A, %sub3A : i32
      %select_n3A = arith.select %and3A, %sub3A_103, %div3A : i32
      %jit3A_104 = arith.constant 4 : i32
      %eq3A = arith.constant 0 : i32
      %eq3A_105 = arith.cmpi eq, %jit3A_104, %eq3A : i32
      %jit3A_106 = arith.constant 1 : i32
      %select_n3A_107 = arith.select %eq3A_105, %jit3A_106, %jit3A_104 : i32
      %rem3A_108 = arith.remsi %scan3A_86, %select_n3A_107 : i32
      %ne3A_109 = arith.constant 0 : i32
      %ne3A_110 = arith.cmpi ne, %rem3A_108, %ne3A_109 : i32
      %lt3A = arith.constant 0 : i32
      %lt3A_111 = arith.cmpi slt, %rem3A_108, %lt3A : i32
      %lt3A_112 = arith.constant 0 : i32
      %lt3A_113 = arith.cmpi slt, %select_n3A_107, %lt3A_112 : i32
      %ne3A_114 = arith.xori %lt3A_111, %lt3A_113 : i1
      %and3A_115 = arith.andi %ne3A_114, %ne3A_110 : i1
      %add3A_116 = arith.addi %rem3A_108, %select_n3A_107 : i32
      %select_n3A_117 = arith.select %and3A_115, %add3A_116, %rem3A_108 : i32
      %mul3A_118 = arith.constant 16 : i32
      %mul3A_119 = arith.muli %select_n3A_117, %mul3A_118 : i32
      %broadcast_in_dim3A = arith.constant 0.000000e+00 : f32
      %broadcast_in_dim3A_120 = vector.broadcast %broadcast_in_dim3A : f32 to vector<16xf32>
      %swap3A = arith.index_cast %select_n3A : i32 to index
      %swap3A_121 = arith.index_cast %mul3A_119 : i32 to index
      %swap3A_122 = tpu.vector_load %arg13[%swap3A, %swap3A_121] {strides = array<i32>} : memref<16x64xf32, #tpu.memory_space<vmem>>, vector<1x16xf32>,
      %swap3A_123 = vector.shape_cast %swap3A_122 : vector<1x16xf32> to vector<16xf32>
      %swap3A_124 = vector.shape_cast %broadcast_in_dim3A_120 : vector<16xf32> to vector<1x16xf32>
      tpu.vector_store %arg13[%swap3A, %swap3A_121], %swap3A_124 {strides = array<i32>} : memref<16x64xf32, #tpu.memory_space<vmem>>, vector<1x16xf32>,
      %scan3A_125 = arith.constant 0 : i32
      scf.yield %scan3A_125 : i32
    }
    %scan3A_25 = arith.constant 64 : i32
    %scan3A_26 = arith.constant 0 : i32
    %scan3A_27 = arith.constant 0 : i32
    %scan3A_28 = arith.constant 40 : i32
    %scan3A_29 = arith.addi %scan3A_27, %scan3A_28 : i32
    %scan3A_30 = arith.constant 1 : i32
    %scan3A_31 = scf.for %scan3A_86 = %scan3A_27 to %scan3A_29 step %scan3A_30 iter_args(%scan3A_87 = %scan3A_26) -> (i32)  : i32 {
      %mul3A_88 = arith.constant 16 : i32
      %mul3A_89 = arith.muli %scan3A_86, %mul3A_88 : i32
      %add3A_90 = arith.addi %mul3A_4, %mul3A_89 : i32
      "tpu.region"() ({
        %run_scoped3A = tpu.sem_alloc : memref<!tpu.dma_semaphore, #tpu.memory_space<semaphore_mem>>
        %dma_start3A_92 = arith.constant 0 : i32
        %dma_start3A_93 = tpu.memref_slice %arg24[%add3A_90, %dma_start3A_92] : memref<10240x64xf32, #tpu.memory_space<vmem_shared>> -> memref<16x64xf32, #tpu.memory_space<vmem_shared>>
        %dma_start3A_94 = arith.constant 0 : i32
        %dma_start3A_95 = tpu.memref_slice %arg24[%add3A_90, %dma_start3A_94] : memref<10240x64xf32, #tpu.memory_space<vmem_shared>> -> memref<16x64xf32, #tpu.memory_space<vmem_shared>>
        tpu.enqueue_dma source(%arg13 : memref<16x64xf32, #tpu.memory_space<vmem>>) target(%dma_start3A_95 : memref<16x64xf32, #tpu.memory_space<vmem_shared>>) target_semaphore(%run_scoped3A : memref<!tpu.dma_semaphore, #tpu.memory_space<semaphore_mem>>)
        %dma_wait3A_96 = arith.constant 0 : i32
        %dma_wait3A_97 = tpu.memref_slice %arg24[%add3A_90, %dma_wait3A_96] : memref<10240x64xf32, #tpu.memory_space<vmem_shared>> -> memref<16x64xf32, #tpu.memory_space<vmem_shared>>
        %dma_wait3A_98 = arith.constant 0 : i32
        %dma_wait3A_99 = tpu.memref_slice %arg24[%add3A_90, %dma_wait3A_98] : memref<10240x64xf32, #tpu.memory_space<vmem_shared>> -> memref<16x64xf32, #tpu.memory_space<vmem_shared>>
        tpu.wait_dma2 semaphore(%run_scoped3A : memref<!tpu.dma_semaphore, #tpu.memory_space<semaphore_mem>>) src(%arg13 : memref<16x64xf32, #tpu.memory_space<vmem>>) dst(%dma_wait3A_99 : memref<16x64xf32, #tpu.memory_space<vmem_shared>>)
        tpu.yield
      }) : () -> ()
      %scan3A_91 = arith.constant 0 : i32
      scf.yield %scan3A_91 : i32
    }
    %scan3A_32 = arith.constant 40 : i32
    %barrier3A = arith.constant 0 : index
    tpu.barrier barrier_id(%barrier3A)
    %dma_wait3A = arith.constant 0 : i32
    %dma_wait3A_33 = arith.constant 0 : i32
    %dma_wait3A_34 = arith.constant 0 : i32
    %dma_wait3A_35 = tpu.memref_slice %arg3[%dma_wait3A, %dma_wait3A_33, %dma_wait3A_34] : memref<2x2560x128xi32, #tpu.memory_space<hbm>> -> memref<1x20x128xi32, #tpu.memory_space<hbm>>
    %dma_wait3A_36 = tpu.memref_squeeze %dma_wait3A_35 : memref<1x20x128xi32, #tpu.memory_space<hbm>> -> memref<20x128xi32, #tpu.memory_space<hbm>>
    %dma_wait3A_37 = arith.constant 0 : i32
    %dma_wait3A_38 = arith.constant 0 : i32
    %dma_wait3A_39 = tpu.memref_slice %arg3[%dma_wait3A, %dma_wait3A_37, %dma_wait3A_38] : memref<2x2560x128xi32, #tpu.memory_space<hbm>> -> memref<1x20x128xi32, #tpu.memory_space<hbm>>
    %dma_wait3A_40 = tpu.memref_squeeze %dma_wait3A_39 : memref<1x20x128xi32, #tpu.memory_space<hbm>> -> memref<20x128xi32, #tpu.memory_space<hbm>>
    tpu.wait_dma2 semaphore(%arg14 : memref<!tpu.dma_semaphore, #tpu.memory_space<semaphore_mem>>) src(%dma_wait3A_40 : memref<20x128xi32, #tpu.memory_space<hbm>>) dst(%arg5 : memref<20x128xi32, #tpu.memory_space<vmem>>)
    %dma_wait3A_41 = arith.constant 1 : i32
    %dma_wait3A_42 = arith.constant 0 : i32
    %dma_wait3A_43 = arith.constant 0 : i32
    %dma_wait3A_44 = tpu.memref_slice %arg3[%dma_wait3A_41, %dma_wait3A_42, %dma_wait3A_43] : memref<2x2560x128xi32, #tpu.memory_space<hbm>> -> memref<1x20x128xi32, #tpu.memory_space<hbm>>
    %dma_wait3A_45 = tpu.memref_squeeze %dma_wait3A_44 : memref<1x20x128xi32, #tpu.memory_space<hbm>> -> memref<20x128xi32, #tpu.memory_space<hbm>>
    %dma_wait3A_46 = arith.constant 0 : i32
    %dma_wait3A_47 = arith.constant 0 : i32
    %dma_wait3A_48 = tpu.memref_slice %arg3[%dma_wait3A_41, %dma_wait3A_46, %dma_wait3A_47] : memref<2x2560x128xi32, #tpu.memory_space<hbm>> -> memref<1x20x128xi32, #tpu.memory_space<hbm>>
    %dma_wait3A_49 = tpu.memref_squeeze %dma_wait3A_48 : memref<1x20x128xi32, #tpu.memory_space<hbm>> -> memref<20x128xi32, #tpu.memory_space<hbm>>
    tpu.wait_dma2 semaphore(%arg14 : memref<!tpu.dma_semaphore, #tpu.memory_space<semaphore_mem>>) src(%dma_wait3A_49 : memref<20x128xi32, #tpu.memory_space<hbm>>) dst(%arg6 : memref<20x128xi32, #tpu.memory_space<vmem>>)
    %dma_start3A_50 = arith.constant 0 : i32
    %dma_start3A_51 = arith.constant 0 : i32
    %dma_start3A_52 = tpu.memref_slice %arg5[%dma_start3A_50, %dma_start3A_51] : memref<20x128xi32, #tpu.memory_space<vmem>> -> memref<1x128xi32, #tpu.memory_space<vmem>>
    %dma_start3A_53 = tpu.memref_squeeze %dma_start3A_52 : memref<1x128xi32, #tpu.memory_space<vmem>> -> memref<128xi32, #tpu.memory_space<vmem>>
    %dma_start3A_54 = arith.constant 0 : i32
    %dma_start3A_55 = arith.constant 0 : i32
    %dma_start3A_56 = tpu.memref_slice %arg2[%dma_start3A_54, %dma_start3A_55] : memref<10240x64xf32, #tpu.memory_space<hbm>> -> memref<10240x64xf32, #tpu.memory_space<hbm>>
    tpu.enqueue_indirect_dma source(%dma_start3A_56 : memref<10240x64xf32, #tpu.memory_space<hbm>>) target(%arg9 : memref<128x64xf32, #tpu.memory_space<vmem>>) offsets(%dma_start3A_53 : memref<128xi32, #tpu.memory_space<vmem>>) semaphore(%arg16 : memref<!tpu.dma_semaphore, #tpu.memory_space<semaphore_mem>>)
    %dma_start3A_57 = arith.constant 1 : i32
    %dma_start3A_58 = arith.constant 0 : i32
    %dma_start3A_59 = tpu.memref_slice %arg5[%dma_start3A_57, %dma_start3A_58] : memref<20x128xi32, #tpu.memory_space<vmem>> -> memref<1x128xi32, #tpu.memory_space<vmem>>
    %dma_start3A_60 = tpu.memref_squeeze %dma_start3A_59 : memref<1x128xi32, #tpu.memory_space<vmem>> -> memref<128xi32, #tpu.memory_space<vmem>>
    %dma_start3A_61 = arith.constant 0 : i32
    %dma_start3A_62 = arith.constant 0 : i32
    %dma_start3A_63 = tpu.memref_slice %arg2[%dma_start3A_61, %dma_start3A_62] : memref<10240x64xf32, #tpu.memory_space<hbm>> -> memref<10240x64xf32, #tpu.memory_space<hbm>>
    tpu.enqueue_indirect_dma source(%dma_start3A_63 : memref<10240x64xf32, #tpu.memory_space<hbm>>) target(%arg10 : memref<128x64xf32, #tpu.memory_space<vmem>>) offsets(%dma_start3A_60 : memref<128xi32, #tpu.memory_space<vmem>>) semaphore(%arg17 : memref<!tpu.dma_semaphore, #tpu.memory_space<semaphore_mem>>)
    %scan3A_64 = arith.constant 0 : i32
    %scan3A_65 = arith.constant 0 : i32
    %scan3A_66 = arith.constant 2 : i32
    %scan3A_67 = arith.addi %scan3A_65, %scan3A_66 : i32
    %scan3A_68 = arith.constant 1 : i32
    %scan3A_69 = scf.for %scan3A_86 = %scan3A_65 to %scan3A_67 step %scan3A_68 iter_args(%scan3A_87 = %scan3A_64) -> (i32)  : i32 {
      %mul3A_88 = arith.constant 2 : i32
      %mul3A_89 = arith.muli %mul3A_88, %scan3A_86 : i32
      %add3A_90 = arith.constant 1 : i32
      %add3A_91 = arith.addi %mul3A_89, %add3A_90 : i32
      %mul3A_92 = arith.constant 20 : i32
      %mul3A_93 = arith.muli %add3A_91, %mul3A_92 : i32
      %add3A_94 = arith.addi %mul3A_2, %mul3A_93 : i32
      %dma_start3A_95 = arith.constant 0 : i32
      %dma_start3A_96 = arith.constant 0 : i32
      %dma_start3A_97 = tpu.memref_slice %arg3[%dma_start3A_95, %add3A_94, %dma_start3A_96] : memref<2x2560x128xi32, #tpu.memory_space<hbm>> -> memref<1x20x128xi32, #tpu.memory_space<hbm>>
      %dma_start3A_98 = tpu.memref_squeeze %dma_start3A_97 : memref<1x20x128xi32, #tpu.memory_space<hbm>> -> memref<20x128xi32, #tpu.memory_space<hbm>>
      %dma_start3A_99 = arith.constant 0 : i32
      %dma_start3A_100 = tpu.memref_slice %arg3[%dma_start3A_95, %add3A_94, %dma_start3A_99] : memref<2x2560x128xi32, #tpu.memory_space<hbm>> -> memref<1x20x128xi32, #tpu.memory_space<hbm>>
      %dma_start3A_101 = tpu.memref_squeeze %dma_start3A_100 : memref<1x20x128xi32, #tpu.memory_space<hbm>> -> memref<20x128xi32, #tpu.memory_space<hbm>>
      tpu.enqueue_dma source(%dma_start3A_101 : memref<20x128xi32, #tpu.memory_space<hbm>>) target(%arg7 : memref<20x128xi32, #tpu.memory_space<vmem>>) target_semaphore(%arg15 : memref<!tpu.dma_semaphore, #tpu.memory_space<semaphore_mem>>)
      %dma_start3A_102 = arith.constant 1 : i32
      %dma_start3A_103 = arith.constant 0 : i32
      %dma_start3A_104 = tpu.memref_slice %arg3[%dma_start3A_102, %add3A_94, %dma_start3A_103] : memref<2x2560x128xi32, #tpu.memory_space<hbm>> -> memref<1x20x128xi32, #tpu.memory_space<hbm>>
      %dma_start3A_105 = tpu.memref_squeeze %dma_start3A_104 : memref<1x20x128xi32, #tpu.memory_space<hbm>> -> memref<20x128xi32, #tpu.memory_space<hbm>>
      %dma_start3A_106 = arith.constant 0 : i32
      %dma_start3A_107 = tpu.memref_slice %arg3[%dma_start3A_102, %add3A_94, %dma_start3A_106] : memref<2x2560x128xi32, #tpu.memory_space<hbm>> -> memref<1x20x128xi32, #tpu.memory_space<hbm>>
      %dma_start3A_108 = tpu.memref_squeeze %dma_start3A_107 : memref<1x20x128xi32, #tpu.memory_space<hbm>> -> memref<20x128xi32, #tpu.memory_space<hbm>>
      tpu.enqueue_dma source(%dma_start3A_108 : memref<20x128xi32, #tpu.memory_space<hbm>>) target(%arg8 : memref<20x128xi32, #tpu.memory_space<vmem>>) target_semaphore(%arg15 : memref<!tpu.dma_semaphore, #tpu.memory_space<semaphore_mem>>)
      %scan3A_109 = arith.constant 0 : i32
      %scan3A_110 = arith.constant 0 : i32
      %scan3A_111 = arith.constant 4 : i32
      %scan3A_112 = arith.addi %scan3A_110, %scan3A_111 : i32
      %scan3A_113 = arith.constant 1 : i32
      %scan3A_114 = scf.for %scan3A_404 = %scan3A_110 to %scan3A_112 step %scan3A_113 iter_args(%scan3A_405 = %scan3A_109) -> (i32)  : i32 {
        %mul3A_406 = arith.constant 4 : i32
        %mul3A_407 = arith.muli %mul3A_406, %scan3A_404 : i32
        %add3A_408 = arith.constant 2 : i32
        %add3A_409 = arith.addi %mul3A_407, %add3A_408 : i32
        %add3A_410 = arith.constant 0 : i32
        %add3A_411 = arith.addi %add3A_409, %add3A_410 : i32
        %dma_start3A_412 = arith.constant 0 : i32
        %dma_start3A_413 = tpu.memref_slice %arg5[%add3A_411, %dma_start3A_412] : memref<20x128xi32, #tpu.memory_space<vmem>> -> memref<1x128xi32, #tpu.memory_space<vmem>>
        %dma_start3A_414 = tpu.memref_squeeze %dma_start3A_413 : memref<1x128xi32, #tpu.memory_space<vmem>> -> memref<128xi32, #tpu.memory_space<vmem>>
        %dma_start3A_415 = arith.constant 0 : i32
        %dma_start3A_416 = arith.constant 0 : i32
        %dma_start3A_417 = tpu.memref_slice %arg2[%dma_start3A_415, %dma_start3A_416] : memref<10240x64xf32, #tpu.memory_space<hbm>> -> memref<10240x64xf32, #tpu.memory_space<hbm>>
        tpu.enqueue_indirect_dma source(%dma_start3A_417 : memref<10240x64xf32, #tpu.memory_space<hbm>>) target(%arg11 : memref<128x64xf32, #tpu.memory_space<vmem>>) offsets(%dma_start3A_414 : memref<128xi32, #tpu.memory_space<vmem>>) semaphore(%arg18 : memref<!tpu.dma_semaphore, #tpu.memory_space<semaphore_mem>>)
        %add3A_418 = arith.constant 2 : i32
        %add3A_419 = arith.addi %mul3A_407, %add3A_418 : i32
        %add3A_420 = arith.constant 1 : i32
        %add3A_421 = arith.addi %add3A_419, %add3A_420 : i32
        %dma_start3A_422 = arith.constant 0 : i32
        %dma_start3A_423 = tpu.memref_slice %arg5[%add3A_421, %dma_start3A_422] : memref<20x128xi32, #tpu.memory_space<vmem>> -> memref<1x128xi32, #tpu.memory_space<vmem>>
        %dma_start3A_424 = tpu.memref_squeeze %dma_start3A_423 : memref<1x128xi32, #tpu.memory_space<vmem>> -> memref<128xi32, #tpu.memory_space<vmem>>
        %dma_start3A_425 = arith.constant 0 : i32
        %dma_start3A_426 = arith.constant 0 : i32
        %dma_start3A_427 = tpu.memref_slice %arg2[%dma_start3A_425, %dma_start3A_426] : memref<10240x64xf32, #tpu.memory_space<hbm>> -> memref<10240x64xf32, #tpu.memory_space<hbm>>
        tpu.enqueue_indirect_dma source(%dma_start3A_427 : memref<10240x64xf32, #tpu.memory_space<hbm>>) target(%arg12 : memref<128x64xf32, #tpu.memory_space<vmem>>) offsets(%dma_start3A_424 : memref<128xi32, #tpu.memory_space<vmem>>) semaphore(%arg19 : memref<!tpu.dma_semaphore, #tpu.memory_space<semaphore_mem>>)
        %dma_wait3A_428 = arith.constant 0 : i32
        %dma_wait3A_429 = arith.constant 0 : i32
        %dma_wait3A_430 = tpu.memref_slice %arg5[%dma_wait3A_428, %dma_wait3A_429] : memref<20x128xi32, #tpu.memory_space<vmem>> -> memref<1x128xi32, #tpu.memory_space<vmem>>
        %dma_wait3A_431 = tpu.memref_squeeze %dma_wait3A_430 : memref<1x128xi32, #tpu.memory_space<vmem>> -> memref<128xi32, #tpu.memory_space<vmem>>
        %dma_wait3A_432 = arith.constant 0 : i32
        %dma_wait3A_433 = arith.constant 0 : i32
        %dma_wait3A_434 = tpu.memref_slice %arg2[%dma_wait3A_432, %dma_wait3A_433] : memref<10240x64xf32, #tpu.memory_space<hbm>> -> memref<10240x64xf32, #tpu.memory_space<hbm>>
        tpu.wait_indirect_dma semaphore(%arg16 : memref<!tpu.dma_semaphore, #tpu.memory_space<semaphore_mem>>) src(%dma_wait3A_434 : memref<10240x64xf32, #tpu.memory_space<hbm>>) dst(%arg9 : memref<128x64xf32, #tpu.memory_space<vmem>>)
        %add3A_435 = arith.constant 0 : i32
        %add3A_436 = arith.addi %mul3A_407, %add3A_435 : i32
        %dma_start3A_437 = arith.constant 0 : i32
        %dma_start3A_438 = tpu.memref_slice %arg6[%add3A_436, %dma_start3A_437] : memref<20x128xi32, #tpu.memory_space<vmem>> -> memref<1x128xi32, #tpu.memory_space<vmem>>
        %dma_start3A_439 = tpu.memref_squeeze %dma_start3A_438 : memref<1x128xi32, #tpu.memory_space<vmem>> -> memref<128xi32, #tpu.memory_space<vmem>>
        %dma_start3A_440 = arith.constant 0 : i32
        %dma_start3A_441 = arith.constant 0 : i32
        %dma_start3A_442 = tpu.memref_slice %arg24[%dma_start3A_440, %dma_start3A_441] : memref<10240x64xf32, #tpu.memory_space<vmem_shared>> -> memref<10240x64xf32, #tpu.memory_space<vmem_shared>>
        tpu.enqueue_indirect_dma source(%arg9 : memref<128x64xf32, #tpu.memory_space<vmem>>) target(%dma_start3A_442 : memref<10240x64xf32, #tpu.memory_space<vmem_shared>>) offsets(%dma_start3A_439 : memref<128xi32, #tpu.memory_space<vmem>>) semaphore(%arg20 : memref<!tpu.dma_semaphore, #tpu.memory_space<semaphore_mem>>) {add = true}
        %dma_wait3A_443 = arith.constant 0 : i32
        %dma_wait3A_444 = arith.constant 0 : i32
        %dma_wait3A_445 = tpu.memref_slice %arg5[%dma_wait3A_443, %dma_wait3A_444] : memref<20x128xi32, #tpu.memory_space<vmem>> -> memref<1x128xi32, #tpu.memory_space<vmem>>
        %dma_wait3A_446 = tpu.memref_squeeze %dma_wait3A_445 : memref<1x128xi32, #tpu.memory_space<vmem>> -> memref<128xi32, #tpu.memory_space<vmem>>
        %dma_wait3A_447 = arith.constant 0 : i32
        %dma_wait3A_448 = arith.constant 0 : i32
        %dma_wait3A_449 = tpu.memref_slice %arg2[%dma_wait3A_447, %dma_wait3A_448] : memref<10240x64xf32, #tpu.memory_space<hbm>> -> memref<10240x64xf32, #tpu.memory_space<hbm>>
        tpu.wait_indirect_dma semaphore(%arg17 : memref<!tpu.dma_semaphore, #tpu.memory_space<semaphore_mem>>) src(%dma_wait3A_449 : memref<10240x64xf32, #tpu.memory_space<hbm>>) dst(%arg10 : memref<128x64xf32, #tpu.memory_space<vmem>>)
        %add3A_450 = arith.constant 1 : i32
        %add3A_451 = arith.addi %mul3A_407, %add3A_450 : i32
        %dma_start3A_452 = arith.constant 0 : i32
        %dma_start3A_453 = tpu.memref_slice %arg6[%add3A_451, %dma_start3A_452] : memref<20x128xi32, #tpu.memory_space<vmem>> -> memref<1x128xi32, #tpu.memory_space<vmem>>
        %dma_start3A_454 = tpu.memref_squeeze %dma_start3A_453 : memref<1x128xi32, #tpu.memory_space<vmem>> -> memref<128xi32, #tpu.memory_space<vmem>>
        %dma_start3A_455 = arith.constant 0 : i32
        %dma_start3A_456 = arith.constant 0 : i32
        %dma_start3A_457 = tpu.memref_slice %arg24[%dma_start3A_455, %dma_start3A_456] : memref<10240x64xf32, #tpu.memory_space<vmem_shared>> -> memref<10240x64xf32, #tpu.memory_space<vmem_shared>>
        tpu.enqueue_indirect_dma source(%arg10 : memref<128x64xf32, #tpu.memory_space<vmem>>) target(%dma_start3A_457 : memref<10240x64xf32, #tpu.memory_space<vmem_shared>>) offsets(%dma_start3A_454 : memref<128xi32, #tpu.memory_space<vmem>>) semaphore(%arg21 : memref<!tpu.dma_semaphore, #tpu.memory_space<semaphore_mem>>) {add = true}
        %dma_wait3A_458 = arith.constant 0 : i32
        %dma_wait3A_459 = arith.constant 0 : i32
        %dma_wait3A_460 = tpu.memref_slice %arg5[%dma_wait3A_458, %dma_wait3A_459] : memref<20x128xi32, #tpu.memory_space<vmem>> -> memref<1x128xi32, #tpu.memory_space<vmem>>
        %dma_wait3A_461 = tpu.memref_squeeze %dma_wait3A_460 : memref<1x128xi32, #tpu.memory_space<vmem>> -> memref<128xi32, #tpu.memory_space<vmem>>
        %dma_wait3A_462 = arith.constant 0 : i32
        %dma_wait3A_463 = arith.constant 0 : i32
        %dma_wait3A_464 = tpu.memref_slice %arg2[%dma_wait3A_462, %dma_wait3A_463] : memref<10240x64xf32, #tpu.memory_space<hbm>> -> memref<10240x64xf32, #tpu.memory_space<hbm>>
        tpu.wait_indirect_dma semaphore(%arg18 : memref<!tpu.dma_semaphore, #tpu.memory_space<semaphore_mem>>) src(%dma_wait3A_464 : memref<10240x64xf32, #tpu.memory_space<hbm>>) dst(%arg11 : memref<128x64xf32, #tpu.memory_space<vmem>>)
        %add3A_465 = arith.constant 2 : i32
        %add3A_466 = arith.addi %mul3A_407, %add3A_465 : i32
        %add3A_467 = arith.constant 0 : i32
        %add3A_468 = arith.addi %add3A_466, %add3A_467 : i32
        %dma_start3A_469 = arith.constant 0 : i32
        %dma_start3A_470 = tpu.memref_slice %arg6[%add3A_468, %dma_start3A_469] : memref<20x128xi32, #tpu.memory_space<vmem>> -> memref<1x128xi32, #tpu.memory_space<vmem>>
        %dma_start3A_471 = tpu.memref_squeeze %dma_start3A_470 : memref<1x128xi32, #tpu.memory_space<vmem>> -> memref<128xi32, #tpu.memory_space<vmem>>
        %dma_start3A_472 = arith.constant 0 : i32
        %dma_start3A_473 = arith.constant 0 : i32
        %dma_start3A_474 = tpu.memref_slice %arg24[%dma_start3A_472, %dma_start3A_473] : memref<10240x64xf32, #tpu.memory_space<vmem_shared>> -> memref<10240x64xf32, #tpu.memory_space<vmem_shared>>
        tpu.enqueue_indirect_dma source(%arg11 : memref<128x64xf32, #tpu.memory_space<vmem>>) target(%dma_start3A_474 : memref<10240x64xf32, #tpu.memory_space<vmem_shared>>) offsets(%dma_start3A_471 : memref<128xi32, #tpu.memory_space<vmem>>) semaphore(%arg22 : memref<!tpu.dma_semaphore, #tpu.memory_space<semaphore_mem>>) {add = true}
        %dma_wait3A_475 = arith.constant 0 : i32
        %dma_wait3A_476 = arith.constant 0 : i32
        %dma_wait3A_477 = tpu.memref_slice %arg5[%dma_wait3A_475, %dma_wait3A_476] : memref<20x128xi32, #tpu.memory_space<vmem>> -> memref<1x128xi32, #tpu.memory_space<vmem>>
        %dma_wait3A_478 = tpu.memref_squeeze %dma_wait3A_477 : memref<1x128xi32, #tpu.memory_space<vmem>> -> memref<128xi32, #tpu.memory_space<vmem>>
        %dma_wait3A_479 = arith.constant 0 : i32
        %dma_wait3A_480 = arith.constant 0 : i32
        %dma_wait3A_481 = tpu.memref_slice %arg2[%dma_wait3A_479, %dma_wait3A_480] : memref<10240x64xf32, #tpu.memory_space<hbm>> -> memref<10240x64xf32, #tpu.memory_space<hbm>>
        tpu.wait_indirect_dma semaphore(%arg19 : memref<!tpu.dma_semaphore, #tpu.memory_space<semaphore_mem>>) src(%dma_wait3A_481 : memref<10240x64xf32, #tpu.memory_space<hbm>>) dst(%arg12 : memref<128x64xf32, #tpu.memory_space<vmem>>)
        %add3A_482 = arith.constant 2 : i32
        %add3A_483 = arith.addi %mul3A_407, %add3A_482 : i32
        %add3A_484 = arith.constant 1 : i32
        %add3A_485 = arith.addi %add3A_483, %add3A_484 : i32
        %dma_start3A_486 = arith.constant 0 : i32
        %dma_start3A_487 = tpu.memref_slice %arg6[%add3A_485, %dma_start3A_486] : memref<20x128xi32, #tpu.memory_space<vmem>> -> memref<1x128xi32, #tpu.memory_space<vmem>>
        %dma_start3A_488 = tpu.memref_squeeze %dma_start3A_487 : memref<1x128xi32, #tpu.memory_space<vmem>> -> memref<128xi32, #tpu.memory_space<vmem>>
        %dma_start3A_489 = arith.constant 0 : i32
        %dma_start3A_490 = arith.constant 0 : i32
        %dma_start3A_491 = tpu.memref_slice %arg24[%dma_start3A_489, %dma_start3A_490] : memref<10240x64xf32, #tpu.memory_space<vmem_shared>> -> memref<10240x64xf32, #tpu.memory_space<vmem_shared>>
        tpu.enqueue_indirect_dma source(%arg12 : memref<128x64xf32, #tpu.memory_space<vmem>>) target(%dma_start3A_491 : memref<10240x64xf32, #tpu.memory_space<vmem_shared>>) offsets(%dma_start3A_488 : memref<128xi32, #tpu.memory_space<vmem>>) semaphore(%arg23 : memref<!tpu.dma_semaphore, #tpu.memory_space<semaphore_mem>>) {add = true}
        %dma_wait3A_492 = arith.constant 0 : i32
        %dma_wait3A_493 = tpu.memref_slice %arg6[%add3A_436, %dma_wait3A_492] : memref<20x128xi32, #tpu.memory_space<vmem>> -> memref<1x128xi32, #tpu.memory_space<vmem>>
        %dma_wait3A_494 = tpu.memref_squeeze %dma_wait3A_493 : memref<1x128xi32, #tpu.memory_space<vmem>> -> memref<128xi32, #tpu.memory_space<vmem>>
        %dma_wait3A_495 = arith.constant 0 : i32
        %dma_wait3A_496 = arith.constant 0 : i32
        %dma_wait3A_497 = tpu.memref_slice %arg24[%dma_wait3A_495, %dma_wait3A_496] : memref<10240x64xf32, #tpu.memory_space<vmem_shared>> -> memref<10240x64xf32, #tpu.memory_space<vmem_shared>>
        tpu.wait_indirect_dma semaphore(%arg20 : memref<!tpu.dma_semaphore, #tpu.memory_space<semaphore_mem>>) src(%arg9 : memref<128x64xf32, #tpu.memory_space<vmem>>) dst(%dma_wait3A_497 : memref<10240x64xf32, #tpu.memory_space<vmem_shared>>)
        %dma_wait3A_498 = arith.constant 0 : i32
        %dma_wait3A_499 = tpu.memref_slice %arg6[%add3A_451, %dma_wait3A_498] : memref<20x128xi32, #tpu.memory_space<vmem>> -> memref<1x128xi32, #tpu.memory_space<vmem>>
        %dma_wait3A_500 = tpu.memref_squeeze %dma_wait3A_499 : memref<1x128xi32, #tpu.memory_space<vmem>> -> memref<128xi32, #tpu.memory_space<vmem>>
        %dma_wait3A_501 = arith.constant 0 : i32
        %dma_wait3A_502 = arith.constant 0 : i32
        %dma_wait3A_503 = tpu.memref_slice %arg24[%dma_wait3A_501, %dma_wait3A_502] : memref<10240x64xf32, #tpu.memory_space<vmem_shared>> -> memref<10240x64xf32, #tpu.memory_space<vmem_shared>>
        tpu.wait_indirect_dma semaphore(%arg21 : memref<!tpu.dma_semaphore, #tpu.memory_space<semaphore_mem>>) src(%arg10 : memref<128x64xf32, #tpu.memory_space<vmem>>) dst(%dma_wait3A_503 : memref<10240x64xf32, #tpu.memory_space<vmem_shared>>)
        %add3A_504 = arith.constant 4 : i32
        %add3A_505 = arith.addi %mul3A_407, %add3A_504 : i32
        %add3A_506 = arith.constant 0 : i32
        %add3A_507 = arith.addi %add3A_505, %add3A_506 : i32
        %dma_start3A_508 = arith.constant 0 : i32
        %dma_start3A_509 = tpu.memref_slice %arg5[%add3A_507, %dma_start3A_508] : memref<20x128xi32, #tpu.memory_space<vmem>> -> memref<1x128xi32, #tpu.memory_space<vmem>>
        %dma_start3A_510 = tpu.memref_squeeze %dma_start3A_509 : memref<1x128xi32, #tpu.memory_space<vmem>> -> memref<128xi32, #tpu.memory_space<vmem>>
        %dma_start3A_511 = arith.constant 0 : i32
        %dma_start3A_512 = arith.constant 0 : i32
        %dma_start3A_513 = tpu.memref_slice %arg2[%dma_start3A_511, %dma_start3A_512] : memref<10240x64xf32, #tpu.memory_space<hbm>> -> memref<10240x64xf32, #tpu.memory_space<hbm>>
        tpu.enqueue_indirect_dma source(%dma_start3A_513 : memref<10240x64xf32, #tpu.memory_space<hbm>>) target(%arg9 : memref<128x64xf32, #tpu.memory_space<vmem>>) offsets(%dma_start3A_510 : memref<128xi32, #tpu.memory_space<vmem>>) semaphore(%arg16 : memref<!tpu.dma_semaphore, #tpu.memory_space<semaphore_mem>>)
        %add3A_514 = arith.constant 1 : i32
        %add3A_515 = arith.addi %add3A_505, %add3A_514 : i32
        %dma_start3A_516 = arith.constant 0 : i32
        %dma_start3A_517 = tpu.memref_slice %arg5[%add3A_515, %dma_start3A_516] : memref<20x128xi32, #tpu.memory_space<vmem>> -> memref<1x128xi32, #tpu.memory_space<vmem>>
        %dma_start3A_518 = tpu.memref_squeeze %dma_start3A_517 : memref<1x128xi32, #tpu.memory_space<vmem>> -> memref<128xi32, #tpu.memory_space<vmem>>
        %dma_start3A_519 = arith.constant 0 : i32
        %dma_start3A_520 = arith.constant 0 : i32
        %dma_start3A_521 = tpu.memref_slice %arg2[%dma_start3A_519, %dma_start3A_520] : memref<10240x64xf32, #tpu.memory_space<hbm>> -> memref<10240x64xf32, #tpu.memory_space<hbm>>
        tpu.enqueue_indirect_dma source(%dma_start3A_521 : memref<10240x64xf32, #tpu.memory_space<hbm>>) target(%arg10 : memref<128x64xf32, #tpu.memory_space<vmem>>) offsets(%dma_start3A_518 : memref<128xi32, #tpu.memory_space<vmem>>) semaphore(%arg17 : memref<!tpu.dma_semaphore, #tpu.memory_space<semaphore_mem>>)
        %dma_wait3A_522 = arith.constant 0 : i32
        %dma_wait3A_523 = tpu.memref_slice %arg6[%add3A_468, %dma_wait3A_522] : memref<20x128xi32, #tpu.memory_space<vmem>> -> memref<1x128xi32, #tpu.memory_space<vmem>>
        %dma_wait3A_524 = tpu.memref_squeeze %dma_wait3A_523 : memref<1x128xi32, #tpu.memory_space<vmem>> -> memref<128xi32, #tpu.memory_space<vmem>>
        %dma_wait3A_525 = arith.constant 0 : i32
        %dma_wait3A_526 = arith.constant 0 : i32
        %dma_wait3A_527 = tpu.memref_slice %arg24[%dma_wait3A_525, %dma_wait3A_526] : memref<10240x64xf32, #tpu.memory_space<vmem_shared>> -> memref<10240x64xf32, #tpu.memory_space<vmem_shared>>
        tpu.wait_indirect_dma semaphore(%arg22 : memref<!tpu.dma_semaphore, #tpu.memory_space<semaphore_mem>>) src(%arg11 : memref<128x64xf32, #tpu.memory_space<vmem>>) dst(%dma_wait3A_527 : memref<10240x64xf32, #tpu.memory_space<vmem_shared>>)
        %dma_wait3A_528 = arith.constant 0 : i32
        %dma_wait3A_529 = tpu.memref_slice %arg6[%add3A_485, %dma_wait3A_528] : memref<20x128xi32, #tpu.memory_space<vmem>> -> memref<1x128xi32, #tpu.memory_space<vmem>>
        %dma_wait3A_530 = tpu.memref_squeeze %dma_wait3A_529 : memref<1x128xi32, #tpu.memory_space<vmem>> -> memref<128xi32, #tpu.memory_space<vmem>>
        %dma_wait3A_531 = arith.constant 0 : i32
        %dma_wait3A_532 = arith.constant 0 : i32
        %dma_wait3A_533 = tpu.memref_slice %arg24[%dma_wait3A_531, %dma_wait3A_532] : memref<10240x64xf32, #tpu.memory_space<vmem_shared>> -> memref<10240x64xf32, #tpu.memory_space<vmem_shared>>
        tpu.wait_indirect_dma semaphore(%arg23 : memref<!tpu.dma_semaphore, #tpu.memory_space<semaphore_mem>>) src(%arg12 : memref<128x64xf32, #tpu.memory_space<vmem>>) dst(%dma_wait3A_533 : memref<10240x64xf32, #tpu.memory_space<vmem_shared>>)
        %scan3A_534 = arith.constant 0 : i32
        scf.yield %scan3A_534 : i32
      }
      %scan3A_115 = arith.constant 4 : i32
      %dma_start3A_116 = arith.constant 18 : i32
      %dma_start3A_117 = arith.constant 0 : i32
      %dma_start3A_118 = tpu.memref_slice %arg5[%dma_start3A_116, %dma_start3A_117] : memref<20x128xi32, #tpu.memory_space<vmem>> -> memref<1x128xi32, #tpu.memory_space<vmem>>
      %dma_start3A_119 = tpu.memref_squeeze %dma_start3A_118 : memref<1x128xi32, #tpu.memory_space<vmem>> -> memref<128xi32, #tpu.memory_space<vmem>>
      %dma_start3A_120 = arith.constant 0 : i32
      %dma_start3A_121 = arith.constant 0 : i32
      %dma_start3A_122 = tpu.memref_slice %arg2[%dma_start3A_120, %dma_start3A_121] : memref<10240x64xf32, #tpu.memory_space<hbm>> -> memref<10240x64xf32, #tpu.memory_space<hbm>>
      tpu.enqueue_indirect_dma source(%dma_start3A_122 : memref<10240x64xf32, #tpu.memory_space<hbm>>) target(%arg11 : memref<128x64xf32, #tpu.memory_space<vmem>>) offsets(%dma_start3A_119 : memref<128xi32, #tpu.memory_space<vmem>>) semaphore(%arg18 : memref<!tpu.dma_semaphore, #tpu.memory_space<semaphore_mem>>)
      %dma_start3A_123 = arith.constant 19 : i32
      %dma_start3A_124 = arith.constant 0 : i32
      %dma_start3A_125 = tpu.memref_slice %arg5[%dma_start3A_123, %dma_start3A_124] : memref<20x128xi32, #tpu.memory_space<vmem>> -> memref<1x128xi32, #tpu.memory_space<vmem>>
      %dma_start3A_126 = tpu.memref_squeeze %dma_start3A_125 : memref<1x128xi32, #tpu.memory_space<vmem>> -> memref<128xi32, #tpu.memory_space<vmem>>
      %dma_start3A_127 = arith.constant 0 : i32
      %dma_start3A_128 = arith.constant 0 : i32
      %dma_start3A_129 = tpu.memref_slice %arg2[%dma_start3A_127, %dma_start3A_128] : memref<10240x64xf32, #tpu.memory_space<hbm>> -> memref<10240x64xf32, #tpu.memory_space<hbm>>
      tpu.enqueue_indirect_dma source(%dma_start3A_129 : memref<10240x64xf32, #tpu.memory_space<hbm>>) target(%arg12 : memref<128x64xf32, #tpu.memory_space<vmem>>) offsets(%dma_start3A_126 : memref<128xi32, #tpu.memory_space<vmem>>) semaphore(%arg19 : memref<!tpu.dma_semaphore, #tpu.memory_space<semaphore_mem>>)
      %dma_wait3A_130 = arith.constant 0 : i32
      %dma_wait3A_131 = arith.constant 0 : i32
      %dma_wait3A_132 = tpu.memref_slice %arg5[%dma_wait3A_130, %dma_wait3A_131] : memref<20x128xi32, #tpu.memory_space<vmem>> -> memref<1x128xi32, #tpu.memory_space<vmem>>
      %dma_wait3A_133 = tpu.memref_squeeze %dma_wait3A_132 : memref<1x128xi32, #tpu.memory_space<vmem>> -> memref<128xi32, #tpu.memory_space<vmem>>
      %dma_wait3A_134 = arith.constant 0 : i32
      %dma_wait3A_135 = arith.constant 0 : i32
      %dma_wait3A_136 = tpu.memref_slice %arg2[%dma_wait3A_134, %dma_wait3A_135] : memref<10240x64xf32, #tpu.memory_space<hbm>> -> memref<10240x64xf32, #tpu.memory_space<hbm>>
      tpu.wait_indirect_dma semaphore(%arg16 : memref<!tpu.dma_semaphore, #tpu.memory_space<semaphore_mem>>) src(%dma_wait3A_136 : memref<10240x64xf32, #tpu.memory_space<hbm>>) dst(%arg9 : memref<128x64xf32, #tpu.memory_space<vmem>>)
      %dma_start3A_137 = arith.constant 16 : i32
      %dma_start3A_138 = arith.constant 0 : i32
      %dma_start3A_139 = tpu.memref_slice %arg6[%dma_start3A_137, %dma_start3A_138] : memref<20x128xi32, #tpu.memory_space<vmem>> -> memref<1x128xi32, #tpu.memory_space<vmem>>
      %dma_start3A_140 = tpu.memref_squeeze %dma_start3A_139 : memref<1x128xi32, #tpu.memory_space<vmem>> -> memref<128xi32, #tpu.memory_space<vmem>>
      %dma_start3A_141 = arith.constant 0 : i32
      %dma_start3A_142 = arith.constant 0 : i32
      %dma_start3A_143 = tpu.memref_slice %arg24[%dma_start3A_141, %dma_start3A_142] : memref<10240x64xf32, #tpu.memory_space<vmem_shared>> -> memref<10240x64xf32, #tpu.memory_space<vmem_shared>>
      tpu.enqueue_indirect_dma source(%arg9 : memref<128x64xf32, #tpu.memory_space<vmem>>) target(%dma_start3A_143 : memref<10240x64xf32, #tpu.memory_space<vmem_shared>>) offsets(%dma_start3A_140 : memref<128xi32, #tpu.memory_space<vmem>>) semaphore(%arg20 : memref<!tpu.dma_semaphore, #tpu.memory_space<semaphore_mem>>) {add = true}
      %dma_wait3A_144 = arith.constant 0 : i32
      %dma_wait3A_145 = arith.constant 0 : i32
      %dma_wait3A_146 = tpu.memref_slice %arg5[%dma_wait3A_144, %dma_wait3A_145] : memref<20x128xi32, #tpu.memory_space<vmem>> -> memref<1x128xi32, #tpu.memory_space<vmem>>
      %dma_wait3A_147 = tpu.memref_squeeze %dma_wait3A_146 : memref<1x128xi32, #tpu.memory_space<vmem>> -> memref<128xi32, #tpu.memory_space<vmem>>
      %dma_wait3A_148 = arith.constant 0 : i32
      %dma_wait3A_149 = arith.constant 0 : i32
      %dma_wait3A_150 = tpu.memref_slice %arg2[%dma_wait3A_148, %dma_wait3A_149] : memref<10240x64xf32, #tpu.memory_space<hbm>> -> memref<10240x64xf32, #tpu.memory_space<hbm>>
      tpu.wait_indirect_dma semaphore(%arg17 : memref<!tpu.dma_semaphore, #tpu.memory_space<semaphore_mem>>) src(%dma_wait3A_150 : memref<10240x64xf32, #tpu.memory_space<hbm>>) dst(%arg10 : memref<128x64xf32, #tpu.memory_space<vmem>>)
      %dma_start3A_151 = arith.constant 17 : i32
      %dma_start3A_152 = arith.constant 0 : i32
      %dma_start3A_153 = tpu.memref_slice %arg6[%dma_start3A_151, %dma_start3A_152] : memref<20x128xi32, #tpu.memory_space<vmem>> -> memref<1x128xi32, #tpu.memory_space<vmem>>
      %dma_start3A_154 = tpu.memref_squeeze %dma_start3A_153 : memref<1x128xi32, #tpu.memory_space<vmem>> -> memref<128xi32, #tpu.memory_space<vmem>>
      %dma_start3A_155 = arith.constant 0 : i32
      %dma_start3A_156 = arith.constant 0 : i32
      %dma_start3A_157 = tpu.memref_slice %arg24[%dma_start3A_155, %dma_start3A_156] : memref<10240x64xf32, #tpu.memory_space<vmem_shared>> -> memref<10240x64xf32, #tpu.memory_space<vmem_shared>>
      tpu.enqueue_indirect_dma source(%arg10 : memref<128x64xf32, #tpu.memory_space<vmem>>) target(%dma_start3A_157 : memref<10240x64xf32, #tpu.memory_space<vmem_shared>>) offsets(%dma_start3A_154 : memref<128xi32, #tpu.memory_space<vmem>>) semaphore(%arg21 : memref<!tpu.dma_semaphore, #tpu.memory_space<semaphore_mem>>) {add = true}
      %dma_wait3A_158 = arith.constant 0 : i32
      %dma_wait3A_159 = arith.constant 0 : i32
      %dma_wait3A_160 = tpu.memref_slice %arg5[%dma_wait3A_158, %dma_wait3A_159] : memref<20x128xi32, #tpu.memory_space<vmem>> -> memref<1x128xi32, #tpu.memory_space<vmem>>
      %dma_wait3A_161 = tpu.memref_squeeze %dma_wait3A_160 : memref<1x128xi32, #tpu.memory_space<vmem>> -> memref<128xi32, #tpu.memory_space<vmem>>
      %dma_wait3A_162 = arith.constant 0 : i32
      %dma_wait3A_163 = arith.constant 0 : i32
      %dma_wait3A_164 = tpu.memref_slice %arg2[%dma_wait3A_162, %dma_wait3A_163] : memref<10240x64xf32, #tpu.memory_space<hbm>> -> memref<10240x64xf32, #tpu.memory_space<hbm>>
      tpu.wait_indirect_dma semaphore(%arg18 : memref<!tpu.dma_semaphore, #tpu.memory_space<semaphore_mem>>) src(%dma_wait3A_164 : memref<10240x64xf32, #tpu.memory_space<hbm>>) dst(%arg11 : memref<128x64xf32, #tpu.memory_space<vmem>>)
      %dma_start3A_165 = arith.constant 18 : i32
      %dma_start3A_166 = arith.constant 0 : i32
      %dma_start3A_167 = tpu.memref_slice %arg6[%dma_start3A_165, %dma_start3A_166] : memref<20x128xi32, #tpu.memory_space<vmem>> -> memref<1x128xi32, #tpu.memory_space<vmem>>
      %dma_start3A_168 = tpu.memref_squeeze %dma_start3A_167 : memref<1x128xi32, #tpu.memory_space<vmem>> -> memref<128xi32, #tpu.memory_space<vmem>>
      %dma_start3A_169 = arith.constant 0 : i32
      %dma_start3A_170 = arith.constant 0 : i32
      %dma_start3A_171 = tpu.memref_slice %arg24[%dma_start3A_169, %dma_start3A_170] : memref<10240x64xf32, #tpu.memory_space<vmem_shared>> -> memref<10240x64xf32, #tpu.memory_space<vmem_shared>>
      tpu.enqueue_indirect_dma source(%arg11 : memref<128x64xf32, #tpu.memory_space<vmem>>) target(%dma_start3A_171 : memref<10240x64xf32, #tpu.memory_space<vmem_shared>>) offsets(%dma_start3A_168 : memref<128xi32, #tpu.memory_space<vmem>>) semaphore(%arg22 : memref<!tpu.dma_semaphore, #tpu.memory_space<semaphore_mem>>) {add = true}
      %dma_wait3A_172 = arith.constant 0 : i32
      %dma_wait3A_173 = arith.constant 0 : i32
      %dma_wait3A_174 = tpu.memref_slice %arg5[%dma_wait3A_172, %dma_wait3A_173] : memref<20x128xi32, #tpu.memory_space<vmem>> -> memref<1x128xi32, #tpu.memory_space<vmem>>
      %dma_wait3A_175 = tpu.memref_squeeze %dma_wait3A_174 : memref<1x128xi32, #tpu.memory_space<vmem>> -> memref<128xi32, #tpu.memory_space<vmem>>
      %dma_wait3A_176 = arith.constant 0 : i32
      %dma_wait3A_177 = arith.constant 0 : i32
      %dma_wait3A_178 = tpu.memref_slice %arg2[%dma_wait3A_176, %dma_wait3A_177] : memref<10240x64xf32, #tpu.memory_space<hbm>> -> memref<10240x64xf32, #tpu.memory_space<hbm>>
      tpu.wait_indirect_dma semaphore(%arg19 : memref<!tpu.dma_semaphore, #tpu.memory_space<semaphore_mem>>) src(%dma_wait3A_178 : memref<10240x64xf32, #tpu.memory_space<hbm>>) dst(%arg12 : memref<128x64xf32, #tpu.memory_space<vmem>>)
      %dma_start3A_179 = arith.constant 19 : i32
      %dma_start3A_180 = arith.constant 0 : i32
      %dma_start3A_181 = tpu.memref_slice %arg6[%dma_start3A_179, %dma_start3A_180] : memref<20x128xi32, #tpu.memory_space<vmem>> -> memref<1x128xi32, #tpu.memory_space<vmem>>
      %dma_start3A_182 = tpu.memref_squeeze %dma_start3A_181 : memref<1x128xi32, #tpu.memory_space<vmem>> -> memref<128xi32, #tpu.memory_space<vmem>>
      %dma_start3A_183 = arith.constant 0 : i32
      %dma_start3A_184 = arith.constant 0 : i32
      %dma_start3A_185 = tpu.memref_slice %arg24[%dma_start3A_183, %dma_start3A_184] : memref<10240x64xf32, #tpu.memory_space<vmem_shared>> -> memref<10240x64xf32, #tpu.memory_space<vmem_shared>>
      tpu.enqueue_indirect_dma source(%arg12 : memref<128x64xf32, #tpu.memory_space<vmem>>) target(%dma_start3A_185 : memref<10240x64xf32, #tpu.memory_space<vmem_shared>>) offsets(%dma_start3A_182 : memref<128xi32, #tpu.memory_space<vmem>>) semaphore(%arg23 : memref<!tpu.dma_semaphore, #tpu.memory_space<semaphore_mem>>) {add = true}
      %dma_wait3A_186 = arith.constant 16 : i32
      %dma_wait3A_187 = arith.constant 0 : i32
      %dma_wait3A_188 = tpu.memref_slice %arg6[%dma_wait3A_186, %dma_wait3A_187] : memref<20x128xi32, #tpu.memory_space<vmem>> -> memref<1x128xi32, #tpu.memory_space<vmem>>
      %dma_wait3A_189 = tpu.memref_squeeze %dma_wait3A_188 : memref<1x128xi32, #tpu.memory_space<vmem>> -> memref<128xi32, #tpu.memory_space<vmem>>
      %dma_wait3A_190 = arith.constant 0 : i32
      %dma_wait3A_191 = arith.constant 0 : i32
      %dma_wait3A_192 = tpu.memref_slice %arg24[%dma_wait3A_190, %dma_wait3A_191] : memref<10240x64xf32, #tpu.memory_space<vmem_shared>> -> memref<10240x64xf32, #tpu.memory_space<vmem_shared>>
      tpu.wait_indirect_dma semaphore(%arg20 : memref<!tpu.dma_semaphore, #tpu.memory_space<semaphore_mem>>) src(%arg9 : memref<128x64xf32, #tpu.memory_space<vmem>>) dst(%dma_wait3A_192 : memref<10240x64xf32, #tpu.memory_space<vmem_shared>>)
      %dma_wait3A_193 = arith.constant 17 : i32
      %dma_wait3A_194 = arith.constant 0 : i32
      %dma_wait3A_195 = tpu.memref_slice %arg6[%dma_wait3A_193, %dma_wait3A_194] : memref<20x128xi32, #tpu.memory_space<vmem>> -> memref<1x128xi32, #tpu.memory_space<vmem>>
      %dma_wait3A_196 = tpu.memref_squeeze %dma_wait3A_195 : memref<1x128xi32, #tpu.memory_space<vmem>> -> memref<128xi32, #tpu.memory_space<vmem>>
      %dma_wait3A_197 = arith.constant 0 : i32
      %dma_wait3A_198 = arith.constant 0 : i32
      %dma_wait3A_199 = tpu.memref_slice %arg24[%dma_wait3A_197, %dma_wait3A_198] : memref<10240x64xf32, #tpu.memory_space<vmem_shared>> -> memref<10240x64xf32, #tpu.memory_space<vmem_shared>>
      tpu.wait_indirect_dma semaphore(%arg21 : memref<!tpu.dma_semaphore, #tpu.memory_space<semaphore_mem>>) src(%arg10 : memref<128x64xf32, #tpu.memory_space<vmem>>) dst(%dma_wait3A_199 : memref<10240x64xf32, #tpu.memory_space<vmem_shared>>)
      %dma_wait3A_200 = arith.constant 0 : i32
      %dma_wait3A_201 = arith.constant 0 : i32
      %dma_wait3A_202 = arith.constant 0 : i32
      %dma_wait3A_203 = tpu.memref_slice %arg3[%dma_wait3A_200, %dma_wait3A_201, %dma_wait3A_202] : memref<2x2560x128xi32, #tpu.memory_space<hbm>> -> memref<1x20x128xi32, #tpu.memory_space<hbm>>
      %dma_wait3A_204 = tpu.memref_squeeze %dma_wait3A_203 : memref<1x20x128xi32, #tpu.memory_space<hbm>> -> memref<20x128xi32, #tpu.memory_space<hbm>>
      %dma_wait3A_205 = arith.constant 0 : i32
      %dma_wait3A_206 = arith.constant 0 : i32
      %dma_wait3A_207 = tpu.memref_slice %arg3[%dma_wait3A_200, %dma_wait3A_205, %dma_wait3A_206] : memref<2x2560x128xi32, #tpu.memory_space<hbm>> -> memref<1x20x128xi32, #tpu.memory_space<hbm>>
      %dma_wait3A_208 = tpu.memref_squeeze %dma_wait3A_207 : memref<1x20x128xi32, #tpu.memory_space<hbm>> -> memref<20x128xi32, #tpu.memory_space<hbm>>
      tpu.wait_dma2 semaphore(%arg15 : memref<!tpu.dma_semaphore, #tpu.memory_space<semaphore_mem>>) src(%dma_wait3A_208 : memref<20x128xi32, #tpu.memory_space<hbm>>) dst(%arg7 : memref<20x128xi32, #tpu.memory_space<vmem>>)
      %dma_wait3A_209 = arith.constant 1 : i32
      %dma_wait3A_210 = arith.constant 0 : i32
      %dma_wait3A_211 = arith.constant 0 : i32
      %dma_wait3A_212 = tpu.memref_slice %arg3[%dma_wait3A_209, %dma_wait3A_210, %dma_wait3A_211] : memref<2x2560x128xi32, #tpu.memory_space<hbm>> -> memref<1x20x128xi32, #tpu.memory_space<hbm>>
      %dma_wait3A_213 = tpu.memref_squeeze %dma_wait3A_212 : memref<1x20x128xi32, #tpu.memory_space<hbm>> -> memref<20x128xi32, #tpu.memory_space<hbm>>
      %dma_wait3A_214 = arith.constant 0 : i32
      %dma_wait3A_215 = arith.constant 0 : i32
      %dma_wait3A_216 = tpu.memref_slice %arg3[%dma_wait3A_209, %dma_wait3A_214, %dma_wait3A_215] : memref<2x2560x128xi32, #tpu.memory_space<hbm>> -> memref<1x20x128xi32, #tpu.memory_space<hbm>>
      %dma_wait3A_217 = tpu.memref_squeeze %dma_wait3A_216 : memref<1x20x128xi32, #tpu.memory_space<hbm>> -> memref<20x128xi32, #tpu.memory_space<hbm>>
      tpu.wait_dma2 semaphore(%arg15 : memref<!tpu.dma_semaphore, #tpu.memory_space<semaphore_mem>>) src(%dma_wait3A_217 : memref<20x128xi32, #tpu.memory_space<hbm>>) dst(%arg8 : memref<20x128xi32, #tpu.memory_space<vmem>>)
      %dma_start3A_218 = arith.constant 0 : i32
      %dma_start3A_219 = arith.constant 0 : i32
      %dma_start3A_220 = tpu.memref_slice %arg7[%dma_start3A_218, %dma_start3A_219] : memref<20x128xi32, #tpu.memory_space<vmem>> -> memref<1x128xi32, #tpu.memory_space<vmem>>
      %dma_start3A_221 = tpu.memref_squeeze %dma_start3A_220 : memref<1x128xi32, #tpu.memory_space<vmem>> -> memref<128xi32, #tpu.memory_space<vmem>>
      %dma_start3A_222 = arith.constant 0 : i32
      %dma_start3A_223 = arith.constant 0 : i32
      %dma_start3A_224 = tpu.memref_slice %arg2[%dma_start3A_222, %dma_start3A_223] : memref<10240x64xf32, #tpu.memory_space<hbm>> -> memref<10240x64xf32, #tpu.memory_space<hbm>>
      tpu.enqueue_indirect_dma source(%dma_start3A_224 : memref<10240x64xf32, #tpu.memory_space<hbm>>) target(%arg9 : memref<128x64xf32, #tpu.memory_space<vmem>>) offsets(%dma_start3A_221 : memref<128xi32, #tpu.memory_space<vmem>>) semaphore(%arg16 : memref<!tpu.dma_semaphore, #tpu.memory_space<semaphore_mem>>)
      %dma_start3A_225 = arith.constant 1 : i32
      %dma_start3A_226 = arith.constant 0 : i32
      %dma_start3A_227 = tpu.memref_slice %arg7[%dma_start3A_225, %dma_start3A_226] : memref<20x128xi32, #tpu.memory_space<vmem>> -> memref<1x128xi32, #tpu.memory_space<vmem>>
      %dma_start3A_228 = tpu.memref_squeeze %dma_start3A_227 : memref<1x128xi32, #tpu.memory_space<vmem>> -> memref<128xi32, #tpu.memory_space<vmem>>
      %dma_start3A_229 = arith.constant 0 : i32
      %dma_start3A_230 = arith.constant 0 : i32
      %dma_start3A_231 = tpu.memref_slice %arg2[%dma_start3A_229, %dma_start3A_230] : memref<10240x64xf32, #tpu.memory_space<hbm>> -> memref<10240x64xf32, #tpu.memory_space<hbm>>
      tpu.enqueue_indirect_dma source(%dma_start3A_231 : memref<10240x64xf32, #tpu.memory_space<hbm>>) target(%arg10 : memref<128x64xf32, #tpu.memory_space<vmem>>) offsets(%dma_start3A_228 : memref<128xi32, #tpu.memory_space<vmem>>) semaphore(%arg17 : memref<!tpu.dma_semaphore, #tpu.memory_space<semaphore_mem>>)
      %dma_wait3A_232 = arith.constant 18 : i32
      %dma_wait3A_233 = arith.constant 0 : i32
      %dma_wait3A_234 = tpu.memref_slice %arg6[%dma_wait3A_232, %dma_wait3A_233] : memref<20x128xi32, #tpu.memory_space<vmem>> -> memref<1x128xi32, #tpu.memory_space<vmem>>
      %dma_wait3A_235 = tpu.memref_squeeze %dma_wait3A_234 : memref<1x128xi32, #tpu.memory_space<vmem>> -> memref<128xi32, #tpu.memory_space<vmem>>
      %dma_wait3A_236 = arith.constant 0 : i32
      %dma_wait3A_237 = arith.constant 0 : i32
      %dma_wait3A_238 = tpu.memref_slice %arg24[%dma_wait3A_236, %dma_wait3A_237] : memref<10240x64xf32, #tpu.memory_space<vmem_shared>> -> memref<10240x64xf32, #tpu.memory_space<vmem_shared>>
      tpu.wait_indirect_dma semaphore(%arg22 : memref<!tpu.dma_semaphore, #tpu.memory_space<semaphore_mem>>) src(%arg11 : memref<128x64xf32, #tpu.memory_space<vmem>>) dst(%dma_wait3A_238 : memref<10240x64xf32, #tpu.memory_space<vmem_shared>>)
      %dma_wait3A_239 = arith.constant 19 : i32
      %dma_wait3A_240 = arith.constant 0 : i32
      %dma_wait3A_241 = tpu.memref_slice %arg6[%dma_wait3A_239, %dma_wait3A_240] : memref<20x128xi32, #tpu.memory_space<vmem>> -> memref<1x128xi32, #tpu.memory_space<vmem>>
      %dma_wait3A_242 = tpu.memref_squeeze %dma_wait3A_241 : memref<1x128xi32, #tpu.memory_space<vmem>> -> memref<128xi32, #tpu.memory_space<vmem>>
      %dma_wait3A_243 = arith.constant 0 : i32
      %dma_wait3A_244 = arith.constant 0 : i32
      %dma_wait3A_245 = tpu.memref_slice %arg24[%dma_wait3A_243, %dma_wait3A_244] : memref<10240x64xf32, #tpu.memory_space<vmem_shared>> -> memref<10240x64xf32, #tpu.memory_space<vmem_shared>>
      tpu.wait_indirect_dma semaphore(%arg23 : memref<!tpu.dma_semaphore, #tpu.memory_space<semaphore_mem>>) src(%arg12 : memref<128x64xf32, #tpu.memory_space<vmem>>) dst(%dma_wait3A_245 : memref<10240x64xf32, #tpu.memory_space<vmem_shared>>)
      %add3A_246 = arith.constant 2 : i32
      %add3A_247 = arith.addi %mul3A_89, %add3A_246 : i32
      %min3A = arith.constant 3 : i32
      %min3A_248 = arith.minsi %add3A_247, %min3A : i32
      %mul3A_249 = arith.constant 20 : i32
      %mul3A_250 = arith.muli %min3A_248, %mul3A_249 : i32
      %add3A_251 = arith.addi %mul3A_2, %mul3A_250 : i32
      %dma_start3A_252 = arith.constant 0 : i32
      %dma_start3A_253 = arith.constant 0 : i32
      %dma_start3A_254 = tpu.memref_slice %arg3[%dma_start3A_252, %add3A_251, %dma_start3A_253] : memref<2x2560x128xi32, #tpu.memory_space<hbm>> -> memref<1x20x128xi32, #tpu.memory_space<hbm>>
      %dma_start3A_255 = tpu.memref_squeeze %dma_start3A_254 : memref<1x20x128xi32, #tpu.memory_space<hbm>> -> memref<20x128xi32, #tpu.memory_space<hbm>>
      %dma_start3A_256 = arith.constant 0 : i32
      %dma_start3A_257 = tpu.memref_slice %arg3[%dma_start3A_252, %add3A_251, %dma_start3A_256] : memref<2x2560x128xi32, #tpu.memory_space<hbm>> -> memref<1x20x128xi32, #tpu.memory_space<hbm>>
      %dma_start3A_258 = tpu.memref_squeeze %dma_start3A_257 : memref<1x20x128xi32, #tpu.memory_space<hbm>> -> memref<20x128xi32, #tpu.memory_space<hbm>>
      tpu.enqueue_dma source(%dma_start3A_258 : memref<20x128xi32, #tpu.memory_space<hbm>>) target(%arg5 : memref<20x128xi32, #tpu.memory_space<vmem>>) target_semaphore(%arg14 : memref<!tpu.dma_semaphore, #tpu.memory_space<semaphore_mem>>)
      %dma_start3A_259 = arith.constant 1 : i32
      %dma_start3A_260 = arith.constant 0 : i32
      %dma_start3A_261 = tpu.memref_slice %arg3[%dma_start3A_259, %add3A_251, %dma_start3A_260] : memref<2x2560x128xi32, #tpu.memory_space<hbm>> -> memref<1x20x128xi32, #tpu.memory_space<hbm>>
      %dma_start3A_262 = tpu.memref_squeeze %dma_start3A_261 : memref<1x20x128xi32, #tpu.memory_space<hbm>> -> memref<20x128xi32, #tpu.memory_space<hbm>>
      %dma_start3A_263 = arith.constant 0 : i32
      %dma_start3A_264 = tpu.memref_slice %arg3[%dma_start3A_259, %add3A_251, %dma_start3A_263] : memref<2x2560x128xi32, #tpu.memory_space<hbm>> -> memref<1x20x128xi32, #tpu.memory_space<hbm>>
      %dma_start3A_265 = tpu.memref_squeeze %dma_start3A_264 : memref<1x20x128xi32, #tpu.memory_space<hbm>> -> memref<20x128xi32, #tpu.memory_space<hbm>>
      tpu.enqueue_dma source(%dma_start3A_265 : memref<20x128xi32, #tpu.memory_space<hbm>>) target(%arg6 : memref<20x128xi32, #tpu.memory_space<vmem>>) target_semaphore(%arg14 : memref<!tpu.dma_semaphore, #tpu.memory_space<semaphore_mem>>)
      %scan3A_266 = arith.constant 0 : i32
      %scan3A_267 = arith.constant 0 : i32
      %scan3A_268 = arith.constant 4 : i32
      %scan3A_269 = arith.addi %scan3A_267, %scan3A_268 : i32
      %scan3A_270 = arith.constant 1 : i32
      %scan3A_271 = scf.for %scan3A_404 = %scan3A_267 to %scan3A_269 step %scan3A_270 iter_args(%scan3A_405 = %scan3A_266) -> (i32)  : i32 {
        %mul3A_406 = arith.constant 4 : i32
        %mul3A_407 = arith.muli %mul3A_406, %scan3A_404 : i32
        %add3A_408 = arith.constant 2 : i32
        %add3A_409 = arith.addi %mul3A_407, %add3A_408 : i32
        %add3A_410 = arith.constant 0 : i32
        %add3A_411 = arith.addi %add3A_409, %add3A_410 : i32
        %dma_start3A_412 = arith.constant 0 : i32
        %dma_start3A_413 = tpu.memref_slice %arg7[%add3A_411, %dma_start3A_412] : memref<20x128xi32, #tpu.memory_space<vmem>> -> memref<1x128xi32, #tpu.memory_space<vmem>>
        %dma_start3A_414 = tpu.memref_squeeze %dma_start3A_413 : memref<1x128xi32, #tpu.memory_space<vmem>> -> memref<128xi32, #tpu.memory_space<vmem>>
        %dma_start3A_415 = arith.constant 0 : i32
        %dma_start3A_416 = arith.constant 0 : i32
        %dma_start3A_417 = tpu.memref_slice %arg2[%dma_start3A_415, %dma_start3A_416] : memref<10240x64xf32, #tpu.memory_space<hbm>> -> memref<10240x64xf32, #tpu.memory_space<hbm>>
        tpu.enqueue_indirect_dma source(%dma_start3A_417 : memref<10240x64xf32, #tpu.memory_space<hbm>>) target(%arg11 : memref<128x64xf32, #tpu.memory_space<vmem>>) offsets(%dma_start3A_414 : memref<128xi32, #tpu.memory_space<vmem>>) semaphore(%arg18 : memref<!tpu.dma_semaphore, #tpu.memory_space<semaphore_mem>>)
        %add3A_418 = arith.constant 2 : i32
        %add3A_419 = arith.addi %mul3A_407, %add3A_418 : i32
        %add3A_420 = arith.constant 1 : i32
        %add3A_421 = arith.addi %add3A_419, %add3A_420 : i32
        %dma_start3A_422 = arith.constant 0 : i32
        %dma_start3A_423 = tpu.memref_slice %arg7[%add3A_421, %dma_start3A_422] : memref<20x128xi32, #tpu.memory_space<vmem>> -> memref<1x128xi32, #tpu.memory_space<vmem>>
        %dma_start3A_424 = tpu.memref_squeeze %dma_start3A_423 : memref<1x128xi32, #tpu.memory_space<vmem>> -> memref<128xi32, #tpu.memory_space<vmem>>
        %dma_start3A_425 = arith.constant 0 : i32
        %dma_start3A_426 = arith.constant 0 : i32
        %dma_start3A_427 = tpu.memref_slice %arg2[%dma_start3A_425, %dma_start3A_426] : memref<10240x64xf32, #tpu.memory_space<hbm>> -> memref<10240x64xf32, #tpu.memory_space<hbm>>
        tpu.enqueue_indirect_dma source(%dma_start3A_427 : memref<10240x64xf32, #tpu.memory_space<hbm>>) target(%arg12 : memref<128x64xf32, #tpu.memory_space<vmem>>) offsets(%dma_start3A_424 : memref<128xi32, #tpu.memory_space<vmem>>) semaphore(%arg19 : memref<!tpu.dma_semaphore, #tpu.memory_space<semaphore_mem>>)
        %dma_wait3A_428 = arith.constant 0 : i32
        %dma_wait3A_429 = arith.constant 0 : i32
        %dma_wait3A_430 = tpu.memref_slice %arg5[%dma_wait3A_428, %dma_wait3A_429] : memref<20x128xi32, #tpu.memory_space<vmem>> -> memref<1x128xi32, #tpu.memory_space<vmem>>
        %dma_wait3A_431 = tpu.memref_squeeze %dma_wait3A_430 : memref<1x128xi32, #tpu.memory_space<vmem>> -> memref<128xi32, #tpu.memory_space<vmem>>
        %dma_wait3A_432 = arith.constant 0 : i32
        %dma_wait3A_433 = arith.constant 0 : i32
        %dma_wait3A_434 = tpu.memref_slice %arg2[%dma_wait3A_432, %dma_wait3A_433] : memref<10240x64xf32, #tpu.memory_space<hbm>> -> memref<10240x64xf32, #tpu.memory_space<hbm>>
        tpu.wait_indirect_dma semaphore(%arg16 : memref<!tpu.dma_semaphore, #tpu.memory_space<semaphore_mem>>) src(%dma_wait3A_434 : memref<10240x64xf32, #tpu.memory_space<hbm>>) dst(%arg9 : memref<128x64xf32, #tpu.memory_space<vmem>>)
        %add3A_435 = arith.constant 0 : i32
        %add3A_436 = arith.addi %mul3A_407, %add3A_435 : i32
        %dma_start3A_437 = arith.constant 0 : i32
        %dma_start3A_438 = tpu.memref_slice %arg8[%add3A_436, %dma_start3A_437] : memref<20x128xi32, #tpu.memory_space<vmem>> -> memref<1x128xi32, #tpu.memory_space<vmem>>
        %dma_start3A_439 = tpu.memref_squeeze %dma_start3A_438 : memref<1x128xi32, #tpu.memory_space<vmem>> -> memref<128xi32, #tpu.memory_space<vmem>>
        %dma_start3A_440 = arith.constant 0 : i32
        %dma_start3A_441 = arith.constant 0 : i32
        %dma_start3A_442 = tpu.memref_slice %arg24[%dma_start3A_440, %dma_start3A_441] : memref<10240x64xf32, #tpu.memory_space<vmem_shared>> -> memref<10240x64xf32, #tpu.memory_space<vmem_shared>>
        tpu.enqueue_indirect_dma source(%arg9 : memref<128x64xf32, #tpu.memory_space<vmem>>) target(%dma_start3A_442 : memref<10240x64xf32, #tpu.memory_space<vmem_shared>>) offsets(%dma_start3A_439 : memref<128xi32, #tpu.memory_space<vmem>>) semaphore(%arg20 : memref<!tpu.dma_semaphore, #tpu.memory_space<semaphore_mem>>) {add = true}
        %dma_wait3A_443 = arith.constant 0 : i32
        %dma_wait3A_444 = arith.constant 0 : i32
        %dma_wait3A_445 = tpu.memref_slice %arg5[%dma_wait3A_443, %dma_wait3A_444] : memref<20x128xi32, #tpu.memory_space<vmem>> -> memref<1x128xi32, #tpu.memory_space<vmem>>
        %dma_wait3A_446 = tpu.memref_squeeze %dma_wait3A_445 : memref<1x128xi32, #tpu.memory_space<vmem>> -> memref<128xi32, #tpu.memory_space<vmem>>
        %dma_wait3A_447 = arith.constant 0 : i32
        %dma_wait3A_448 = arith.constant 0 : i32
        %dma_wait3A_449 = tpu.memref_slice %arg2[%dma_wait3A_447, %dma_wait3A_448] : memref<10240x64xf32, #tpu.memory_space<hbm>> -> memref<10240x64xf32, #tpu.memory_space<hbm>>
        tpu.wait_indirect_dma semaphore(%arg17 : memref<!tpu.dma_semaphore, #tpu.memory_space<semaphore_mem>>) src(%dma_wait3A_449 : memref<10240x64xf32, #tpu.memory_space<hbm>>) dst(%arg10 : memref<128x64xf32, #tpu.memory_space<vmem>>)
        %add3A_450 = arith.constant 1 : i32
        %add3A_451 = arith.addi %mul3A_407, %add3A_450 : i32
        %dma_start3A_452 = arith.constant 0 : i32
        %dma_start3A_453 = tpu.memref_slice %arg8[%add3A_451, %dma_start3A_452] : memref<20x128xi32, #tpu.memory_space<vmem>> -> memref<1x128xi32, #tpu.memory_space<vmem>>
        %dma_start3A_454 = tpu.memref_squeeze %dma_start3A_453 : memref<1x128xi32, #tpu.memory_space<vmem>> -> memref<128xi32, #tpu.memory_space<vmem>>
        %dma_start3A_455 = arith.constant 0 : i32
        %dma_start3A_456 = arith.constant 0 : i32
        %dma_start3A_457 = tpu.memref_slice %arg24[%dma_start3A_455, %dma_start3A_456] : memref<10240x64xf32, #tpu.memory_space<vmem_shared>> -> memref<10240x64xf32, #tpu.memory_space<vmem_shared>>
        tpu.enqueue_indirect_dma source(%arg10 : memref<128x64xf32, #tpu.memory_space<vmem>>) target(%dma_start3A_457 : memref<10240x64xf32, #tpu.memory_space<vmem_shared>>) offsets(%dma_start3A_454 : memref<128xi32, #tpu.memory_space<vmem>>) semaphore(%arg21 : memref<!tpu.dma_semaphore, #tpu.memory_space<semaphore_mem>>) {add = true}
        %dma_wait3A_458 = arith.constant 0 : i32
        %dma_wait3A_459 = arith.constant 0 : i32
        %dma_wait3A_460 = tpu.memref_slice %arg5[%dma_wait3A_458, %dma_wait3A_459] : memref<20x128xi32, #tpu.memory_space<vmem>> -> memref<1x128xi32, #tpu.memory_space<vmem>>
        %dma_wait3A_461 = tpu.memref_squeeze %dma_wait3A_460 : memref<1x128xi32, #tpu.memory_space<vmem>> -> memref<128xi32, #tpu.memory_space<vmem>>
        %dma_wait3A_462 = arith.constant 0 : i32
        %dma_wait3A_463 = arith.constant 0 : i32
        %dma_wait3A_464 = tpu.memref_slice %arg2[%dma_wait3A_462, %dma_wait3A_463] : memref<10240x64xf32, #tpu.memory_space<hbm>> -> memref<10240x64xf32, #tpu.memory_space<hbm>>
        tpu.wait_indirect_dma semaphore(%arg18 : memref<!tpu.dma_semaphore, #tpu.memory_space<semaphore_mem>>) src(%dma_wait3A_464 : memref<10240x64xf32, #tpu.memory_space<hbm>>) dst(%arg11 : memref<128x64xf32, #tpu.memory_space<vmem>>)
        %add3A_465 = arith.constant 2 : i32
        %add3A_466 = arith.addi %mul3A_407, %add3A_465 : i32
        %add3A_467 = arith.constant 0 : i32
        %add3A_468 = arith.addi %add3A_466, %add3A_467 : i32
        %dma_start3A_469 = arith.constant 0 : i32
        %dma_start3A_470 = tpu.memref_slice %arg8[%add3A_468, %dma_start3A_469] : memref<20x128xi32, #tpu.memory_space<vmem>> -> memref<1x128xi32, #tpu.memory_space<vmem>>
        %dma_start3A_471 = tpu.memref_squeeze %dma_start3A_470 : memref<1x128xi32, #tpu.memory_space<vmem>> -> memref<128xi32, #tpu.memory_space<vmem>>
        %dma_start3A_472 = arith.constant 0 : i32
        %dma_start3A_473 = arith.constant 0 : i32
        %dma_start3A_474 = tpu.memref_slice %arg24[%dma_start3A_472, %dma_start3A_473] : memref<10240x64xf32, #tpu.memory_space<vmem_shared>> -> memref<10240x64xf32, #tpu.memory_space<vmem_shared>>
        tpu.enqueue_indirect_dma source(%arg11 : memref<128x64xf32, #tpu.memory_space<vmem>>) target(%dma_start3A_474 : memref<10240x64xf32, #tpu.memory_space<vmem_shared>>) offsets(%dma_start3A_471 : memref<128xi32, #tpu.memory_space<vmem>>) semaphore(%arg22 : memref<!tpu.dma_semaphore, #tpu.memory_space<semaphore_mem>>) {add = true}
        %dma_wait3A_475 = arith.constant 0 : i32
        %dma_wait3A_476 = arith.constant 0 : i32
        %dma_wait3A_477 = tpu.memref_slice %arg5[%dma_wait3A_475, %dma_wait3A_476] : memref<20x128xi32, #tpu.memory_space<vmem>> -> memref<1x128xi32, #tpu.memory_space<vmem>>
        %dma_wait3A_478 = tpu.memref_squeeze %dma_wait3A_477 : memref<1x128xi32, #tpu.memory_space<vmem>> -> memref<128xi32, #tpu.memory_space<vmem>>
        %dma_wait3A_479 = arith.constant 0 : i32
        %dma_wait3A_480 = arith.constant 0 : i32
        %dma_wait3A_481 = tpu.memref_slice %arg2[%dma_wait3A_479, %dma_wait3A_480] : memref<10240x64xf32, #tpu.memory_space<hbm>> -> memref<10240x64xf32, #tpu.memory_space<hbm>>
        tpu.wait_indirect_dma semaphore(%arg19 : memref<!tpu.dma_semaphore, #tpu.memory_space<semaphore_mem>>) src(%dma_wait3A_481 : memref<10240x64xf32, #tpu.memory_space<hbm>>) dst(%arg12 : memref<128x64xf32, #tpu.memory_space<vmem>>)
        %add3A_482 = arith.constant 2 : i32
        %add3A_483 = arith.addi %mul3A_407, %add3A_482 : i32
        %add3A_484 = arith.constant 1 : i32
        %add3A_485 = arith.addi %add3A_483, %add3A_484 : i32
        %dma_start3A_486 = arith.constant 0 : i32
        %dma_start3A_487 = tpu.memref_slice %arg8[%add3A_485, %dma_start3A_486] : memref<20x128xi32, #tpu.memory_space<vmem>> -> memref<1x128xi32, #tpu.memory_space<vmem>>
        %dma_start3A_488 = tpu.memref_squeeze %dma_start3A_487 : memref<1x128xi32, #tpu.memory_space<vmem>> -> memref<128xi32, #tpu.memory_space<vmem>>
        %dma_start3A_489 = arith.constant 0 : i32
        %dma_start3A_490 = arith.constant 0 : i32
        %dma_start3A_491 = tpu.memref_slice %arg24[%dma_start3A_489, %dma_start3A_490] : memref<10240x64xf32, #tpu.memory_space<vmem_shared>> -> memref<10240x64xf32, #tpu.memory_space<vmem_shared>>
        tpu.enqueue_indirect_dma source(%arg12 : memref<128x64xf32, #tpu.memory_space<vmem>>) target(%dma_start3A_491 : memref<10240x64xf32, #tpu.memory_space<vmem_shared>>) offsets(%dma_start3A_488 : memref<128xi32, #tpu.memory_space<vmem>>) semaphore(%arg23 : memref<!tpu.dma_semaphore, #tpu.memory_space<semaphore_mem>>) {add = true}
        %dma_wait3A_492 = arith.constant 0 : i32
        %dma_wait3A_493 = tpu.memref_slice %arg8[%add3A_436, %dma_wait3A_492] : memref<20x128xi32, #tpu.memory_space<vmem>> -> memref<1x128xi32, #tpu.memory_space<vmem>>
        %dma_wait3A_494 = tpu.memref_squeeze %dma_wait3A_493 : memref<1x128xi32, #tpu.memory_space<vmem>> -> memref<128xi32, #tpu.memory_space<vmem>>
        %dma_wait3A_495 = arith.constant 0 : i32
        %dma_wait3A_496 = arith.constant 0 : i32
        %dma_wait3A_497 = tpu.memref_slice %arg24[%dma_wait3A_495, %dma_wait3A_496] : memref<10240x64xf32, #tpu.memory_space<vmem_shared>> -> memref<10240x64xf32, #tpu.memory_space<vmem_shared>>
        tpu.wait_indirect_dma semaphore(%arg20 : memref<!tpu.dma_semaphore, #tpu.memory_space<semaphore_mem>>) src(%arg9 : memref<128x64xf32, #tpu.memory_space<vmem>>) dst(%dma_wait3A_497 : memref<10240x64xf32, #tpu.memory_space<vmem_shared>>)
        %dma_wait3A_498 = arith.constant 0 : i32
        %dma_wait3A_499 = tpu.memref_slice %arg8[%add3A_451, %dma_wait3A_498] : memref<20x128xi32, #tpu.memory_space<vmem>> -> memref<1x128xi32, #tpu.memory_space<vmem>>
        %dma_wait3A_500 = tpu.memref_squeeze %dma_wait3A_499 : memref<1x128xi32, #tpu.memory_space<vmem>> -> memref<128xi32, #tpu.memory_space<vmem>>
        %dma_wait3A_501 = arith.constant 0 : i32
        %dma_wait3A_502 = arith.constant 0 : i32
        %dma_wait3A_503 = tpu.memref_slice %arg24[%dma_wait3A_501, %dma_wait3A_502] : memref<10240x64xf32, #tpu.memory_space<vmem_shared>> -> memref<10240x64xf32, #tpu.memory_space<vmem_shared>>
        tpu.wait_indirect_dma semaphore(%arg21 : memref<!tpu.dma_semaphore, #tpu.memory_space<semaphore_mem>>) src(%arg10 : memref<128x64xf32, #tpu.memory_space<vmem>>) dst(%dma_wait3A_503 : memref<10240x64xf32, #tpu.memory_space<vmem_shared>>)
        %add3A_504 = arith.constant 4 : i32
        %add3A_505 = arith.addi %mul3A_407, %add3A_504 : i32
        %add3A_506 = arith.constant 0 : i32
        %add3A_507 = arith.addi %add3A_505, %add3A_506 : i32
        %dma_start3A_508 = arith.constant 0 : i32
        %dma_start3A_509 = tpu.memref_slice %arg7[%add3A_507, %dma_start3A_508] : memref<20x128xi32, #tpu.memory_space<vmem>> -> memref<1x128xi32, #tpu.memory_space<vmem>>
        %dma_start3A_510 = tpu.memref_squeeze %dma_start3A_509 : memref<1x128xi32, #tpu.memory_space<vmem>> -> memref<128xi32, #tpu.memory_space<vmem>>
        %dma_start3A_511 = arith.constant 0 : i32
        %dma_start3A_512 = arith.constant 0 : i32
        %dma_start3A_513 = tpu.memref_slice %arg2[%dma_start3A_511, %dma_start3A_512] : memref<10240x64xf32, #tpu.memory_space<hbm>> -> memref<10240x64xf32, #tpu.memory_space<hbm>>
        tpu.enqueue_indirect_dma source(%dma_start3A_513 : memref<10240x64xf32, #tpu.memory_space<hbm>>) target(%arg9 : memref<128x64xf32, #tpu.memory_space<vmem>>) offsets(%dma_start3A_510 : memref<128xi32, #tpu.memory_space<vmem>>) semaphore(%arg16 : memref<!tpu.dma_semaphore, #tpu.memory_space<semaphore_mem>>)
        %add3A_514 = arith.constant 1 : i32
        %add3A_515 = arith.addi %add3A_505, %add3A_514 : i32
        %dma_start3A_516 = arith.constant 0 : i32
        %dma_start3A_517 = tpu.memref_slice %arg7[%add3A_515, %dma_start3A_516] : memref<20x128xi32, #tpu.memory_space<vmem>> -> memref<1x128xi32, #tpu.memory_space<vmem>>
        %dma_start3A_518 = tpu.memref_squeeze %dma_start3A_517 : memref<1x128xi32, #tpu.memory_space<vmem>> -> memref<128xi32, #tpu.memory_space<vmem>>
        %dma_start3A_519 = arith.constant 0 : i32
        %dma_start3A_520 = arith.constant 0 : i32
        %dma_start3A_521 = tpu.memref_slice %arg2[%dma_start3A_519, %dma_start3A_520] : memref<10240x64xf32, #tpu.memory_space<hbm>> -> memref<10240x64xf32, #tpu.memory_space<hbm>>
        tpu.enqueue_indirect_dma source(%dma_start3A_521 : memref<10240x64xf32, #tpu.memory_space<hbm>>) target(%arg10 : memref<128x64xf32, #tpu.memory_space<vmem>>) offsets(%dma_start3A_518 : memref<128xi32, #tpu.memory_space<vmem>>) semaphore(%arg17 : memref<!tpu.dma_semaphore, #tpu.memory_space<semaphore_mem>>)
        %dma_wait3A_522 = arith.constant 0 : i32
        %dma_wait3A_523 = tpu.memref_slice %arg8[%add3A_468, %dma_wait3A_522] : memref<20x128xi32, #tpu.memory_space<vmem>> -> memref<1x128xi32, #tpu.memory_space<vmem>>
        %dma_wait3A_524 = tpu.memref_squeeze %dma_wait3A_523 : memref<1x128xi32, #tpu.memory_space<vmem>> -> memref<128xi32, #tpu.memory_space<vmem>>
        %dma_wait3A_525 = arith.constant 0 : i32
        %dma_wait3A_526 = arith.constant 0 : i32
        %dma_wait3A_527 = tpu.memref_slice %arg24[%dma_wait3A_525, %dma_wait3A_526] : memref<10240x64xf32, #tpu.memory_space<vmem_shared>> -> memref<10240x64xf32, #tpu.memory_space<vmem_shared>>
        tpu.wait_indirect_dma semaphore(%arg22 : memref<!tpu.dma_semaphore, #tpu.memory_space<semaphore_mem>>) src(%arg11 : memref<128x64xf32, #tpu.memory_space<vmem>>) dst(%dma_wait3A_527 : memref<10240x64xf32, #tpu.memory_space<vmem_shared>>)
        %dma_wait3A_528 = arith.constant 0 : i32
        %dma_wait3A_529 = tpu.memref_slice %arg8[%add3A_485, %dma_wait3A_528] : memref<20x128xi32, #tpu.memory_space<vmem>> -> memref<1x128xi32, #tpu.memory_space<vmem>>
        %dma_wait3A_530 = tpu.memref_squeeze %dma_wait3A_529 : memref<1x128xi32, #tpu.memory_space<vmem>> -> memref<128xi32, #tpu.memory_space<vmem>>
        %dma_wait3A_531 = arith.constant 0 : i32
        %dma_wait3A_532 = arith.constant 0 : i32
        %dma_wait3A_533 = tpu.memref_slice %arg24[%dma_wait3A_531, %dma_wait3A_532] : memref<10240x64xf32, #tpu.memory_space<vmem_shared>> -> memref<10240x64xf32, #tpu.memory_space<vmem_shared>>
        tpu.wait_indirect_dma semaphore(%arg23 : memref<!tpu.dma_semaphore, #tpu.memory_space<semaphore_mem>>) src(%arg12 : memref<128x64xf32, #tpu.memory_space<vmem>>) dst(%dma_wait3A_533 : memref<10240x64xf32, #tpu.memory_space<vmem_shared>>)
        %scan3A_534 = arith.constant 0 : i32
        scf.yield %scan3A_534 : i32
      }
      %scan3A_272 = arith.constant 4 : i32
      %dma_start3A_273 = arith.constant 18 : i32
      %dma_start3A_274 = arith.constant 0 : i32
      %dma_start3A_275 = tpu.memref_slice %arg7[%dma_start3A_273, %dma_start3A_274] : memref<20x128xi32, #tpu.memory_space<vmem>> -> memref<1x128xi32, #tpu.memory_space<vmem>>
      %dma_start3A_276 = tpu.memref_squeeze %dma_start3A_275 : memref<1x128xi32, #tpu.memory_space<vmem>> -> memref<128xi32, #tpu.memory_space<vmem>>
      %dma_start3A_277 = arith.constant 0 : i32
      %dma_start3A_278 = arith.constant 0 : i32
      %dma_start3A_279 = tpu.memref_slice %arg2[%dma_start3A_277, %dma_start3A_278] : memref<10240x64xf32, #tpu.memory_space<hbm>> -> memref<10240x64xf32, #tpu.memory_space<hbm>>
      tpu.enqueue_indirect_dma source(%dma_start3A_279 : memref<10240x64xf32, #tpu.memory_space<hbm>>) target(%arg11 : memref<128x64xf32, #tpu.memory_space<vmem>>) offsets(%dma_start3A_276 : memref<128xi32, #tpu.memory_space<vmem>>) semaphore(%arg18 : memref<!tpu.dma_semaphore, #tpu.memory_space<semaphore_mem>>)
      %dma_start3A_280 = arith.constant 19 : i32
      %dma_start3A_281 = arith.constant 0 : i32
      %dma_start3A_282 = tpu.memref_slice %arg7[%dma_start3A_280, %dma_start3A_281] : memref<20x128xi32, #tpu.memory_space<vmem>> -> memref<1x128xi32, #tpu.memory_space<vmem>>
      %dma_start3A_283 = tpu.memref_squeeze %dma_start3A_282 : memref<1x128xi32, #tpu.memory_space<vmem>> -> memref<128xi32, #tpu.memory_space<vmem>>
      %dma_start3A_284 = arith.constant 0 : i32
      %dma_start3A_285 = arith.constant 0 : i32
      %dma_start3A_286 = tpu.memref_slice %arg2[%dma_start3A_284, %dma_start3A_285] : memref<10240x64xf32, #tpu.memory_space<hbm>> -> memref<10240x64xf32, #tpu.memory_space<hbm>>
      tpu.enqueue_indirect_dma source(%dma_start3A_286 : memref<10240x64xf32, #tpu.memory_space<hbm>>) target(%arg12 : memref<128x64xf32, #tpu.memory_space<vmem>>) offsets(%dma_start3A_283 : memref<128xi32, #tpu.memory_space<vmem>>) semaphore(%arg19 : memref<!tpu.dma_semaphore, #tpu.memory_space<semaphore_mem>>)
      %dma_wait3A_287 = arith.constant 0 : i32
      %dma_wait3A_288 = arith.constant 0 : i32
      %dma_wait3A_289 = tpu.memref_slice %arg5[%dma_wait3A_287, %dma_wait3A_288] : memref<20x128xi32, #tpu.memory_space<vmem>> -> memref<1x128xi32, #tpu.memory_space<vmem>>
      %dma_wait3A_290 = tpu.memref_squeeze %dma_wait3A_289 : memref<1x128xi32, #tpu.memory_space<vmem>> -> memref<128xi32, #tpu.memory_space<vmem>>
      %dma_wait3A_291 = arith.constant 0 : i32
      %dma_wait3A_292 = arith.constant 0 : i32
      %dma_wait3A_293 = tpu.memref_slice %arg2[%dma_wait3A_291, %dma_wait3A_292] : memref<10240x64xf32, #tpu.memory_space<hbm>> -> memref<10240x64xf32, #tpu.memory_space<hbm>>
      tpu.wait_indirect_dma semaphore(%arg16 : memref<!tpu.dma_semaphore, #tpu.memory_space<semaphore_mem>>) src(%dma_wait3A_293 : memref<10240x64xf32, #tpu.memory_space<hbm>>) dst(%arg9 : memref<128x64xf32, #tpu.memory_space<vmem>>)
      %dma_start3A_294 = arith.constant 16 : i32
      %dma_start3A_295 = arith.constant 0 : i32
      %dma_start3A_296 = tpu.memref_slice %arg8[%dma_start3A_294, %dma_start3A_295] : memref<20x128xi32, #tpu.memory_space<vmem>> -> memref<1x128xi32, #tpu.memory_space<vmem>>
      %dma_start3A_297 = tpu.memref_squeeze %dma_start3A_296 : memref<1x128xi32, #tpu.memory_space<vmem>> -> memref<128xi32, #tpu.memory_space<vmem>>
      %dma_start3A_298 = arith.constant 0 : i32
      %dma_start3A_299 = arith.constant 0 : i32
      %dma_start3A_300 = tpu.memref_slice %arg24[%dma_start3A_298, %dma_start3A_299] : memref<10240x64xf32, #tpu.memory_space<vmem_shared>> -> memref<10240x64xf32, #tpu.memory_space<vmem_shared>>
      tpu.enqueue_indirect_dma source(%arg9 : memref<128x64xf32, #tpu.memory_space<vmem>>) target(%dma_start3A_300 : memref<10240x64xf32, #tpu.memory_space<vmem_shared>>) offsets(%dma_start3A_297 : memref<128xi32, #tpu.memory_space<vmem>>) semaphore(%arg20 : memref<!tpu.dma_semaphore, #tpu.memory_space<semaphore_mem>>) {add = true}
      %dma_wait3A_301 = arith.constant 0 : i32
      %dma_wait3A_302 = arith.constant 0 : i32
      %dma_wait3A_303 = tpu.memref_slice %arg5[%dma_wait3A_301, %dma_wait3A_302] : memref<20x128xi32, #tpu.memory_space<vmem>> -> memref<1x128xi32, #tpu.memory_space<vmem>>
      %dma_wait3A_304 = tpu.memref_squeeze %dma_wait3A_303 : memref<1x128xi32, #tpu.memory_space<vmem>> -> memref<128xi32, #tpu.memory_space<vmem>>
      %dma_wait3A_305 = arith.constant 0 : i32
      %dma_wait3A_306 = arith.constant 0 : i32
      %dma_wait3A_307 = tpu.memref_slice %arg2[%dma_wait3A_305, %dma_wait3A_306] : memref<10240x64xf32, #tpu.memory_space<hbm>> -> memref<10240x64xf32, #tpu.memory_space<hbm>>
      tpu.wait_indirect_dma semaphore(%arg17 : memref<!tpu.dma_semaphore, #tpu.memory_space<semaphore_mem>>) src(%dma_wait3A_307 : memref<10240x64xf32, #tpu.memory_space<hbm>>) dst(%arg10 : memref<128x64xf32, #tpu.memory_space<vmem>>)
      %dma_start3A_308 = arith.constant 17 : i32
      %dma_start3A_309 = arith.constant 0 : i32
      %dma_start3A_310 = tpu.memref_slice %arg8[%dma_start3A_308, %dma_start3A_309] : memref<20x128xi32, #tpu.memory_space<vmem>> -> memref<1x128xi32, #tpu.memory_space<vmem>>
      %dma_start3A_311 = tpu.memref_squeeze %dma_start3A_310 : memref<1x128xi32, #tpu.memory_space<vmem>> -> memref<128xi32, #tpu.memory_space<vmem>>
      %dma_start3A_312 = arith.constant 0 : i32
      %dma_start3A_313 = arith.constant 0 : i32
      %dma_start3A_314 = tpu.memref_slice %arg24[%dma_start3A_312, %dma_start3A_313] : memref<10240x64xf32, #tpu.memory_space<vmem_shared>> -> memref<10240x64xf32, #tpu.memory_space<vmem_shared>>
      tpu.enqueue_indirect_dma source(%arg10 : memref<128x64xf32, #tpu.memory_space<vmem>>) target(%dma_start3A_314 : memref<10240x64xf32, #tpu.memory_space<vmem_shared>>) offsets(%dma_start3A_311 : memref<128xi32, #tpu.memory_space<vmem>>) semaphore(%arg21 : memref<!tpu.dma_semaphore, #tpu.memory_space<semaphore_mem>>) {add = true}
      %dma_wait3A_315 = arith.constant 0 : i32
      %dma_wait3A_316 = arith.constant 0 : i32
      %dma_wait3A_317 = tpu.memref_slice %arg5[%dma_wait3A_315, %dma_wait3A_316] : memref<20x128xi32, #tpu.memory_space<vmem>> -> memref<1x128xi32, #tpu.memory_space<vmem>>
      %dma_wait3A_318 = tpu.memref_squeeze %dma_wait3A_317 : memref<1x128xi32, #tpu.memory_space<vmem>> -> memref<128xi32, #tpu.memory_space<vmem>>
      %dma_wait3A_319 = arith.constant 0 : i32
      %dma_wait3A_320 = arith.constant 0 : i32
      %dma_wait3A_321 = tpu.memref_slice %arg2[%dma_wait3A_319, %dma_wait3A_320] : memref<10240x64xf32, #tpu.memory_space<hbm>> -> memref<10240x64xf32, #tpu.memory_space<hbm>>
      tpu.wait_indirect_dma semaphore(%arg18 : memref<!tpu.dma_semaphore, #tpu.memory_space<semaphore_mem>>) src(%dma_wait3A_321 : memref<10240x64xf32, #tpu.memory_space<hbm>>) dst(%arg11 : memref<128x64xf32, #tpu.memory_space<vmem>>)
      %dma_start3A_322 = arith.constant 18 : i32
      %dma_start3A_323 = arith.constant 0 : i32
      %dma_start3A_324 = tpu.memref_slice %arg8[%dma_start3A_322, %dma_start3A_323] : memref<20x128xi32, #tpu.memory_space<vmem>> -> memref<1x128xi32, #tpu.memory_space<vmem>>
      %dma_start3A_325 = tpu.memref_squeeze %dma_start3A_324 : memref<1x128xi32, #tpu.memory_space<vmem>> -> memref<128xi32, #tpu.memory_space<vmem>>
      %dma_start3A_326 = arith.constant 0 : i32
      %dma_start3A_327 = arith.constant 0 : i32
      %dma_start3A_328 = tpu.memref_slice %arg24[%dma_start3A_326, %dma_start3A_327] : memref<10240x64xf32, #tpu.memory_space<vmem_shared>> -> memref<10240x64xf32, #tpu.memory_space<vmem_shared>>
      tpu.enqueue_indirect_dma source(%arg11 : memref<128x64xf32, #tpu.memory_space<vmem>>) target(%dma_start3A_328 : memref<10240x64xf32, #tpu.memory_space<vmem_shared>>) offsets(%dma_start3A_325 : memref<128xi32, #tpu.memory_space<vmem>>) semaphore(%arg22 : memref<!tpu.dma_semaphore, #tpu.memory_space<semaphore_mem>>) {add = true}
      %dma_wait3A_329 = arith.constant 0 : i32
      %dma_wait3A_330 = arith.constant 0 : i32
      %dma_wait3A_331 = tpu.memref_slice %arg5[%dma_wait3A_329, %dma_wait3A_330] : memref<20x128xi32, #tpu.memory_space<vmem>> -> memref<1x128xi32, #tpu.memory_space<vmem>>
      %dma_wait3A_332 = tpu.memref_squeeze %dma_wait3A_331 : memref<1x128xi32, #tpu.memory_space<vmem>> -> memref<128xi32, #tpu.memory_space<vmem>>
      %dma_wait3A_333 = arith.constant 0 : i32
      %dma_wait3A_334 = arith.constant 0 : i32
      %dma_wait3A_335 = tpu.memref_slice %arg2[%dma_wait3A_333, %dma_wait3A_334] : memref<10240x64xf32, #tpu.memory_space<hbm>> -> memref<10240x64xf32, #tpu.memory_space<hbm>>
      tpu.wait_indirect_dma semaphore(%arg19 : memref<!tpu.dma_semaphore, #tpu.memory_space<semaphore_mem>>) src(%dma_wait3A_335 : memref<10240x64xf32, #tpu.memory_space<hbm>>) dst(%arg12 : memref<128x64xf32, #tpu.memory_space<vmem>>)
      %dma_start3A_336 = arith.constant 19 : i32
      %dma_start3A_337 = arith.constant 0 : i32
      %dma_start3A_338 = tpu.memref_slice %arg8[%dma_start3A_336, %dma_start3A_337] : memref<20x128xi32, #tpu.memory_space<vmem>> -> memref<1x128xi32, #tpu.memory_space<vmem>>
      %dma_start3A_339 = tpu.memref_squeeze %dma_start3A_338 : memref<1x128xi32, #tpu.memory_space<vmem>> -> memref<128xi32, #tpu.memory_space<vmem>>
      %dma_start3A_340 = arith.constant 0 : i32
      %dma_start3A_341 = arith.constant 0 : i32
      %dma_start3A_342 = tpu.memref_slice %arg24[%dma_start3A_340, %dma_start3A_341] : memref<10240x64xf32, #tpu.memory_space<vmem_shared>> -> memref<10240x64xf32, #tpu.memory_space<vmem_shared>>
      tpu.enqueue_indirect_dma source(%arg12 : memref<128x64xf32, #tpu.memory_space<vmem>>) target(%dma_start3A_342 : memref<10240x64xf32, #tpu.memory_space<vmem_shared>>) offsets(%dma_start3A_339 : memref<128xi32, #tpu.memory_space<vmem>>) semaphore(%arg23 : memref<!tpu.dma_semaphore, #tpu.memory_space<semaphore_mem>>) {add = true}
      %dma_wait3A_343 = arith.constant 16 : i32
      %dma_wait3A_344 = arith.constant 0 : i32
      %dma_wait3A_345 = tpu.memref_slice %arg8[%dma_wait3A_343, %dma_wait3A_344] : memref<20x128xi32, #tpu.memory_space<vmem>> -> memref<1x128xi32, #tpu.memory_space<vmem>>
      %dma_wait3A_346 = tpu.memref_squeeze %dma_wait3A_345 : memref<1x128xi32, #tpu.memory_space<vmem>> -> memref<128xi32, #tpu.memory_space<vmem>>
      %dma_wait3A_347 = arith.constant 0 : i32
      %dma_wait3A_348 = arith.constant 0 : i32
      %dma_wait3A_349 = tpu.memref_slice %arg24[%dma_wait3A_347, %dma_wait3A_348] : memref<10240x64xf32, #tpu.memory_space<vmem_shared>> -> memref<10240x64xf32, #tpu.memory_space<vmem_shared>>
      tpu.wait_indirect_dma semaphore(%arg20 : memref<!tpu.dma_semaphore, #tpu.memory_space<semaphore_mem>>) src(%arg9 : memref<128x64xf32, #tpu.memory_space<vmem>>) dst(%dma_wait3A_349 : memref<10240x64xf32, #tpu.memory_space<vmem_shared>>)
      %dma_wait3A_350 = arith.constant 17 : i32
      %dma_wait3A_351 = arith.constant 0 : i32
      %dma_wait3A_352 = tpu.memref_slice %arg8[%dma_wait3A_350, %dma_wait3A_351] : memref<20x128xi32, #tpu.memory_space<vmem>> -> memref<1x128xi32, #tpu.memory_space<vmem>>
      %dma_wait3A_353 = tpu.memref_squeeze %dma_wait3A_352 : memref<1x128xi32, #tpu.memory_space<vmem>> -> memref<128xi32, #tpu.memory_space<vmem>>
      %dma_wait3A_354 = arith.constant 0 : i32
      %dma_wait3A_355 = arith.constant 0 : i32
      %dma_wait3A_356 = tpu.memref_slice %arg24[%dma_wait3A_354, %dma_wait3A_355] : memref<10240x64xf32, #tpu.memory_space<vmem_shared>> -> memref<10240x64xf32, #tpu.memory_space<vmem_shared>>
      tpu.wait_indirect_dma semaphore(%arg21 : memref<!tpu.dma_semaphore, #tpu.memory_space<semaphore_mem>>) src(%arg10 : memref<128x64xf32, #tpu.memory_space<vmem>>) dst(%dma_wait3A_356 : memref<10240x64xf32, #tpu.memory_space<vmem_shared>>)
      %dma_wait3A_357 = arith.constant 0 : i32
      %dma_wait3A_358 = arith.constant 0 : i32
      %dma_wait3A_359 = arith.constant 0 : i32
      %dma_wait3A_360 = tpu.memref_slice %arg3[%dma_wait3A_357, %dma_wait3A_358, %dma_wait3A_359] : memref<2x2560x128xi32, #tpu.memory_space<hbm>> -> memref<1x20x128xi32, #tpu.memory_space<hbm>>
      %dma_wait3A_361 = tpu.memref_squeeze %dma_wait3A_360 : memref<1x20x128xi32, #tpu.memory_space<hbm>> -> memref<20x128xi32, #tpu.memory_space<hbm>>
      %dma_wait3A_362 = arith.constant 0 : i32
      %dma_wait3A_363 = arith.constant 0 : i32
      %dma_wait3A_364 = tpu.memref_slice %arg3[%dma_wait3A_357, %dma_wait3A_362, %dma_wait3A_363] : memref<2x2560x128xi32, #tpu.memory_space<hbm>> -> memref<1x20x128xi32, #tpu.memory_space<hbm>>
      %dma_wait3A_365 = tpu.memref_squeeze %dma_wait3A_364 : memref<1x20x128xi32, #tpu.memory_space<hbm>> -> memref<20x128xi32, #tpu.memory_space<hbm>>
      tpu.wait_dma2 semaphore(%arg14 : memref<!tpu.dma_semaphore, #tpu.memory_space<semaphore_mem>>) src(%dma_wait3A_365 : memref<20x128xi32, #tpu.memory_space<hbm>>) dst(%arg5 : memref<20x128xi32, #tpu.memory_space<vmem>>)
      %dma_wait3A_366 = arith.constant 1 : i32
      %dma_wait3A_367 = arith.constant 0 : i32
      %dma_wait3A_368 = arith.constant 0 : i32
      %dma_wait3A_369 = tpu.memref_slice %arg3[%dma_wait3A_366, %dma_wait3A_367, %dma_wait3A_368] : memref<2x2560x128xi32, #tpu.memory_space<hbm>> -> memref<1x20x128xi32, #tpu.memory_space<hbm>>
      %dma_wait3A_370 = tpu.memref_squeeze %dma_wait3A_369 : memref<1x20x128xi32, #tpu.memory_space<hbm>> -> memref<20x128xi32, #tpu.memory_space<hbm>>
      %dma_wait3A_371 = arith.constant 0 : i32
      %dma_wait3A_372 = arith.constant 0 : i32
      %dma_wait3A_373 = tpu.memref_slice %arg3[%dma_wait3A_366, %dma_wait3A_371, %dma_wait3A_372] : memref<2x2560x128xi32, #tpu.memory_space<hbm>> -> memref<1x20x128xi32, #tpu.memory_space<hbm>>
      %dma_wait3A_374 = tpu.memref_squeeze %dma_wait3A_373 : memref<1x20x128xi32, #tpu.memory_space<hbm>> -> memref<20x128xi32, #tpu.memory_space<hbm>>
      tpu.wait_dma2 semaphore(%arg14 : memref<!tpu.dma_semaphore, #tpu.memory_space<semaphore_mem>>) src(%dma_wait3A_374 : memref<20x128xi32, #tpu.memory_space<hbm>>) dst(%arg6 : memref<20x128xi32, #tpu.memory_space<vmem>>)
      %dma_start3A_375 = arith.constant 0 : i32
      %dma_start3A_376 = arith.constant 0 : i32
      %dma_start3A_377 = tpu.memref_slice %arg5[%dma_start3A_375, %dma_start3A_376] : memref<20x128xi32, #tpu.memory_space<vmem>> -> memref<1x128xi32, #tpu.memory_space<vmem>>
      %dma_start3A_378 = tpu.memref_squeeze %dma_start3A_377 : memref<1x128xi32, #tpu.memory_space<vmem>> -> memref<128xi32, #tpu.memory_space<vmem>>
      %dma_start3A_379 = arith.constant 0 : i32
      %dma_start3A_380 = arith.constant 0 : i32
      %dma_start3A_381 = tpu.memref_slice %arg2[%dma_start3A_379, %dma_start3A_380] : memref<10240x64xf32, #tpu.memory_space<hbm>> -> memref<10240x64xf32, #tpu.memory_space<hbm>>
      tpu.enqueue_indirect_dma source(%dma_start3A_381 : memref<10240x64xf32, #tpu.memory_space<hbm>>) target(%arg9 : memref<128x64xf32, #tpu.memory_space<vmem>>) offsets(%dma_start3A_378 : memref<128xi32, #tpu.memory_space<vmem>>) semaphore(%arg16 : memref<!tpu.dma_semaphore, #tpu.memory_space<semaphore_mem>>)
      %dma_start3A_382 = arith.constant 1 : i32
      %dma_start3A_383 = arith.constant 0 : i32
      %dma_start3A_384 = tpu.memref_slice %arg5[%dma_start3A_382, %dma_start3A_383] : memref<20x128xi32, #tpu.memory_space<vmem>> -> memref<1x128xi32, #tpu.memory_space<vmem>>
      %dma_start3A_385 = tpu.memref_squeeze %dma_start3A_384 : memref<1x128xi32, #tpu.memory_space<vmem>> -> memref<128xi32, #tpu.memory_space<vmem>>
      %dma_start3A_386 = arith.constant 0 : i32
      %dma_start3A_387 = arith.constant 0 : i32
      %dma_start3A_388 = tpu.memref_slice %arg2[%dma_start3A_386, %dma_start3A_387] : memref<10240x64xf32, #tpu.memory_space<hbm>> -> memref<10240x64xf32, #tpu.memory_space<hbm>>
      tpu.enqueue_indirect_dma source(%dma_start3A_388 : memref<10240x64xf32, #tpu.memory_space<hbm>>) target(%arg10 : memref<128x64xf32, #tpu.memory_space<vmem>>) offsets(%dma_start3A_385 : memref<128xi32, #tpu.memory_space<vmem>>) semaphore(%arg17 : memref<!tpu.dma_semaphore, #tpu.memory_space<semaphore_mem>>)
      %dma_wait3A_389 = arith.constant 18 : i32
      %dma_wait3A_390 = arith.constant 0 : i32
      %dma_wait3A_391 = tpu.memref_slice %arg8[%dma_wait3A_389, %dma_wait3A_390] : memref<20x128xi32, #tpu.memory_space<vmem>> -> memref<1x128xi32, #tpu.memory_space<vmem>>
      %dma_wait3A_392 = tpu.memref_squeeze %dma_wait3A_391 : memref<1x128xi32, #tpu.memory_space<vmem>> -> memref<128xi32, #tpu.memory_space<vmem>>
      %dma_wait3A_393 = arith.constant 0 : i32
      %dma_wait3A_394 = arith.constant 0 : i32
      %dma_wait3A_395 = tpu.memref_slice %arg24[%dma_wait3A_393, %dma_wait3A_394] : memref<10240x64xf32, #tpu.memory_space<vmem_shared>> -> memref<10240x64xf32, #tpu.memory_space<vmem_shared>>
      tpu.wait_indirect_dma semaphore(%arg22 : memref<!tpu.dma_semaphore, #tpu.memory_space<semaphore_mem>>) src(%arg11 : memref<128x64xf32, #tpu.memory_space<vmem>>) dst(%dma_wait3A_395 : memref<10240x64xf32, #tpu.memory_space<vmem_shared>>)
      %dma_wait3A_396 = arith.constant 19 : i32
      %dma_wait3A_397 = arith.constant 0 : i32
      %dma_wait3A_398 = tpu.memref_slice %arg8[%dma_wait3A_396, %dma_wait3A_397] : memref<20x128xi32, #tpu.memory_space<vmem>> -> memref<1x128xi32, #tpu.memory_space<vmem>>
      %dma_wait3A_399 = tpu.memref_squeeze %dma_wait3A_398 : memref<1x128xi32, #tpu.memory_space<vmem>> -> memref<128xi32, #tpu.memory_space<vmem>>
      %dma_wait3A_400 = arith.constant 0 : i32
      %dma_wait3A_401 = arith.constant 0 : i32
      %dma_wait3A_402 = tpu.memref_slice %arg24[%dma_wait3A_400, %dma_wait3A_401] : memref<10240x64xf32, #tpu.memory_space<vmem_shared>> -> memref<10240x64xf32, #tpu.memory_space<vmem_shared>>
      tpu.wait_indirect_dma semaphore(%arg23 : memref<!tpu.dma_semaphore, #tpu.memory_space<semaphore_mem>>) src(%arg12 : memref<128x64xf32, #tpu.memory_space<vmem>>) dst(%dma_wait3A_402 : memref<10240x64xf32, #tpu.memory_space<vmem_shared>>)
      %scan3A_403 = arith.constant 0 : i32
      scf.yield %scan3A_403 : i32
    }
    %scan3A_70 = arith.constant 2 : i32
    %dma_wait3A_71 = arith.constant 0 : i32
    %dma_wait3A_72 = arith.constant 0 : i32
    %dma_wait3A_73 = tpu.memref_slice %arg5[%dma_wait3A_71, %dma_wait3A_72] : memref<20x128xi32, #tpu.memory_space<vmem>> -> memref<1x128xi32, #tpu.memory_space<vmem>>
    %dma_wait3A_74 = tpu.memref_squeeze %dma_wait3A_73 : memref<1x128xi32, #tpu.memory_space<vmem>> -> memref<128xi32, #tpu.memory_space<vmem>>
    %dma_wait3A_75 = arith.constant 0 : i32
    %dma_wait3A_76 = arith.constant 0 : i32
    %dma_wait3A_77 = tpu.memref_slice %arg2[%dma_wait3A_75, %dma_wait3A_76] : memref<10240x64xf32, #tpu.memory_space<hbm>> -> memref<10240x64xf32, #tpu.memory_space<hbm>>
    tpu.wait_indirect_dma semaphore(%arg16 : memref<!tpu.dma_semaphore, #tpu.memory_space<semaphore_mem>>) src(%dma_wait3A_77 : memref<10240x64xf32, #tpu.memory_space<hbm>>) dst(%arg9 : memref<128x64xf32, #tpu.memory_space<vmem>>)
    %dma_wait3A_78 = arith.constant 0 : i32
    %dma_wait3A_79 = arith.constant 0 : i32
    %dma_wait3A_80 = tpu.memref_slice %arg5[%dma_wait3A_78, %dma_wait3A_79] : memref<20x128xi32, #tpu.memory_space<vmem>> -> memref<1x128xi32, #tpu.memory_space<vmem>>
    %dma_wait3A_81 = tpu.memref_squeeze %dma_wait3A_80 : memref<1x128xi32, #tpu.memory_space<vmem>> -> memref<128xi32, #tpu.memory_space<vmem>>
    %dma_wait3A_82 = arith.constant 0 : i32
    %dma_wait3A_83 = arith.constant 0 : i32
    %dma_wait3A_84 = tpu.memref_slice %arg2[%dma_wait3A_82, %dma_wait3A_83] : memref<10240x64xf32, #tpu.memory_space<hbm>> -> memref<10240x64xf32, #tpu.memory_space<hbm>>
    tpu.wait_indirect_dma semaphore(%arg17 : memref<!tpu.dma_semaphore, #tpu.memory_space<semaphore_mem>>) src(%dma_wait3A_84 : memref<10240x64xf32, #tpu.memory_space<hbm>>) dst(%arg10 : memref<128x64xf32, #tpu.memory_space<vmem>>)
    %barrier3A_85 = arith.constant 0 : index
    tpu.barrier barrier_id(%barrier3A_85)
    "tpu.region"() ({
      %run_scoped3A = tpu.sem_alloc : memref<!tpu.dma_semaphore, #tpu.memory_space<semaphore_mem>>
      %dma_start3A_86 = arith.constant 0 : i32
      %dma_start3A_87 = tpu.memref_slice %arg4[%arg0, %mul3A_4, %dma_start3A_86] : memref<2x10240x64xf32, #tpu.memory_space<hbm>> -> memref<1x640x64xf32, #tpu.memory_space<hbm>>
      %dma_start3A_88 = tpu.memref_squeeze %dma_start3A_87 : memref<1x640x64xf32, #tpu.memory_space<hbm>> -> memref<640x64xf32, #tpu.memory_space<hbm>>
      %dma_start3A_89 = arith.constant 0 : i32
      %dma_start3A_90 = tpu.memref_slice %arg24[%mul3A_4, %dma_start3A_89] : memref<10240x64xf32, #tpu.memory_space<vmem_shared>> -> memref<640x64xf32, #tpu.memory_space<vmem_shared>>
      tpu.enqueue_dma source(%dma_start3A_90 : memref<640x64xf32, #tpu.memory_space<vmem_shared>>) target(%dma_start3A_88 : memref<640x64xf32, #tpu.memory_space<hbm>>) target_semaphore(%run_scoped3A : memref<!tpu.dma_semaphore, #tpu.memory_space<semaphore_mem>>)
      %dma_wait3A_91 = arith.constant 0 : i32
      %dma_wait3A_92 = tpu.memref_slice %arg4[%arg0, %mul3A_4, %dma_wait3A_91] : memref<2x10240x64xf32, #tpu.memory_space<hbm>> -> memref<1x640x64xf32, #tpu.memory_space<hbm>>
      %dma_wait3A_93 = tpu.memref_squeeze %dma_wait3A_92 : memref<1x640x64xf32, #tpu.memory_space<hbm>> -> memref<640x64xf32, #tpu.memory_space<hbm>>
      %dma_wait3A_94 = arith.constant 0 : i32
      %dma_wait3A_95 = tpu.memref_slice %arg24[%mul3A_4, %dma_wait3A_94] : memref<10240x64xf32, #tpu.memory_space<vmem_shared>> -> memref<640x64xf32, #tpu.memory_space<vmem_shared>>
      tpu.wait_dma2 semaphore(%run_scoped3A : memref<!tpu.dma_semaphore, #tpu.memory_space<semaphore_mem>>) src(%dma_wait3A_95 : memref<640x64xf32, #tpu.memory_space<vmem_shared>>) dst(%dma_wait3A_93 : memref<640x64xf32, #tpu.memory_space<hbm>>)
      tpu.yield
    }) : () -> ()
    return
  }
}

#map = affine_map<(d0, d1) -> (0, 0)>
#map1 = affine_map<(d0, d1) -> (0, 0, 0)>
module attributes {stable_mosaic.version = 14 : i64} {
  func.func @body(%arg0: i32, %arg1: i32, %arg2: memref<10240x128xf32, #tpu.memory_space<hbm>>, %arg3: memref<2x5120x64xi32, #tpu.memory_space<hbm>>, %arg4: memref<2x10240x128xf32, #tpu.memory_space<hbm>>, %arg5: memref<16x64xi32, #tpu.memory_space<vmem>>, %arg6: memref<16x64xi32, #tpu.memory_space<vmem>>, %arg7: memref<16x64xi32, #tpu.memory_space<vmem>>, %arg8: memref<16x64xi32, #tpu.memory_space<vmem>>, %arg9: memref<64x128xf32, #tpu.memory_space<vmem>>, %arg10: memref<64x128xf32, #tpu.memory_space<vmem>>, %arg11: memref<64x128xf32, #tpu.memory_space<vmem>>, %arg12: memref<64x128xf32, #tpu.memory_space<vmem>>, %arg13: memref<16x128xf32, #tpu.memory_space<vmem>>, %arg14: memref<!tpu.dma_semaphore, #tpu.memory_space<semaphore_mem>>, %arg15: memref<!tpu.dma_semaphore, #tpu.memory_space<semaphore_mem>>, %arg16: memref<!tpu.dma_semaphore, #tpu.memory_space<semaphore_mem>>, %arg17: memref<!tpu.dma_semaphore, #tpu.memory_space<semaphore_mem>>, %arg18: memref<!tpu.dma_semaphore, #tpu.memory_space<semaphore_mem>>, %arg19: memref<!tpu.dma_semaphore, #tpu.memory_space<semaphore_mem>>, %arg20: memref<!tpu.dma_semaphore, #tpu.memory_space<semaphore_mem>>, %arg21: memref<!tpu.dma_semaphore, #tpu.memory_space<semaphore_mem>>, %arg22: memref<!tpu.dma_semaphore, #tpu.memory_space<semaphore_mem>>, %arg23: memref<!tpu.dma_semaphore, #tpu.memory_space<semaphore_mem>>, %arg24: memref<10240x128xf32, #tpu.memory_space<vmem_shared>>) attributes {dimension_semantics = [#tpu.dimension_semantics<core_parallel>, #tpu.dimension_semantics<subcore_parallel>], iteration_bounds = array<i64: 2, 16>, scalar_prefetch = 0 : i64, scratch_operands = 20 : i64, tpu.core_type = #tpu.core_type<sc_vector_subcore>, window_params = [{transform_indices = #map}, {transform_indices = #map1}, {transform_indices = #map1}]} {
    %mul3A = arith.constant 16 : i32
    %mul3A_0 = arith.muli %arg0, %mul3A : i32
    %add3A = arith.addi %mul3A_0, %arg1 : i32
    %mul3A_1 = arith.constant 160 : i32
    %mul3A_2 = arith.muli %add3A, %mul3A_1 : i32
    %mul3A_3 = arith.constant 640 : i32
    %mul3A_4 = arith.muli %arg1, %mul3A_3 : i32
    %add3A_5 = arith.constant 0 : i32
    %add3A_6 = arith.addi %mul3A_2, %add3A_5 : i32
    %dma_start3A = arith.constant 0 : i32
    %dma_start3A_7 = arith.constant 0 : i32
    %dma_start3A_8 = tpu.memref_slice %arg3[%dma_start3A, %add3A_6, %dma_start3A_7] : memref<2x5120x64xi32, #tpu.memory_space<hbm>> -> memref<1x16x64xi32, #tpu.memory_space<hbm>>
    %dma_start3A_9 = tpu.memref_squeeze %dma_start3A_8 : memref<1x16x64xi32, #tpu.memory_space<hbm>> -> memref<16x64xi32, #tpu.memory_space<hbm>>
    %dma_start3A_10 = arith.constant 0 : i32
    %dma_start3A_11 = tpu.memref_slice %arg3[%dma_start3A, %add3A_6, %dma_start3A_10] : memref<2x5120x64xi32, #tpu.memory_space<hbm>> -> memref<1x16x64xi32, #tpu.memory_space<hbm>>
    %dma_start3A_12 = tpu.memref_squeeze %dma_start3A_11 : memref<1x16x64xi32, #tpu.memory_space<hbm>> -> memref<16x64xi32, #tpu.memory_space<hbm>>
    tpu.enqueue_dma source(%dma_start3A_12 : memref<16x64xi32, #tpu.memory_space<hbm>>) target(%arg5 : memref<16x64xi32, #tpu.memory_space<vmem>>) target_semaphore(%arg14 : memref<!tpu.dma_semaphore, #tpu.memory_space<semaphore_mem>>)
    %dma_start3A_13 = arith.constant 1 : i32
    %dma_start3A_14 = arith.constant 0 : i32
    %dma_start3A_15 = tpu.memref_slice %arg3[%dma_start3A_13, %add3A_6, %dma_start3A_14] : memref<2x5120x64xi32, #tpu.memory_space<hbm>> -> memref<1x16x64xi32, #tpu.memory_space<hbm>>
    %dma_start3A_16 = tpu.memref_squeeze %dma_start3A_15 : memref<1x16x64xi32, #tpu.memory_space<hbm>> -> memref<16x64xi32, #tpu.memory_space<hbm>>
    %dma_start3A_17 = arith.constant 0 : i32
    %dma_start3A_18 = tpu.memref_slice %arg3[%dma_start3A_13, %add3A_6, %dma_start3A_17] : memref<2x5120x64xi32, #tpu.memory_space<hbm>> -> memref<1x16x64xi32, #tpu.memory_space<hbm>>
    %dma_start3A_19 = tpu.memref_squeeze %dma_start3A_18 : memref<1x16x64xi32, #tpu.memory_space<hbm>> -> memref<16x64xi32, #tpu.memory_space<hbm>>
    tpu.enqueue_dma source(%dma_start3A_19 : memref<16x64xi32, #tpu.memory_space<hbm>>) target(%arg6 : memref<16x64xi32, #tpu.memory_space<vmem>>) target_semaphore(%arg14 : memref<!tpu.dma_semaphore, #tpu.memory_space<semaphore_mem>>)
    %scan3A = arith.constant 0 : i32
    %scan3A_20 = arith.constant 0 : i32
    %scan3A_21 = arith.constant 128 : i32
    %scan3A_22 = arith.addi %scan3A_20, %scan3A_21 : i32
    %scan3A_23 = arith.constant 1 : i32
    %scan3A_24 = scf.for %scan3A_86 = %scan3A_20 to %scan3A_22 step %scan3A_23 iter_args(%scan3A_87 = %scan3A) -> (i32)  : i32 {
      %jit3A = arith.constant 8 : i32
      %div3A = arith.divsi %scan3A_86, %jit3A : i32
      %sign3A = arith.constant 0 : i32
      %sign3A_88 = arith.cmpi sgt, %scan3A_86, %sign3A : i32
      %sign3A_89 = arith.extui %sign3A_88 : i1 to i32
      %sign3A_90 = arith.constant 0 : i32
      %sign3A_91 = arith.cmpi slt, %scan3A_86, %sign3A_90 : i32
      %sign3A_92 = arith.extui %sign3A_91 : i1 to i32
      %sign3A_93 = arith.subi %sign3A_89, %sign3A_92 : i32
      %sign3A_94 = arith.constant 0 : i32
      %sign3A_95 = arith.cmpi sgt, %jit3A, %sign3A_94 : i32
      %sign3A_96 = arith.extui %sign3A_95 : i1 to i32
      %sign3A_97 = arith.constant 0 : i32
      %sign3A_98 = arith.cmpi slt, %jit3A, %sign3A_97 : i32
      %sign3A_99 = arith.extui %sign3A_98 : i1 to i32
      %sign3A_100 = arith.subi %sign3A_96, %sign3A_99 : i32
      %ne3A = arith.cmpi ne, %sign3A_93, %sign3A_100 : i32
      %rem3A = arith.remsi %scan3A_86, %jit3A : i32
      %ne3A_101 = arith.constant 0 : i32
      %ne3A_102 = arith.cmpi ne, %rem3A, %ne3A_101 : i32
      %and3A = arith.andi %ne3A, %ne3A_102 : i1
      %sub3A = arith.constant 1 : i32
      %sub3A_103 = arith.subi %div3A, %sub3A : i32
      %select_n3A = arith.select %and3A, %sub3A_103, %div3A : i32
      %jit3A_104 = arith.constant 8 : i32
      %eq3A = arith.constant 0 : i32
      %eq3A_105 = arith.cmpi eq, %jit3A_104, %eq3A : i32
      %jit3A_106 = arith.constant 1 : i32
      %select_n3A_107 = arith.select %eq3A_105, %jit3A_106, %jit3A_104 : i32
      %rem3A_108 = arith.remsi %scan3A_86, %select_n3A_107 : i32
      %ne3A_109 = arith.constant 0 : i32
      %ne3A_110 = arith.cmpi ne, %rem3A_108, %ne3A_109 : i32
      %lt3A = arith.constant 0 : i32
      %lt3A_111 = arith.cmpi slt, %rem3A_108, %lt3A : i32
      %lt3A_112 = arith.constant 0 : i32
      %lt3A_113 = arith.cmpi slt, %select_n3A_107, %lt3A_112 : i32
      %ne3A_114 = arith.xori %lt3A_111, %lt3A_113 : i1
      %and3A_115 = arith.andi %ne3A_114, %ne3A_110 : i1
      %add3A_116 = arith.addi %rem3A_108, %select_n3A_107 : i32
      %select_n3A_117 = arith.select %and3A_115, %add3A_116, %rem3A_108 : i32
      %mul3A_118 = arith.constant 16 : i32
      %mul3A_119 = arith.muli %select_n3A_117, %mul3A_118 : i32
      %broadcast_in_dim3A = arith.constant 0.000000e+00 : f32
      %broadcast_in_dim3A_120 = vector.broadcast %broadcast_in_dim3A : f32 to vector<16xf32>
      %swap3A = arith.index_cast %select_n3A : i32 to index
      %swap3A_121 = arith.index_cast %mul3A_119 : i32 to index
      %swap3A_122 = tpu.vector_load %arg13[%swap3A, %swap3A_121] {strides = array<i32>} : memref<16x128xf32, #tpu.memory_space<vmem>>, vector<1x16xf32>,
      %swap3A_123 = vector.shape_cast %swap3A_122 : vector<1x16xf32> to vector<16xf32>
      %swap3A_124 = vector.shape_cast %broadcast_in_dim3A_120 : vector<16xf32> to vector<1x16xf32>
      tpu.vector_store %arg13[%swap3A, %swap3A_121], %swap3A_124 {strides = array<i32>} : memref<16x128xf32, #tpu.memory_space<vmem>>, vector<1x16xf32>,
      %scan3A_125 = arith.constant 0 : i32
      scf.yield %scan3A_125 : i32
    }
    %scan3A_25 = arith.constant 128 : i32
    %scan3A_26 = arith.constant 0 : i32
    %scan3A_27 = arith.constant 0 : i32
    %scan3A_28 = arith.constant 40 : i32
    %scan3A_29 = arith.addi %scan3A_27, %scan3A_28 : i32
    %scan3A_30 = arith.constant 1 : i32
    %scan3A_31 = scf.for %scan3A_86 = %scan3A_27 to %scan3A_29 step %scan3A_30 iter_args(%scan3A_87 = %scan3A_26) -> (i32)  : i32 {
      %mul3A_88 = arith.constant 16 : i32
      %mul3A_89 = arith.muli %scan3A_86, %mul3A_88 : i32
      %add3A_90 = arith.addi %mul3A_4, %mul3A_89 : i32
      "tpu.region"() ({
        %run_scoped3A = tpu.sem_alloc : memref<!tpu.dma_semaphore, #tpu.memory_space<semaphore_mem>>
        %dma_start3A_92 = arith.constant 0 : i32
        %dma_start3A_93 = tpu.memref_slice %arg24[%add3A_90, %dma_start3A_92] : memref<10240x128xf32, #tpu.memory_space<vmem_shared>> -> memref<16x128xf32, #tpu.memory_space<vmem_shared>>
        %dma_start3A_94 = arith.constant 0 : i32
        %dma_start3A_95 = tpu.memref_slice %arg24[%add3A_90, %dma_start3A_94] : memref<10240x128xf32, #tpu.memory_space<vmem_shared>> -> memref<16x128xf32, #tpu.memory_space<vmem_shared>>
        tpu.enqueue_dma source(%arg13 : memref<16x128xf32, #tpu.memory_space<vmem>>) target(%dma_start3A_95 : memref<16x128xf32, #tpu.memory_space<vmem_shared>>) target_semaphore(%run_scoped3A : memref<!tpu.dma_semaphore, #tpu.memory_space<semaphore_mem>>)
        %dma_wait3A_96 = arith.constant 0 : i32
        %dma_wait3A_97 = tpu.memref_slice %arg24[%add3A_90, %dma_wait3A_96] : memref<10240x128xf32, #tpu.memory_space<vmem_shared>> -> memref<16x128xf32, #tpu.memory_space<vmem_shared>>
        %dma_wait3A_98 = arith.constant 0 : i32
        %dma_wait3A_99 = tpu.memref_slice %arg24[%add3A_90, %dma_wait3A_98] : memref<10240x128xf32, #tpu.memory_space<vmem_shared>> -> memref<16x128xf32, #tpu.memory_space<vmem_shared>>
        tpu.wait_dma2 semaphore(%run_scoped3A : memref<!tpu.dma_semaphore, #tpu.memory_space<semaphore_mem>>) src(%arg13 : memref<16x128xf32, #tpu.memory_space<vmem>>) dst(%dma_wait3A_99 : memref<16x128xf32, #tpu.memory_space<vmem_shared>>)
        tpu.yield
      }) : () -> ()
      %scan3A_91 = arith.constant 0 : i32
      scf.yield %scan3A_91 : i32
    }
    %scan3A_32 = arith.constant 40 : i32
    %barrier3A = arith.constant 0 : index
    tpu.barrier barrier_id(%barrier3A)
    %dma_wait3A = arith.constant 0 : i32
    %dma_wait3A_33 = arith.constant 0 : i32
    %dma_wait3A_34 = arith.constant 0 : i32
    %dma_wait3A_35 = tpu.memref_slice %arg3[%dma_wait3A, %dma_wait3A_33, %dma_wait3A_34] : memref<2x5120x64xi32, #tpu.memory_space<hbm>> -> memref<1x16x64xi32, #tpu.memory_space<hbm>>
    %dma_wait3A_36 = tpu.memref_squeeze %dma_wait3A_35 : memref<1x16x64xi32, #tpu.memory_space<hbm>> -> memref<16x64xi32, #tpu.memory_space<hbm>>
    %dma_wait3A_37 = arith.constant 0 : i32
    %dma_wait3A_38 = arith.constant 0 : i32
    %dma_wait3A_39 = tpu.memref_slice %arg3[%dma_wait3A, %dma_wait3A_37, %dma_wait3A_38] : memref<2x5120x64xi32, #tpu.memory_space<hbm>> -> memref<1x16x64xi32, #tpu.memory_space<hbm>>
    %dma_wait3A_40 = tpu.memref_squeeze %dma_wait3A_39 : memref<1x16x64xi32, #tpu.memory_space<hbm>> -> memref<16x64xi32, #tpu.memory_space<hbm>>
    tpu.wait_dma2 semaphore(%arg14 : memref<!tpu.dma_semaphore, #tpu.memory_space<semaphore_mem>>) src(%dma_wait3A_40 : memref<16x64xi32, #tpu.memory_space<hbm>>) dst(%arg5 : memref<16x64xi32, #tpu.memory_space<vmem>>)
    %dma_wait3A_41 = arith.constant 1 : i32
    %dma_wait3A_42 = arith.constant 0 : i32
    %dma_wait3A_43 = arith.constant 0 : i32
    %dma_wait3A_44 = tpu.memref_slice %arg3[%dma_wait3A_41, %dma_wait3A_42, %dma_wait3A_43] : memref<2x5120x64xi32, #tpu.memory_space<hbm>> -> memref<1x16x64xi32, #tpu.memory_space<hbm>>
    %dma_wait3A_45 = tpu.memref_squeeze %dma_wait3A_44 : memref<1x16x64xi32, #tpu.memory_space<hbm>> -> memref<16x64xi32, #tpu.memory_space<hbm>>
    %dma_wait3A_46 = arith.constant 0 : i32
    %dma_wait3A_47 = arith.constant 0 : i32
    %dma_wait3A_48 = tpu.memref_slice %arg3[%dma_wait3A_41, %dma_wait3A_46, %dma_wait3A_47] : memref<2x5120x64xi32, #tpu.memory_space<hbm>> -> memref<1x16x64xi32, #tpu.memory_space<hbm>>
    %dma_wait3A_49 = tpu.memref_squeeze %dma_wait3A_48 : memref<1x16x64xi32, #tpu.memory_space<hbm>> -> memref<16x64xi32, #tpu.memory_space<hbm>>
    tpu.wait_dma2 semaphore(%arg14 : memref<!tpu.dma_semaphore, #tpu.memory_space<semaphore_mem>>) src(%dma_wait3A_49 : memref<16x64xi32, #tpu.memory_space<hbm>>) dst(%arg6 : memref<16x64xi32, #tpu.memory_space<vmem>>)
    %dma_start3A_50 = arith.constant 0 : i32
    %dma_start3A_51 = arith.constant 0 : i32
    %dma_start3A_52 = tpu.memref_slice %arg5[%dma_start3A_50, %dma_start3A_51] : memref<16x64xi32, #tpu.memory_space<vmem>> -> memref<1x64xi32, #tpu.memory_space<vmem>>
    %dma_start3A_53 = tpu.memref_squeeze %dma_start3A_52 : memref<1x64xi32, #tpu.memory_space<vmem>> -> memref<64xi32, #tpu.memory_space<vmem>>
    %dma_start3A_54 = arith.constant 0 : i32
    %dma_start3A_55 = arith.constant 0 : i32
    %dma_start3A_56 = tpu.memref_slice %arg2[%dma_start3A_54, %dma_start3A_55] : memref<10240x128xf32, #tpu.memory_space<hbm>> -> memref<10240x128xf32, #tpu.memory_space<hbm>>
    tpu.enqueue_indirect_dma source(%dma_start3A_56 : memref<10240x128xf32, #tpu.memory_space<hbm>>) target(%arg9 : memref<64x128xf32, #tpu.memory_space<vmem>>) offsets(%dma_start3A_53 : memref<64xi32, #tpu.memory_space<vmem>>) semaphore(%arg16 : memref<!tpu.dma_semaphore, #tpu.memory_space<semaphore_mem>>)
    %dma_start3A_57 = arith.constant 1 : i32
    %dma_start3A_58 = arith.constant 0 : i32
    %dma_start3A_59 = tpu.memref_slice %arg5[%dma_start3A_57, %dma_start3A_58] : memref<16x64xi32, #tpu.memory_space<vmem>> -> memref<1x64xi32, #tpu.memory_space<vmem>>
    %dma_start3A_60 = tpu.memref_squeeze %dma_start3A_59 : memref<1x64xi32, #tpu.memory_space<vmem>> -> memref<64xi32, #tpu.memory_space<vmem>>
    %dma_start3A_61 = arith.constant 0 : i32
    %dma_start3A_62 = arith.constant 0 : i32
    %dma_start3A_63 = tpu.memref_slice %arg2[%dma_start3A_61, %dma_start3A_62] : memref<10240x128xf32, #tpu.memory_space<hbm>> -> memref<10240x128xf32, #tpu.memory_space<hbm>>
    tpu.enqueue_indirect_dma source(%dma_start3A_63 : memref<10240x128xf32, #tpu.memory_space<hbm>>) target(%arg10 : memref<64x128xf32, #tpu.memory_space<vmem>>) offsets(%dma_start3A_60 : memref<64xi32, #tpu.memory_space<vmem>>) semaphore(%arg17 : memref<!tpu.dma_semaphore, #tpu.memory_space<semaphore_mem>>)
    %scan3A_64 = arith.constant 0 : i32
    %scan3A_65 = arith.constant 0 : i32
    %scan3A_66 = arith.constant 5 : i32
    %scan3A_67 = arith.addi %scan3A_65, %scan3A_66 : i32
    %scan3A_68 = arith.constant 1 : i32
    %scan3A_69 = scf.for %scan3A_86 = %scan3A_65 to %scan3A_67 step %scan3A_68 iter_args(%scan3A_87 = %scan3A_64) -> (i32)  : i32 {
      %mul3A_88 = arith.constant 2 : i32
      %mul3A_89 = arith.muli %mul3A_88, %scan3A_86 : i32
      %add3A_90 = arith.constant 1 : i32
      %add3A_91 = arith.addi %mul3A_89, %add3A_90 : i32
      %mul3A_92 = arith.constant 16 : i32
      %mul3A_93 = arith.muli %add3A_91, %mul3A_92 : i32
      %add3A_94 = arith.addi %mul3A_2, %mul3A_93 : i32
      %dma_start3A_95 = arith.constant 0 : i32
      %dma_start3A_96 = arith.constant 0 : i32
      %dma_start3A_97 = tpu.memref_slice %arg3[%dma_start3A_95, %add3A_94, %dma_start3A_96] : memref<2x5120x64xi32, #tpu.memory_space<hbm>> -> memref<1x16x64xi32, #tpu.memory_space<hbm>>
      %dma_start3A_98 = tpu.memref_squeeze %dma_start3A_97 : memref<1x16x64xi32, #tpu.memory_space<hbm>> -> memref<16x64xi32, #tpu.memory_space<hbm>>
      %dma_start3A_99 = arith.constant 0 : i32
      %dma_start3A_100 = tpu.memref_slice %arg3[%dma_start3A_95, %add3A_94, %dma_start3A_99] : memref<2x5120x64xi32, #tpu.memory_space<hbm>> -> memref<1x16x64xi32, #tpu.memory_space<hbm>>
      %dma_start3A_101 = tpu.memref_squeeze %dma_start3A_100 : memref<1x16x64xi32, #tpu.memory_space<hbm>> -> memref<16x64xi32, #tpu.memory_space<hbm>>
      tpu.enqueue_dma source(%dma_start3A_101 : memref<16x64xi32, #tpu.memory_space<hbm>>) target(%arg7 : memref<16x64xi32, #tpu.memory_space<vmem>>) target_semaphore(%arg15 : memref<!tpu.dma_semaphore, #tpu.memory_space<semaphore_mem>>)
      %dma_start3A_102 = arith.constant 1 : i32
      %dma_start3A_103 = arith.constant 0 : i32
      %dma_start3A_104 = tpu.memref_slice %arg3[%dma_start3A_102, %add3A_94, %dma_start3A_103] : memref<2x5120x64xi32, #tpu.memory_space<hbm>> -> memref<1x16x64xi32, #tpu.memory_space<hbm>>
      %dma_start3A_105 = tpu.memref_squeeze %dma_start3A_104 : memref<1x16x64xi32, #tpu.memory_space<hbm>> -> memref<16x64xi32, #tpu.memory_space<hbm>>
      %dma_start3A_106 = arith.constant 0 : i32
      %dma_start3A_107 = tpu.memref_slice %arg3[%dma_start3A_102, %add3A_94, %dma_start3A_106] : memref<2x5120x64xi32, #tpu.memory_space<hbm>> -> memref<1x16x64xi32, #tpu.memory_space<hbm>>
      %dma_start3A_108 = tpu.memref_squeeze %dma_start3A_107 : memref<1x16x64xi32, #tpu.memory_space<hbm>> -> memref<16x64xi32, #tpu.memory_space<hbm>>
      tpu.enqueue_dma source(%dma_start3A_108 : memref<16x64xi32, #tpu.memory_space<hbm>>) target(%arg8 : memref<16x64xi32, #tpu.memory_space<vmem>>) target_semaphore(%arg15 : memref<!tpu.dma_semaphore, #tpu.memory_space<semaphore_mem>>)
      %scan3A_109 = arith.constant 0 : i32
      %scan3A_110 = arith.constant 0 : i32
      %scan3A_111 = arith.constant 3 : i32
      %scan3A_112 = arith.addi %scan3A_110, %scan3A_111 : i32
      %scan3A_113 = arith.constant 1 : i32
      %scan3A_114 = scf.for %scan3A_404 = %scan3A_110 to %scan3A_112 step %scan3A_113 iter_args(%scan3A_405 = %scan3A_109) -> (i32)  : i32 {
        %mul3A_406 = arith.constant 4 : i32
        %mul3A_407 = arith.muli %mul3A_406, %scan3A_404 : i32
        %add3A_408 = arith.constant 2 : i32
        %add3A_409 = arith.addi %mul3A_407, %add3A_408 : i32
        %add3A_410 = arith.constant 0 : i32
        %add3A_411 = arith.addi %add3A_409, %add3A_410 : i32
        %dma_start3A_412 = arith.constant 0 : i32
        %dma_start3A_413 = tpu.memref_slice %arg5[%add3A_411, %dma_start3A_412] : memref<16x64xi32, #tpu.memory_space<vmem>> -> memref<1x64xi32, #tpu.memory_space<vmem>>
        %dma_start3A_414 = tpu.memref_squeeze %dma_start3A_413 : memref<1x64xi32, #tpu.memory_space<vmem>> -> memref<64xi32, #tpu.memory_space<vmem>>
        %dma_start3A_415 = arith.constant 0 : i32
        %dma_start3A_416 = arith.constant 0 : i32
        %dma_start3A_417 = tpu.memref_slice %arg2[%dma_start3A_415, %dma_start3A_416] : memref<10240x128xf32, #tpu.memory_space<hbm>> -> memref<10240x128xf32, #tpu.memory_space<hbm>>
        tpu.enqueue_indirect_dma source(%dma_start3A_417 : memref<10240x128xf32, #tpu.memory_space<hbm>>) target(%arg11 : memref<64x128xf32, #tpu.memory_space<vmem>>) offsets(%dma_start3A_414 : memref<64xi32, #tpu.memory_space<vmem>>) semaphore(%arg18 : memref<!tpu.dma_semaphore, #tpu.memory_space<semaphore_mem>>)
        %add3A_418 = arith.constant 2 : i32
        %add3A_419 = arith.addi %mul3A_407, %add3A_418 : i32
        %add3A_420 = arith.constant 1 : i32
        %add3A_421 = arith.addi %add3A_419, %add3A_420 : i32
        %dma_start3A_422 = arith.constant 0 : i32
        %dma_start3A_423 = tpu.memref_slice %arg5[%add3A_421, %dma_start3A_422] : memref<16x64xi32, #tpu.memory_space<vmem>> -> memref<1x64xi32, #tpu.memory_space<vmem>>
        %dma_start3A_424 = tpu.memref_squeeze %dma_start3A_423 : memref<1x64xi32, #tpu.memory_space<vmem>> -> memref<64xi32, #tpu.memory_space<vmem>>
        %dma_start3A_425 = arith.constant 0 : i32
        %dma_start3A_426 = arith.constant 0 : i32
        %dma_start3A_427 = tpu.memref_slice %arg2[%dma_start3A_425, %dma_start3A_426] : memref<10240x128xf32, #tpu.memory_space<hbm>> -> memref<10240x128xf32, #tpu.memory_space<hbm>>
        tpu.enqueue_indirect_dma source(%dma_start3A_427 : memref<10240x128xf32, #tpu.memory_space<hbm>>) target(%arg12 : memref<64x128xf32, #tpu.memory_space<vmem>>) offsets(%dma_start3A_424 : memref<64xi32, #tpu.memory_space<vmem>>) semaphore(%arg19 : memref<!tpu.dma_semaphore, #tpu.memory_space<semaphore_mem>>)
        %dma_wait3A_428 = arith.constant 0 : i32
        %dma_wait3A_429 = arith.constant 0 : i32
        %dma_wait3A_430 = tpu.memref_slice %arg5[%dma_wait3A_428, %dma_wait3A_429] : memref<16x64xi32, #tpu.memory_space<vmem>> -> memref<1x64xi32, #tpu.memory_space<vmem>>
        %dma_wait3A_431 = tpu.memref_squeeze %dma_wait3A_430 : memref<1x64xi32, #tpu.memory_space<vmem>> -> memref<64xi32, #tpu.memory_space<vmem>>
        %dma_wait3A_432 = arith.constant 0 : i32
        %dma_wait3A_433 = arith.constant 0 : i32
        %dma_wait3A_434 = tpu.memref_slice %arg2[%dma_wait3A_432, %dma_wait3A_433] : memref<10240x128xf32, #tpu.memory_space<hbm>> -> memref<10240x128xf32, #tpu.memory_space<hbm>>
        tpu.wait_indirect_dma semaphore(%arg16 : memref<!tpu.dma_semaphore, #tpu.memory_space<semaphore_mem>>) src(%dma_wait3A_434 : memref<10240x128xf32, #tpu.memory_space<hbm>>) dst(%arg9 : memref<64x128xf32, #tpu.memory_space<vmem>>)
        %add3A_435 = arith.constant 0 : i32
        %add3A_436 = arith.addi %mul3A_407, %add3A_435 : i32
        %dma_start3A_437 = arith.constant 0 : i32
        %dma_start3A_438 = tpu.memref_slice %arg6[%add3A_436, %dma_start3A_437] : memref<16x64xi32, #tpu.memory_space<vmem>> -> memref<1x64xi32, #tpu.memory_space<vmem>>
        %dma_start3A_439 = tpu.memref_squeeze %dma_start3A_438 : memref<1x64xi32, #tpu.memory_space<vmem>> -> memref<64xi32, #tpu.memory_space<vmem>>
        %dma_start3A_440 = arith.constant 0 : i32
        %dma_start3A_441 = arith.constant 0 : i32
        %dma_start3A_442 = tpu.memref_slice %arg24[%dma_start3A_440, %dma_start3A_441] : memref<10240x128xf32, #tpu.memory_space<vmem_shared>> -> memref<10240x128xf32, #tpu.memory_space<vmem_shared>>
        tpu.enqueue_indirect_dma source(%arg9 : memref<64x128xf32, #tpu.memory_space<vmem>>) target(%dma_start3A_442 : memref<10240x128xf32, #tpu.memory_space<vmem_shared>>) offsets(%dma_start3A_439 : memref<64xi32, #tpu.memory_space<vmem>>) semaphore(%arg20 : memref<!tpu.dma_semaphore, #tpu.memory_space<semaphore_mem>>) {add = true}
        %dma_wait3A_443 = arith.constant 0 : i32
        %dma_wait3A_444 = arith.constant 0 : i32
        %dma_wait3A_445 = tpu.memref_slice %arg5[%dma_wait3A_443, %dma_wait3A_444] : memref<16x64xi32, #tpu.memory_space<vmem>> -> memref<1x64xi32, #tpu.memory_space<vmem>>
        %dma_wait3A_446 = tpu.memref_squeeze %dma_wait3A_445 : memref<1x64xi32, #tpu.memory_space<vmem>> -> memref<64xi32, #tpu.memory_space<vmem>>
        %dma_wait3A_447 = arith.constant 0 : i32
        %dma_wait3A_448 = arith.constant 0 : i32
        %dma_wait3A_449 = tpu.memref_slice %arg2[%dma_wait3A_447, %dma_wait3A_448] : memref<10240x128xf32, #tpu.memory_space<hbm>> -> memref<10240x128xf32, #tpu.memory_space<hbm>>
        tpu.wait_indirect_dma semaphore(%arg17 : memref<!tpu.dma_semaphore, #tpu.memory_space<semaphore_mem>>) src(%dma_wait3A_449 : memref<10240x128xf32, #tpu.memory_space<hbm>>) dst(%arg10 : memref<64x128xf32, #tpu.memory_space<vmem>>)
        %add3A_450 = arith.constant 1 : i32
        %add3A_451 = arith.addi %mul3A_407, %add3A_450 : i32
        %dma_start3A_452 = arith.constant 0 : i32
        %dma_start3A_453 = tpu.memref_slice %arg6[%add3A_451, %dma_start3A_452] : memref<16x64xi32, #tpu.memory_space<vmem>> -> memref<1x64xi32, #tpu.memory_space<vmem>>
        %dma_start3A_454 = tpu.memref_squeeze %dma_start3A_453 : memref<1x64xi32, #tpu.memory_space<vmem>> -> memref<64xi32, #tpu.memory_space<vmem>>
        %dma_start3A_455 = arith.constant 0 : i32
        %dma_start3A_456 = arith.constant 0 : i32
        %dma_start3A_457 = tpu.memref_slice %arg24[%dma_start3A_455, %dma_start3A_456] : memref<10240x128xf32, #tpu.memory_space<vmem_shared>> -> memref<10240x128xf32, #tpu.memory_space<vmem_shared>>
        tpu.enqueue_indirect_dma source(%arg10 : memref<64x128xf32, #tpu.memory_space<vmem>>) target(%dma_start3A_457 : memref<10240x128xf32, #tpu.memory_space<vmem_shared>>) offsets(%dma_start3A_454 : memref<64xi32, #tpu.memory_space<vmem>>) semaphore(%arg21 : memref<!tpu.dma_semaphore, #tpu.memory_space<semaphore_mem>>) {add = true}
        %dma_wait3A_458 = arith.constant 0 : i32
        %dma_wait3A_459 = arith.constant 0 : i32
        %dma_wait3A_460 = tpu.memref_slice %arg5[%dma_wait3A_458, %dma_wait3A_459] : memref<16x64xi32, #tpu.memory_space<vmem>> -> memref<1x64xi32, #tpu.memory_space<vmem>>
        %dma_wait3A_461 = tpu.memref_squeeze %dma_wait3A_460 : memref<1x64xi32, #tpu.memory_space<vmem>> -> memref<64xi32, #tpu.memory_space<vmem>>
        %dma_wait3A_462 = arith.constant 0 : i32
        %dma_wait3A_463 = arith.constant 0 : i32
        %dma_wait3A_464 = tpu.memref_slice %arg2[%dma_wait3A_462, %dma_wait3A_463] : memref<10240x128xf32, #tpu.memory_space<hbm>> -> memref<10240x128xf32, #tpu.memory_space<hbm>>
        tpu.wait_indirect_dma semaphore(%arg18 : memref<!tpu.dma_semaphore, #tpu.memory_space<semaphore_mem>>) src(%dma_wait3A_464 : memref<10240x128xf32, #tpu.memory_space<hbm>>) dst(%arg11 : memref<64x128xf32, #tpu.memory_space<vmem>>)
        %add3A_465 = arith.constant 2 : i32
        %add3A_466 = arith.addi %mul3A_407, %add3A_465 : i32
        %add3A_467 = arith.constant 0 : i32
        %add3A_468 = arith.addi %add3A_466, %add3A_467 : i32
        %dma_start3A_469 = arith.constant 0 : i32
        %dma_start3A_470 = tpu.memref_slice %arg6[%add3A_468, %dma_start3A_469] : memref<16x64xi32, #tpu.memory_space<vmem>> -> memref<1x64xi32, #tpu.memory_space<vmem>>
        %dma_start3A_471 = tpu.memref_squeeze %dma_start3A_470 : memref<1x64xi32, #tpu.memory_space<vmem>> -> memref<64xi32, #tpu.memory_space<vmem>>
        %dma_start3A_472 = arith.constant 0 : i32
        %dma_start3A_473 = arith.constant 0 : i32
        %dma_start3A_474 = tpu.memref_slice %arg24[%dma_start3A_472, %dma_start3A_473] : memref<10240x128xf32, #tpu.memory_space<vmem_shared>> -> memref<10240x128xf32, #tpu.memory_space<vmem_shared>>
        tpu.enqueue_indirect_dma source(%arg11 : memref<64x128xf32, #tpu.memory_space<vmem>>) target(%dma_start3A_474 : memref<10240x128xf32, #tpu.memory_space<vmem_shared>>) offsets(%dma_start3A_471 : memref<64xi32, #tpu.memory_space<vmem>>) semaphore(%arg22 : memref<!tpu.dma_semaphore, #tpu.memory_space<semaphore_mem>>) {add = true}
        %dma_wait3A_475 = arith.constant 0 : i32
        %dma_wait3A_476 = arith.constant 0 : i32
        %dma_wait3A_477 = tpu.memref_slice %arg5[%dma_wait3A_475, %dma_wait3A_476] : memref<16x64xi32, #tpu.memory_space<vmem>> -> memref<1x64xi32, #tpu.memory_space<vmem>>
        %dma_wait3A_478 = tpu.memref_squeeze %dma_wait3A_477 : memref<1x64xi32, #tpu.memory_space<vmem>> -> memref<64xi32, #tpu.memory_space<vmem>>
        %dma_wait3A_479 = arith.constant 0 : i32
        %dma_wait3A_480 = arith.constant 0 : i32
        %dma_wait3A_481 = tpu.memref_slice %arg2[%dma_wait3A_479, %dma_wait3A_480] : memref<10240x128xf32, #tpu.memory_space<hbm>> -> memref<10240x128xf32, #tpu.memory_space<hbm>>
        tpu.wait_indirect_dma semaphore(%arg19 : memref<!tpu.dma_semaphore, #tpu.memory_space<semaphore_mem>>) src(%dma_wait3A_481 : memref<10240x128xf32, #tpu.memory_space<hbm>>) dst(%arg12 : memref<64x128xf32, #tpu.memory_space<vmem>>)
        %add3A_482 = arith.constant 2 : i32
        %add3A_483 = arith.addi %mul3A_407, %add3A_482 : i32
        %add3A_484 = arith.constant 1 : i32
        %add3A_485 = arith.addi %add3A_483, %add3A_484 : i32
        %dma_start3A_486 = arith.constant 0 : i32
        %dma_start3A_487 = tpu.memref_slice %arg6[%add3A_485, %dma_start3A_486] : memref<16x64xi32, #tpu.memory_space<vmem>> -> memref<1x64xi32, #tpu.memory_space<vmem>>
        %dma_start3A_488 = tpu.memref_squeeze %dma_start3A_487 : memref<1x64xi32, #tpu.memory_space<vmem>> -> memref<64xi32, #tpu.memory_space<vmem>>
        %dma_start3A_489 = arith.constant 0 : i32
        %dma_start3A_490 = arith.constant 0 : i32
        %dma_start3A_491 = tpu.memref_slice %arg24[%dma_start3A_489, %dma_start3A_490] : memref<10240x128xf32, #tpu.memory_space<vmem_shared>> -> memref<10240x128xf32, #tpu.memory_space<vmem_shared>>
        tpu.enqueue_indirect_dma source(%arg12 : memref<64x128xf32, #tpu.memory_space<vmem>>) target(%dma_start3A_491 : memref<10240x128xf32, #tpu.memory_space<vmem_shared>>) offsets(%dma_start3A_488 : memref<64xi32, #tpu.memory_space<vmem>>) semaphore(%arg23 : memref<!tpu.dma_semaphore, #tpu.memory_space<semaphore_mem>>) {add = true}
        %dma_wait3A_492 = arith.constant 0 : i32
        %dma_wait3A_493 = tpu.memref_slice %arg6[%add3A_436, %dma_wait3A_492] : memref<16x64xi32, #tpu.memory_space<vmem>> -> memref<1x64xi32, #tpu.memory_space<vmem>>
        %dma_wait3A_494 = tpu.memref_squeeze %dma_wait3A_493 : memref<1x64xi32, #tpu.memory_space<vmem>> -> memref<64xi32, #tpu.memory_space<vmem>>
        %dma_wait3A_495 = arith.constant 0 : i32
        %dma_wait3A_496 = arith.constant 0 : i32
        %dma_wait3A_497 = tpu.memref_slice %arg24[%dma_wait3A_495, %dma_wait3A_496] : memref<10240x128xf32, #tpu.memory_space<vmem_shared>> -> memref<10240x128xf32, #tpu.memory_space<vmem_shared>>
        tpu.wait_indirect_dma semaphore(%arg20 : memref<!tpu.dma_semaphore, #tpu.memory_space<semaphore_mem>>) src(%arg9 : memref<64x128xf32, #tpu.memory_space<vmem>>) dst(%dma_wait3A_497 : memref<10240x128xf32, #tpu.memory_space<vmem_shared>>)
        %dma_wait3A_498 = arith.constant 0 : i32
        %dma_wait3A_499 = tpu.memref_slice %arg6[%add3A_451, %dma_wait3A_498] : memref<16x64xi32, #tpu.memory_space<vmem>> -> memref<1x64xi32, #tpu.memory_space<vmem>>
        %dma_wait3A_500 = tpu.memref_squeeze %dma_wait3A_499 : memref<1x64xi32, #tpu.memory_space<vmem>> -> memref<64xi32, #tpu.memory_space<vmem>>
        %dma_wait3A_501 = arith.constant 0 : i32
        %dma_wait3A_502 = arith.constant 0 : i32
        %dma_wait3A_503 = tpu.memref_slice %arg24[%dma_wait3A_501, %dma_wait3A_502] : memref<10240x128xf32, #tpu.memory_space<vmem_shared>> -> memref<10240x128xf32, #tpu.memory_space<vmem_shared>>
        tpu.wait_indirect_dma semaphore(%arg21 : memref<!tpu.dma_semaphore, #tpu.memory_space<semaphore_mem>>) src(%arg10 : memref<64x128xf32, #tpu.memory_space<vmem>>) dst(%dma_wait3A_503 : memref<10240x128xf32, #tpu.memory_space<vmem_shared>>)
        %add3A_504 = arith.constant 4 : i32
        %add3A_505 = arith.addi %mul3A_407, %add3A_504 : i32
        %add3A_506 = arith.constant 0 : i32
        %add3A_507 = arith.addi %add3A_505, %add3A_506 : i32
        %dma_start3A_508 = arith.constant 0 : i32
        %dma_start3A_509 = tpu.memref_slice %arg5[%add3A_507, %dma_start3A_508] : memref<16x64xi32, #tpu.memory_space<vmem>> -> memref<1x64xi32, #tpu.memory_space<vmem>>
        %dma_start3A_510 = tpu.memref_squeeze %dma_start3A_509 : memref<1x64xi32, #tpu.memory_space<vmem>> -> memref<64xi32, #tpu.memory_space<vmem>>
        %dma_start3A_511 = arith.constant 0 : i32
        %dma_start3A_512 = arith.constant 0 : i32
        %dma_start3A_513 = tpu.memref_slice %arg2[%dma_start3A_511, %dma_start3A_512] : memref<10240x128xf32, #tpu.memory_space<hbm>> -> memref<10240x128xf32, #tpu.memory_space<hbm>>
        tpu.enqueue_indirect_dma source(%dma_start3A_513 : memref<10240x128xf32, #tpu.memory_space<hbm>>) target(%arg9 : memref<64x128xf32, #tpu.memory_space<vmem>>) offsets(%dma_start3A_510 : memref<64xi32, #tpu.memory_space<vmem>>) semaphore(%arg16 : memref<!tpu.dma_semaphore, #tpu.memory_space<semaphore_mem>>)
        %add3A_514 = arith.constant 1 : i32
        %add3A_515 = arith.addi %add3A_505, %add3A_514 : i32
        %dma_start3A_516 = arith.constant 0 : i32
        %dma_start3A_517 = tpu.memref_slice %arg5[%add3A_515, %dma_start3A_516] : memref<16x64xi32, #tpu.memory_space<vmem>> -> memref<1x64xi32, #tpu.memory_space<vmem>>
        %dma_start3A_518 = tpu.memref_squeeze %dma_start3A_517 : memref<1x64xi32, #tpu.memory_space<vmem>> -> memref<64xi32, #tpu.memory_space<vmem>>
        %dma_start3A_519 = arith.constant 0 : i32
        %dma_start3A_520 = arith.constant 0 : i32
        %dma_start3A_521 = tpu.memref_slice %arg2[%dma_start3A_519, %dma_start3A_520] : memref<10240x128xf32, #tpu.memory_space<hbm>> -> memref<10240x128xf32, #tpu.memory_space<hbm>>
        tpu.enqueue_indirect_dma source(%dma_start3A_521 : memref<10240x128xf32, #tpu.memory_space<hbm>>) target(%arg10 : memref<64x128xf32, #tpu.memory_space<vmem>>) offsets(%dma_start3A_518 : memref<64xi32, #tpu.memory_space<vmem>>) semaphore(%arg17 : memref<!tpu.dma_semaphore, #tpu.memory_space<semaphore_mem>>)
        %dma_wait3A_522 = arith.constant 0 : i32
        %dma_wait3A_523 = tpu.memref_slice %arg6[%add3A_468, %dma_wait3A_522] : memref<16x64xi32, #tpu.memory_space<vmem>> -> memref<1x64xi32, #tpu.memory_space<vmem>>
        %dma_wait3A_524 = tpu.memref_squeeze %dma_wait3A_523 : memref<1x64xi32, #tpu.memory_space<vmem>> -> memref<64xi32, #tpu.memory_space<vmem>>
        %dma_wait3A_525 = arith.constant 0 : i32
        %dma_wait3A_526 = arith.constant 0 : i32
        %dma_wait3A_527 = tpu.memref_slice %arg24[%dma_wait3A_525, %dma_wait3A_526] : memref<10240x128xf32, #tpu.memory_space<vmem_shared>> -> memref<10240x128xf32, #tpu.memory_space<vmem_shared>>
        tpu.wait_indirect_dma semaphore(%arg22 : memref<!tpu.dma_semaphore, #tpu.memory_space<semaphore_mem>>) src(%arg11 : memref<64x128xf32, #tpu.memory_space<vmem>>) dst(%dma_wait3A_527 : memref<10240x128xf32, #tpu.memory_space<vmem_shared>>)
        %dma_wait3A_528 = arith.constant 0 : i32
        %dma_wait3A_529 = tpu.memref_slice %arg6[%add3A_485, %dma_wait3A_528] : memref<16x64xi32, #tpu.memory_space<vmem>> -> memref<1x64xi32, #tpu.memory_space<vmem>>
        %dma_wait3A_530 = tpu.memref_squeeze %dma_wait3A_529 : memref<1x64xi32, #tpu.memory_space<vmem>> -> memref<64xi32, #tpu.memory_space<vmem>>
        %dma_wait3A_531 = arith.constant 0 : i32
        %dma_wait3A_532 = arith.constant 0 : i32
        %dma_wait3A_533 = tpu.memref_slice %arg24[%dma_wait3A_531, %dma_wait3A_532] : memref<10240x128xf32, #tpu.memory_space<vmem_shared>> -> memref<10240x128xf32, #tpu.memory_space<vmem_shared>>
        tpu.wait_indirect_dma semaphore(%arg23 : memref<!tpu.dma_semaphore, #tpu.memory_space<semaphore_mem>>) src(%arg12 : memref<64x128xf32, #tpu.memory_space<vmem>>) dst(%dma_wait3A_533 : memref<10240x128xf32, #tpu.memory_space<vmem_shared>>)
        %scan3A_534 = arith.constant 0 : i32
        scf.yield %scan3A_534 : i32
      }
      %scan3A_115 = arith.constant 3 : i32
      %dma_start3A_116 = arith.constant 14 : i32
      %dma_start3A_117 = arith.constant 0 : i32
      %dma_start3A_118 = tpu.memref_slice %arg5[%dma_start3A_116, %dma_start3A_117] : memref<16x64xi32, #tpu.memory_space<vmem>> -> memref<1x64xi32, #tpu.memory_space<vmem>>
      %dma_start3A_119 = tpu.memref_squeeze %dma_start3A_118 : memref<1x64xi32, #tpu.memory_space<vmem>> -> memref<64xi32, #tpu.memory_space<vmem>>
      %dma_start3A_120 = arith.constant 0 : i32
      %dma_start3A_121 = arith.constant 0 : i32
      %dma_start3A_122 = tpu.memref_slice %arg2[%dma_start3A_120, %dma_start3A_121] : memref<10240x128xf32, #tpu.memory_space<hbm>> -> memref<10240x128xf32, #tpu.memory_space<hbm>>
      tpu.enqueue_indirect_dma source(%dma_start3A_122 : memref<10240x128xf32, #tpu.memory_space<hbm>>) target(%arg11 : memref<64x128xf32, #tpu.memory_space<vmem>>) offsets(%dma_start3A_119 : memref<64xi32, #tpu.memory_space<vmem>>) semaphore(%arg18 : memref<!tpu.dma_semaphore, #tpu.memory_space<semaphore_mem>>)
      %dma_start3A_123 = arith.constant 15 : i32
      %dma_start3A_124 = arith.constant 0 : i32
      %dma_start3A_125 = tpu.memref_slice %arg5[%dma_start3A_123, %dma_start3A_124] : memref<16x64xi32, #tpu.memory_space<vmem>> -> memref<1x64xi32, #tpu.memory_space<vmem>>
      %dma_start3A_126 = tpu.memref_squeeze %dma_start3A_125 : memref<1x64xi32, #tpu.memory_space<vmem>> -> memref<64xi32, #tpu.memory_space<vmem>>
      %dma_start3A_127 = arith.constant 0 : i32
      %dma_start3A_128 = arith.constant 0 : i32
      %dma_start3A_129 = tpu.memref_slice %arg2[%dma_start3A_127, %dma_start3A_128] : memref<10240x128xf32, #tpu.memory_space<hbm>> -> memref<10240x128xf32, #tpu.memory_space<hbm>>
      tpu.enqueue_indirect_dma source(%dma_start3A_129 : memref<10240x128xf32, #tpu.memory_space<hbm>>) target(%arg12 : memref<64x128xf32, #tpu.memory_space<vmem>>) offsets(%dma_start3A_126 : memref<64xi32, #tpu.memory_space<vmem>>) semaphore(%arg19 : memref<!tpu.dma_semaphore, #tpu.memory_space<semaphore_mem>>)
      %dma_wait3A_130 = arith.constant 0 : i32
      %dma_wait3A_131 = arith.constant 0 : i32
      %dma_wait3A_132 = tpu.memref_slice %arg5[%dma_wait3A_130, %dma_wait3A_131] : memref<16x64xi32, #tpu.memory_space<vmem>> -> memref<1x64xi32, #tpu.memory_space<vmem>>
      %dma_wait3A_133 = tpu.memref_squeeze %dma_wait3A_132 : memref<1x64xi32, #tpu.memory_space<vmem>> -> memref<64xi32, #tpu.memory_space<vmem>>
      %dma_wait3A_134 = arith.constant 0 : i32
      %dma_wait3A_135 = arith.constant 0 : i32
      %dma_wait3A_136 = tpu.memref_slice %arg2[%dma_wait3A_134, %dma_wait3A_135] : memref<10240x128xf32, #tpu.memory_space<hbm>> -> memref<10240x128xf32, #tpu.memory_space<hbm>>
      tpu.wait_indirect_dma semaphore(%arg16 : memref<!tpu.dma_semaphore, #tpu.memory_space<semaphore_mem>>) src(%dma_wait3A_136 : memref<10240x128xf32, #tpu.memory_space<hbm>>) dst(%arg9 : memref<64x128xf32, #tpu.memory_space<vmem>>)
      %dma_start3A_137 = arith.constant 12 : i32
      %dma_start3A_138 = arith.constant 0 : i32
      %dma_start3A_139 = tpu.memref_slice %arg6[%dma_start3A_137, %dma_start3A_138] : memref<16x64xi32, #tpu.memory_space<vmem>> -> memref<1x64xi32, #tpu.memory_space<vmem>>
      %dma_start3A_140 = tpu.memref_squeeze %dma_start3A_139 : memref<1x64xi32, #tpu.memory_space<vmem>> -> memref<64xi32, #tpu.memory_space<vmem>>
      %dma_start3A_141 = arith.constant 0 : i32
      %dma_start3A_142 = arith.constant 0 : i32
      %dma_start3A_143 = tpu.memref_slice %arg24[%dma_start3A_141, %dma_start3A_142] : memref<10240x128xf32, #tpu.memory_space<vmem_shared>> -> memref<10240x128xf32, #tpu.memory_space<vmem_shared>>
      tpu.enqueue_indirect_dma source(%arg9 : memref<64x128xf32, #tpu.memory_space<vmem>>) target(%dma_start3A_143 : memref<10240x128xf32, #tpu.memory_space<vmem_shared>>) offsets(%dma_start3A_140 : memref<64xi32, #tpu.memory_space<vmem>>) semaphore(%arg20 : memref<!tpu.dma_semaphore, #tpu.memory_space<semaphore_mem>>) {add = true}
      %dma_wait3A_144 = arith.constant 0 : i32
      %dma_wait3A_145 = arith.constant 0 : i32
      %dma_wait3A_146 = tpu.memref_slice %arg5[%dma_wait3A_144, %dma_wait3A_145] : memref<16x64xi32, #tpu.memory_space<vmem>> -> memref<1x64xi32, #tpu.memory_space<vmem>>
      %dma_wait3A_147 = tpu.memref_squeeze %dma_wait3A_146 : memref<1x64xi32, #tpu.memory_space<vmem>> -> memref<64xi32, #tpu.memory_space<vmem>>
      %dma_wait3A_148 = arith.constant 0 : i32
      %dma_wait3A_149 = arith.constant 0 : i32
      %dma_wait3A_150 = tpu.memref_slice %arg2[%dma_wait3A_148, %dma_wait3A_149] : memref<10240x128xf32, #tpu.memory_space<hbm>> -> memref<10240x128xf32, #tpu.memory_space<hbm>>
      tpu.wait_indirect_dma semaphore(%arg17 : memref<!tpu.dma_semaphore, #tpu.memory_space<semaphore_mem>>) src(%dma_wait3A_150 : memref<10240x128xf32, #tpu.memory_space<hbm>>) dst(%arg10 : memref<64x128xf32, #tpu.memory_space<vmem>>)
      %dma_start3A_151 = arith.constant 13 : i32
      %dma_start3A_152 = arith.constant 0 : i32
      %dma_start3A_153 = tpu.memref_slice %arg6[%dma_start3A_151, %dma_start3A_152] : memref<16x64xi32, #tpu.memory_space<vmem>> -> memref<1x64xi32, #tpu.memory_space<vmem>>
      %dma_start3A_154 = tpu.memref_squeeze %dma_start3A_153 : memref<1x64xi32, #tpu.memory_space<vmem>> -> memref<64xi32, #tpu.memory_space<vmem>>
      %dma_start3A_155 = arith.constant 0 : i32
      %dma_start3A_156 = arith.constant 0 : i32
      %dma_start3A_157 = tpu.memref_slice %arg24[%dma_start3A_155, %dma_start3A_156] : memref<10240x128xf32, #tpu.memory_space<vmem_shared>> -> memref<10240x128xf32, #tpu.memory_space<vmem_shared>>
      tpu.enqueue_indirect_dma source(%arg10 : memref<64x128xf32, #tpu.memory_space<vmem>>) target(%dma_start3A_157 : memref<10240x128xf32, #tpu.memory_space<vmem_shared>>) offsets(%dma_start3A_154 : memref<64xi32, #tpu.memory_space<vmem>>) semaphore(%arg21 : memref<!tpu.dma_semaphore, #tpu.memory_space<semaphore_mem>>) {add = true}
      %dma_wait3A_158 = arith.constant 0 : i32
      %dma_wait3A_159 = arith.constant 0 : i32
      %dma_wait3A_160 = tpu.memref_slice %arg5[%dma_wait3A_158, %dma_wait3A_159] : memref<16x64xi32, #tpu.memory_space<vmem>> -> memref<1x64xi32, #tpu.memory_space<vmem>>
      %dma_wait3A_161 = tpu.memref_squeeze %dma_wait3A_160 : memref<1x64xi32, #tpu.memory_space<vmem>> -> memref<64xi32, #tpu.memory_space<vmem>>
      %dma_wait3A_162 = arith.constant 0 : i32
      %dma_wait3A_163 = arith.constant 0 : i32
      %dma_wait3A_164 = tpu.memref_slice %arg2[%dma_wait3A_162, %dma_wait3A_163] : memref<10240x128xf32, #tpu.memory_space<hbm>> -> memref<10240x128xf32, #tpu.memory_space<hbm>>
      tpu.wait_indirect_dma semaphore(%arg18 : memref<!tpu.dma_semaphore, #tpu.memory_space<semaphore_mem>>) src(%dma_wait3A_164 : memref<10240x128xf32, #tpu.memory_space<hbm>>) dst(%arg11 : memref<64x128xf32, #tpu.memory_space<vmem>>)
      %dma_start3A_165 = arith.constant 14 : i32
      %dma_start3A_166 = arith.constant 0 : i32
      %dma_start3A_167 = tpu.memref_slice %arg6[%dma_start3A_165, %dma_start3A_166] : memref<16x64xi32, #tpu.memory_space<vmem>> -> memref<1x64xi32, #tpu.memory_space<vmem>>
      %dma_start3A_168 = tpu.memref_squeeze %dma_start3A_167 : memref<1x64xi32, #tpu.memory_space<vmem>> -> memref<64xi32, #tpu.memory_space<vmem>>
      %dma_start3A_169 = arith.constant 0 : i32
      %dma_start3A_170 = arith.constant 0 : i32
      %dma_start3A_171 = tpu.memref_slice %arg24[%dma_start3A_169, %dma_start3A_170] : memref<10240x128xf32, #tpu.memory_space<vmem_shared>> -> memref<10240x128xf32, #tpu.memory_space<vmem_shared>>
      tpu.enqueue_indirect_dma source(%arg11 : memref<64x128xf32, #tpu.memory_space<vmem>>) target(%dma_start3A_171 : memref<10240x128xf32, #tpu.memory_space<vmem_shared>>) offsets(%dma_start3A_168 : memref<64xi32, #tpu.memory_space<vmem>>) semaphore(%arg22 : memref<!tpu.dma_semaphore, #tpu.memory_space<semaphore_mem>>) {add = true}
      %dma_wait3A_172 = arith.constant 0 : i32
      %dma_wait3A_173 = arith.constant 0 : i32
      %dma_wait3A_174 = tpu.memref_slice %arg5[%dma_wait3A_172, %dma_wait3A_173] : memref<16x64xi32, #tpu.memory_space<vmem>> -> memref<1x64xi32, #tpu.memory_space<vmem>>
      %dma_wait3A_175 = tpu.memref_squeeze %dma_wait3A_174 : memref<1x64xi32, #tpu.memory_space<vmem>> -> memref<64xi32, #tpu.memory_space<vmem>>
      %dma_wait3A_176 = arith.constant 0 : i32
      %dma_wait3A_177 = arith.constant 0 : i32
      %dma_wait3A_178 = tpu.memref_slice %arg2[%dma_wait3A_176, %dma_wait3A_177] : memref<10240x128xf32, #tpu.memory_space<hbm>> -> memref<10240x128xf32, #tpu.memory_space<hbm>>
      tpu.wait_indirect_dma semaphore(%arg19 : memref<!tpu.dma_semaphore, #tpu.memory_space<semaphore_mem>>) src(%dma_wait3A_178 : memref<10240x128xf32, #tpu.memory_space<hbm>>) dst(%arg12 : memref<64x128xf32, #tpu.memory_space<vmem>>)
      %dma_start3A_179 = arith.constant 15 : i32
      %dma_start3A_180 = arith.constant 0 : i32
      %dma_start3A_181 = tpu.memref_slice %arg6[%dma_start3A_179, %dma_start3A_180] : memref<16x64xi32, #tpu.memory_space<vmem>> -> memref<1x64xi32, #tpu.memory_space<vmem>>
      %dma_start3A_182 = tpu.memref_squeeze %dma_start3A_181 : memref<1x64xi32, #tpu.memory_space<vmem>> -> memref<64xi32, #tpu.memory_space<vmem>>
      %dma_start3A_183 = arith.constant 0 : i32
      %dma_start3A_184 = arith.constant 0 : i32
      %dma_start3A_185 = tpu.memref_slice %arg24[%dma_start3A_183, %dma_start3A_184] : memref<10240x128xf32, #tpu.memory_space<vmem_shared>> -> memref<10240x128xf32, #tpu.memory_space<vmem_shared>>
      tpu.enqueue_indirect_dma source(%arg12 : memref<64x128xf32, #tpu.memory_space<vmem>>) target(%dma_start3A_185 : memref<10240x128xf32, #tpu.memory_space<vmem_shared>>) offsets(%dma_start3A_182 : memref<64xi32, #tpu.memory_space<vmem>>) semaphore(%arg23 : memref<!tpu.dma_semaphore, #tpu.memory_space<semaphore_mem>>) {add = true}
      %dma_wait3A_186 = arith.constant 12 : i32
      %dma_wait3A_187 = arith.constant 0 : i32
      %dma_wait3A_188 = tpu.memref_slice %arg6[%dma_wait3A_186, %dma_wait3A_187] : memref<16x64xi32, #tpu.memory_space<vmem>> -> memref<1x64xi32, #tpu.memory_space<vmem>>
      %dma_wait3A_189 = tpu.memref_squeeze %dma_wait3A_188 : memref<1x64xi32, #tpu.memory_space<vmem>> -> memref<64xi32, #tpu.memory_space<vmem>>
      %dma_wait3A_190 = arith.constant 0 : i32
      %dma_wait3A_191 = arith.constant 0 : i32
      %dma_wait3A_192 = tpu.memref_slice %arg24[%dma_wait3A_190, %dma_wait3A_191] : memref<10240x128xf32, #tpu.memory_space<vmem_shared>> -> memref<10240x128xf32, #tpu.memory_space<vmem_shared>>
      tpu.wait_indirect_dma semaphore(%arg20 : memref<!tpu.dma_semaphore, #tpu.memory_space<semaphore_mem>>) src(%arg9 : memref<64x128xf32, #tpu.memory_space<vmem>>) dst(%dma_wait3A_192 : memref<10240x128xf32, #tpu.memory_space<vmem_shared>>)
      %dma_wait3A_193 = arith.constant 13 : i32
      %dma_wait3A_194 = arith.constant 0 : i32
      %dma_wait3A_195 = tpu.memref_slice %arg6[%dma_wait3A_193, %dma_wait3A_194] : memref<16x64xi32, #tpu.memory_space<vmem>> -> memref<1x64xi32, #tpu.memory_space<vmem>>
      %dma_wait3A_196 = tpu.memref_squeeze %dma_wait3A_195 : memref<1x64xi32, #tpu.memory_space<vmem>> -> memref<64xi32, #tpu.memory_space<vmem>>
      %dma_wait3A_197 = arith.constant 0 : i32
      %dma_wait3A_198 = arith.constant 0 : i32
      %dma_wait3A_199 = tpu.memref_slice %arg24[%dma_wait3A_197, %dma_wait3A_198] : memref<10240x128xf32, #tpu.memory_space<vmem_shared>> -> memref<10240x128xf32, #tpu.memory_space<vmem_shared>>
      tpu.wait_indirect_dma semaphore(%arg21 : memref<!tpu.dma_semaphore, #tpu.memory_space<semaphore_mem>>) src(%arg10 : memref<64x128xf32, #tpu.memory_space<vmem>>) dst(%dma_wait3A_199 : memref<10240x128xf32, #tpu.memory_space<vmem_shared>>)
      %dma_wait3A_200 = arith.constant 0 : i32
      %dma_wait3A_201 = arith.constant 0 : i32
      %dma_wait3A_202 = arith.constant 0 : i32
      %dma_wait3A_203 = tpu.memref_slice %arg3[%dma_wait3A_200, %dma_wait3A_201, %dma_wait3A_202] : memref<2x5120x64xi32, #tpu.memory_space<hbm>> -> memref<1x16x64xi32, #tpu.memory_space<hbm>>
      %dma_wait3A_204 = tpu.memref_squeeze %dma_wait3A_203 : memref<1x16x64xi32, #tpu.memory_space<hbm>> -> memref<16x64xi32, #tpu.memory_space<hbm>>
      %dma_wait3A_205 = arith.constant 0 : i32
      %dma_wait3A_206 = arith.constant 0 : i32
      %dma_wait3A_207 = tpu.memref_slice %arg3[%dma_wait3A_200, %dma_wait3A_205, %dma_wait3A_206] : memref<2x5120x64xi32, #tpu.memory_space<hbm>> -> memref<1x16x64xi32, #tpu.memory_space<hbm>>
      %dma_wait3A_208 = tpu.memref_squeeze %dma_wait3A_207 : memref<1x16x64xi32, #tpu.memory_space<hbm>> -> memref<16x64xi32, #tpu.memory_space<hbm>>
      tpu.wait_dma2 semaphore(%arg15 : memref<!tpu.dma_semaphore, #tpu.memory_space<semaphore_mem>>) src(%dma_wait3A_208 : memref<16x64xi32, #tpu.memory_space<hbm>>) dst(%arg7 : memref<16x64xi32, #tpu.memory_space<vmem>>)
      %dma_wait3A_209 = arith.constant 1 : i32
      %dma_wait3A_210 = arith.constant 0 : i32
      %dma_wait3A_211 = arith.constant 0 : i32
      %dma_wait3A_212 = tpu.memref_slice %arg3[%dma_wait3A_209, %dma_wait3A_210, %dma_wait3A_211] : memref<2x5120x64xi32, #tpu.memory_space<hbm>> -> memref<1x16x64xi32, #tpu.memory_space<hbm>>
      %dma_wait3A_213 = tpu.memref_squeeze %dma_wait3A_212 : memref<1x16x64xi32, #tpu.memory_space<hbm>> -> memref<16x64xi32, #tpu.memory_space<hbm>>
      %dma_wait3A_214 = arith.constant 0 : i32
      %dma_wait3A_215 = arith.constant 0 : i32
      %dma_wait3A_216 = tpu.memref_slice %arg3[%dma_wait3A_209, %dma_wait3A_214, %dma_wait3A_215] : memref<2x5120x64xi32, #tpu.memory_space<hbm>> -> memref<1x16x64xi32, #tpu.memory_space<hbm>>
      %dma_wait3A_217 = tpu.memref_squeeze %dma_wait3A_216 : memref<1x16x64xi32, #tpu.memory_space<hbm>> -> memref<16x64xi32, #tpu.memory_space<hbm>>
      tpu.wait_dma2 semaphore(%arg15 : memref<!tpu.dma_semaphore, #tpu.memory_space<semaphore_mem>>) src(%dma_wait3A_217 : memref<16x64xi32, #tpu.memory_space<hbm>>) dst(%arg8 : memref<16x64xi32, #tpu.memory_space<vmem>>)
      %dma_start3A_218 = arith.constant 0 : i32
      %dma_start3A_219 = arith.constant 0 : i32
      %dma_start3A_220 = tpu.memref_slice %arg7[%dma_start3A_218, %dma_start3A_219] : memref<16x64xi32, #tpu.memory_space<vmem>> -> memref<1x64xi32, #tpu.memory_space<vmem>>
      %dma_start3A_221 = tpu.memref_squeeze %dma_start3A_220 : memref<1x64xi32, #tpu.memory_space<vmem>> -> memref<64xi32, #tpu.memory_space<vmem>>
      %dma_start3A_222 = arith.constant 0 : i32
      %dma_start3A_223 = arith.constant 0 : i32
      %dma_start3A_224 = tpu.memref_slice %arg2[%dma_start3A_222, %dma_start3A_223] : memref<10240x128xf32, #tpu.memory_space<hbm>> -> memref<10240x128xf32, #tpu.memory_space<hbm>>
      tpu.enqueue_indirect_dma source(%dma_start3A_224 : memref<10240x128xf32, #tpu.memory_space<hbm>>) target(%arg9 : memref<64x128xf32, #tpu.memory_space<vmem>>) offsets(%dma_start3A_221 : memref<64xi32, #tpu.memory_space<vmem>>) semaphore(%arg16 : memref<!tpu.dma_semaphore, #tpu.memory_space<semaphore_mem>>)
      %dma_start3A_225 = arith.constant 1 : i32
      %dma_start3A_226 = arith.constant 0 : i32
      %dma_start3A_227 = tpu.memref_slice %arg7[%dma_start3A_225, %dma_start3A_226] : memref<16x64xi32, #tpu.memory_space<vmem>> -> memref<1x64xi32, #tpu.memory_space<vmem>>
      %dma_start3A_228 = tpu.memref_squeeze %dma_start3A_227 : memref<1x64xi32, #tpu.memory_space<vmem>> -> memref<64xi32, #tpu.memory_space<vmem>>
      %dma_start3A_229 = arith.constant 0 : i32
      %dma_start3A_230 = arith.constant 0 : i32
      %dma_start3A_231 = tpu.memref_slice %arg2[%dma_start3A_229, %dma_start3A_230] : memref<10240x128xf32, #tpu.memory_space<hbm>> -> memref<10240x128xf32, #tpu.memory_space<hbm>>
      tpu.enqueue_indirect_dma source(%dma_start3A_231 : memref<10240x128xf32, #tpu.memory_space<hbm>>) target(%arg10 : memref<64x128xf32, #tpu.memory_space<vmem>>) offsets(%dma_start3A_228 : memref<64xi32, #tpu.memory_space<vmem>>) semaphore(%arg17 : memref<!tpu.dma_semaphore, #tpu.memory_space<semaphore_mem>>)
      %dma_wait3A_232 = arith.constant 14 : i32
      %dma_wait3A_233 = arith.constant 0 : i32
      %dma_wait3A_234 = tpu.memref_slice %arg6[%dma_wait3A_232, %dma_wait3A_233] : memref<16x64xi32, #tpu.memory_space<vmem>> -> memref<1x64xi32, #tpu.memory_space<vmem>>
      %dma_wait3A_235 = tpu.memref_squeeze %dma_wait3A_234 : memref<1x64xi32, #tpu.memory_space<vmem>> -> memref<64xi32, #tpu.memory_space<vmem>>
      %dma_wait3A_236 = arith.constant 0 : i32
      %dma_wait3A_237 = arith.constant 0 : i32
      %dma_wait3A_238 = tpu.memref_slice %arg24[%dma_wait3A_236, %dma_wait3A_237] : memref<10240x128xf32, #tpu.memory_space<vmem_shared>> -> memref<10240x128xf32, #tpu.memory_space<vmem_shared>>
      tpu.wait_indirect_dma semaphore(%arg22 : memref<!tpu.dma_semaphore, #tpu.memory_space<semaphore_mem>>) src(%arg11 : memref<64x128xf32, #tpu.memory_space<vmem>>) dst(%dma_wait3A_238 : memref<10240x128xf32, #tpu.memory_space<vmem_shared>>)
      %dma_wait3A_239 = arith.constant 15 : i32
      %dma_wait3A_240 = arith.constant 0 : i32
      %dma_wait3A_241 = tpu.memref_slice %arg6[%dma_wait3A_239, %dma_wait3A_240] : memref<16x64xi32, #tpu.memory_space<vmem>> -> memref<1x64xi32, #tpu.memory_space<vmem>>
      %dma_wait3A_242 = tpu.memref_squeeze %dma_wait3A_241 : memref<1x64xi32, #tpu.memory_space<vmem>> -> memref<64xi32, #tpu.memory_space<vmem>>
      %dma_wait3A_243 = arith.constant 0 : i32
      %dma_wait3A_244 = arith.constant 0 : i32
      %dma_wait3A_245 = tpu.memref_slice %arg24[%dma_wait3A_243, %dma_wait3A_244] : memref<10240x128xf32, #tpu.memory_space<vmem_shared>> -> memref<10240x128xf32, #tpu.memory_space<vmem_shared>>
      tpu.wait_indirect_dma semaphore(%arg23 : memref<!tpu.dma_semaphore, #tpu.memory_space<semaphore_mem>>) src(%arg12 : memref<64x128xf32, #tpu.memory_space<vmem>>) dst(%dma_wait3A_245 : memref<10240x128xf32, #tpu.memory_space<vmem_shared>>)
      %add3A_246 = arith.constant 2 : i32
      %add3A_247 = arith.addi %mul3A_89, %add3A_246 : i32
      %min3A = arith.constant 9 : i32
      %min3A_248 = arith.minsi %add3A_247, %min3A : i32
      %mul3A_249 = arith.constant 16 : i32
      %mul3A_250 = arith.muli %min3A_248, %mul3A_249 : i32
      %add3A_251 = arith.addi %mul3A_2, %mul3A_250 : i32
      %dma_start3A_252 = arith.constant 0 : i32
      %dma_start3A_253 = arith.constant 0 : i32
      %dma_start3A_254 = tpu.memref_slice %arg3[%dma_start3A_252, %add3A_251, %dma_start3A_253] : memref<2x5120x64xi32, #tpu.memory_space<hbm>> -> memref<1x16x64xi32, #tpu.memory_space<hbm>>
      %dma_start3A_255 = tpu.memref_squeeze %dma_start3A_254 : memref<1x16x64xi32, #tpu.memory_space<hbm>> -> memref<16x64xi32, #tpu.memory_space<hbm>>
      %dma_start3A_256 = arith.constant 0 : i32
      %dma_start3A_257 = tpu.memref_slice %arg3[%dma_start3A_252, %add3A_251, %dma_start3A_256] : memref<2x5120x64xi32, #tpu.memory_space<hbm>> -> memref<1x16x64xi32, #tpu.memory_space<hbm>>
      %dma_start3A_258 = tpu.memref_squeeze %dma_start3A_257 : memref<1x16x64xi32, #tpu.memory_space<hbm>> -> memref<16x64xi32, #tpu.memory_space<hbm>>
      tpu.enqueue_dma source(%dma_start3A_258 : memref<16x64xi32, #tpu.memory_space<hbm>>) target(%arg5 : memref<16x64xi32, #tpu.memory_space<vmem>>) target_semaphore(%arg14 : memref<!tpu.dma_semaphore, #tpu.memory_space<semaphore_mem>>)
      %dma_start3A_259 = arith.constant 1 : i32
      %dma_start3A_260 = arith.constant 0 : i32
      %dma_start3A_261 = tpu.memref_slice %arg3[%dma_start3A_259, %add3A_251, %dma_start3A_260] : memref<2x5120x64xi32, #tpu.memory_space<hbm>> -> memref<1x16x64xi32, #tpu.memory_space<hbm>>
      %dma_start3A_262 = tpu.memref_squeeze %dma_start3A_261 : memref<1x16x64xi32, #tpu.memory_space<hbm>> -> memref<16x64xi32, #tpu.memory_space<hbm>>
      %dma_start3A_263 = arith.constant 0 : i32
      %dma_start3A_264 = tpu.memref_slice %arg3[%dma_start3A_259, %add3A_251, %dma_start3A_263] : memref<2x5120x64xi32, #tpu.memory_space<hbm>> -> memref<1x16x64xi32, #tpu.memory_space<hbm>>
      %dma_start3A_265 = tpu.memref_squeeze %dma_start3A_264 : memref<1x16x64xi32, #tpu.memory_space<hbm>> -> memref<16x64xi32, #tpu.memory_space<hbm>>
      tpu.enqueue_dma source(%dma_start3A_265 : memref<16x64xi32, #tpu.memory_space<hbm>>) target(%arg6 : memref<16x64xi32, #tpu.memory_space<vmem>>) target_semaphore(%arg14 : memref<!tpu.dma_semaphore, #tpu.memory_space<semaphore_mem>>)
      %scan3A_266 = arith.constant 0 : i32
      %scan3A_267 = arith.constant 0 : i32
      %scan3A_268 = arith.constant 3 : i32
      %scan3A_269 = arith.addi %scan3A_267, %scan3A_268 : i32
      %scan3A_270 = arith.constant 1 : i32
      %scan3A_271 = scf.for %scan3A_404 = %scan3A_267 to %scan3A_269 step %scan3A_270 iter_args(%scan3A_405 = %scan3A_266) -> (i32)  : i32 {
        %mul3A_406 = arith.constant 4 : i32
        %mul3A_407 = arith.muli %mul3A_406, %scan3A_404 : i32
        %add3A_408 = arith.constant 2 : i32
        %add3A_409 = arith.addi %mul3A_407, %add3A_408 : i32
        %add3A_410 = arith.constant 0 : i32
        %add3A_411 = arith.addi %add3A_409, %add3A_410 : i32
        %dma_start3A_412 = arith.constant 0 : i32
        %dma_start3A_413 = tpu.memref_slice %arg7[%add3A_411, %dma_start3A_412] : memref<16x64xi32, #tpu.memory_space<vmem>> -> memref<1x64xi32, #tpu.memory_space<vmem>>
        %dma_start3A_414 = tpu.memref_squeeze %dma_start3A_413 : memref<1x64xi32, #tpu.memory_space<vmem>> -> memref<64xi32, #tpu.memory_space<vmem>>
        %dma_start3A_415 = arith.constant 0 : i32
        %dma_start3A_416 = arith.constant 0 : i32
        %dma_start3A_417 = tpu.memref_slice %arg2[%dma_start3A_415, %dma_start3A_416] : memref<10240x128xf32, #tpu.memory_space<hbm>> -> memref<10240x128xf32, #tpu.memory_space<hbm>>
        tpu.enqueue_indirect_dma source(%dma_start3A_417 : memref<10240x128xf32, #tpu.memory_space<hbm>>) target(%arg11 : memref<64x128xf32, #tpu.memory_space<vmem>>) offsets(%dma_start3A_414 : memref<64xi32, #tpu.memory_space<vmem>>) semaphore(%arg18 : memref<!tpu.dma_semaphore, #tpu.memory_space<semaphore_mem>>)
        %add3A_418 = arith.constant 2 : i32
        %add3A_419 = arith.addi %mul3A_407, %add3A_418 : i32
        %add3A_420 = arith.constant 1 : i32
        %add3A_421 = arith.addi %add3A_419, %add3A_420 : i32
        %dma_start3A_422 = arith.constant 0 : i32
        %dma_start3A_423 = tpu.memref_slice %arg7[%add3A_421, %dma_start3A_422] : memref<16x64xi32, #tpu.memory_space<vmem>> -> memref<1x64xi32, #tpu.memory_space<vmem>>
        %dma_start3A_424 = tpu.memref_squeeze %dma_start3A_423 : memref<1x64xi32, #tpu.memory_space<vmem>> -> memref<64xi32, #tpu.memory_space<vmem>>
        %dma_start3A_425 = arith.constant 0 : i32
        %dma_start3A_426 = arith.constant 0 : i32
        %dma_start3A_427 = tpu.memref_slice %arg2[%dma_start3A_425, %dma_start3A_426] : memref<10240x128xf32, #tpu.memory_space<hbm>> -> memref<10240x128xf32, #tpu.memory_space<hbm>>
        tpu.enqueue_indirect_dma source(%dma_start3A_427 : memref<10240x128xf32, #tpu.memory_space<hbm>>) target(%arg12 : memref<64x128xf32, #tpu.memory_space<vmem>>) offsets(%dma_start3A_424 : memref<64xi32, #tpu.memory_space<vmem>>) semaphore(%arg19 : memref<!tpu.dma_semaphore, #tpu.memory_space<semaphore_mem>>)
        %dma_wait3A_428 = arith.constant 0 : i32
        %dma_wait3A_429 = arith.constant 0 : i32
        %dma_wait3A_430 = tpu.memref_slice %arg5[%dma_wait3A_428, %dma_wait3A_429] : memref<16x64xi32, #tpu.memory_space<vmem>> -> memref<1x64xi32, #tpu.memory_space<vmem>>
        %dma_wait3A_431 = tpu.memref_squeeze %dma_wait3A_430 : memref<1x64xi32, #tpu.memory_space<vmem>> -> memref<64xi32, #tpu.memory_space<vmem>>
        %dma_wait3A_432 = arith.constant 0 : i32
        %dma_wait3A_433 = arith.constant 0 : i32
        %dma_wait3A_434 = tpu.memref_slice %arg2[%dma_wait3A_432, %dma_wait3A_433] : memref<10240x128xf32, #tpu.memory_space<hbm>> -> memref<10240x128xf32, #tpu.memory_space<hbm>>
        tpu.wait_indirect_dma semaphore(%arg16 : memref<!tpu.dma_semaphore, #tpu.memory_space<semaphore_mem>>) src(%dma_wait3A_434 : memref<10240x128xf32, #tpu.memory_space<hbm>>) dst(%arg9 : memref<64x128xf32, #tpu.memory_space<vmem>>)
        %add3A_435 = arith.constant 0 : i32
        %add3A_436 = arith.addi %mul3A_407, %add3A_435 : i32
        %dma_start3A_437 = arith.constant 0 : i32
        %dma_start3A_438 = tpu.memref_slice %arg8[%add3A_436, %dma_start3A_437] : memref<16x64xi32, #tpu.memory_space<vmem>> -> memref<1x64xi32, #tpu.memory_space<vmem>>
        %dma_start3A_439 = tpu.memref_squeeze %dma_start3A_438 : memref<1x64xi32, #tpu.memory_space<vmem>> -> memref<64xi32, #tpu.memory_space<vmem>>
        %dma_start3A_440 = arith.constant 0 : i32
        %dma_start3A_441 = arith.constant 0 : i32
        %dma_start3A_442 = tpu.memref_slice %arg24[%dma_start3A_440, %dma_start3A_441] : memref<10240x128xf32, #tpu.memory_space<vmem_shared>> -> memref<10240x128xf32, #tpu.memory_space<vmem_shared>>
        tpu.enqueue_indirect_dma source(%arg9 : memref<64x128xf32, #tpu.memory_space<vmem>>) target(%dma_start3A_442 : memref<10240x128xf32, #tpu.memory_space<vmem_shared>>) offsets(%dma_start3A_439 : memref<64xi32, #tpu.memory_space<vmem>>) semaphore(%arg20 : memref<!tpu.dma_semaphore, #tpu.memory_space<semaphore_mem>>) {add = true}
        %dma_wait3A_443 = arith.constant 0 : i32
        %dma_wait3A_444 = arith.constant 0 : i32
        %dma_wait3A_445 = tpu.memref_slice %arg5[%dma_wait3A_443, %dma_wait3A_444] : memref<16x64xi32, #tpu.memory_space<vmem>> -> memref<1x64xi32, #tpu.memory_space<vmem>>
        %dma_wait3A_446 = tpu.memref_squeeze %dma_wait3A_445 : memref<1x64xi32, #tpu.memory_space<vmem>> -> memref<64xi32, #tpu.memory_space<vmem>>
        %dma_wait3A_447 = arith.constant 0 : i32
        %dma_wait3A_448 = arith.constant 0 : i32
        %dma_wait3A_449 = tpu.memref_slice %arg2[%dma_wait3A_447, %dma_wait3A_448] : memref<10240x128xf32, #tpu.memory_space<hbm>> -> memref<10240x128xf32, #tpu.memory_space<hbm>>
        tpu.wait_indirect_dma semaphore(%arg17 : memref<!tpu.dma_semaphore, #tpu.memory_space<semaphore_mem>>) src(%dma_wait3A_449 : memref<10240x128xf32, #tpu.memory_space<hbm>>) dst(%arg10 : memref<64x128xf32, #tpu.memory_space<vmem>>)
        %add3A_450 = arith.constant 1 : i32
        %add3A_451 = arith.addi %mul3A_407, %add3A_450 : i32
        %dma_start3A_452 = arith.constant 0 : i32
        %dma_start3A_453 = tpu.memref_slice %arg8[%add3A_451, %dma_start3A_452] : memref<16x64xi32, #tpu.memory_space<vmem>> -> memref<1x64xi32, #tpu.memory_space<vmem>>
        %dma_start3A_454 = tpu.memref_squeeze %dma_start3A_453 : memref<1x64xi32, #tpu.memory_space<vmem>> -> memref<64xi32, #tpu.memory_space<vmem>>
        %dma_start3A_455 = arith.constant 0 : i32
        %dma_start3A_456 = arith.constant 0 : i32
        %dma_start3A_457 = tpu.memref_slice %arg24[%dma_start3A_455, %dma_start3A_456] : memref<10240x128xf32, #tpu.memory_space<vmem_shared>> -> memref<10240x128xf32, #tpu.memory_space<vmem_shared>>
        tpu.enqueue_indirect_dma source(%arg10 : memref<64x128xf32, #tpu.memory_space<vmem>>) target(%dma_start3A_457 : memref<10240x128xf32, #tpu.memory_space<vmem_shared>>) offsets(%dma_start3A_454 : memref<64xi32, #tpu.memory_space<vmem>>) semaphore(%arg21 : memref<!tpu.dma_semaphore, #tpu.memory_space<semaphore_mem>>) {add = true}
        %dma_wait3A_458 = arith.constant 0 : i32
        %dma_wait3A_459 = arith.constant 0 : i32
        %dma_wait3A_460 = tpu.memref_slice %arg5[%dma_wait3A_458, %dma_wait3A_459] : memref<16x64xi32, #tpu.memory_space<vmem>> -> memref<1x64xi32, #tpu.memory_space<vmem>>
        %dma_wait3A_461 = tpu.memref_squeeze %dma_wait3A_460 : memref<1x64xi32, #tpu.memory_space<vmem>> -> memref<64xi32, #tpu.memory_space<vmem>>
        %dma_wait3A_462 = arith.constant 0 : i32
        %dma_wait3A_463 = arith.constant 0 : i32
        %dma_wait3A_464 = tpu.memref_slice %arg2[%dma_wait3A_462, %dma_wait3A_463] : memref<10240x128xf32, #tpu.memory_space<hbm>> -> memref<10240x128xf32, #tpu.memory_space<hbm>>
        tpu.wait_indirect_dma semaphore(%arg18 : memref<!tpu.dma_semaphore, #tpu.memory_space<semaphore_mem>>) src(%dma_wait3A_464 : memref<10240x128xf32, #tpu.memory_space<hbm>>) dst(%arg11 : memref<64x128xf32, #tpu.memory_space<vmem>>)
        %add3A_465 = arith.constant 2 : i32
        %add3A_466 = arith.addi %mul3A_407, %add3A_465 : i32
        %add3A_467 = arith.constant 0 : i32
        %add3A_468 = arith.addi %add3A_466, %add3A_467 : i32
        %dma_start3A_469 = arith.constant 0 : i32
        %dma_start3A_470 = tpu.memref_slice %arg8[%add3A_468, %dma_start3A_469] : memref<16x64xi32, #tpu.memory_space<vmem>> -> memref<1x64xi32, #tpu.memory_space<vmem>>
        %dma_start3A_471 = tpu.memref_squeeze %dma_start3A_470 : memref<1x64xi32, #tpu.memory_space<vmem>> -> memref<64xi32, #tpu.memory_space<vmem>>
        %dma_start3A_472 = arith.constant 0 : i32
        %dma_start3A_473 = arith.constant 0 : i32
        %dma_start3A_474 = tpu.memref_slice %arg24[%dma_start3A_472, %dma_start3A_473] : memref<10240x128xf32, #tpu.memory_space<vmem_shared>> -> memref<10240x128xf32, #tpu.memory_space<vmem_shared>>
        tpu.enqueue_indirect_dma source(%arg11 : memref<64x128xf32, #tpu.memory_space<vmem>>) target(%dma_start3A_474 : memref<10240x128xf32, #tpu.memory_space<vmem_shared>>) offsets(%dma_start3A_471 : memref<64xi32, #tpu.memory_space<vmem>>) semaphore(%arg22 : memref<!tpu.dma_semaphore, #tpu.memory_space<semaphore_mem>>) {add = true}
        %dma_wait3A_475 = arith.constant 0 : i32
        %dma_wait3A_476 = arith.constant 0 : i32
        %dma_wait3A_477 = tpu.memref_slice %arg5[%dma_wait3A_475, %dma_wait3A_476] : memref<16x64xi32, #tpu.memory_space<vmem>> -> memref<1x64xi32, #tpu.memory_space<vmem>>
        %dma_wait3A_478 = tpu.memref_squeeze %dma_wait3A_477 : memref<1x64xi32, #tpu.memory_space<vmem>> -> memref<64xi32, #tpu.memory_space<vmem>>
        %dma_wait3A_479 = arith.constant 0 : i32
        %dma_wait3A_480 = arith.constant 0 : i32
        %dma_wait3A_481 = tpu.memref_slice %arg2[%dma_wait3A_479, %dma_wait3A_480] : memref<10240x128xf32, #tpu.memory_space<hbm>> -> memref<10240x128xf32, #tpu.memory_space<hbm>>
        tpu.wait_indirect_dma semaphore(%arg19 : memref<!tpu.dma_semaphore, #tpu.memory_space<semaphore_mem>>) src(%dma_wait3A_481 : memref<10240x128xf32, #tpu.memory_space<hbm>>) dst(%arg12 : memref<64x128xf32, #tpu.memory_space<vmem>>)
        %add3A_482 = arith.constant 2 : i32
        %add3A_483 = arith.addi %mul3A_407, %add3A_482 : i32
        %add3A_484 = arith.constant 1 : i32
        %add3A_485 = arith.addi %add3A_483, %add3A_484 : i32
        %dma_start3A_486 = arith.constant 0 : i32
        %dma_start3A_487 = tpu.memref_slice %arg8[%add3A_485, %dma_start3A_486] : memref<16x64xi32, #tpu.memory_space<vmem>> -> memref<1x64xi32, #tpu.memory_space<vmem>>
        %dma_start3A_488 = tpu.memref_squeeze %dma_start3A_487 : memref<1x64xi32, #tpu.memory_space<vmem>> -> memref<64xi32, #tpu.memory_space<vmem>>
        %dma_start3A_489 = arith.constant 0 : i32
        %dma_start3A_490 = arith.constant 0 : i32
        %dma_start3A_491 = tpu.memref_slice %arg24[%dma_start3A_489, %dma_start3A_490] : memref<10240x128xf32, #tpu.memory_space<vmem_shared>> -> memref<10240x128xf32, #tpu.memory_space<vmem_shared>>
        tpu.enqueue_indirect_dma source(%arg12 : memref<64x128xf32, #tpu.memory_space<vmem>>) target(%dma_start3A_491 : memref<10240x128xf32, #tpu.memory_space<vmem_shared>>) offsets(%dma_start3A_488 : memref<64xi32, #tpu.memory_space<vmem>>) semaphore(%arg23 : memref<!tpu.dma_semaphore, #tpu.memory_space<semaphore_mem>>) {add = true}
        %dma_wait3A_492 = arith.constant 0 : i32
        %dma_wait3A_493 = tpu.memref_slice %arg8[%add3A_436, %dma_wait3A_492] : memref<16x64xi32, #tpu.memory_space<vmem>> -> memref<1x64xi32, #tpu.memory_space<vmem>>
        %dma_wait3A_494 = tpu.memref_squeeze %dma_wait3A_493 : memref<1x64xi32, #tpu.memory_space<vmem>> -> memref<64xi32, #tpu.memory_space<vmem>>
        %dma_wait3A_495 = arith.constant 0 : i32
        %dma_wait3A_496 = arith.constant 0 : i32
        %dma_wait3A_497 = tpu.memref_slice %arg24[%dma_wait3A_495, %dma_wait3A_496] : memref<10240x128xf32, #tpu.memory_space<vmem_shared>> -> memref<10240x128xf32, #tpu.memory_space<vmem_shared>>
        tpu.wait_indirect_dma semaphore(%arg20 : memref<!tpu.dma_semaphore, #tpu.memory_space<semaphore_mem>>) src(%arg9 : memref<64x128xf32, #tpu.memory_space<vmem>>) dst(%dma_wait3A_497 : memref<10240x128xf32, #tpu.memory_space<vmem_shared>>)
        %dma_wait3A_498 = arith.constant 0 : i32
        %dma_wait3A_499 = tpu.memref_slice %arg8[%add3A_451, %dma_wait3A_498] : memref<16x64xi32, #tpu.memory_space<vmem>> -> memref<1x64xi32, #tpu.memory_space<vmem>>
        %dma_wait3A_500 = tpu.memref_squeeze %dma_wait3A_499 : memref<1x64xi32, #tpu.memory_space<vmem>> -> memref<64xi32, #tpu.memory_space<vmem>>
        %dma_wait3A_501 = arith.constant 0 : i32
        %dma_wait3A_502 = arith.constant 0 : i32
        %dma_wait3A_503 = tpu.memref_slice %arg24[%dma_wait3A_501, %dma_wait3A_502] : memref<10240x128xf32, #tpu.memory_space<vmem_shared>> -> memref<10240x128xf32, #tpu.memory_space<vmem_shared>>
        tpu.wait_indirect_dma semaphore(%arg21 : memref<!tpu.dma_semaphore, #tpu.memory_space<semaphore_mem>>) src(%arg10 : memref<64x128xf32, #tpu.memory_space<vmem>>) dst(%dma_wait3A_503 : memref<10240x128xf32, #tpu.memory_space<vmem_shared>>)
        %add3A_504 = arith.constant 4 : i32
        %add3A_505 = arith.addi %mul3A_407, %add3A_504 : i32
        %add3A_506 = arith.constant 0 : i32
        %add3A_507 = arith.addi %add3A_505, %add3A_506 : i32
        %dma_start3A_508 = arith.constant 0 : i32
        %dma_start3A_509 = tpu.memref_slice %arg7[%add3A_507, %dma_start3A_508] : memref<16x64xi32, #tpu.memory_space<vmem>> -> memref<1x64xi32, #tpu.memory_space<vmem>>
        %dma_start3A_510 = tpu.memref_squeeze %dma_start3A_509 : memref<1x64xi32, #tpu.memory_space<vmem>> -> memref<64xi32, #tpu.memory_space<vmem>>
        %dma_start3A_511 = arith.constant 0 : i32
        %dma_start3A_512 = arith.constant 0 : i32
        %dma_start3A_513 = tpu.memref_slice %arg2[%dma_start3A_511, %dma_start3A_512] : memref<10240x128xf32, #tpu.memory_space<hbm>> -> memref<10240x128xf32, #tpu.memory_space<hbm>>
        tpu.enqueue_indirect_dma source(%dma_start3A_513 : memref<10240x128xf32, #tpu.memory_space<hbm>>) target(%arg9 : memref<64x128xf32, #tpu.memory_space<vmem>>) offsets(%dma_start3A_510 : memref<64xi32, #tpu.memory_space<vmem>>) semaphore(%arg16 : memref<!tpu.dma_semaphore, #tpu.memory_space<semaphore_mem>>)
        %add3A_514 = arith.constant 1 : i32
        %add3A_515 = arith.addi %add3A_505, %add3A_514 : i32
        %dma_start3A_516 = arith.constant 0 : i32
        %dma_start3A_517 = tpu.memref_slice %arg7[%add3A_515, %dma_start3A_516] : memref<16x64xi32, #tpu.memory_space<vmem>> -> memref<1x64xi32, #tpu.memory_space<vmem>>
        %dma_start3A_518 = tpu.memref_squeeze %dma_start3A_517 : memref<1x64xi32, #tpu.memory_space<vmem>> -> memref<64xi32, #tpu.memory_space<vmem>>
        %dma_start3A_519 = arith.constant 0 : i32
        %dma_start3A_520 = arith.constant 0 : i32
        %dma_start3A_521 = tpu.memref_slice %arg2[%dma_start3A_519, %dma_start3A_520] : memref<10240x128xf32, #tpu.memory_space<hbm>> -> memref<10240x128xf32, #tpu.memory_space<hbm>>
        tpu.enqueue_indirect_dma source(%dma_start3A_521 : memref<10240x128xf32, #tpu.memory_space<hbm>>) target(%arg10 : memref<64x128xf32, #tpu.memory_space<vmem>>) offsets(%dma_start3A_518 : memref<64xi32, #tpu.memory_space<vmem>>) semaphore(%arg17 : memref<!tpu.dma_semaphore, #tpu.memory_space<semaphore_mem>>)
        %dma_wait3A_522 = arith.constant 0 : i32
        %dma_wait3A_523 = tpu.memref_slice %arg8[%add3A_468, %dma_wait3A_522] : memref<16x64xi32, #tpu.memory_space<vmem>> -> memref<1x64xi32, #tpu.memory_space<vmem>>
        %dma_wait3A_524 = tpu.memref_squeeze %dma_wait3A_523 : memref<1x64xi32, #tpu.memory_space<vmem>> -> memref<64xi32, #tpu.memory_space<vmem>>
        %dma_wait3A_525 = arith.constant 0 : i32
        %dma_wait3A_526 = arith.constant 0 : i32
        %dma_wait3A_527 = tpu.memref_slice %arg24[%dma_wait3A_525, %dma_wait3A_526] : memref<10240x128xf32, #tpu.memory_space<vmem_shared>> -> memref<10240x128xf32, #tpu.memory_space<vmem_shared>>
        tpu.wait_indirect_dma semaphore(%arg22 : memref<!tpu.dma_semaphore, #tpu.memory_space<semaphore_mem>>) src(%arg11 : memref<64x128xf32, #tpu.memory_space<vmem>>) dst(%dma_wait3A_527 : memref<10240x128xf32, #tpu.memory_space<vmem_shared>>)
        %dma_wait3A_528 = arith.constant 0 : i32
        %dma_wait3A_529 = tpu.memref_slice %arg8[%add3A_485, %dma_wait3A_528] : memref<16x64xi32, #tpu.memory_space<vmem>> -> memref<1x64xi32, #tpu.memory_space<vmem>>
        %dma_wait3A_530 = tpu.memref_squeeze %dma_wait3A_529 : memref<1x64xi32, #tpu.memory_space<vmem>> -> memref<64xi32, #tpu.memory_space<vmem>>
        %dma_wait3A_531 = arith.constant 0 : i32
        %dma_wait3A_532 = arith.constant 0 : i32
        %dma_wait3A_533 = tpu.memref_slice %arg24[%dma_wait3A_531, %dma_wait3A_532] : memref<10240x128xf32, #tpu.memory_space<vmem_shared>> -> memref<10240x128xf32, #tpu.memory_space<vmem_shared>>
        tpu.wait_indirect_dma semaphore(%arg23 : memref<!tpu.dma_semaphore, #tpu.memory_space<semaphore_mem>>) src(%arg12 : memref<64x128xf32, #tpu.memory_space<vmem>>) dst(%dma_wait3A_533 : memref<10240x128xf32, #tpu.memory_space<vmem_shared>>)
        %scan3A_534 = arith.constant 0 : i32
        scf.yield %scan3A_534 : i32
      }
      %scan3A_272 = arith.constant 3 : i32
      %dma_start3A_273 = arith.constant 14 : i32
      %dma_start3A_274 = arith.constant 0 : i32
      %dma_start3A_275 = tpu.memref_slice %arg7[%dma_start3A_273, %dma_start3A_274] : memref<16x64xi32, #tpu.memory_space<vmem>> -> memref<1x64xi32, #tpu.memory_space<vmem>>
      %dma_start3A_276 = tpu.memref_squeeze %dma_start3A_275 : memref<1x64xi32, #tpu.memory_space<vmem>> -> memref<64xi32, #tpu.memory_space<vmem>>
      %dma_start3A_277 = arith.constant 0 : i32
      %dma_start3A_278 = arith.constant 0 : i32
      %dma_start3A_279 = tpu.memref_slice %arg2[%dma_start3A_277, %dma_start3A_278] : memref<10240x128xf32, #tpu.memory_space<hbm>> -> memref<10240x128xf32, #tpu.memory_space<hbm>>
      tpu.enqueue_indirect_dma source(%dma_start3A_279 : memref<10240x128xf32, #tpu.memory_space<hbm>>) target(%arg11 : memref<64x128xf32, #tpu.memory_space<vmem>>) offsets(%dma_start3A_276 : memref<64xi32, #tpu.memory_space<vmem>>) semaphore(%arg18 : memref<!tpu.dma_semaphore, #tpu.memory_space<semaphore_mem>>)
      %dma_start3A_280 = arith.constant 15 : i32
      %dma_start3A_281 = arith.constant 0 : i32
      %dma_start3A_282 = tpu.memref_slice %arg7[%dma_start3A_280, %dma_start3A_281] : memref<16x64xi32, #tpu.memory_space<vmem>> -> memref<1x64xi32, #tpu.memory_space<vmem>>
      %dma_start3A_283 = tpu.memref_squeeze %dma_start3A_282 : memref<1x64xi32, #tpu.memory_space<vmem>> -> memref<64xi32, #tpu.memory_space<vmem>>
      %dma_start3A_284 = arith.constant 0 : i32
      %dma_start3A_285 = arith.constant 0 : i32
      %dma_start3A_286 = tpu.memref_slice %arg2[%dma_start3A_284, %dma_start3A_285] : memref<10240x128xf32, #tpu.memory_space<hbm>> -> memref<10240x128xf32, #tpu.memory_space<hbm>>
      tpu.enqueue_indirect_dma source(%dma_start3A_286 : memref<10240x128xf32, #tpu.memory_space<hbm>>) target(%arg12 : memref<64x128xf32, #tpu.memory_space<vmem>>) offsets(%dma_start3A_283 : memref<64xi32, #tpu.memory_space<vmem>>) semaphore(%arg19 : memref<!tpu.dma_semaphore, #tpu.memory_space<semaphore_mem>>)
      %dma_wait3A_287 = arith.constant 0 : i32
      %dma_wait3A_288 = arith.constant 0 : i32
      %dma_wait3A_289 = tpu.memref_slice %arg5[%dma_wait3A_287, %dma_wait3A_288] : memref<16x64xi32, #tpu.memory_space<vmem>> -> memref<1x64xi32, #tpu.memory_space<vmem>>
      %dma_wait3A_290 = tpu.memref_squeeze %dma_wait3A_289 : memref<1x64xi32, #tpu.memory_space<vmem>> -> memref<64xi32, #tpu.memory_space<vmem>>
      %dma_wait3A_291 = arith.constant 0 : i32
      %dma_wait3A_292 = arith.constant 0 : i32
      %dma_wait3A_293 = tpu.memref_slice %arg2[%dma_wait3A_291, %dma_wait3A_292] : memref<10240x128xf32, #tpu.memory_space<hbm>> -> memref<10240x128xf32, #tpu.memory_space<hbm>>
      tpu.wait_indirect_dma semaphore(%arg16 : memref<!tpu.dma_semaphore, #tpu.memory_space<semaphore_mem>>) src(%dma_wait3A_293 : memref<10240x128xf32, #tpu.memory_space<hbm>>) dst(%arg9 : memref<64x128xf32, #tpu.memory_space<vmem>>)
      %dma_start3A_294 = arith.constant 12 : i32
      %dma_start3A_295 = arith.constant 0 : i32
      %dma_start3A_296 = tpu.memref_slice %arg8[%dma_start3A_294, %dma_start3A_295] : memref<16x64xi32, #tpu.memory_space<vmem>> -> memref<1x64xi32, #tpu.memory_space<vmem>>
      %dma_start3A_297 = tpu.memref_squeeze %dma_start3A_296 : memref<1x64xi32, #tpu.memory_space<vmem>> -> memref<64xi32, #tpu.memory_space<vmem>>
      %dma_start3A_298 = arith.constant 0 : i32
      %dma_start3A_299 = arith.constant 0 : i32
      %dma_start3A_300 = tpu.memref_slice %arg24[%dma_start3A_298, %dma_start3A_299] : memref<10240x128xf32, #tpu.memory_space<vmem_shared>> -> memref<10240x128xf32, #tpu.memory_space<vmem_shared>>
      tpu.enqueue_indirect_dma source(%arg9 : memref<64x128xf32, #tpu.memory_space<vmem>>) target(%dma_start3A_300 : memref<10240x128xf32, #tpu.memory_space<vmem_shared>>) offsets(%dma_start3A_297 : memref<64xi32, #tpu.memory_space<vmem>>) semaphore(%arg20 : memref<!tpu.dma_semaphore, #tpu.memory_space<semaphore_mem>>) {add = true}
      %dma_wait3A_301 = arith.constant 0 : i32
      %dma_wait3A_302 = arith.constant 0 : i32
      %dma_wait3A_303 = tpu.memref_slice %arg5[%dma_wait3A_301, %dma_wait3A_302] : memref<16x64xi32, #tpu.memory_space<vmem>> -> memref<1x64xi32, #tpu.memory_space<vmem>>
      %dma_wait3A_304 = tpu.memref_squeeze %dma_wait3A_303 : memref<1x64xi32, #tpu.memory_space<vmem>> -> memref<64xi32, #tpu.memory_space<vmem>>
      %dma_wait3A_305 = arith.constant 0 : i32
      %dma_wait3A_306 = arith.constant 0 : i32
      %dma_wait3A_307 = tpu.memref_slice %arg2[%dma_wait3A_305, %dma_wait3A_306] : memref<10240x128xf32, #tpu.memory_space<hbm>> -> memref<10240x128xf32, #tpu.memory_space<hbm>>
      tpu.wait_indirect_dma semaphore(%arg17 : memref<!tpu.dma_semaphore, #tpu.memory_space<semaphore_mem>>) src(%dma_wait3A_307 : memref<10240x128xf32, #tpu.memory_space<hbm>>) dst(%arg10 : memref<64x128xf32, #tpu.memory_space<vmem>>)
      %dma_start3A_308 = arith.constant 13 : i32
      %dma_start3A_309 = arith.constant 0 : i32
      %dma_start3A_310 = tpu.memref_slice %arg8[%dma_start3A_308, %dma_start3A_309] : memref<16x64xi32, #tpu.memory_space<vmem>> -> memref<1x64xi32, #tpu.memory_space<vmem>>
      %dma_start3A_311 = tpu.memref_squeeze %dma_start3A_310 : memref<1x64xi32, #tpu.memory_space<vmem>> -> memref<64xi32, #tpu.memory_space<vmem>>
      %dma_start3A_312 = arith.constant 0 : i32
      %dma_start3A_313 = arith.constant 0 : i32
      %dma_start3A_314 = tpu.memref_slice %arg24[%dma_start3A_312, %dma_start3A_313] : memref<10240x128xf32, #tpu.memory_space<vmem_shared>> -> memref<10240x128xf32, #tpu.memory_space<vmem_shared>>
      tpu.enqueue_indirect_dma source(%arg10 : memref<64x128xf32, #tpu.memory_space<vmem>>) target(%dma_start3A_314 : memref<10240x128xf32, #tpu.memory_space<vmem_shared>>) offsets(%dma_start3A_311 : memref<64xi32, #tpu.memory_space<vmem>>) semaphore(%arg21 : memref<!tpu.dma_semaphore, #tpu.memory_space<semaphore_mem>>) {add = true}
      %dma_wait3A_315 = arith.constant 0 : i32
      %dma_wait3A_316 = arith.constant 0 : i32
      %dma_wait3A_317 = tpu.memref_slice %arg5[%dma_wait3A_315, %dma_wait3A_316] : memref<16x64xi32, #tpu.memory_space<vmem>> -> memref<1x64xi32, #tpu.memory_space<vmem>>
      %dma_wait3A_318 = tpu.memref_squeeze %dma_wait3A_317 : memref<1x64xi32, #tpu.memory_space<vmem>> -> memref<64xi32, #tpu.memory_space<vmem>>
      %dma_wait3A_319 = arith.constant 0 : i32
      %dma_wait3A_320 = arith.constant 0 : i32
      %dma_wait3A_321 = tpu.memref_slice %arg2[%dma_wait3A_319, %dma_wait3A_320] : memref<10240x128xf32, #tpu.memory_space<hbm>> -> memref<10240x128xf32, #tpu.memory_space<hbm>>
      tpu.wait_indirect_dma semaphore(%arg18 : memref<!tpu.dma_semaphore, #tpu.memory_space<semaphore_mem>>) src(%dma_wait3A_321 : memref<10240x128xf32, #tpu.memory_space<hbm>>) dst(%arg11 : memref<64x128xf32, #tpu.memory_space<vmem>>)
      %dma_start3A_322 = arith.constant 14 : i32
      %dma_start3A_323 = arith.constant 0 : i32
      %dma_start3A_324 = tpu.memref_slice %arg8[%dma_start3A_322, %dma_start3A_323] : memref<16x64xi32, #tpu.memory_space<vmem>> -> memref<1x64xi32, #tpu.memory_space<vmem>>
      %dma_start3A_325 = tpu.memref_squeeze %dma_start3A_324 : memref<1x64xi32, #tpu.memory_space<vmem>> -> memref<64xi32, #tpu.memory_space<vmem>>
      %dma_start3A_326 = arith.constant 0 : i32
      %dma_start3A_327 = arith.constant 0 : i32
      %dma_start3A_328 = tpu.memref_slice %arg24[%dma_start3A_326, %dma_start3A_327] : memref<10240x128xf32, #tpu.memory_space<vmem_shared>> -> memref<10240x128xf32, #tpu.memory_space<vmem_shared>>
      tpu.enqueue_indirect_dma source(%arg11 : memref<64x128xf32, #tpu.memory_space<vmem>>) target(%dma_start3A_328 : memref<10240x128xf32, #tpu.memory_space<vmem_shared>>) offsets(%dma_start3A_325 : memref<64xi32, #tpu.memory_space<vmem>>) semaphore(%arg22 : memref<!tpu.dma_semaphore, #tpu.memory_space<semaphore_mem>>) {add = true}
      %dma_wait3A_329 = arith.constant 0 : i32
      %dma_wait3A_330 = arith.constant 0 : i32
      %dma_wait3A_331 = tpu.memref_slice %arg5[%dma_wait3A_329, %dma_wait3A_330] : memref<16x64xi32, #tpu.memory_space<vmem>> -> memref<1x64xi32, #tpu.memory_space<vmem>>
      %dma_wait3A_332 = tpu.memref_squeeze %dma_wait3A_331 : memref<1x64xi32, #tpu.memory_space<vmem>> -> memref<64xi32, #tpu.memory_space<vmem>>
      %dma_wait3A_333 = arith.constant 0 : i32
      %dma_wait3A_334 = arith.constant 0 : i32
      %dma_wait3A_335 = tpu.memref_slice %arg2[%dma_wait3A_333, %dma_wait3A_334] : memref<10240x128xf32, #tpu.memory_space<hbm>> -> memref<10240x128xf32, #tpu.memory_space<hbm>>
      tpu.wait_indirect_dma semaphore(%arg19 : memref<!tpu.dma_semaphore, #tpu.memory_space<semaphore_mem>>) src(%dma_wait3A_335 : memref<10240x128xf32, #tpu.memory_space<hbm>>) dst(%arg12 : memref<64x128xf32, #tpu.memory_space<vmem>>)
      %dma_start3A_336 = arith.constant 15 : i32
      %dma_start3A_337 = arith.constant 0 : i32
      %dma_start3A_338 = tpu.memref_slice %arg8[%dma_start3A_336, %dma_start3A_337] : memref<16x64xi32, #tpu.memory_space<vmem>> -> memref<1x64xi32, #tpu.memory_space<vmem>>
      %dma_start3A_339 = tpu.memref_squeeze %dma_start3A_338 : memref<1x64xi32, #tpu.memory_space<vmem>> -> memref<64xi32, #tpu.memory_space<vmem>>
      %dma_start3A_340 = arith.constant 0 : i32
      %dma_start3A_341 = arith.constant 0 : i32
      %dma_start3A_342 = tpu.memref_slice %arg24[%dma_start3A_340, %dma_start3A_341] : memref<10240x128xf32, #tpu.memory_space<vmem_shared>> -> memref<10240x128xf32, #tpu.memory_space<vmem_shared>>
      tpu.enqueue_indirect_dma source(%arg12 : memref<64x128xf32, #tpu.memory_space<vmem>>) target(%dma_start3A_342 : memref<10240x128xf32, #tpu.memory_space<vmem_shared>>) offsets(%dma_start3A_339 : memref<64xi32, #tpu.memory_space<vmem>>) semaphore(%arg23 : memref<!tpu.dma_semaphore, #tpu.memory_space<semaphore_mem>>) {add = true}
      %dma_wait3A_343 = arith.constant 12 : i32
      %dma_wait3A_344 = arith.constant 0 : i32
      %dma_wait3A_345 = tpu.memref_slice %arg8[%dma_wait3A_343, %dma_wait3A_344] : memref<16x64xi32, #tpu.memory_space<vmem>> -> memref<1x64xi32, #tpu.memory_space<vmem>>
      %dma_wait3A_346 = tpu.memref_squeeze %dma_wait3A_345 : memref<1x64xi32, #tpu.memory_space<vmem>> -> memref<64xi32, #tpu.memory_space<vmem>>
      %dma_wait3A_347 = arith.constant 0 : i32
      %dma_wait3A_348 = arith.constant 0 : i32
      %dma_wait3A_349 = tpu.memref_slice %arg24[%dma_wait3A_347, %dma_wait3A_348] : memref<10240x128xf32, #tpu.memory_space<vmem_shared>> -> memref<10240x128xf32, #tpu.memory_space<vmem_shared>>
      tpu.wait_indirect_dma semaphore(%arg20 : memref<!tpu.dma_semaphore, #tpu.memory_space<semaphore_mem>>) src(%arg9 : memref<64x128xf32, #tpu.memory_space<vmem>>) dst(%dma_wait3A_349 : memref<10240x128xf32, #tpu.memory_space<vmem_shared>>)
      %dma_wait3A_350 = arith.constant 13 : i32
      %dma_wait3A_351 = arith.constant 0 : i32
      %dma_wait3A_352 = tpu.memref_slice %arg8[%dma_wait3A_350, %dma_wait3A_351] : memref<16x64xi32, #tpu.memory_space<vmem>> -> memref<1x64xi32, #tpu.memory_space<vmem>>
      %dma_wait3A_353 = tpu.memref_squeeze %dma_wait3A_352 : memref<1x64xi32, #tpu.memory_space<vmem>> -> memref<64xi32, #tpu.memory_space<vmem>>
      %dma_wait3A_354 = arith.constant 0 : i32
      %dma_wait3A_355 = arith.constant 0 : i32
      %dma_wait3A_356 = tpu.memref_slice %arg24[%dma_wait3A_354, %dma_wait3A_355] : memref<10240x128xf32, #tpu.memory_space<vmem_shared>> -> memref<10240x128xf32, #tpu.memory_space<vmem_shared>>
      tpu.wait_indirect_dma semaphore(%arg21 : memref<!tpu.dma_semaphore, #tpu.memory_space<semaphore_mem>>) src(%arg10 : memref<64x128xf32, #tpu.memory_space<vmem>>) dst(%dma_wait3A_356 : memref<10240x128xf32, #tpu.memory_space<vmem_shared>>)
      %dma_wait3A_357 = arith.constant 0 : i32
      %dma_wait3A_358 = arith.constant 0 : i32
      %dma_wait3A_359 = arith.constant 0 : i32
      %dma_wait3A_360 = tpu.memref_slice %arg3[%dma_wait3A_357, %dma_wait3A_358, %dma_wait3A_359] : memref<2x5120x64xi32, #tpu.memory_space<hbm>> -> memref<1x16x64xi32, #tpu.memory_space<hbm>>
      %dma_wait3A_361 = tpu.memref_squeeze %dma_wait3A_360 : memref<1x16x64xi32, #tpu.memory_space<hbm>> -> memref<16x64xi32, #tpu.memory_space<hbm>>
      %dma_wait3A_362 = arith.constant 0 : i32
      %dma_wait3A_363 = arith.constant 0 : i32
      %dma_wait3A_364 = tpu.memref_slice %arg3[%dma_wait3A_357, %dma_wait3A_362, %dma_wait3A_363] : memref<2x5120x64xi32, #tpu.memory_space<hbm>> -> memref<1x16x64xi32, #tpu.memory_space<hbm>>
      %dma_wait3A_365 = tpu.memref_squeeze %dma_wait3A_364 : memref<1x16x64xi32, #tpu.memory_space<hbm>> -> memref<16x64xi32, #tpu.memory_space<hbm>>
      tpu.wait_dma2 semaphore(%arg14 : memref<!tpu.dma_semaphore, #tpu.memory_space<semaphore_mem>>) src(%dma_wait3A_365 : memref<16x64xi32, #tpu.memory_space<hbm>>) dst(%arg5 : memref<16x64xi32, #tpu.memory_space<vmem>>)
      %dma_wait3A_366 = arith.constant 1 : i32
      %dma_wait3A_367 = arith.constant 0 : i32
      %dma_wait3A_368 = arith.constant 0 : i32
      %dma_wait3A_369 = tpu.memref_slice %arg3[%dma_wait3A_366, %dma_wait3A_367, %dma_wait3A_368] : memref<2x5120x64xi32, #tpu.memory_space<hbm>> -> memref<1x16x64xi32, #tpu.memory_space<hbm>>
      %dma_wait3A_370 = tpu.memref_squeeze %dma_wait3A_369 : memref<1x16x64xi32, #tpu.memory_space<hbm>> -> memref<16x64xi32, #tpu.memory_space<hbm>>
      %dma_wait3A_371 = arith.constant 0 : i32
      %dma_wait3A_372 = arith.constant 0 : i32
      %dma_wait3A_373 = tpu.memref_slice %arg3[%dma_wait3A_366, %dma_wait3A_371, %dma_wait3A_372] : memref<2x5120x64xi32, #tpu.memory_space<hbm>> -> memref<1x16x64xi32, #tpu.memory_space<hbm>>
      %dma_wait3A_374 = tpu.memref_squeeze %dma_wait3A_373 : memref<1x16x64xi32, #tpu.memory_space<hbm>> -> memref<16x64xi32, #tpu.memory_space<hbm>>
      tpu.wait_dma2 semaphore(%arg14 : memref<!tpu.dma_semaphore, #tpu.memory_space<semaphore_mem>>) src(%dma_wait3A_374 : memref<16x64xi32, #tpu.memory_space<hbm>>) dst(%arg6 : memref<16x64xi32, #tpu.memory_space<vmem>>)
      %dma_start3A_375 = arith.constant 0 : i32
      %dma_start3A_376 = arith.constant 0 : i32
      %dma_start3A_377 = tpu.memref_slice %arg5[%dma_start3A_375, %dma_start3A_376] : memref<16x64xi32, #tpu.memory_space<vmem>> -> memref<1x64xi32, #tpu.memory_space<vmem>>
      %dma_start3A_378 = tpu.memref_squeeze %dma_start3A_377 : memref<1x64xi32, #tpu.memory_space<vmem>> -> memref<64xi32, #tpu.memory_space<vmem>>
      %dma_start3A_379 = arith.constant 0 : i32
      %dma_start3A_380 = arith.constant 0 : i32
      %dma_start3A_381 = tpu.memref_slice %arg2[%dma_start3A_379, %dma_start3A_380] : memref<10240x128xf32, #tpu.memory_space<hbm>> -> memref<10240x128xf32, #tpu.memory_space<hbm>>
      tpu.enqueue_indirect_dma source(%dma_start3A_381 : memref<10240x128xf32, #tpu.memory_space<hbm>>) target(%arg9 : memref<64x128xf32, #tpu.memory_space<vmem>>) offsets(%dma_start3A_378 : memref<64xi32, #tpu.memory_space<vmem>>) semaphore(%arg16 : memref<!tpu.dma_semaphore, #tpu.memory_space<semaphore_mem>>)
      %dma_start3A_382 = arith.constant 1 : i32
      %dma_start3A_383 = arith.constant 0 : i32
      %dma_start3A_384 = tpu.memref_slice %arg5[%dma_start3A_382, %dma_start3A_383] : memref<16x64xi32, #tpu.memory_space<vmem>> -> memref<1x64xi32, #tpu.memory_space<vmem>>
      %dma_start3A_385 = tpu.memref_squeeze %dma_start3A_384 : memref<1x64xi32, #tpu.memory_space<vmem>> -> memref<64xi32, #tpu.memory_space<vmem>>
      %dma_start3A_386 = arith.constant 0 : i32
      %dma_start3A_387 = arith.constant 0 : i32
      %dma_start3A_388 = tpu.memref_slice %arg2[%dma_start3A_386, %dma_start3A_387] : memref<10240x128xf32, #tpu.memory_space<hbm>> -> memref<10240x128xf32, #tpu.memory_space<hbm>>
      tpu.enqueue_indirect_dma source(%dma_start3A_388 : memref<10240x128xf32, #tpu.memory_space<hbm>>) target(%arg10 : memref<64x128xf32, #tpu.memory_space<vmem>>) offsets(%dma_start3A_385 : memref<64xi32, #tpu.memory_space<vmem>>) semaphore(%arg17 : memref<!tpu.dma_semaphore, #tpu.memory_space<semaphore_mem>>)
      %dma_wait3A_389 = arith.constant 14 : i32
      %dma_wait3A_390 = arith.constant 0 : i32
      %dma_wait3A_391 = tpu.memref_slice %arg8[%dma_wait3A_389, %dma_wait3A_390] : memref<16x64xi32, #tpu.memory_space<vmem>> -> memref<1x64xi32, #tpu.memory_space<vmem>>
      %dma_wait3A_392 = tpu.memref_squeeze %dma_wait3A_391 : memref<1x64xi32, #tpu.memory_space<vmem>> -> memref<64xi32, #tpu.memory_space<vmem>>
      %dma_wait3A_393 = arith.constant 0 : i32
      %dma_wait3A_394 = arith.constant 0 : i32
      %dma_wait3A_395 = tpu.memref_slice %arg24[%dma_wait3A_393, %dma_wait3A_394] : memref<10240x128xf32, #tpu.memory_space<vmem_shared>> -> memref<10240x128xf32, #tpu.memory_space<vmem_shared>>
      tpu.wait_indirect_dma semaphore(%arg22 : memref<!tpu.dma_semaphore, #tpu.memory_space<semaphore_mem>>) src(%arg11 : memref<64x128xf32, #tpu.memory_space<vmem>>) dst(%dma_wait3A_395 : memref<10240x128xf32, #tpu.memory_space<vmem_shared>>)
      %dma_wait3A_396 = arith.constant 15 : i32
      %dma_wait3A_397 = arith.constant 0 : i32
      %dma_wait3A_398 = tpu.memref_slice %arg8[%dma_wait3A_396, %dma_wait3A_397] : memref<16x64xi32, #tpu.memory_space<vmem>> -> memref<1x64xi32, #tpu.memory_space<vmem>>
      %dma_wait3A_399 = tpu.memref_squeeze %dma_wait3A_398 : memref<1x64xi32, #tpu.memory_space<vmem>> -> memref<64xi32, #tpu.memory_space<vmem>>
      %dma_wait3A_400 = arith.constant 0 : i32
      %dma_wait3A_401 = arith.constant 0 : i32
      %dma_wait3A_402 = tpu.memref_slice %arg24[%dma_wait3A_400, %dma_wait3A_401] : memref<10240x128xf32, #tpu.memory_space<vmem_shared>> -> memref<10240x128xf32, #tpu.memory_space<vmem_shared>>
      tpu.wait_indirect_dma semaphore(%arg23 : memref<!tpu.dma_semaphore, #tpu.memory_space<semaphore_mem>>) src(%arg12 : memref<64x128xf32, #tpu.memory_space<vmem>>) dst(%dma_wait3A_402 : memref<10240x128xf32, #tpu.memory_space<vmem_shared>>)
      %scan3A_403 = arith.constant 0 : i32
      scf.yield %scan3A_403 : i32
    }
    %scan3A_70 = arith.constant 5 : i32
    %dma_wait3A_71 = arith.constant 0 : i32
    %dma_wait3A_72 = arith.constant 0 : i32
    %dma_wait3A_73 = tpu.memref_slice %arg5[%dma_wait3A_71, %dma_wait3A_72] : memref<16x64xi32, #tpu.memory_space<vmem>> -> memref<1x64xi32, #tpu.memory_space<vmem>>
    %dma_wait3A_74 = tpu.memref_squeeze %dma_wait3A_73 : memref<1x64xi32, #tpu.memory_space<vmem>> -> memref<64xi32, #tpu.memory_space<vmem>>
    %dma_wait3A_75 = arith.constant 0 : i32
    %dma_wait3A_76 = arith.constant 0 : i32
    %dma_wait3A_77 = tpu.memref_slice %arg2[%dma_wait3A_75, %dma_wait3A_76] : memref<10240x128xf32, #tpu.memory_space<hbm>> -> memref<10240x128xf32, #tpu.memory_space<hbm>>
    tpu.wait_indirect_dma semaphore(%arg16 : memref<!tpu.dma_semaphore, #tpu.memory_space<semaphore_mem>>) src(%dma_wait3A_77 : memref<10240x128xf32, #tpu.memory_space<hbm>>) dst(%arg9 : memref<64x128xf32, #tpu.memory_space<vmem>>)
    %dma_wait3A_78 = arith.constant 0 : i32
    %dma_wait3A_79 = arith.constant 0 : i32
    %dma_wait3A_80 = tpu.memref_slice %arg5[%dma_wait3A_78, %dma_wait3A_79] : memref<16x64xi32, #tpu.memory_space<vmem>> -> memref<1x64xi32, #tpu.memory_space<vmem>>
    %dma_wait3A_81 = tpu.memref_squeeze %dma_wait3A_80 : memref<1x64xi32, #tpu.memory_space<vmem>> -> memref<64xi32, #tpu.memory_space<vmem>>
    %dma_wait3A_82 = arith.constant 0 : i32
    %dma_wait3A_83 = arith.constant 0 : i32
    %dma_wait3A_84 = tpu.memref_slice %arg2[%dma_wait3A_82, %dma_wait3A_83] : memref<10240x128xf32, #tpu.memory_space<hbm>> -> memref<10240x128xf32, #tpu.memory_space<hbm>>
    tpu.wait_indirect_dma semaphore(%arg17 : memref<!tpu.dma_semaphore, #tpu.memory_space<semaphore_mem>>) src(%dma_wait3A_84 : memref<10240x128xf32, #tpu.memory_space<hbm>>) dst(%arg10 : memref<64x128xf32, #tpu.memory_space<vmem>>)
    %barrier3A_85 = arith.constant 0 : index
    tpu.barrier barrier_id(%barrier3A_85)
    "tpu.region"() ({
      %run_scoped3A = tpu.sem_alloc : memref<!tpu.dma_semaphore, #tpu.memory_space<semaphore_mem>>
      %dma_start3A_86 = arith.constant 0 : i32
      %dma_start3A_87 = tpu.memref_slice %arg4[%arg0, %mul3A_4, %dma_start3A_86] : memref<2x10240x128xf32, #tpu.memory_space<hbm>> -> memref<1x640x128xf32, #tpu.memory_space<hbm>>
      %dma_start3A_88 = tpu.memref_squeeze %dma_start3A_87 : memref<1x640x128xf32, #tpu.memory_space<hbm>> -> memref<640x128xf32, #tpu.memory_space<hbm>>
      %dma_start3A_89 = arith.constant 0 : i32
      %dma_start3A_90 = tpu.memref_slice %arg24[%mul3A_4, %dma_start3A_89] : memref<10240x128xf32, #tpu.memory_space<vmem_shared>> -> memref<640x128xf32, #tpu.memory_space<vmem_shared>>
      tpu.enqueue_dma source(%dma_start3A_90 : memref<640x128xf32, #tpu.memory_space<vmem_shared>>) target(%dma_start3A_88 : memref<640x128xf32, #tpu.memory_space<hbm>>) target_semaphore(%run_scoped3A : memref<!tpu.dma_semaphore, #tpu.memory_space<semaphore_mem>>)
      %dma_wait3A_91 = arith.constant 0 : i32
      %dma_wait3A_92 = tpu.memref_slice %arg4[%arg0, %mul3A_4, %dma_wait3A_91] : memref<2x10240x128xf32, #tpu.memory_space<hbm>> -> memref<1x640x128xf32, #tpu.memory_space<hbm>>
      %dma_wait3A_93 = tpu.memref_squeeze %dma_wait3A_92 : memref<1x640x128xf32, #tpu.memory_space<hbm>> -> memref<640x128xf32, #tpu.memory_space<hbm>>
      %dma_wait3A_94 = arith.constant 0 : i32
      %dma_wait3A_95 = tpu.memref_slice %arg24[%mul3A_4, %dma_wait3A_94] : memref<10240x128xf32, #tpu.memory_space<vmem_shared>> -> memref<640x128xf32, #tpu.memory_space<vmem_shared>>
      tpu.wait_dma2 semaphore(%run_scoped3A : memref<!tpu.dma_semaphore, #tpu.memory_space<semaphore_mem>>) src(%dma_wait3A_95 : memref<640x128xf32, #tpu.memory_space<vmem_shared>>) dst(%dma_wait3A_93 : memref<640x128xf32, #tpu.memory_space<hbm>>)
      tpu.yield
    }) : () -> ()
    return
  }
}

module attributes {stable_mosaic.version = 14 : i64} {
  func.func @_tc1a_body(%arg0: memref<10000x128xf32, #tpu.memory_space<vmem>>, %arg1: memref<128x128xf32, #tpu.memory_space<vmem>>, %arg2: memref<10000x128xf32, #tpu.memory_space<vmem>>) attributes {dimension_semantics = [], scalar_prefetch = 0 : i64, scratch_operands = 0 : i64, tpu.core_type = #tpu.core_type<tc>} {
    %get3A = arith.constant 0 : index
    %get3A_0 = arith.constant 0 : index
    %get3A_1 = vector.load %arg0[%get3A, %get3A_0] : memref<10000x128xf32, #tpu.memory_space<vmem>>, vector<10000x128xf32>
    %get3A_2 = arith.constant 0 : index
    %get3A_3 = arith.constant 0 : index
    %get3A_4 = vector.load %arg1[%get3A_2, %get3A_3] : memref<128x128xf32, #tpu.memory_space<vmem>>, vector<128x128xf32>
    %dot_general3A = arith.constant dense<0.000000e+00> : vector<10000x128xf32>
    %dot_general3A_5 = tpu.matmul %get3A_1, %get3A_4, %dot_general3A {dimension_numbers = #tpu.dot_dimension_numbers<[1], [0], [0], [1], [0, 0, 1, 1], [], []>, transpose_lhs_hint = false} : vector<10000x128xf32>, vector<128x128xf32>, vector<10000x128xf32> -> vector<10000x128xf32>
    %swap3A = arith.constant 0 : index
    %swap3A_6 = arith.constant 0 : index
    %swap3A_7 = vector.load %arg2[%swap3A, %swap3A_6] : memref<10000x128xf32, #tpu.memory_space<vmem>>, vector<10000x128xf32>
    tpu.vector_store %arg2[%swap3A, %swap3A_6], %dot_general3A_5 {strides = array<i32>} : memref<10000x128xf32, #tpu.memory_space<vmem>>, vector<10000x128xf32>,
    return
  }
}

module attributes {stable_mosaic.version = 14 : i64} {
  func.func @_tc1b_body(%arg0: memref<10000x128xf32, #tpu.memory_space<vmem>>, %arg1: memref<2x10240xf32, #tpu.memory_space<vmem>>, %arg2: memref<10240x128xf32, #tpu.memory_space<vmem>>, %arg3: memref<10240x1xf32, #tpu.memory_space<vmem>>) attributes {dimension_semantics = [], scalar_prefetch = 0 : i64, scratch_operands = 0 : i64, tpu.core_type = #tpu.core_type<tc>} {
    %get3A = arith.constant 0 : index
    %get3A_0 = arith.constant 0 : index
    %get3A_1 = vector.load %arg1[%get3A, %get3A_0] : memref<2x10240xf32, #tpu.memory_space<vmem>>, vector<2x10240xf32>
    %transpose3A = tpu.transpose %get3A_1, [1, 0] : vector<2x10240xf32> -> vector<10240x2xf32>
    %slice3A = vector.extract_strided_slice %transpose3A {offsets = [0, 0], sizes = [10240, 1], strides = [1, 1]} : vector<10240x2xf32> to vector<10240x1xf32>
    %slice3A_2 = vector.extract_strided_slice %transpose3A {offsets = [0, 1], sizes = [10240, 1], strides = [1, 1]} : vector<10240x2xf32> to vector<10240x1xf32>
    %add3A = arith.addf %slice3A, %slice3A_2 : vector<10240x1xf32>
    %add3A_3 = arith.constant 1.000000e+00 : f32
    %add3A_4 = vector.broadcast %add3A_3 : f32 to vector<10240x1xf32>
    %add3A_5 = arith.addf %add3A, %add3A_4 : vector<10240x1xf32>
    %rsqrt3A = math.rsqrt %add3A_5 : vector<10240x1xf32>
    %slice3A_6 = vector.extract_strided_slice %rsqrt3A {offsets = [0, 0], sizes = [10000, 1], strides = [1, 1]} : vector<10240x1xf32> to vector<10000x1xf32>
    %get3A_7 = arith.constant 0 : index
    %get3A_8 = arith.constant 0 : index
    %get3A_9 = vector.load %arg0[%get3A_7, %get3A_8] : memref<10000x128xf32, #tpu.memory_space<vmem>>, vector<10000x128xf32>
    %mul3A = vector.broadcast %slice3A_6 : vector<10000x1xf32> to vector<10000x128xf32>
    %mul3A_10 = arith.mulf %mul3A, %get3A_9 : vector<10000x128xf32>
    %swap3A = arith.constant 0 : index
    %swap3A_11 = arith.constant 0 : index
    %swap3A_12 = vector.load %arg2[%swap3A, %swap3A_11] : memref<10240x128xf32, #tpu.memory_space<vmem>>, vector<10000x128xf32>
    tpu.vector_store %arg2[%swap3A, %swap3A_11], %mul3A_10 {strides = array<i32>} : memref<10240x128xf32, #tpu.memory_space<vmem>>, vector<10000x128xf32>,
    %broadcast_in_dim3A = arith.constant 0.000000e+00 : f32
    %broadcast_in_dim3A_13 = vector.broadcast %broadcast_in_dim3A : f32 to vector<240x128xf32>
    %swap3A_14 = arith.constant 10000 : index
    %swap3A_15 = arith.constant 0 : index
    %swap3A_16 = vector.load %arg2[%swap3A_14, %swap3A_15] : memref<10240x128xf32, #tpu.memory_space<vmem>>, vector<240x128xf32>
    tpu.vector_store %arg2[%swap3A_14, %swap3A_15], %broadcast_in_dim3A_13 {strides = array<i32>} : memref<10240x128xf32, #tpu.memory_space<vmem>>, vector<240x128xf32>,
    %swap3A_17 = arith.constant 0 : index
    %swap3A_18 = arith.constant 0 : index
    %swap3A_19 = vector.load %arg3[%swap3A_17, %swap3A_18] : memref<10240x1xf32, #tpu.memory_space<vmem>>, vector<10240x1xf32>
    tpu.vector_store %arg3[%swap3A_17, %swap3A_18], %rsqrt3A {strides = array<i32>} : memref<10240x1xf32, #tpu.memory_space<vmem>>, vector<10240x1xf32>,
    return
  }
}

module attributes {stable_mosaic.version = 14 : i64} {
  func.func @_tc2_body(%arg0: memref<2x10240x128xf32, #tpu.memory_space<vmem>>, %arg1: memref<10240x128xf32, #tpu.memory_space<vmem>>, %arg2: memref<10240x1xf32, #tpu.memory_space<vmem>>, %arg3: memref<1x128xf32, #tpu.memory_space<vmem>>, %arg4: memref<128x64xf32, #tpu.memory_space<vmem>>, %arg5: memref<10240x64xf32, #tpu.memory_space<vmem>>) attributes {dimension_semantics = [], scalar_prefetch = 0 : i64, scratch_operands = 0 : i64, tpu.core_type = #tpu.core_type<tc>} {
    %get3A = arith.constant 0 : index
    %get3A_0 = arith.constant 0 : index
    %get3A_1 = arith.constant 0 : index
    %get3A_2 = vector.load %arg0[%get3A, %get3A_0, %get3A_1] : memref<2x10240x128xf32, #tpu.memory_space<vmem>>, vector<1x10240x128xf32>
    %get3A_3 = vector.shape_cast %get3A_2 : vector<1x10240x128xf32> to vector<10240x128xf32>
    %get3A_4 = arith.constant 1 : index
    %get3A_5 = arith.constant 0 : index
    %get3A_6 = arith.constant 0 : index
    %get3A_7 = vector.load %arg0[%get3A_4, %get3A_5, %get3A_6] : memref<2x10240x128xf32, #tpu.memory_space<vmem>>, vector<1x10240x128xf32>
    %get3A_8 = vector.shape_cast %get3A_7 : vector<1x10240x128xf32> to vector<10240x128xf32>
    %add3A = arith.addf %get3A_3, %get3A_8 : vector<10240x128xf32>
    %get3A_9 = arith.constant 0 : index
    %get3A_10 = arith.constant 0 : index
    %get3A_11 = vector.load %arg1[%get3A_9, %get3A_10] : memref<10240x128xf32, #tpu.memory_space<vmem>>, vector<10240x128xf32>
    %add3A_12 = arith.addf %add3A, %get3A_11 : vector<10240x128xf32>
    %get3A_13 = arith.constant 0 : index
    %get3A_14 = arith.constant 0 : index
    %get3A_15 = vector.load %arg2[%get3A_13, %get3A_14] : memref<10240x1xf32, #tpu.memory_space<vmem>>, vector<10240x1xf32>
    %mul3A = vector.broadcast %get3A_15 : vector<10240x1xf32> to vector<10240x128xf32>
    %mul3A_16 = arith.mulf %mul3A, %add3A_12 : vector<10240x128xf32>
    %get3A_17 = arith.constant 0 : index
    %get3A_18 = arith.constant 0 : index
    %get3A_19 = vector.load %arg3[%get3A_17, %get3A_18] : memref<1x128xf32, #tpu.memory_space<vmem>>, vector<1x128xf32>
    %add3A_20 = vector.broadcast %get3A_19 : vector<1x128xf32> to vector<10240x128xf32>
    %add3A_21 = arith.addf %mul3A_16, %add3A_20 : vector<10240x128xf32>
    %max3A = arith.constant 0.000000e+00 : f32
    %max3A_22 = vector.broadcast %max3A : f32 to vector<10240x128xf32>
    %max3A_23 = arith.maximumf %add3A_21, %max3A_22 : vector<10240x128xf32>
    %get3A_24 = arith.constant 0 : index
    %get3A_25 = arith.constant 0 : index
    %get3A_26 = vector.load %arg4[%get3A_24, %get3A_25] : memref<128x64xf32, #tpu.memory_space<vmem>>, vector<128x64xf32>
    %dot_general3A = arith.constant dense<0.000000e+00> : vector<10240x64xf32>
    %dot_general3A_27 = tpu.matmul %max3A_23, %get3A_26, %dot_general3A {dimension_numbers = #tpu.dot_dimension_numbers<[1], [0], [0], [1], [0, 0, 1, 1], [], []>, transpose_lhs_hint = false} : vector<10240x128xf32>, vector<128x64xf32>, vector<10240x64xf32> -> vector<10240x64xf32>
    %get3A_28 = arith.constant 0 : index
    %get3A_29 = arith.constant 0 : index
    %get3A_30 = vector.load %arg2[%get3A_28, %get3A_29] : memref<10240x1xf32, #tpu.memory_space<vmem>>, vector<10240x1xf32>
    %mul3A_31 = vector.broadcast %get3A_30 : vector<10240x1xf32> to vector<10240x64xf32>
    %mul3A_32 = arith.mulf %mul3A_31, %dot_general3A_27 : vector<10240x64xf32>
    %swap3A = arith.constant 0 : index
    %swap3A_33 = arith.constant 0 : index
    %swap3A_34 = vector.load %arg5[%swap3A, %swap3A_33] : memref<10240x64xf32, #tpu.memory_space<vmem>>, vector<10240x64xf32>
    tpu.vector_store %arg5[%swap3A, %swap3A_33], %mul3A_32 {strides = array<i32>} : memref<10240x64xf32, #tpu.memory_space<vmem>>, vector<10240x64xf32>,
    return
  }
}

module attributes {stable_mosaic.version = 14 : i64} {
  func.func @_tc3_body(%arg0: memref<2x10240x64xf32, #tpu.memory_space<vmem>>, %arg1: memref<10240x64xf32, #tpu.memory_space<vmem>>, %arg2: memref<10240x1xf32, #tpu.memory_space<vmem>>, %arg3: memref<1x64xf32, #tpu.memory_space<vmem>>, %arg4: memref<10000x64xf32, #tpu.memory_space<vmem>>) attributes {dimension_semantics = [], scalar_prefetch = 0 : i64, scratch_operands = 0 : i64, tpu.core_type = #tpu.core_type<tc>} {
    %get3A = arith.constant 0 : index
    %get3A_0 = arith.constant 0 : index
    %get3A_1 = arith.constant 0 : index
    %get3A_2 = vector.load %arg0[%get3A, %get3A_0, %get3A_1] : memref<2x10240x64xf32, #tpu.memory_space<vmem>>, vector<1x10240x64xf32>
    %get3A_3 = vector.shape_cast %get3A_2 : vector<1x10240x64xf32> to vector<10240x64xf32>
    %get3A_4 = arith.constant 1 : index
    %get3A_5 = arith.constant 0 : index
    %get3A_6 = arith.constant 0 : index
    %get3A_7 = vector.load %arg0[%get3A_4, %get3A_5, %get3A_6] : memref<2x10240x64xf32, #tpu.memory_space<vmem>>, vector<1x10240x64xf32>
    %get3A_8 = vector.shape_cast %get3A_7 : vector<1x10240x64xf32> to vector<10240x64xf32>
    %add3A = arith.addf %get3A_3, %get3A_8 : vector<10240x64xf32>
    %get3A_9 = arith.constant 0 : index
    %get3A_10 = arith.constant 0 : index
    %get3A_11 = vector.load %arg1[%get3A_9, %get3A_10] : memref<10240x64xf32, #tpu.memory_space<vmem>>, vector<10240x64xf32>
    %add3A_12 = arith.addf %add3A, %get3A_11 : vector<10240x64xf32>
    %get3A_13 = arith.constant 0 : index
    %get3A_14 = arith.constant 0 : index
    %get3A_15 = vector.load %arg2[%get3A_13, %get3A_14] : memref<10240x1xf32, #tpu.memory_space<vmem>>, vector<10240x1xf32>
    %mul3A = vector.broadcast %get3A_15 : vector<10240x1xf32> to vector<10240x64xf32>
    %mul3A_16 = arith.mulf %mul3A, %add3A_12 : vector<10240x64xf32>
    %get3A_17 = arith.constant 0 : index
    %get3A_18 = arith.constant 0 : index
    %get3A_19 = vector.load %arg3[%get3A_17, %get3A_18] : memref<1x64xf32, #tpu.memory_space<vmem>>, vector<1x64xf32>
    %add3A_20 = vector.broadcast %get3A_19 : vector<1x64xf32> to vector<10240x64xf32>
    %add3A_21 = arith.addf %mul3A_16, %add3A_20 : vector<10240x64xf32>
    %slice3A = vector.extract_strided_slice %add3A_21 {offsets = [0, 0], sizes = [10000, 64], strides = [1, 1]} : vector<10240x64xf32> to vector<10000x64xf32>
    %reduce_max3A = arith.constant dense<0xFF800000> : vector<10000xf32>
    %reduce_max3A_22 = vector.multi_reduction <maximumf>, %slice3A, %reduce_max3A [1] : vector<10000x64xf32> to vector<10000xf32>
    %broadcast_in_dim3A = vector.shape_cast %reduce_max3A_22 : vector<10000xf32> to vector<10000x1xf32>
    %sub3A = vector.broadcast %broadcast_in_dim3A : vector<10000x1xf32> to vector<10000x64xf32>
    %sub3A_23 = arith.subf %slice3A, %sub3A : vector<10000x64xf32>
    %exp3A = math.exp %sub3A_23 : vector<10000x64xf32>
    %reduce_sum3A = arith.constant dense<0.000000e+00> : vector<10000xf32>
    %reduce_sum3A_24 = vector.multi_reduction <add>, %exp3A, %reduce_sum3A [1] : vector<10000x64xf32> to vector<10000xf32>
    %broadcast_in_dim3A_25 = vector.shape_cast %reduce_sum3A_24 : vector<10000xf32> to vector<10000x1xf32>
    %log3A = math.log %broadcast_in_dim3A_25 : vector<10000x1xf32>
    %add3A_26 = arith.addf %broadcast_in_dim3A, %log3A : vector<10000x1xf32>
    %sub3A_27 = vector.broadcast %add3A_26 : vector<10000x1xf32> to vector<10000x64xf32>
    %sub3A_28 = arith.subf %slice3A, %sub3A_27 : vector<10000x64xf32>
    %swap3A = arith.constant 0 : index
    %swap3A_29 = arith.constant 0 : index
    %swap3A_30 = vector.load %arg4[%swap3A, %swap3A_29] : memref<10000x64xf32, #tpu.memory_space<vmem>>, vector<10000x64xf32>
    tpu.vector_store %arg4[%swap3A, %swap3A_29], %sub3A_28 {strides = array<i32>} : memref<10000x64xf32, #tpu.memory_space<vmem>>, vector<10000x64xf32>,
    return
  }
}

</mosaic_0001>

<sc_bundles>
// kernel: kernel.12.cloned.1.call-start
scs
__scs_entry_jumppad:
0x0: {  	(pc) =	sbr.rel $0x88, $3  }
0x1: {  	(tag) =	ssettag $0x0;
	lr =	simm.s32 $0x1  }
0x2: {  	[smem:$0x3F9B] =	sst lr;
	_ =	strace $0xD0000000  }
0x3: {  	_ = 	snop  }
0x4: {  	_ = 	snop  }
0x5: {  	_ = 	snop  }
0x6: {  	_ = 	snop  }
0x7: {  	_ = 	snop  }
__scs_overlays_trampoline_lowered:
0x8: {  	[smem:$0x3FAA] =	sst s0  }
0x9: {  	[smem:$0x3FAB] =	sst s1  }
0xa: {  	[smem:$0x3FAC] =	sst s2  }
0xb: {  	[smem:$0x3FAD] =	sst s3  }
0xc: {  	[smem:$0x3FAE] =	sst s4  }
0xd: {  	[smem:$0x3FAF] =	sst s5  }
0xe: {  	[smem:$0x3FB0] =	sst s6  }
0xf: {  	[smem:$0x3FB1] =	sst s7  }
0x10: {  	[smem:$0x3FB2] =	sst s8  }
0x11: {  	[smem:$0x3FB3] =	sst s9;
	s0 =	simm.s32 @!p0 $0x0  }
0x12: {  	s1 =	sld [smem:$0x3F99];
	s0 =	simm.s32 @p0 $0x1  }
0x13: {  	[smem:$0x3FB4] =	sst s0;
	s0 =	simm.s32 @!p1 $0x0  }
0x14: {  	s2 =	sld [smem:$0x3F98];
	s0 =	simm.s32 @p1 $0x1  }
0x15: {  	[smem:$0x3FB5] =	sst s0;
	s0 =	simm.s32 @!p2 $0x0  }
0x16: {  	s3 =	sld [smem:$0x3FDB];
	s0 =	simm.s32 @p2 $0x1  }
0x17: {  	s4 =	simm.s32 $0x1BF5;
	[smem:$0x3FB7] =	sst s0  }
0x18: {  	s0 =	sld [smem:$0x3F9A];
	_ =	swait.ge [sflag:s4], $0x0  }
0x19: {  	s7 =	sld [smem:$0x3F9B]  }
0x1a: {  	s8 =	sadd.s32 $0xFFFFE003, lr  }
0x1b: {  	s9 =	sadd.s32 $0xFFFFFEF7, lr;
	s5 =	simm.s32 $0xFFFFFFFF;
	p2 =	slt.u32 s8, $0xFFFFF086  }
0x1c: {  	p1 =	slt.u32 s9, $0xF7A;
	s5 =	simm.s32 @!p2 $0x0  }
0x1d: {  	s5 =	simm.s32 @p1 $0x1;
	p0 =	seq.s32 s7, s2  }
0x1e: {  	s7 =	smul.u32 @!p0 $0xF7A, s2;
	p2 =	seq.s32 @!p0 s5, $0x0  }
0x1f: {  	s9 =	smul.u32 $0xF7A, s1;
	s8 =	simm.s32 @!p0 $0x1BF5;
	p2 =	por !p2, p0  }
0x20: {  	[sflag:s8] =	ssyncset.s32 @!p0 $0xFFFFF086;
	s6 =	sadd.s32 @!p0 s3, s7;
	s7 =	simm.s32 @!p0 $0x108  }
0x21: {  	s3 =	sadd.s32 s3, s9;
	s6 =	sadd.s32 @!p0 $0x88, s6;
	s7 =	simm.s32 @p2 $0x1082  }
0x22: {  	[simem:s7], [sflag:s8] =	dma.local @!p0 [hbm:s6], $0xF7A  }
0x23: {  	s9 =	sor.u32 $0xD0000000, s2;
	s6 =	simm.s32 $0x108;
	_ =	swait.ge @!p0 [sflag:s8], $0x0  }
0x24: {  	s3 =	sadd.s32 $0x88, s3;
	s6 =	simm.s32 @!p1 $0x1082;
	[sflag:s4] =	ssyncset.s32 $0xFFFFF086  }
0x25: {  	[simem:s6], [sflag:s4] =	dma.local [hbm:s3], $0xF7A  }
0x26: {  	[smem:$0x3F9B] =	sst s1;
	(tag) =	ssettag s2;
	_ =	strace s9  }
0x27: {  	s1 =	sld [smem:$0x3FAB]  }
0x28: {  	s2 =	sld [smem:$0x3FAC]  }
0x29: {  	s4 =	sld [smem:$0x3FAE]  }
0x2a: {  	p0 =	seq.s32 s5, $0x0;
	s5 =	sld [smem:$0x3FAF]  }
0x2b: {  	s6 =	sld [smem:$0x3FB0]  }
0x2c: {  	s7 =	sld [smem:$0x3FB1]  }
0x2d: {  	s3 =	simm.s32 $0x108;
	s8 =	sld [smem:$0x3FB2]  }
0x2e: {  	s3 =	simm.s32 @!p0 $0x1082;
	s9 =	sld [smem:$0x3FB3]  }
0x2f: {  	lr =	sadd.s32 s0, s3;
	s0 =	sld [smem:$0x3FAA]  }
0x30: {  	s3 =	sld [smem:$0x3FAD]  }
0x31: {  	[smem:$0x3FB6] =	sst s10  }
0x32: {  	s10 =	sld [smem:$0x3FB4];
	_ =	sdelay $0x3  }
0x33: {  	p0 =	seq.s32 s10, $0x1;
	s10 =	sld [smem:$0x3FB6];
	_ =	sdelay $0x3  }
0x34: {  	[smem:$0x3FB6] =	sst s10  }
0x35: {  	s10 =	sld [smem:$0x3FB5];
	_ =	sdelay $0x3  }
0x36: {  	p1 =	seq.s32 s10, $0x1;
	s10 =	sld [smem:$0x3FB6];
	_ =	sdelay $0x3  }
0x37: {  	[smem:$0x3FB6] =	sst s10  }
0x38: {  	s10 =	sld [smem:$0x3FB7]  }
0x39: {  	_ = 	snop;
	(pc) =	sbr.ind lr, $3  }
0x3a: {  	_ = 	snop  }
0x3b: {  	_ = 	snop  }
0x3c: {  	p2 =	seq.s32 s10, $0x1;
	s10 =	sld [smem:$0x3FB6]  }
0x3d: {  	_ =	shalt  }
0x3e: {  	_ =	shalt  }
0x3f: {  	_ =	shalt  }
0x40: {  	_ =	shalt  }
0x41: {  	_ =	shalt  }
0x42: {  	_ =	shalt  }
0x43: {  	_ =	shalt  }
0x44: {  	_ =	shalt  }
0x45: {  	_ =	shalt  }
0x46: {  	_ =	shalt  }
0x47: {  	_ =	shalt  }
0x48: {  	_ =	shalt  }
0x49: {  	_ =	shalt  }
0x4a: {  	_ =	shalt  }
0x4b: {  	_ =	shalt  }
0x4c: {  	_ =	shalt  }
0x4d: {  	_ =	shalt  }
0x4e: {  	_ =	shalt  }
0x4f: {  	_ =	shalt  }
0x50: {  	_ =	shalt  }
0x51: {  	_ =	shalt  }
0x52: {  	_ =	shalt  }
0x53: {  	_ =	shalt  }
0x54: {  	_ =	shalt  }
0x55: {  	_ =	shalt  }
0x56: {  	_ =	shalt  }
0x57: {  	_ =	shalt  }
0x58: {  	_ =	shalt  }
0x59: {  	_ =	shalt  }
0x5a: {  	_ =	shalt  }
0x5b: {  	_ =	shalt  }
0x5c: {  	_ =	shalt  }
0x5d: {  	_ =	shalt  }
0x5e: {  	_ =	shalt  }
0x5f: {  	_ =	shalt  }
0x60: {  	_ =	shalt  }
0x61: {  	_ =	shalt  }
0x62: {  	_ =	shalt  }
0x63: {  	_ =	shalt  }
0x64: {  	_ =	shalt  }
0x65: {  	_ =	shalt  }
0x66: {  	_ =	shalt  }
0x67: {  	_ =	shalt  }
0x68: {  	_ =	shalt  }
0x69: {  	_ =	shalt  }
0x6a: {  	_ =	shalt  }
0x6b: {  	_ =	shalt  }
0x6c: {  	_ =	shalt  }
0x6d: {  	_ =	shalt  }
0x6e: {  	_ =	shalt  }
0x6f: {  	_ =	shalt  }
0x70: {  	_ =	shalt  }
0x71: {  	_ =	shalt  }
0x72: {  	_ =	shalt  }
0x73: {  	_ =	shalt  }
0x74: {  	_ =	shalt  }
0x75: {  	_ =	shalt  }
0x76: {  	_ =	shalt  }
0x77: {  	_ =	shalt  }
0x78: {  	_ =	shalt  }
0x79: {  	_ =	shalt  }
0x7a: {  	_ =	shalt  }
0x7b: {  	_ =	shalt  }
0x7c: {  	_ =	shalt  }
0x7d: {  	_ =	shalt  }
0x7e: {  	_ =	shalt  }
0x7f: {  	_ =	shalt  }
0x80: {  	_ =	shalt  }
0x81: {  	_ =	shalt  }
0x82: {  	_ =	shalt  }
0x83: {  	_ =	shalt  }
0x84: {  	_ =	shalt  }
0x85: {  	_ =	shalt  }
0x86: {  	_ =	shalt  }
0x87: {  	_ =	shalt  }
.Lfunc_end0:
.L_simem_size_0:
called_computation.1_lowered:
.L_overlay_start_0:
0x88: {  	s2 =	sld [smem:$0x3FD9]  }
0x89: {  	s3 =	sld [smem:$0x3FFE];
	_ =	sdelay $0x1  }
0x8a: {  	s1 =	srdreg.scid  }
0x8b: {  	s0 =	sand.u32 $0x1, s1  }
0x8c: {  	s16 =	sshll.u32 s0, $0xA;
	s2 =	sadd.s32 s3, s2  }
0x8d: {  	s2 =	sadd.s32 s2, s16  }
0x8e: {  	[smem:$0x3FC2] =	sst s2  }
0x8f: {  	_ = 	snop  }
0x90: {  	(tm) =	ssettm $0x1  }
0x91: {  	s17 =	sld [smem:$0x3FFB];
	_ =	sdelay $0x3  }
0x92: {  	_ =	strace s17  }
0x93: {  	s2 =	sld [smem:$0x3FFC];
	_ =	sdelay $0x3  }
0x94: {  	_ =	strace s2  }
0x95: {  	s2 =	sld [smem:$0x3FFD];
	_ =	sdelay $0x3  }
0x96: {  	_ =	strace s2  }
0x97: {  	_ =	strace $0x8FFFFFFF  }
0x98: {  	s18 =	sld [smem:$0x3FDB];
	_ =	sdelay $0x1  }
0x99: {  	s19 =	simm.s32 $_scs_section_size  }
0x9a: {  	s4 =	simm.s32 $_size__tile_overlayer_lowered;
	s5 =	simm.s32 $_tile_overlayer_lowered  }
0x9b: {  	s22 =	simm.s32 $0x1BFF;
	s21 =	sshll.u32 s5, $0x1;
	s2 =	sadd.s32 s19, s18  }
0x9c: {  	s6 =	simm.s32 $0x0;
	s20 =	sshll.u32 s4, $0x1;
	s4 =	sadd.s32 s21, s2  }
0x9d: {  	[timem:s6], [sflag:s22] =	dma.local [hbm:s4], s20  }
0x9e: {  	_ =	swait.ge [sflag:s22], s20  }
0x9f: {  	s3 =	ssub.s32 $0x0, s20;
	[sflag:s22] =	ssyncset.done $0x0  }
0xa0: {  	[sflag:s22] =	ssyncadd.s32 s3;
	_ =	sdelay $0x1  }
0xa1: {  	s23 =	simm.s32 $0x1B8B  }
0xa2: {  	_ =	swait.ge [sflag:s23], $0x1  }
0xa3: {  	[sflag:s23] =	ssyncset.done $0x0  }
0xa4: {  	s25 =	simm.s32 $0x1B8E;
	s24 =	sld [smem:$0x3FFE];
	[sflag:s23] =	ssyncadd.s32 $0xFFFFFFFF  }
0xa5: {  	s26 =	simm.s32 $execute0_lowered;
	[smem:$0x3FD2] =	sst s25  }
0xa6: {  	s4 =	sshll.u32 s26, $0x1;
	_ =	strace $0x80000049;
	[dreg:$0x1] =	wrdreg $0xFFFFFFFF  }
0xa7: {  	s28 =	simm.s32 $_size_execute0_lowered;
	s2 =	sadd.s32 s2, s4;
	[dreg:$0x0] =	wrdreg $0x0  }
0xa8: {  	s4 =	sshll.u32 s28, $0x1;
	[dreg:$0x2] =	wrdreg s2  }
0xa9: {  	[dreg:$0x3] =	wrdreg s4  }
0xaa: {  	[dreg:$0x4] =	wrdreg $0xC0  }
0xab: {  	_ =	task [dreg:s6], $0x5FFFF  }
0xac: {  	[dreg:$0x1] =	wrdreg $0xFFFFFFFF  }
0xad: {  	[dreg:$0x0] =	wrdreg $0x60  }
0xae: {  	[dreg:$0x2] =	wrdreg s24  }
0xaf: {  	[dreg:$0x3] =	wrdreg $0xA8000  }
0xb0: {  	[dreg:$0x4] =	wrdreg $0x9  }
0xb1: {  	_ =	task.clear_ibuf [dreg:s6], $0x5FFFF;
	_ =	strace $0x90000049  }
0xb2: {  	s29 =	simm.s32 $0x9;
	_ =	strace $0x8000004B  }
0xb3: {  	_ =	swait.ge [sflag:s29], $0x1  }
0xb4: {  	[sflag:s29] =	ssyncadd.s32 $0xFFFFFFFF  }
0xb5: {  	_ =	strace $0x9000004B  }
0xb6: {  	_ =	sfence  }
0xb7: {  	s30 =	sld [smem:$0x0];
	_ =	sdelay $0x2  }
0xb8: {  	s31 =	sshll.u32 s1, $0xD;
	s1 =	sshrl.u32 s1, $0x2  }
0xb9: {  	s3 =	sand.u32 $0x4000, s31;
	s1 =	sadd.s32 s1, s30  }
0xba: {  	s0 =	sor.u32 s3, s0;
	s1 =	sshll.u32 s1, $0x11  }
0xbb: {  	s0 =	sor.u32 s1, s0  }
0xbc: {  	s0 =	sadd.s32 $0x8F2B, s0  }
0xbd: {  	[sflag:s0] =	ssyncadd.remote.s32 $0x1  }
0xbe: {  	_ =	sfence.sel $0xFFFF  }
0xbf: {  	[dreg:$0x0] =	wrdreg $0xFFFFFFFF;
	(pc) =	sbr.abs _section_cstart, $3  }
0xc0: {  	[dreg:$0x1] =	wrdreg $0xFFFFFFFF  }
0xc1: {  	_ =	task.clear_ibuf [dreg:s6], $0x2FFFF;
	_ =	strace $0x9FFFFFFF  }
0xc2: {  	(tm) =	ssettm $0x7FFFFFFF  }
0xc3: {  	_ =	shalt  }
tec
execute0_lowered:
.L_overlay_start_1:
0x0: {  	(tag) =	ssettag $0x1  }
0x1: {  	s6 =	rddreg [dreg:$0x0]  }
0x2: {  	s2 =	rddreg [dreg:$0x1];
	s3 =	simm.s32 $0x0  }
0x3: {  	s19 =	simm.s32 $0x100;
	[smem:$0x7FF] =	sst s3  }
0x4: {  	s20 =	simm.s32 $0x180;
	_ =	strace $0x8000004A;
	[dreg:$0x4] =	wrdreg s19  }
0x5: {  	s21 =	simm.s32 $0x880;
	[dreg:$0x5] =	wrdreg s20  }
0x6: {  	s22 =	simm.s32 $0x900;
	[dreg:$0x6] =	wrdreg s21  }
0x7: {  	s23 =	simm.s32 $0x980;
	[dreg:$0x7] =	wrdreg s22  }
0x8: {  	s24 =	simm.s32 $0x200;
	[dreg:$0x8] =	wrdreg s23  }
0x9: {  	s25 =	simm.s32 $0x280;
	[dreg:$0x9] =	wrdreg s24  }
0xa: {  	s26 =	simm.s32 $0x300;
	[dreg:$0xa] =	wrdreg s25  }
0xb: {  	s5 =	simm.s32 $0x380;
	[dreg:$0xb] =	wrdreg s26  }
0xc: {  	s7 =	simm.s32 $0xA00;
	[dreg:$0xc] =	wrdreg s5  }
0xd: {  	s8 =	simm.s32 $0xA80;
	[dreg:$0xd] =	wrdreg s7  }
0xe: {  	s9 =	simm.s32 $0xB00;
	[dreg:$0xe] =	wrdreg s8  }
0xf: {  	s11 =	simm.s32 $0xB80;
	[dreg:$0xf] =	wrdreg s9  }
0x10: {  	s12 =	simm.s32 $0x400;
	[dreg:$0x10] =	wrdreg s11  }
0x11: {  	s13 =	simm.s32 $0x480;
	[dreg:$0x11] =	wrdreg s12  }
0x12: {  	s14 =	simm.s32 $0x500;
	[dreg:$0x12] =	wrdreg s13  }
0x13: {  	s15 =	simm.s32 $0x580;
	[dreg:$0x13] =	wrdreg s14  }
0x14: {  	s16 =	simm.s32 $0xC00;
	[dreg:$0x14] =	wrdreg s15  }
0x15: {  	s17 =	simm.s32 $0xC80;
	[dreg:$0x15] =	wrdreg s16  }
0x16: {  	s18 =	simm.s32 $0xD00;
	[dreg:$0x16] =	wrdreg s17  }
0x17: {  	[dreg:$0x17] =	wrdreg s18;
	s19 =	simm.s32 $0xD80  }
0x18: {  	s20 =	simm.s32 $0x600;
	[dreg:$0x18] =	wrdreg s19  }
0x19: {  	s21 =	simm.s32 $0x680;
	[dreg:$0x19] =	wrdreg s20  }
0x1a: {  	s22 =	simm.s32 $0x700;
	[dreg:$0x1a] =	wrdreg s21  }
0x1b: {  	s0 =	srdreg.scid;
	s5 =	simm.s32 $0x780;
	[dreg:$0x1b] =	wrdreg s22  }
0x1c: {  	s10 =	stileid.u32;
	s23 =	simm.s32 $0xE00;
	[dreg:$0x1c] =	wrdreg s5  }
0x1d: {  	s28 =	simm.s32 $0x6;
	s24 =	simm.s32 $0xE80;
	[dreg:$0x1d] =	wrdreg s23  }
0x1e: {  	s29 =	simm.s32 $0x7;
	s9 =	simm.s32 $0xF00;
	[dreg:$0x1e] =	wrdreg s24  }
0x1f: {  	s30 =	simm.s32 $0x8;
	s25 =	simm.s32 $0xF80;
	[dreg:$0x1f] =	wrdreg s9  }
0x20: {  	s31 =	simm.s32 $0x9;
	s26 =	simm.s32 $0x1080;
	[smem:$0x7DA] =	sst s25  }
0x21: {  	s0 =	sand.u32 $0x1, s0;
	s11 =	simm.s32 $0x1180;
	[smem:$0x7DB] =	sst s26  }
0x22: {  	s1 =	sshll.u32 s0, $0x4;
	s13 =	simm.s32 $0x1880;
	[smem:$0x7DD] =	sst s11  }
0x23: {  	s7 =	smul.u32 $0x140000, s0;
	s15 =	simm.s32 $0x1900;
	[smem:$0x7DE] =	sst s13  }
0x24: {  	s8 =	smul.u32 $0x14000, s10;
	s16 =	simm.s32 $0x1980;
	[smem:$0x7DF] =	sst s15  }
0x25: {  	s12 =	ssub.s32 $0x2, s0;
	s17 =	simm.s32 $0x1200;
	[smem:$0x7E0] =	sst s16  }
0x26: {  	s0 =	smul.u32 $0xA000, s0;
	s9 =	simm.s32 $0x1100;
	[smem:$0x7E1] =	sst s17  }
0x27: {  	s1 =	sor.u32 s10, s1;
	s19 =	simm.s32 $0x1280;
	[smem:$0x7DC] =	sst s9  }
0x28: {  	s5 =	sadd.s32 $0x16800, s6;
	s21 =	simm.s32 $0x1300;
	[smem:$0x7E2] =	sst s19  }
0x29: {  	s14 =	sshrl.u32 s12, $0x1;
	s22 =	simm.s32 $0x1380;
	[smem:$0x7E5] =	sst s21  }
0x2a: {  	s20 =	smul.u32 $0x50000, s10;
	s23 =	simm.s32 $0x1A00;
	[smem:$0x7E6] =	sst s22  }
0x2b: {  	s24 =	simm.s32 $0x1A80;
	s25 =	simm.s32 $0x1B00;
	[smem:$0x7E7] =	sst s23  }
0x2c: {  	s11 =	smul.u32 $0xA00, s10;
	s13 =	simm.s32 $0x1500;
	[smem:$0x7E9] =	sst s24  }
0x2d: {  	s15 =	simm.s32 $0x1C00;
	s16 =	simm.s32 $0x1C80;
	[smem:$0x7EB] =	sst s25  }
0x2e: {  	s17 =	simm.s32 $0x1D00;
	s1 =	smul.u32 $0x5000, s1;
	[smem:$0x7EF] =	sst s13  }
0x2f: {  	s7 =	sadd.s32 s8, s7;
	s9 =	ssub.s32 s12, s14;
	[smem:$0x7F2] =	sst s15  }
0x30: {  	s12 =	simm.s32 $0x1480;
	s0 =	sadd.s32 s0, s5;
	[smem:$0x7F3] =	sst s16  }
0x31: {  	s14 =	simm.s32 $0x1580;
	[smem:$0x7F4] =	sst s17;
	s15 =	simm.s32 $0x1  }
0x32: {  	s19 =	simm.s32 $0x1600;
	s16 =	simm.s32 $0x40;
	s17 =	simm.s32 $0x2000  }
0x33: {  	s21 =	simm.s32 $0x1700;
	s22 =	simm.s32 $0x1780;
	[smem:$0x7EE] =	sst s12  }
0x34: {  	s23 =	simm.s32 $0x1E00;
	s24 =	simm.s32 $0x1E80;
	[smem:$0x7F1] =	sst s14  }
0x35: {  	s25 =	simm.s32 $0x1F00;
	s7 =	sshrl.u32 s7, $0x3;
	[smem:$0x7F6] =	sst s19  }
0x36: {  	s26 =	smax.u32 s9, $0x1;
	s9 =	simm.s32 $0x1400;
	[smem:$0x7F8] =	sst s21  }
0x37: {  	s0 =	sadd.s32 s11, s0;
	s12 =	simm.s32 $0x800;
	[smem:$0x7F9] =	sst s22  }
0x38: {  	s14 =	simm.s32 $0xB;
	s19 =	simm.s32 $0x4000;
	[smem:$0x7FA] =	sst s23  }
0x39: {  	s21 =	simm.s32 $0x1800;
	[smem:$0x7FB] =	sst s24;
	s22 =	simm.s32 $0x6000  }
0x3a: {  	[smem:$0x7FC] =	sst s25;
	s23 =	simm.s32 $0x8000;
	s24 =	simm.s32 $0x3  }
0x3b: {  	s25 =	simm.s32 $0x4;
	s4 =	sadd.s32 $0x1000, s1;
	[smem:$0x7EA] =	sst s26  }
0x3c: {  	s1 =	sshrl.u32 s1, $0x3;
	[smem:$0x7ED] =	sst s9;
	s0 =	sadd.s32 $0x14100, s0  }
0x3d: {  	s26 =	simm.s32 $0x1F80;
	s9 =	simm.s32 $0x0;
	[dreg:$0x3] =	wrdreg s4  }
0x3e: {  	s4 =	sadd.s32 $0x3E800, s6;
	s6 =	sadd.s32 s7, s6;
	[smem:$0x7F0] =	sst s0  }
0x3f: {  	s18 =	sadd.s32 s5, s1;
	s7 =	sshrl.u32 s20, $0x2;
	[smem:$0x7FD] =	sst s26  }
0x40: {  	s20 =	simm.s32 $0x1680;
	s26 =	simm.s32 $0x5;
	[smem:$0x7E3] =	sst s18  }
0x41: {  	s1 =	simm.s32 $0xA;
	s8 =	sadd.s32 $0x14000, s18;
	[smem:$0x7F7] =	sst s20  }
0x42: {  	s0 =	simm.s32 $0x2;
	s6 =	sadd.s32 $0x66800, s6;
	[smem:$0x7E4] =	sst s8  }
0x43: {  	s18 =	simm.s32 $0x1D80;
	s20 =	simm.s32 $0x1000;
	[smem:$0x7E8] =	sst s6  }
0x44: {  	s8 =	sadd.s32 s7, s2;
	s7 =	simm.s32 $0x1B80;
	[smem:$0x7F5] =	sst s18  }
0x45: {  	v0 =	vimm.f32 $0.0e+00;
	s18 =	simm.s32 $0x80;
	[smem:$0x7EC] =	sst s7;
	s7 =	simm.s32 $0xA000  }
.LBB2_1:
0x46: {  	s6 =	sld [smem:$0x7E3];
	_ =	sdelay $0x1  }
0x47: {  	s13 =	sld [smem:$0x7E4]  }
0x48: {  	[tilespmem:s3], [sflag:$0x1] =	stream.linear.gather [hbm4b:s6+s3], $0x800, $0x38;
	[tilespmem:$0x1E800] =	vst v63  }
0x49: {  	[smem:$0x7D9] =	sst s9;
	s9 =	simm.s32 $0x0;
	s6 =	simm.s32 $0x0  }
0x4a: {  	[tilespmem:s12], [sflag:$0x1] =	stream.linear.gather [hbm4b:s13+s3], $0x800, $0x38;
	[tilespmem:$0x1E800] =	vst v63  }
.LBB2_2:
0x4b: {  	p0 =	sne.s32 s9, $0x1FC0  }
.Ltmp0:
0x4c: {  	_ = 	snop;
	(pc) =	sbr.rel @p0 .LBB2_2-.Ltmp0, $4  }
0x4d: {  	s10 =	sand.u32 $0x1E00, s9  }
0x4e: {  	s11 =	sand.u32 $0x70, s6;
	s10 =	sshrl.u32 s10, $0x2  }
0x4f: {  	s10 =	sor.u32 s11, s10  }
0x50: {  	s6 =	sadd.s32 $0x10, s6;
	s9 =	sadd.s32 $0x40, s9;
	[tilespmem:s10+$0xA000] =	vst v0  }
0x51: {  	s6 =	sadd.s32 $0x0, s8  }
0x52: {  	[spmem:s6] =	stream.linear.scatter [tilespmem:s7], [sflag:$0xB], $0x800, $0x38;
	[tilespmem:$0x1E800] =	vst v63  }
0x53: {  	s6 =	simm.s32 $0x2000;
	_ =	swait.ge [sflag:s14], $0x800  }
.LBB2_4:
0x54: {  	s9 =	sshra.s32 s6, $0x2;
	[sflag:s14] =	ssyncset.done $0x0;
	p0 =	sne.s32 s6, $0x4E000  }
.Ltmp1:
0x55: {  	s9 =	sadd.s32 s9, s8;
	[sflag:s14] =	ssyncadd.s32 $0xFFFFF800;
	(pc) =	sbr.rel @p0 .LBB2_4-.Ltmp1, $3  }
0x56: {  	[spmem:s9] =	stream.linear.scatter [tilespmem:s7], [sflag:$0xB], $0x800, $0x38;
	[tilespmem:$0x1E800] =	vst v63  }
0x57: {  	s6 =	sadd.s32 $0x2000, s6;
	_ =	sdelay $0x1  }
0x58: {  	_ =	swait.ge [sflag:s14], $0x800  }
0x59: {  	[sflag:s14] =	ssyncset.done $0x0  }
0x5a: {  	[sflag:s14] =	ssyncadd.s32 $0xFFFFF800  }
0x5b: {  	[bflag:$0x0] =	sbarrier.arrive $0xFFFF  }
0x5c: {  	_ =	swait.ge [sflag:s15], $0x800  }
0x5d: {  	[sflag:s15] =	ssyncset.done $0x0  }
0x5e: {  	[sflag:s15] =	ssyncadd.s32 $0xFFFFF800  }
0x5f: {  	_ =	swait.ge [sflag:s15], $0x800  }
0x60: {  	[sflag:s15] =	ssyncset.done $0x0  }
0x61: {  	s6 =	simm.s32 $0x0;
	s7 =	sld [smem:$0x7F0];
	[sflag:s15] =	ssyncadd.s32 $0xFFFFF800  }
0x62: {  	[tilespmem:s17], [sflag:$0x3] =	stream.indirect.gather [hbm4b:s4+s16], $0x80, s6, s16, $0xb8;
	[tilespmem:$0x1E800] =	vst v63  }
0x63: {  	_ = 	snop  }
0x64: {  	[tilespmem:s19], [sflag:$0x4] =	stream.indirect.gather [hbm4b:s4+s16], $0x80, s18, s16, $0xb8;
	[tilespmem:$0x1E800] =	vst v63  }
0x65: {  	s9 =	sadd.s32 $0xFFFEC000, s7  }
0x66: {  	[tilespmem:s20], [sflag:$0x2] =	stream.linear.gather [hbm4b:s9+s3], $0x800, $0x38;
	[tilespmem:$0x1E800] =	vst v63  }
0x67: {  	_ = 	snop  }
0x68: {  	[tilespmem:s21], [sflag:$0x2] =	stream.linear.gather [hbm4b:s7+s3], $0x800, $0x38;
	[tilespmem:$0x1E800] =	vst v63  }
0x69: {  	s13 =	rddreg [dreg:$0x4]  }
0x6a: {  	[tilespmem:s22], [sflag:$0x5] =	stream.indirect.gather [hbm4b:s4+s16], $0x80, s13, s16, $0xb8;
	[tilespmem:$0x1E800] =	vst v63  }
0x6b: {  	s10 =	rddreg [dreg:$0x5]  }
0x6c: {  	[tilespmem:s23], [sflag:$0x6] =	stream.indirect.gather [hbm4b:s4+s16], $0x80, s10, s16, $0xb8;
	[tilespmem:$0x1E800] =	vst v63  }
0x6d: {  	_ =	swait.ge [sflag:s24], $0x2000  }
0x6e: {  	[sflag:s24] =	ssyncset.done $0x0  }
0x6f: {  	[sflag:s24] =	ssyncadd.s32 $0xFFFFE000  }
0x70: {  	[spmem:s2] =	stream.indirect.scatter.add.f32 [tilespmem:s17], [sflag:$0x7], $0x80, s12, s16, $0xb8;
	[tilespmem:$0x1E800] =	vst v63  }
0x71: {  	_ =	swait.ge [sflag:s25], $0x2000  }
0x72: {  	[sflag:s25] =	ssyncset.done $0x0  }
0x73: {  	s11 =	rddreg [dreg:$0x6];
	[sflag:s25] =	ssyncadd.s32 $0xFFFFE000  }
0x74: {  	[spmem:s2] =	stream.indirect.scatter.add.f32 [tilespmem:s19], [sflag:$0x8], $0x80, s11, s16, $0xb8;
	[tilespmem:$0x1E800] =	vst v63  }
0x75: {  	_ =	swait.ge [sflag:s26], $0x2000  }
0x76: {  	[sflag:s26] =	ssyncset.done $0x0  }
0x77: {  	s13 =	rddreg [dreg:$0x7];
	[sflag:s26] =	ssyncadd.s32 $0xFFFFE000  }
0x78: {  	[spmem:s2] =	stream.indirect.scatter.add.f32 [tilespmem:s22], [sflag:$0x9], $0x80, s13, s16, $0xb8;
	[tilespmem:$0x1E800] =	vst v63  }
0x79: {  	_ =	swait.ge [sflag:s28], $0x2000  }
0x7a: {  	[sflag:s28] =	ssyncset.done $0x0  }
0x7b: {  	s10 =	rddreg [dreg:$0x8];
	[sflag:s28] =	ssyncadd.s32 $0xFFFFE000  }
0x7c: {  	[spmem:s2] =	stream.indirect.scatter.add.f32 [tilespmem:s23], [sflag:$0xA], $0x80, s10, s16, $0xb8;
	[tilespmem:$0x1E800] =	vst v63  }
0x7d: {  	_ =	swait.ge [sflag:s29], $0x2000  }
0x7e: {  	[sflag:s29] =	ssyncset.done $0x0  }
0x7f: {  	[sflag:s29] =	ssyncadd.s32 $0xFFFFE000  }
0x80: {  	_ =	swait.ge [sflag:s30], $0x2000  }
0x81: {  	[sflag:s30] =	ssyncset.done $0x0  }
0x82: {  	s11 =	rddreg [dreg:$0x9];
	[sflag:s30] =	ssyncadd.s32 $0xFFFFE000  }
0x83: {  	[tilespmem:s17], [sflag:$0x3] =	stream.indirect.gather [hbm4b:s4+s16], $0x80, s11, s16, $0xb8;
	[tilespmem:$0x1E800] =	vst v63  }
0x84: {  	s13 =	rddreg [dreg:$0xa]  }
0x85: {  	[tilespmem:s19], [sflag:$0x4] =	stream.indirect.gather [hbm4b:s4+s16], $0x80, s13, s16, $0xb8;
	[tilespmem:$0x1E800] =	vst v63  }
0x86: {  	_ =	swait.ge [sflag:s31], $0x2000  }
0x87: {  	[sflag:s31] =	ssyncset.done $0x0  }
0x88: {  	[sflag:s31] =	ssyncadd.s32 $0xFFFFE000  }
0x89: {  	_ =	swait.ge [sflag:s1], $0x2000  }
0x8a: {  	[sflag:s1] =	ssyncset.done $0x0  }
0x8b: {  	s11 =	rddreg [dreg:$0xb];
	[sflag:s1] =	ssyncadd.s32 $0xFFFFE000  }
0x8c: {  	[tilespmem:s22], [sflag:$0x5] =	stream.indirect.gather [hbm4b:s4+s16], $0x80, s11, s16, $0xb8;
	[tilespmem:$0x1E800] =	vst v63  }
0x8d: {  	s13 =	rddreg [dreg:$0xc]  }
0x8e: {  	[tilespmem:s23], [sflag:$0x6] =	stream.indirect.gather [hbm4b:s4+s16], $0x80, s13, s16, $0xb8;
	[tilespmem:$0x1E800] =	vst v63  }
0x8f: {  	_ =	swait.ge [sflag:s24], $0x2000  }
0x90: {  	[sflag:s24] =	ssyncset.done $0x0  }
0x91: {  	s10 =	rddreg [dreg:$0xd];
	[sflag:s24] =	ssyncadd.s32 $0xFFFFE000  }
0x92: {  	[spmem:s2] =	stream.indirect.scatter.add.f32 [tilespmem:s17], [sflag:$0x7], $0x80, s10, s16, $0xb8;
	[tilespmem:$0x1E800] =	vst v63  }
0x93: {  	_ =	swait.ge [sflag:s25], $0x2000  }
0x94: {  	[sflag:s25] =	ssyncset.done $0x0  }
0x95: {  	s11 =	rddreg [dreg:$0xe];
	[sflag:s25] =	ssyncadd.s32 $0xFFFFE000  }
0x96: {  	[spmem:s2] =	stream.indirect.scatter.add.f32 [tilespmem:s19], [sflag:$0x8], $0x80, s11, s16, $0xb8;
	[tilespmem:$0x1E800] =	vst v63  }
0x97: {  	_ =	swait.ge [sflag:s26], $0x2000  }
0x98: {  	[sflag:s26] =	ssyncset.done $0x0  }
0x99: {  	s13 =	rddreg [dreg:$0xf];
	[sflag:s26] =	ssyncadd.s32 $0xFFFFE000  }
0x9a: {  	[spmem:s2] =	stream.indirect.scatter.add.f32 [tilespmem:s22], [sflag:$0x9], $0x80, s13, s16, $0xb8;
	[tilespmem:$0x1E800] =	vst v63  }
0x9b: {  	_ =	swait.ge [sflag:s28], $0x2000  }
0x9c: {  	[sflag:s28] =	ssyncset.done $0x0  }
0x9d: {  	s10 =	rddreg [dreg:$0x10];
	[sflag:s28] =	ssyncadd.s32 $0xFFFFE000  }
0x9e: {  	[spmem:s2] =	stream.indirect.scatter.add.f32 [tilespmem:s23], [sflag:$0xA], $0x80, s10, s16, $0xb8;
	[tilespmem:$0x1E800] =	vst v63  }
0x9f: {  	_ =	swait.ge [sflag:s29], $0x2000  }
0xa0: {  	[sflag:s29] =	ssyncset.done $0x0  }
0xa1: {  	[sflag:s29] =	ssyncadd.s32 $0xFFFFE000  }
0xa2: {  	_ =	swait.ge [sflag:s30], $0x2000  }
0xa3: {  	[sflag:s30] =	ssyncset.done $0x0  }
0xa4: {  	s11 =	rddreg [dreg:$0x11];
	[sflag:s30] =	ssyncadd.s32 $0xFFFFE000  }
0xa5: {  	[tilespmem:s17], [sflag:$0x3] =	stream.indirect.gather [hbm4b:s4+s16], $0x80, s11, s16, $0xb8;
	[tilespmem:$0x1E800] =	vst v63  }
0xa6: {  	s13 =	rddreg [dreg:$0x12]  }
0xa7: {  	[tilespmem:s19], [sflag:$0x4] =	stream.indirect.gather [hbm4b:s4+s16], $0x80, s13, s16, $0xb8;
	[tilespmem:$0x1E800] =	vst v63  }
0xa8: {  	_ =	swait.ge [sflag:s31], $0x2000  }
0xa9: {  	[sflag:s31] =	ssyncset.done $0x0  }
0xaa: {  	[sflag:s31] =	ssyncadd.s32 $0xFFFFE000  }
0xab: {  	_ =	swait.ge [sflag:s1], $0x2000  }
0xac: {  	[sflag:s1] =	ssyncset.done $0x0  }
0xad: {  	s11 =	rddreg [dreg:$0x13];
	[sflag:s1] =	ssyncadd.s32 $0xFFFFE000  }
0xae: {  	[tilespmem:s22], [sflag:$0x5] =	stream.indirect.gather [hbm4b:s4+s16], $0x80, s11, s16, $0xb8;
	[tilespmem:$0x1E800] =	vst v63  }
0xaf: {  	s13 =	rddreg [dreg:$0x14]  }
0xb0: {  	[tilespmem:s23], [sflag:$0x6] =	stream.indirect.gather [hbm4b:s4+s16], $0x80, s13, s16, $0xb8;
	[tilespmem:$0x1E800] =	vst v63  }
0xb1: {  	_ =	swait.ge [sflag:s24], $0x2000  }
0xb2: {  	[sflag:s24] =	ssyncset.done $0x0  }
0xb3: {  	s10 =	rddreg [dreg:$0x15];
	[sflag:s24] =	ssyncadd.s32 $0xFFFFE000  }
0xb4: {  	[spmem:s2] =	stream.indirect.scatter.add.f32 [tilespmem:s17], [sflag:$0x7], $0x80, s10, s16, $0xb8;
	[tilespmem:$0x1E800] =	vst v63  }
0xb5: {  	_ =	swait.ge [sflag:s25], $0x2000  }
0xb6: {  	[sflag:s25] =	ssyncset.done $0x0  }
0xb7: {  	s11 =	rddreg [dreg:$0x16];
	[sflag:s25] =	ssyncadd.s32 $0xFFFFE000  }
0xb8: {  	[spmem:s2] =	stream.indirect.scatter.add.f32 [tilespmem:s19], [sflag:$0x8], $0x80, s11, s16, $0xb8;
	[tilespmem:$0x1E800] =	vst v63  }
0xb9: {  	_ =	swait.ge [sflag:s26], $0x2000  }
0xba: {  	[sflag:s26] =	ssyncset.done $0x0  }
0xbb: {  	s13 =	rddreg [dreg:$0x17];
	[sflag:s26] =	ssyncadd.s32 $0xFFFFE000  }
0xbc: {  	[spmem:s2] =	stream.indirect.scatter.add.f32 [tilespmem:s22], [sflag:$0x9], $0x80, s13, s16, $0xb8;
	[tilespmem:$0x1E800] =	vst v63  }
0xbd: {  	_ =	swait.ge [sflag:s28], $0x2000  }
0xbe: {  	[sflag:s28] =	ssyncset.done $0x0  }
0xbf: {  	s10 =	rddreg [dreg:$0x18];
	[sflag:s28] =	ssyncadd.s32 $0xFFFFE000  }
0xc0: {  	[spmem:s2] =	stream.indirect.scatter.add.f32 [tilespmem:s23], [sflag:$0xA], $0x80, s10, s16, $0xb8;
	[tilespmem:$0x1E800] =	vst v63  }
0xc1: {  	_ =	swait.ge [sflag:s29], $0x2000  }
0xc2: {  	[sflag:s29] =	ssyncset.done $0x0  }
0xc3: {  	[sflag:s29] =	ssyncadd.s32 $0xFFFFE000  }
0xc4: {  	_ =	swait.ge [sflag:s30], $0x2000  }
0xc5: {  	[sflag:s30] =	ssyncset.done $0x0  }
0xc6: {  	s11 =	rddreg [dreg:$0x19];
	[sflag:s30] =	ssyncadd.s32 $0xFFFFE000  }
0xc7: {  	[tilespmem:s17], [sflag:$0x3] =	stream.indirect.gather [hbm4b:s4+s16], $0x80, s11, s16, $0xb8;
	[tilespmem:$0x1E800] =	vst v63  }
0xc8: {  	s13 =	rddreg [dreg:$0x1a]  }
0xc9: {  	[tilespmem:s19], [sflag:$0x4] =	stream.indirect.gather [hbm4b:s4+s16], $0x80, s13, s16, $0xb8;
	[tilespmem:$0x1E800] =	vst v63  }
0xca: {  	_ =	swait.ge [sflag:s31], $0x2000  }
0xcb: {  	[sflag:s31] =	ssyncset.done $0x0  }
0xcc: {  	[sflag:s31] =	ssyncadd.s32 $0xFFFFE000  }
0xcd: {  	_ =	swait.ge [sflag:s1], $0x2000  }
0xce: {  	[sflag:s1] =	ssyncset.done $0x0  }
0xcf: {  	s11 =	rddreg [dreg:$0x1b];
	[sflag:s1] =	ssyncadd.s32 $0xFFFFE000  }
0xd0: {  	[tilespmem:s22], [sflag:$0x5] =	stream.indirect.gather [hbm4b:s4+s16], $0x80, s11, s16, $0xb8;
	[tilespmem:$0x1E800] =	vst v63  }
0xd1: {  	s13 =	rddreg [dreg:$0x1c]  }
0xd2: {  	[tilespmem:s23], [sflag:$0x6] =	stream.indirect.gather [hbm4b:s4+s16], $0x80, s13, s16, $0xb8;
	[tilespmem:$0x1E800] =	vst v63  }
0xd3: {  	_ =	swait.ge [sflag:s24], $0x2000  }
0xd4: {  	[sflag:s24] =	ssyncset.done $0x0  }
0xd5: {  	s11 =	rddreg [dreg:$0x1d];
	[sflag:s24] =	ssyncadd.s32 $0xFFFFE000  }
0xd6: {  	[spmem:s2] =	stream.indirect.scatter.add.f32 [tilespmem:s17], [sflag:$0x7], $0x80, s11, s16, $0xb8;
	[tilespmem:$0x1E800] =	vst v63  }
0xd7: {  	_ =	swait.ge [sflag:s25], $0x2000  }
0xd8: {  	[sflag:s25] =	ssyncset.done $0x0  }
0xd9: {  	s13 =	rddreg [dreg:$0x1e];
	[sflag:s25] =	ssyncadd.s32 $0xFFFFE000  }
0xda: {  	[spmem:s2] =	stream.indirect.scatter.add.f32 [tilespmem:s19], [sflag:$0x8], $0x80, s13, s16, $0xb8;
	[tilespmem:$0x1E800] =	vst v63  }
0xdb: {  	_ =	swait.ge [sflag:s26], $0x2000  }
0xdc: {  	[sflag:s26] =	ssyncset.done $0x0  }
0xdd: {  	s10 =	rddreg [dreg:$0x1f];
	[sflag:s26] =	ssyncadd.s32 $0xFFFFE000  }
0xde: {  	[spmem:s2] =	stream.indirect.scatter.add.f32 [tilespmem:s22], [sflag:$0x9], $0x80, s10, s16, $0xb8;
	[tilespmem:$0x1E800] =	vst v63  }
0xdf: {  	_ =	swait.ge [sflag:s28], $0x2000  }
0xe0: {  	s11 =	sld [smem:$0x7DA]  }
0xe1: {  	[sflag:s28] =	ssyncset.done $0x0  }
0xe2: {  	[sflag:s28] =	ssyncadd.s32 $0xFFFFE000  }
0xe3: {  	[spmem:s2] =	stream.indirect.scatter.add.f32 [tilespmem:s23], [sflag:$0xA], $0x80, s11, s16, $0xb8;
	[tilespmem:$0x1E800] =	vst v63  }
0xe4: {  	_ =	swait.ge [sflag:s29], $0x2000  }
0xe5: {  	[sflag:s29] =	ssyncset.done $0x0  }
0xe6: {  	[sflag:s29] =	ssyncadd.s32 $0xFFFFE000  }
0xe7: {  	_ =	swait.ge [sflag:s30], $0x2000  }
0xe8: {  	[sflag:s30] =	ssyncset.done $0x0  }
0xe9: {  	[sflag:s30] =	ssyncadd.s32 $0xFFFFE000  }
0xea: {  	_ =	swait.ge [sflag:s0], $0x800  }
0xeb: {  	[sflag:s0] =	ssyncset.done $0x0  }
0xec: {  	[sflag:s0] =	ssyncadd.s32 $0xFFFFF800  }
0xed: {  	_ =	swait.ge [sflag:s0], $0x800  }
0xee: {  	[sflag:s0] =	ssyncset.done $0x0  }
0xef: {  	s13 =	sld [smem:$0x7DB];
	[sflag:s0] =	ssyncadd.s32 $0xFFFFF800  }
0xf0: {  	[tilespmem:s17], [sflag:$0x3] =	stream.indirect.gather [hbm4b:s4+s16], $0x80, s20, s16, $0xb8;
	[tilespmem:$0x1E800] =	vst v63  }
0xf1: {  	_ = 	snop  }
0xf2: {  	[tilespmem:s19], [sflag:$0x4] =	stream.indirect.gather [hbm4b:s4+s16], $0x80, s13, s16, $0xb8;
	[tilespmem:$0x1E800] =	vst v63  }
0xf3: {  	_ =	swait.ge [sflag:s31], $0x2000  }
0xf4: {  	[sflag:s31] =	ssyncset.done $0x0  }
0xf5: {  	p0 =	por $0x1, $0x1;
	[sflag:s31] =	ssyncadd.s32 $0xFFFFE000  }
0xf6: {  	s6 =	simm.s32 @!p0 $0x7;
	_ =	swait.ge [sflag:s1], $0x2000  }
0xf7: {  	s6 =	sshll.u32 s6, $0xB;
	s10 =	rddreg [dreg:$0x3]  }
0xf8: {  	s6 =	sadd.s32 s6, s10  }
0xf9: {  	[sflag:s1] =	ssyncset.done $0x0;
	s6 =	sshrl.u32 s6, $0x3  }
0xfa: {  	[sflag:s1] =	ssyncadd.s32 $0xFFFFE000;
	s6 =	sadd.s32 s5, s6  }
0xfb: {  	[tilespmem:s3], [sflag:$0x1] =	stream.linear.gather [hbm4b:s6+s3], $0x800, $0x38;
	[tilespmem:$0x1E800] =	vst v63  }
0xfc: {  	s11 =	sld [smem:$0x7DC];
	s6 =	sadd.s32 $0x14000, s6  }
0xfd: {  	[tilespmem:s12], [sflag:$0x1] =	stream.linear.gather [hbm4b:s6+s3], $0x800, $0x38;
	[tilespmem:$0x1E800] =	vst v63  }
0xfe: {  	s13 =	sld [smem:$0x7DD]  }
0xff: {  	[tilespmem:s22], [sflag:$0x5] =	stream.indirect.gather [hbm4b:s4+s16], $0x80, s11, s16, $0xb8;
	[tilespmem:$0x1E800] =	vst v63  }
0x100: {  	_ = 	snop  }
0x101: {  	[tilespmem:s23], [sflag:$0x6] =	stream.indirect.gather [hbm4b:s4+s16], $0x80, s13, s16, $0xb8;
	[tilespmem:$0x1E800] =	vst v63  }
0x102: {  	_ =	swait.ge [sflag:s24], $0x2000  }
0x103: {  	[sflag:s24] =	ssyncset.done $0x0  }
0x104: {  	[sflag:s24] =	ssyncadd.s32 $0xFFFFE000  }
0x105: {  	[spmem:s2] =	stream.indirect.scatter.add.f32 [tilespmem:s17], [sflag:$0x7], $0x80, s21, s16, $0xb8;
	[tilespmem:$0x1E800] =	vst v63  }
0x106: {  	_ =	swait.ge [sflag:s25], $0x2000  }
0x107: {  	s10 =	sld [smem:$0x7DE]  }
0x108: {  	[sflag:s25] =	ssyncset.done $0x0  }
0x109: {  	[sflag:s25] =	ssyncadd.s32 $0xFFFFE000  }
0x10a: {  	[spmem:s2] =	stream.indirect.scatter.add.f32 [tilespmem:s19], [sflag:$0x8], $0x80, s10, s16, $0xb8;
	[tilespmem:$0x1E800] =	vst v63  }
0x10b: {  	_ =	swait.ge [sflag:s26], $0x2000  }
0x10c: {  	s11 =	sld [smem:$0x7DF]  }
0x10d: {  	[sflag:s26] =	ssyncset.done $0x0  }
0x10e: {  	[sflag:s26] =	ssyncadd.s32 $0xFFFFE000  }
0x10f: {  	[spmem:s2] =	stream.indirect.scatter.add.f32 [tilespmem:s22], [sflag:$0x9], $0x80, s11, s16, $0xb8;
	[tilespmem:$0x1E800] =	vst v63  }
0x110: {  	_ =	swait.ge [sflag:s28], $0x2000  }
0x111: {  	s13 =	sld [smem:$0x7E0]  }
0x112: {  	[sflag:s28] =	ssyncset.done $0x0  }
0x113: {  	[sflag:s28] =	ssyncadd.s32 $0xFFFFE000  }
0x114: {  	[spmem:s2] =	stream.indirect.scatter.add.f32 [tilespmem:s23], [sflag:$0xA], $0x80, s13, s16, $0xb8;
	[tilespmem:$0x1E800] =	vst v63  }
0x115: {  	_ =	swait.ge [sflag:s29], $0x2000  }
0x116: {  	[sflag:s29] =	ssyncset.done $0x0  }
0x117: {  	[sflag:s29] =	ssyncadd.s32 $0xFFFFE000  }
0x118: {  	_ =	swait.ge [sflag:s30], $0x2000  }
0x119: {  	s9 =	sld [smem:$0x7E1]  }
0x11a: {  	[sflag:s30] =	ssyncset.done $0x0  }
0x11b: {  	s10 =	sld [smem:$0x7E2];
	[sflag:s30] =	ssyncadd.s32 $0xFFFFE000  }
0x11c: {  	[tilespmem:s17], [sflag:$0x3] =	stream.indirect.gather [hbm4b:s4+s16], $0x80, s9, s16, $0xb8;
	[tilespmem:$0x1E800] =	vst v63  }
0x11d: {  	_ = 	snop  }
0x11e: {  	[tilespmem:s19], [sflag:$0x4] =	stream.indirect.gather [hbm4b:s4+s16], $0x80, s10, s16, $0xb8;
	[tilespmem:$0x1E800] =	vst v63  }
0x11f: {  	_ =	swait.ge [sflag:s31], $0x2000  }
0x120: {  	[sflag:s31] =	ssyncset.done $0x0  }
0x121: {  	[sflag:s31] =	ssyncadd.s32 $0xFFFFE000  }
0x122: {  	_ =	swait.ge [sflag:s1], $0x2000  }
0x123: {  	s11 =	sld [smem:$0x7E5]  }
0x124: {  	[sflag:s1] =	ssyncset.done $0x0  }
0x125: {  	s13 =	sld [smem:$0x7E6];
	[sflag:s1] =	ssyncadd.s32 $0xFFFFE000  }
0x126: {  	[tilespmem:s22], [sflag:$0x5] =	stream.indirect.gather [hbm4b:s4+s16], $0x80, s11, s16, $0xb8;
	[tilespmem:$0x1E800] =	vst v63  }
0x127: {  	_ = 	snop  }
0x128: {  	[tilespmem:s23], [sflag:$0x6] =	stream.indirect.gather [hbm4b:s4+s16], $0x80, s13, s16, $0xb8;
	[tilespmem:$0x1E800] =	vst v63  }
0x129: {  	_ =	swait.ge [sflag:s24], $0x2000  }
0x12a: {  	s9 =	sld [smem:$0x7E7]  }
0x12b: {  	[sflag:s24] =	ssyncset.done $0x0  }
0x12c: {  	[sflag:s24] =	ssyncadd.s32 $0xFFFFE000  }
0x12d: {  	[spmem:s2] =	stream.indirect.scatter.add.f32 [tilespmem:s17], [sflag:$0x7], $0x80, s9, s16, $0xb8;
	[tilespmem:$0x1E800] =	vst v63  }
0x12e: {  	_ =	swait.ge [sflag:s25], $0x2000  }
0x12f: {  	s10 =	sld [smem:$0x7E9]  }
0x130: {  	[sflag:s25] =	ssyncset.done $0x0  }
0x131: {  	[sflag:s25] =	ssyncadd.s32 $0xFFFFE000  }
0x132: {  	[spmem:s2] =	stream.indirect.scatter.add.f32 [tilespmem:s19], [sflag:$0x8], $0x80, s10, s16, $0xb8;
	[tilespmem:$0x1E800] =	vst v63  }
0x133: {  	_ =	swait.ge [sflag:s26], $0x2000  }
0x134: {  	s11 =	sld [smem:$0x7EB]  }
0x135: {  	[sflag:s26] =	ssyncset.done $0x0  }
0x136: {  	[sflag:s26] =	ssyncadd.s32 $0xFFFFE000  }
0x137: {  	[spmem:s2] =	stream.indirect.scatter.add.f32 [tilespmem:s22], [sflag:$0x9], $0x80, s11, s16, $0xb8;
	[tilespmem:$0x1E800] =	vst v63  }
0x138: {  	_ =	swait.ge [sflag:s28], $0x2000  }
0x139: {  	s13 =	sld [smem:$0x7EC]  }
0x13a: {  	[sflag:s28] =	ssyncset.done $0x0  }
0x13b: {  	[sflag:s28] =	ssyncadd.s32 $0xFFFFE000  }
0x13c: {  	[spmem:s2] =	stream.indirect.scatter.add.f32 [tilespmem:s23], [sflag:$0xA], $0x80, s13, s16, $0xb8;
	[tilespmem:$0x1E800] =	vst v63  }
0x13d: {  	_ =	swait.ge [sflag:s29], $0x2000  }
0x13e: {  	[sflag:s29] =	ssyncset.done $0x0  }
0x13f: {  	[sflag:s29] =	ssyncadd.s32 $0xFFFFE000  }
0x140: {  	_ =	swait.ge [sflag:s30], $0x2000  }
0x141: {  	s9 =	sld [smem:$0x7ED]  }
0x142: {  	[sflag:s30] =	ssyncset.done $0x0  }
0x143: {  	s10 =	sld [smem:$0x7EE];
	[sflag:s30] =	ssyncadd.s32 $0xFFFFE000  }
0x144: {  	[tilespmem:s17], [sflag:$0x3] =	stream.indirect.gather [hbm4b:s4+s16], $0x80, s9, s16, $0xb8;
	[tilespmem:$0x1E800] =	vst v63  }
0x145: {  	_ = 	snop  }
0x146: {  	[tilespmem:s19], [sflag:$0x4] =	stream.indirect.gather [hbm4b:s4+s16], $0x80, s10, s16, $0xb8;
	[tilespmem:$0x1E800] =	vst v63  }
0x147: {  	_ =	swait.ge [sflag:s31], $0x2000  }
0x148: {  	[sflag:s31] =	ssyncset.done $0x0  }
0x149: {  	[sflag:s31] =	ssyncadd.s32 $0xFFFFE000  }
0x14a: {  	_ =	swait.ge [sflag:s1], $0x2000  }
0x14b: {  	s11 =	sld [smem:$0x7EF]  }
0x14c: {  	[sflag:s1] =	ssyncset.done $0x0  }
0x14d: {  	s13 =	sld [smem:$0x7F1];
	[sflag:s1] =	ssyncadd.s32 $0xFFFFE000  }
0x14e: {  	[tilespmem:s22], [sflag:$0x5] =	stream.indirect.gather [hbm4b:s4+s16], $0x80, s11, s16, $0xb8;
	[tilespmem:$0x1E800] =	vst v63  }
0x14f: {  	_ = 	snop  }
0x150: {  	[tilespmem:s23], [sflag:$0x6] =	stream.indirect.gather [hbm4b:s4+s16], $0x80, s13, s16, $0xb8;
	[tilespmem:$0x1E800] =	vst v63  }
0x151: {  	_ =	swait.ge [sflag:s24], $0x2000  }
0x152: {  	s9 =	sld [smem:$0x7F2]  }
0x153: {  	[sflag:s24] =	ssyncset.done $0x0  }
0x154: {  	[sflag:s24] =	ssyncadd.s32 $0xFFFFE000  }
0x155: {  	[spmem:s2] =	stream.indirect.scatter.add.f32 [tilespmem:s17], [sflag:$0x7], $0x80, s9, s16, $0xb8;
	[tilespmem:$0x1E800] =	vst v63  }
0x156: {  	_ =	swait.ge [sflag:s25], $0x2000  }
0x157: {  	s10 =	sld [smem:$0x7F3]  }
0x158: {  	[sflag:s25] =	ssyncset.done $0x0  }
0x159: {  	[sflag:s25] =	ssyncadd.s32 $0xFFFFE000  }
0x15a: {  	[spmem:s2] =	stream.indirect.scatter.add.f32 [tilespmem:s19], [sflag:$0x8], $0x80, s10, s16, $0xb8;
	[tilespmem:$0x1E800] =	vst v63  }
0x15b: {  	_ =	swait.ge [sflag:s26], $0x2000  }
0x15c: {  	s11 =	sld [smem:$0x7F4]  }
0x15d: {  	[sflag:s26] =	ssyncset.done $0x0  }
0x15e: {  	[sflag:s26] =	ssyncadd.s32 $0xFFFFE000  }
0x15f: {  	[spmem:s2] =	stream.indirect.scatter.add.f32 [tilespmem:s22], [sflag:$0x9], $0x80, s11, s16, $0xb8;
	[tilespmem:$0x1E800] =	vst v63  }
0x160: {  	_ =	swait.ge [sflag:s28], $0x2000  }
0x161: {  	s13 =	sld [smem:$0x7F5]  }
0x162: {  	[sflag:s28] =	ssyncset.done $0x0  }
0x163: {  	[sflag:s28] =	ssyncadd.s32 $0xFFFFE000  }
0x164: {  	[spmem:s2] =	stream.indirect.scatter.add.f32 [tilespmem:s23], [sflag:$0xA], $0x80, s13, s16, $0xb8;
	[tilespmem:$0x1E800] =	vst v63  }
0x165: {  	_ =	swait.ge [sflag:s29], $0x2000  }
0x166: {  	[sflag:s29] =	ssyncset.done $0x0  }
0x167: {  	[sflag:s29] =	ssyncadd.s32 $0xFFFFE000  }
0x168: {  	_ =	swait.ge [sflag:s30], $0x2000  }
0x169: {  	s9 =	sld [smem:$0x7F6]  }
0x16a: {  	[sflag:s30] =	ssyncset.done $0x0  }
0x16b: {  	s10 =	sld [smem:$0x7F7];
	[sflag:s30] =	ssyncadd.s32 $0xFFFFE000  }
0x16c: {  	[tilespmem:s17], [sflag:$0x3] =	stream.indirect.gather [hbm4b:s4+s16], $0x80, s9, s16, $0xb8;
	[tilespmem:$0x1E800] =	vst v63  }
0x16d: {  	_ = 	snop  }
0x16e: {  	[tilespmem:s19], [sflag:$0x4] =	stream.indirect.gather [hbm4b:s4+s16], $0x80, s10, s16, $0xb8;
	[tilespmem:$0x1E800] =	vst v63  }
0x16f: {  	_ =	swait.ge [sflag:s31], $0x2000  }
0x170: {  	[sflag:s31] =	ssyncset.done $0x0  }
0x171: {  	[sflag:s31] =	ssyncadd.s32 $0xFFFFE000  }
0x172: {  	_ =	swait.ge [sflag:s1], $0x2000  }
0x173: {  	s11 =	sld [smem:$0x7F8]  }
0x174: {  	[sflag:s1] =	ssyncset.done $0x0  }
0x175: {  	s13 =	sld [smem:$0x7F9];
	[sflag:s1] =	ssyncadd.s32 $0xFFFFE000  }
0x176: {  	[tilespmem:s22], [sflag:$0x5] =	stream.indirect.gather [hbm4b:s4+s16], $0x80, s11, s16, $0xb8;
	[tilespmem:$0x1E800] =	vst v63  }
0x177: {  	_ = 	snop  }
0x178: {  	[tilespmem:s23], [sflag:$0x6] =	stream.indirect.gather [hbm4b:s4+s16], $0x80, s13, s16, $0xb8;
	[tilespmem:$0x1E800] =	vst v63  }
0x179: {  	_ =	swait.ge [sflag:s24], $0x2000  }
0x17a: {  	s9 =	sld [smem:$0x7FA]  }
0x17b: {  	[sflag:s24] =	ssyncset.done $0x0  }
0x17c: {  	[sflag:s24] =	ssyncadd.s32 $0xFFFFE000  }
0x17d: {  	[spmem:s2] =	stream.indirect.scatter.add.f32 [tilespmem:s17], [sflag:$0x7], $0x80, s9, s16, $0xb8;
	[tilespmem:$0x1E800] =	vst v63  }
0x17e: {  	_ =	swait.ge [sflag:s25], $0x2000  }
0x17f: {  	s10 =	sld [smem:$0x7FB]  }
0x180: {  	[sflag:s25] =	ssyncset.done $0x0  }
0x181: {  	[sflag:s25] =	ssyncadd.s32 $0xFFFFE000  }
0x182: {  	[spmem:s2] =	stream.indirect.scatter.add.f32 [tilespmem:s19], [sflag:$0x8], $0x80, s10, s16, $0xb8;
	[tilespmem:$0x1E800] =	vst v63  }
0x183: {  	_ =	swait.ge [sflag:s26], $0x2000  }
0x184: {  	s11 =	sld [smem:$0x7FC]  }
0x185: {  	[sflag:s26] =	ssyncset.done $0x0  }
0x186: {  	[sflag:s26] =	ssyncadd.s32 $0xFFFFE000  }
0x187: {  	[spmem:s2] =	stream.indirect.scatter.add.f32 [tilespmem:s22], [sflag:$0x9], $0x80, s11, s16, $0xb8;
	[tilespmem:$0x1E800] =	vst v63  }
0x188: {  	_ =	swait.ge [sflag:s28], $0x2000  }
0x189: {  	s13 =	sld [smem:$0x7FD]  }
0x18a: {  	[sflag:s28] =	ssyncset.done $0x0  }
0x18b: {  	[sflag:s28] =	ssyncadd.s32 $0xFFFFE000  }
0x18c: {  	[spmem:s2] =	stream.indirect.scatter.add.f32 [tilespmem:s23], [sflag:$0xA], $0x80, s13, s16, $0xb8;
	[tilespmem:$0x1E800] =	vst v63  }
0x18d: {  	_ =	swait.ge [sflag:s29], $0x2000  }
0x18e: {  	[sflag:s29] =	ssyncset.done $0x0  }
0x18f: {  	[sflag:s29] =	ssyncadd.s32 $0xFFFFE000  }
0x190: {  	_ =	swait.ge [sflag:s30], $0x2000  }
0x191: {  	[sflag:s30] =	ssyncset.done $0x0  }
0x192: {  	[sflag:s30] =	ssyncadd.s32 $0xFFFFE000  }
0x193: {  	_ =	swait.ge [sflag:s15], $0x800  }
0x194: {  	[sflag:s15] =	ssyncset.done $0x0  }
0x195: {  	[sflag:s15] =	ssyncadd.s32 $0xFFFFF800  }
0x196: {  	_ =	swait.ge [sflag:s15], $0x800  }
0x197: {  	[sflag:s15] =	ssyncset.done $0x0  }
0x198: {  	[sflag:s15] =	ssyncadd.s32 $0xFFFFF800  }
0x199: {  	[tilespmem:s17], [sflag:$0x3] =	stream.indirect.gather [hbm4b:s4+s16], $0x80, s3, s16, $0xb8;
	[tilespmem:$0x1E800] =	vst v63  }
0x19a: {  	_ = 	snop  }
0x19b: {  	[tilespmem:s19], [sflag:$0x4] =	stream.indirect.gather [hbm4b:s4+s16], $0x80, s18, s16, $0xb8;
	[tilespmem:$0x1E800] =	vst v63  }
0x19c: {  	_ =	swait.ge [sflag:s31], $0x2000  }
0x19d: {  	[sflag:s31] =	ssyncset.done $0x0  }
0x19e: {  	[sflag:s31] =	ssyncadd.s32 $0xFFFFE000  }
0x19f: {  	s6 =	simm.s32 $0x4;
	_ =	swait.ge [sflag:s1], $0x2000  }
0x1a0: {  	s9 =	simm.s32 $0x2;
	s10 =	sadd.s32 $0x200, s7;
	[sflag:s1] =	ssyncset.done $0x0  }
.LBB2_6:
0x1a1: {  	s11 =	sadd.s32 $0xFFFEC000, s10;
	[sflag:s1] =	ssyncadd.s32 $0xFFFFE000  }
0x1a2: {  	[tilespmem:s20], [sflag:$0x2] =	stream.linear.gather [hbm4b:s11+s3], $0x800, $0x38;
	[tilespmem:$0x1E800] =	vst v63  }
0x1a3: {  	_ = 	snop  }
0x1a4: {  	[tilespmem:s21], [sflag:$0x2] =	stream.linear.gather [hbm4b:s10+s3], $0x800, $0x38;
	[tilespmem:$0x1E800] =	vst v63  }
0x1a5: {  	s7 =	rddreg [dreg:$0x4]  }
0x1a6: {  	[tilespmem:s22], [sflag:$0x5] =	stream.indirect.gather [hbm4b:s4+s16], $0x80, s7, s16, $0xb8;
	[tilespmem:$0x1E800] =	vst v63  }
0x1a7: {  	s13 =	rddreg [dreg:$0x5]  }
0x1a8: {  	[tilespmem:s23], [sflag:$0x6] =	stream.indirect.gather [hbm4b:s4+s16], $0x80, s13, s16, $0xb8;
	[tilespmem:$0x1E800] =	vst v63  }
0x1a9: {  	_ =	swait.ge [sflag:s24], $0x2000  }
0x1aa: {  	[sflag:s24] =	ssyncset.done $0x0  }
0x1ab: {  	[sflag:s24] =	ssyncadd.s32 $0xFFFFE000  }
0x1ac: {  	[spmem:s2] =	stream.indirect.scatter.add.f32 [tilespmem:s17], [sflag:$0x7], $0x80, s12, s16, $0xb8;
	[tilespmem:$0x1E800] =	vst v63  }
0x1ad: {  	_ =	swait.ge [sflag:s25], $0x2000  }
0x1ae: {  	[sflag:s25] =	ssyncset.done $0x0  }
0x1af: {  	s13 =	rddreg [dreg:$0x6];
	[sflag:s25] =	ssyncadd.s32 $0xFFFFE000  }
0x1b0: {  	[spmem:s2] =	stream.indirect.scatter.add.f32 [tilespmem:s19], [sflag:$0x8], $0x80, s13, s16, $0xb8;
	[tilespmem:$0x1E800] =	vst v63  }
0x1b1: {  	_ =	swait.ge [sflag:s26], $0x2000  }
0x1b2: {  	[sflag:s26] =	ssyncset.done $0x0  }
0x1b3: {  	s13 =	rddreg [dreg:$0x7];
	[sflag:s26] =	ssyncadd.s32 $0xFFFFE000  }
0x1b4: {  	[spmem:s2] =	stream.indirect.scatter.add.f32 [tilespmem:s22], [sflag:$0x9], $0x80, s13, s16, $0xb8;
	[tilespmem:$0x1E800] =	vst v63  }
0x1b5: {  	_ =	swait.ge [sflag:s28], $0x2000  }
0x1b6: {  	[sflag:s28] =	ssyncset.done $0x0  }
0x1b7: {  	s13 =	rddreg [dreg:$0x8];
	[sflag:s28] =	ssyncadd.s32 $0xFFFFE000  }
0x1b8: {  	[spmem:s2] =	stream.indirect.scatter.add.f32 [tilespmem:s23], [sflag:$0xA], $0x80, s13, s16, $0xb8;
	[tilespmem:$0x1E800] =	vst v63  }
0x1b9: {  	_ =	swait.ge [sflag:s29], $0x2000  }
0x1ba: {  	[sflag:s29] =	ssyncset.done $0x0  }
0x1bb: {  	[sflag:s29] =	ssyncadd.s32 $0xFFFFE000  }
0x1bc: {  	_ =	swait.ge [sflag:s30], $0x2000  }
0x1bd: {  	[sflag:s30] =	ssyncset.done $0x0  }
0x1be: {  	s7 =	rddreg [dreg:$0x9];
	[sflag:s30] =	ssyncadd.s32 $0xFFFFE000  }
0x1bf: {  	[tilespmem:s17], [sflag:$0x3] =	stream.indirect.gather [hbm4b:s4+s16], $0x80, s7, s16, $0xb8;
	[tilespmem:$0x1E800] =	vst v63  }
0x1c0: {  	s13 =	rddreg [dreg:$0xa]  }
0x1c1: {  	[tilespmem:s19], [sflag:$0x4] =	stream.indirect.gather [hbm4b:s4+s16], $0x80, s13, s16, $0xb8;
	[tilespmem:$0x1E800] =	vst v63  }
0x1c2: {  	_ =	swait.ge [sflag:s31], $0x2000  }
0x1c3: {  	[sflag:s31] =	ssyncset.done $0x0  }
0x1c4: {  	[sflag:s31] =	ssyncadd.s32 $0xFFFFE000  }
0x1c5: {  	_ =	swait.ge [sflag:s1], $0x2000  }
0x1c6: {  	[sflag:s1] =	ssyncset.done $0x0  }
0x1c7: {  	s7 =	rddreg [dreg:$0xb];
	[sflag:s1] =	ssyncadd.s32 $0xFFFFE000  }
0x1c8: {  	[tilespmem:s22], [sflag:$0x5] =	stream.indirect.gather [hbm4b:s4+s16], $0x80, s7, s16, $0xb8;
	[tilespmem:$0x1E800] =	vst v63  }
0x1c9: {  	s13 =	rddreg [dreg:$0xc]  }
0x1ca: {  	[tilespmem:s23], [sflag:$0x6] =	stream.indirect.gather [hbm4b:s4+s16], $0x80, s13, s16, $0xb8;
	[tilespmem:$0x1E800] =	vst v63  }
0x1cb: {  	_ =	swait.ge [sflag:s24], $0x2000  }
0x1cc: {  	[sflag:s24] =	ssyncset.done $0x0  }
0x1cd: {  	s13 =	rddreg [dreg:$0xd];
	[sflag:s24] =	ssyncadd.s32 $0xFFFFE000  }
0x1ce: {  	[spmem:s2] =	stream.indirect.scatter.add.f32 [tilespmem:s17], [sflag:$0x7], $0x80, s13, s16, $0xb8;
	[tilespmem:$0x1E800] =	vst v63  }
0x1cf: {  	_ =	swait.ge [sflag:s25], $0x2000  }
0x1d0: {  	[sflag:s25] =	ssyncset.done $0x0  }
0x1d1: {  	s13 =	rddreg [dreg:$0xe];
	[sflag:s25] =	ssyncadd.s32 $0xFFFFE000  }
0x1d2: {  	[spmem:s2] =	stream.indirect.scatter.add.f32 [tilespmem:s19], [sflag:$0x8], $0x80, s13, s16, $0xb8;
	[tilespmem:$0x1E800] =	vst v63  }
0x1d3: {  	_ =	swait.ge [sflag:s26], $0x2000  }
0x1d4: {  	[sflag:s26] =	ssyncset.done $0x0  }
0x1d5: {  	s13 =	rddreg [dreg:$0xf];
	[sflag:s26] =	ssyncadd.s32 $0xFFFFE000  }
0x1d6: {  	[spmem:s2] =	stream.indirect.scatter.add.f32 [tilespmem:s22], [sflag:$0x9], $0x80, s13, s16, $0xb8;
	[tilespmem:$0x1E800] =	vst v63  }
0x1d7: {  	_ =	swait.ge [sflag:s28], $0x2000  }
0x1d8: {  	[sflag:s28] =	ssyncset.done $0x0  }
0x1d9: {  	s13 =	rddreg [dreg:$0x10];
	[sflag:s28] =	ssyncadd.s32 $0xFFFFE000  }
0x1da: {  	[spmem:s2] =	stream.indirect.scatter.add.f32 [tilespmem:s23], [sflag:$0xA], $0x80, s13, s16, $0xb8;
	[tilespmem:$0x1E800] =	vst v63  }
0x1db: {  	_ =	swait.ge [sflag:s29], $0x2000  }
0x1dc: {  	[sflag:s29] =	ssyncset.done $0x0  }
0x1dd: {  	[sflag:s29] =	ssyncadd.s32 $0xFFFFE000  }
0x1de: {  	_ =	swait.ge [sflag:s30], $0x2000  }
0x1df: {  	[sflag:s30] =	ssyncset.done $0x0  }
0x1e0: {  	s7 =	rddreg [dreg:$0x11];
	[sflag:s30] =	ssyncadd.s32 $0xFFFFE000  }
0x1e1: {  	[tilespmem:s17], [sflag:$0x3] =	stream.indirect.gather [hbm4b:s4+s16], $0x80, s7, s16, $0xb8;
	[tilespmem:$0x1E800] =	vst v63  }
0x1e2: {  	s13 =	rddreg [dreg:$0x12]  }
0x1e3: {  	[tilespmem:s19], [sflag:$0x4] =	stream.indirect.gather [hbm4b:s4+s16], $0x80, s13, s16, $0xb8;
	[tilespmem:$0x1E800] =	vst v63  }
0x1e4: {  	_ =	swait.ge [sflag:s31], $0x2000  }
0x1e5: {  	[sflag:s31] =	ssyncset.done $0x0  }
0x1e6: {  	[sflag:s31] =	ssyncadd.s32 $0xFFFFE000  }
0x1e7: {  	_ =	swait.ge [sflag:s1], $0x2000  }
0x1e8: {  	[sflag:s1] =	ssyncset.done $0x0  }
0x1e9: {  	s7 =	rddreg [dreg:$0x13];
	[sflag:s1] =	ssyncadd.s32 $0xFFFFE000  }
0x1ea: {  	[tilespmem:s22], [sflag:$0x5] =	stream.indirect.gather [hbm4b:s4+s16], $0x80, s7, s16, $0xb8;
	[tilespmem:$0x1E800] =	vst v63  }
0x1eb: {  	s13 =	rddreg [dreg:$0x14]  }
0x1ec: {  	[tilespmem:s23], [sflag:$0x6] =	stream.indirect.gather [hbm4b:s4+s16], $0x80, s13, s16, $0xb8;
	[tilespmem:$0x1E800] =	vst v63  }
0x1ed: {  	_ =	swait.ge [sflag:s24], $0x2000  }
0x1ee: {  	[sflag:s24] =	ssyncset.done $0x0  }
0x1ef: {  	s13 =	rddreg [dreg:$0x15];
	[sflag:s24] =	ssyncadd.s32 $0xFFFFE000  }
0x1f0: {  	[spmem:s2] =	stream.indirect.scatter.add.f32 [tilespmem:s17], [sflag:$0x7], $0x80, s13, s16, $0xb8;
	[tilespmem:$0x1E800] =	vst v63  }
0x1f1: {  	_ =	swait.ge [sflag:s25], $0x2000  }
0x1f2: {  	[sflag:s25] =	ssyncset.done $0x0  }
0x1f3: {  	s13 =	rddreg [dreg:$0x16];
	[sflag:s25] =	ssyncadd.s32 $0xFFFFE000  }
0x1f4: {  	[spmem:s2] =	stream.indirect.scatter.add.f32 [tilespmem:s19], [sflag:$0x8], $0x80, s13, s16, $0xb8;
	[tilespmem:$0x1E800] =	vst v63  }
0x1f5: {  	_ =	swait.ge [sflag:s26], $0x2000  }
0x1f6: {  	[sflag:s26] =	ssyncset.done $0x0  }
0x1f7: {  	s13 =	rddreg [dreg:$0x17];
	[sflag:s26] =	ssyncadd.s32 $0xFFFFE000  }
0x1f8: {  	[spmem:s2] =	stream.indirect.scatter.add.f32 [tilespmem:s22], [sflag:$0x9], $0x80, s13, s16, $0xb8;
	[tilespmem:$0x1E800] =	vst v63  }
0x1f9: {  	_ =	swait.ge [sflag:s28], $0x2000  }
0x1fa: {  	[sflag:s28] =	ssyncset.done $0x0  }
0x1fb: {  	s13 =	rddreg [dreg:$0x18];
	[sflag:s28] =	ssyncadd.s32 $0xFFFFE000  }
0x1fc: {  	[spmem:s2] =	stream.indirect.scatter.add.f32 [tilespmem:s23], [sflag:$0xA], $0x80, s13, s16, $0xb8;
	[tilespmem:$0x1E800] =	vst v63  }
0x1fd: {  	_ =	swait.ge [sflag:s29], $0x2000  }
0x1fe: {  	[sflag:s29] =	ssyncset.done $0x0  }
0x1ff: {  	[sflag:s29] =	ssyncadd.s32 $0xFFFFE000  }
0x200: {  	_ =	swait.ge [sflag:s30], $0x2000  }
0x201: {  	[sflag:s30] =	ssyncset.done $0x0  }
0x202: {  	s7 =	rddreg [dreg:$0x19];
	[sflag:s30] =	ssyncadd.s32 $0xFFFFE000  }
0x203: {  	[tilespmem:s17], [sflag:$0x3] =	stream.indirect.gather [hbm4b:s4+s16], $0x80, s7, s16, $0xb8;
	[tilespmem:$0x1E800] =	vst v63  }
0x204: {  	s13 =	rddreg [dreg:$0x1a]  }
0x205: {  	[tilespmem:s19], [sflag:$0x4] =	stream.indirect.gather [hbm4b:s4+s16], $0x80, s13, s16, $0xb8;
	[tilespmem:$0x1E800] =	vst v63  }
0x206: {  	_ =	swait.ge [sflag:s31], $0x2000  }
0x207: {  	[sflag:s31] =	ssyncset.done $0x0  }
0x208: {  	[sflag:s31] =	ssyncadd.s32 $0xFFFFE000  }
0x209: {  	_ =	swait.ge [sflag:s1], $0x2000  }
0x20a: {  	[sflag:s1] =	ssyncset.done $0x0  }
0x20b: {  	s7 =	rddreg [dreg:$0x1b];
	[sflag:s1] =	ssyncadd.s32 $0xFFFFE000  }
0x20c: {  	[tilespmem:s22], [sflag:$0x5] =	stream.indirect.gather [hbm4b:s4+s16], $0x80, s7, s16, $0xb8;
	[tilespmem:$0x1E800] =	vst v63  }
0x20d: {  	s13 =	rddreg [dreg:$0x1c]  }
0x20e: {  	[tilespmem:s23], [sflag:$0x6] =	stream.indirect.gather [hbm4b:s4+s16], $0x80, s13, s16, $0xb8;
	[tilespmem:$0x1E800] =	vst v63  }
0x20f: {  	_ =	swait.ge [sflag:s24], $0x2000  }
0x210: {  	[sflag:s24] =	ssyncset.done $0x0  }
0x211: {  	s13 =	rddreg [dreg:$0x1d];
	[sflag:s24] =	ssyncadd.s32 $0xFFFFE000  }
0x212: {  	[spmem:s2] =	stream.indirect.scatter.add.f32 [tilespmem:s17], [sflag:$0x7], $0x80, s13, s16, $0xb8;
	[tilespmem:$0x1E800] =	vst v63  }
0x213: {  	_ =	swait.ge [sflag:s25], $0x2000  }
0x214: {  	[sflag:s25] =	ssyncset.done $0x0  }
0x215: {  	s13 =	rddreg [dreg:$0x1e];
	[sflag:s25] =	ssyncadd.s32 $0xFFFFE000  }
0x216: {  	[spmem:s2] =	stream.indirect.scatter.add.f32 [tilespmem:s19], [sflag:$0x8], $0x80, s13, s16, $0xb8;
	[tilespmem:$0x1E800] =	vst v63  }
0x217: {  	_ =	swait.ge [sflag:s26], $0x2000  }
0x218: {  	[sflag:s26] =	ssyncset.done $0x0  }
0x219: {  	s13 =	rddreg [dreg:$0x1f];
	[sflag:s26] =	ssyncadd.s32 $0xFFFFE000  }
0x21a: {  	[spmem:s2] =	stream.indirect.scatter.add.f32 [tilespmem:s22], [sflag:$0x9], $0x80, s13, s16, $0xb8;
	[tilespmem:$0x1E800] =	vst v63  }
0x21b: {  	_ =	swait.ge [sflag:s28], $0x2000  }
0x21c: {  	s13 =	sld [smem:$0x7DA]  }
0x21d: {  	[sflag:s28] =	ssyncset.done $0x0  }
0x21e: {  	[sflag:s28] =	ssyncadd.s32 $0xFFFFE000  }
0x21f: {  	[spmem:s2] =	stream.indirect.scatter.add.f32 [tilespmem:s23], [sflag:$0xA], $0x80, s13, s16, $0xb8;
	[tilespmem:$0x1E800] =	vst v63  }
0x220: {  	_ =	swait.ge [sflag:s29], $0x2000  }
0x221: {  	[sflag:s29] =	ssyncset.done $0x0  }
0x222: {  	[sflag:s29] =	ssyncadd.s32 $0xFFFFE000  }
0x223: {  	_ =	swait.ge [sflag:s30], $0x2000  }
0x224: {  	[sflag:s30] =	ssyncset.done $0x0  }
0x225: {  	[sflag:s30] =	ssyncadd.s32 $0xFFFFE000  }
0x226: {  	_ =	swait.ge [sflag:s0], $0x800  }
0x227: {  	[sflag:s0] =	ssyncset.done $0x0  }
0x228: {  	[sflag:s0] =	ssyncadd.s32 $0xFFFFF800  }
0x229: {  	_ =	swait.ge [sflag:s0], $0x800  }
0x22a: {  	[sflag:s0] =	ssyncset.done $0x0  }
0x22b: {  	s13 =	sld [smem:$0x7DB];
	[sflag:s0] =	ssyncadd.s32 $0xFFFFF800  }
0x22c: {  	[tilespmem:s17], [sflag:$0x3] =	stream.indirect.gather [hbm4b:s4+s16], $0x80, s20, s16, $0xb8;
	[tilespmem:$0x1E800] =	vst v63  }
0x22d: {  	_ = 	snop  }
0x22e: {  	[tilespmem:s19], [sflag:$0x4] =	stream.indirect.gather [hbm4b:s4+s16], $0x80, s13, s16, $0xb8;
	[tilespmem:$0x1E800] =	vst v63  }
0x22f: {  	_ =	swait.ge [sflag:s31], $0x2000  }
0x230: {  	[sflag:s31] =	ssyncset.done $0x0  }
0x231: {  	p1 =	slt.s32 s9, $0x7;
	s13 =	smov.u32 s9;
	[sflag:s31] =	ssyncadd.s32 $0xFFFFE000  }
0x232: {  	s13 =	simm.s32 @!p1 $0x7;
	_ =	swait.ge [sflag:s1], $0x2000  }
0x233: {  	s13 =	sshll.u32 s13, $0xB;
	s7 =	rddreg [dreg:$0x3]  }
0x234: {  	s7 =	sadd.s32 s13, s7  }
0x235: {  	[sflag:s1] =	ssyncset.done $0x0;
	s7 =	sshrl.u32 s7, $0x3  }
0x236: {  	s11 =	smov.u32 s6;
	[sflag:s1] =	ssyncadd.s32 $0xFFFFE000;
	s7 =	sadd.s32 s5, s7  }
0x237: {  	[tilespmem:s3], [sflag:$0x1] =	stream.linear.gather [hbm4b:s7+s3], $0x800, $0x38;
	[tilespmem:$0x1E800] =	vst v63  }
0x238: {  	s9 =	smov.u32 s11;
	s11 =	sld [smem:$0x7DC];
	s7 =	sadd.s32 $0x14000, s7  }
0x239: {  	[tilespmem:s12], [sflag:$0x1] =	stream.linear.gather [hbm4b:s7+s3], $0x800, $0x38;
	[tilespmem:$0x1E800] =	vst v63  }
0x23a: {  	s13 =	sld [smem:$0x7DD]  }
0x23b: {  	[tilespmem:s22], [sflag:$0x5] =	stream.indirect.gather [hbm4b:s4+s16], $0x80, s11, s16, $0xb8;
	[tilespmem:$0x1E800] =	vst v63  }
0x23c: {  	_ = 	snop  }
0x23d: {  	[tilespmem:s23], [sflag:$0x6] =	stream.indirect.gather [hbm4b:s4+s16], $0x80, s13, s16, $0xb8;
	[tilespmem:$0x1E800] =	vst v63  }
0x23e: {  	_ =	swait.ge [sflag:s24], $0x2000  }
0x23f: {  	[sflag:s24] =	ssyncset.done $0x0  }
0x240: {  	[sflag:s24] =	ssyncadd.s32 $0xFFFFE000  }
0x241: {  	[spmem:s2] =	stream.indirect.scatter.add.f32 [tilespmem:s17], [sflag:$0x7], $0x80, s21, s16, $0xb8;
	[tilespmem:$0x1E800] =	vst v63  }
0x242: {  	_ =	swait.ge [sflag:s25], $0x2000  }
0x243: {  	s13 =	sld [smem:$0x7DE]  }
0x244: {  	[sflag:s25] =	ssyncset.done $0x0  }
0x245: {  	[sflag:s25] =	ssyncadd.s32 $0xFFFFE000  }
0x246: {  	[spmem:s2] =	stream.indirect.scatter.add.f32 [tilespmem:s19], [sflag:$0x8], $0x80, s13, s16, $0xb8;
	[tilespmem:$0x1E800] =	vst v63  }
0x247: {  	_ =	swait.ge [sflag:s26], $0x2000  }
0x248: {  	s11 =	sld [smem:$0x7DF]  }
0x249: {  	[sflag:s26] =	ssyncset.done $0x0  }
0x24a: {  	[sflag:s26] =	ssyncadd.s32 $0xFFFFE000  }
0x24b: {  	[spmem:s2] =	stream.indirect.scatter.add.f32 [tilespmem:s22], [sflag:$0x9], $0x80, s11, s16, $0xb8;
	[tilespmem:$0x1E800] =	vst v63  }
0x24c: {  	_ =	swait.ge [sflag:s28], $0x2000  }
0x24d: {  	s13 =	sld [smem:$0x7E0]  }
0x24e: {  	[sflag:s28] =	ssyncset.done $0x0  }
0x24f: {  	[sflag:s28] =	ssyncadd.s32 $0xFFFFE000  }
0x250: {  	[spmem:s2] =	stream.indirect.scatter.add.f32 [tilespmem:s23], [sflag:$0xA], $0x80, s13, s16, $0xb8;
	[tilespmem:$0x1E800] =	vst v63  }
0x251: {  	_ =	swait.ge [sflag:s29], $0x2000  }
0x252: {  	[sflag:s29] =	ssyncset.done $0x0  }
0x253: {  	[sflag:s29] =	ssyncadd.s32 $0xFFFFE000  }
0x254: {  	_ =	swait.ge [sflag:s30], $0x2000  }
0x255: {  	s11 =	sld [smem:$0x7E1]  }
0x256: {  	[sflag:s30] =	ssyncset.done $0x0  }
0x257: {  	s13 =	sld [smem:$0x7E2];
	[sflag:s30] =	ssyncadd.s32 $0xFFFFE000  }
0x258: {  	[tilespmem:s17], [sflag:$0x3] =	stream.indirect.gather [hbm4b:s4+s16], $0x80, s11, s16, $0xb8;
	[tilespmem:$0x1E800] =	vst v63  }
0x259: {  	_ = 	snop  }
0x25a: {  	[tilespmem:s19], [sflag:$0x4] =	stream.indirect.gather [hbm4b:s4+s16], $0x80, s13, s16, $0xb8;
	[tilespmem:$0x1E800] =	vst v63  }
0x25b: {  	_ =	swait.ge [sflag:s31], $0x2000  }
0x25c: {  	[sflag:s31] =	ssyncset.done $0x0  }
0x25d: {  	[sflag:s31] =	ssyncadd.s32 $0xFFFFE000  }
0x25e: {  	_ =	swait.ge [sflag:s1], $0x2000  }
0x25f: {  	s11 =	sld [smem:$0x7E5]  }
0x260: {  	[sflag:s1] =	ssyncset.done $0x0  }
0x261: {  	s13 =	sld [smem:$0x7E6];
	[sflag:s1] =	ssyncadd.s32 $0xFFFFE000  }
0x262: {  	[tilespmem:s22], [sflag:$0x5] =	stream.indirect.gather [hbm4b:s4+s16], $0x80, s11, s16, $0xb8;
	[tilespmem:$0x1E800] =	vst v63  }
0x263: {  	_ = 	snop  }
0x264: {  	[tilespmem:s23], [sflag:$0x6] =	stream.indirect.gather [hbm4b:s4+s16], $0x80, s13, s16, $0xb8;
	[tilespmem:$0x1E800] =	vst v63  }
0x265: {  	_ =	swait.ge [sflag:s24], $0x2000  }
0x266: {  	s11 =	sld [smem:$0x7E7]  }
0x267: {  	[sflag:s24] =	ssyncset.done $0x0  }
0x268: {  	[sflag:s24] =	ssyncadd.s32 $0xFFFFE000  }
0x269: {  	[spmem:s2] =	stream.indirect.scatter.add.f32 [tilespmem:s17], [sflag:$0x7], $0x80, s11, s16, $0xb8;
	[tilespmem:$0x1E800] =	vst v63  }
0x26a: {  	_ =	swait.ge [sflag:s25], $0x2000  }
0x26b: {  	s13 =	sld [smem:$0x7E9]  }
0x26c: {  	[sflag:s25] =	ssyncset.done $0x0  }
0x26d: {  	[sflag:s25] =	ssyncadd.s32 $0xFFFFE000  }
0x26e: {  	[spmem:s2] =	stream.indirect.scatter.add.f32 [tilespmem:s19], [sflag:$0x8], $0x80, s13, s16, $0xb8;
	[tilespmem:$0x1E800] =	vst v63  }
0x26f: {  	_ =	swait.ge [sflag:s26], $0x2000  }
0x270: {  	s11 =	sld [smem:$0x7EB]  }
0x271: {  	[sflag:s26] =	ssyncset.done $0x0  }
0x272: {  	[sflag:s26] =	ssyncadd.s32 $0xFFFFE000  }
0x273: {  	[spmem:s2] =	stream.indirect.scatter.add.f32 [tilespmem:s22], [sflag:$0x9], $0x80, s11, s16, $0xb8;
	[tilespmem:$0x1E800] =	vst v63  }
0x274: {  	_ =	swait.ge [sflag:s28], $0x2000  }
0x275: {  	s13 =	sld [smem:$0x7EC]  }
0x276: {  	[sflag:s28] =	ssyncset.done $0x0  }
0x277: {  	[sflag:s28] =	ssyncadd.s32 $0xFFFFE000  }
0x278: {  	[spmem:s2] =	stream.indirect.scatter.add.f32 [tilespmem:s23], [sflag:$0xA], $0x80, s13, s16, $0xb8;
	[tilespmem:$0x1E800] =	vst v63  }
0x279: {  	_ =	swait.ge [sflag:s29], $0x2000  }
0x27a: {  	[sflag:s29] =	ssyncset.done $0x0  }
0x27b: {  	[sflag:s29] =	ssyncadd.s32 $0xFFFFE000  }
0x27c: {  	_ =	swait.ge [sflag:s30], $0x2000  }
0x27d: {  	s11 =	sld [smem:$0x7ED]  }
0x27e: {  	[sflag:s30] =	ssyncset.done $0x0  }
0x27f: {  	s13 =	sld [smem:$0x7EE];
	[sflag:s30] =	ssyncadd.s32 $0xFFFFE000  }
0x280: {  	[tilespmem:s17], [sflag:$0x3] =	stream.indirect.gather [hbm4b:s4+s16], $0x80, s11, s16, $0xb8;
	[tilespmem:$0x1E800] =	vst v63  }
0x281: {  	_ = 	snop  }
0x282: {  	[tilespmem:s19], [sflag:$0x4] =	stream.indirect.gather [hbm4b:s4+s16], $0x80, s13, s16, $0xb8;
	[tilespmem:$0x1E800] =	vst v63  }
0x283: {  	_ =	swait.ge [sflag:s31], $0x2000  }
0x284: {  	[sflag:s31] =	ssyncset.done $0x0  }
0x285: {  	[sflag:s31] =	ssyncadd.s32 $0xFFFFE000  }
0x286: {  	_ =	swait.ge [sflag:s1], $0x2000  }
0x287: {  	s11 =	sld [smem:$0x7EF]  }
0x288: {  	[sflag:s1] =	ssyncset.done $0x0  }
0x289: {  	s13 =	sld [smem:$0x7F1];
	[sflag:s1] =	ssyncadd.s32 $0xFFFFE000  }
0x28a: {  	[tilespmem:s22], [sflag:$0x5] =	stream.indirect.gather [hbm4b:s4+s16], $0x80, s11, s16, $0xb8;
	[tilespmem:$0x1E800] =	vst v63  }
0x28b: {  	_ = 	snop  }
0x28c: {  	[tilespmem:s23], [sflag:$0x6] =	stream.indirect.gather [hbm4b:s4+s16], $0x80, s13, s16, $0xb8;
	[tilespmem:$0x1E800] =	vst v63  }
0x28d: {  	_ =	swait.ge [sflag:s24], $0x2000  }
0x28e: {  	s11 =	sld [smem:$0x7F2]  }
0x28f: {  	[sflag:s24] =	ssyncset.done $0x0  }
0x290: {  	[sflag:s24] =	ssyncadd.s32 $0xFFFFE000  }
0x291: {  	[spmem:s2] =	stream.indirect.scatter.add.f32 [tilespmem:s17], [sflag:$0x7], $0x80, s11, s16, $0xb8;
	[tilespmem:$0x1E800] =	vst v63  }
0x292: {  	_ =	swait.ge [sflag:s25], $0x2000  }
0x293: {  	s13 =	sld [smem:$0x7F3]  }
0x294: {  	[sflag:s25] =	ssyncset.done $0x0  }
0x295: {  	[sflag:s25] =	ssyncadd.s32 $0xFFFFE000  }
0x296: {  	[spmem:s2] =	stream.indirect.scatter.add.f32 [tilespmem:s19], [sflag:$0x8], $0x80, s13, s16, $0xb8;
	[tilespmem:$0x1E800] =	vst v63  }
0x297: {  	_ =	swait.ge [sflag:s26], $0x2000  }
0x298: {  	s11 =	sld [smem:$0x7F4]  }
0x299: {  	[sflag:s26] =	ssyncset.done $0x0  }
0x29a: {  	[sflag:s26] =	ssyncadd.s32 $0xFFFFE000  }
0x29b: {  	[spmem:s2] =	stream.indirect.scatter.add.f32 [tilespmem:s22], [sflag:$0x9], $0x80, s11, s16, $0xb8;
	[tilespmem:$0x1E800] =	vst v63  }
0x29c: {  	_ =	swait.ge [sflag:s28], $0x2000  }
0x29d: {  	s13 =	sld [smem:$0x7F5]  }
0x29e: {  	[sflag:s28] =	ssyncset.done $0x0  }
0x29f: {  	[sflag:s28] =	ssyncadd.s32 $0xFFFFE000  }
0x2a0: {  	[spmem:s2] =	stream.indirect.scatter.add.f32 [tilespmem:s23], [sflag:$0xA], $0x80, s13, s16, $0xb8;
	[tilespmem:$0x1E800] =	vst v63  }
0x2a1: {  	_ =	swait.ge [sflag:s29], $0x2000  }
0x2a2: {  	[sflag:s29] =	ssyncset.done $0x0  }
0x2a3: {  	[sflag:s29] =	ssyncadd.s32 $0xFFFFE000  }
0x2a4: {  	_ =	swait.ge [sflag:s30], $0x2000  }
0x2a5: {  	s11 =	sld [smem:$0x7F6]  }
0x2a6: {  	[sflag:s30] =	ssyncset.done $0x0  }
0x2a7: {  	s13 =	sld [smem:$0x7F7];
	[sflag:s30] =	ssyncadd.s32 $0xFFFFE000  }
0x2a8: {  	[tilespmem:s17], [sflag:$0x3] =	stream.indirect.gather [hbm4b:s4+s16], $0x80, s11, s16, $0xb8;
	[tilespmem:$0x1E800] =	vst v63  }
0x2a9: {  	_ = 	snop  }
0x2aa: {  	[tilespmem:s19], [sflag:$0x4] =	stream.indirect.gather [hbm4b:s4+s16], $0x80, s13, s16, $0xb8;
	[tilespmem:$0x1E800] =	vst v63  }
0x2ab: {  	_ =	swait.ge [sflag:s31], $0x2000  }
0x2ac: {  	[sflag:s31] =	ssyncset.done $0x0  }
0x2ad: {  	[sflag:s31] =	ssyncadd.s32 $0xFFFFE000  }
0x2ae: {  	_ =	swait.ge [sflag:s1], $0x2000  }
0x2af: {  	s11 =	sld [smem:$0x7F8]  }
0x2b0: {  	[sflag:s1] =	ssyncset.done $0x0  }
0x2b1: {  	s13 =	sld [smem:$0x7F9];
	[sflag:s1] =	ssyncadd.s32 $0xFFFFE000  }
0x2b2: {  	[tilespmem:s22], [sflag:$0x5] =	stream.indirect.gather [hbm4b:s4+s16], $0x80, s11, s16, $0xb8;
	[tilespmem:$0x1E800] =	vst v63  }
0x2b3: {  	_ = 	snop  }
0x2b4: {  	[tilespmem:s23], [sflag:$0x6] =	stream.indirect.gather [hbm4b:s4+s16], $0x80, s13, s16, $0xb8;
	[tilespmem:$0x1E800] =	vst v63  }
0x2b5: {  	_ =	swait.ge [sflag:s24], $0x2000  }
0x2b6: {  	s11 =	sld [smem:$0x7FA]  }
0x2b7: {  	[sflag:s24] =	ssyncset.done $0x0  }
0x2b8: {  	[sflag:s24] =	ssyncadd.s32 $0xFFFFE000  }
0x2b9: {  	[spmem:s2] =	stream.indirect.scatter.add.f32 [tilespmem:s17], [sflag:$0x7], $0x80, s11, s16, $0xb8;
	[tilespmem:$0x1E800] =	vst v63  }
0x2ba: {  	_ =	swait.ge [sflag:s25], $0x2000  }
0x2bb: {  	s13 =	sld [smem:$0x7FB]  }
0x2bc: {  	[sflag:s25] =	ssyncset.done $0x0  }
0x2bd: {  	[sflag:s25] =	ssyncadd.s32 $0xFFFFE000  }
0x2be: {  	[spmem:s2] =	stream.indirect.scatter.add.f32 [tilespmem:s19], [sflag:$0x8], $0x80, s13, s16, $0xb8;
	[tilespmem:$0x1E800] =	vst v63  }
0x2bf: {  	_ =	swait.ge [sflag:s26], $0x2000  }
0x2c0: {  	s11 =	sld [smem:$0x7FC]  }
0x2c1: {  	[sflag:s26] =	ssyncset.done $0x0  }
0x2c2: {  	[sflag:s26] =	ssyncadd.s32 $0xFFFFE000  }
0x2c3: {  	[spmem:s2] =	stream.indirect.scatter.add.f32 [tilespmem:s22], [sflag:$0x9], $0x80, s11, s16, $0xb8;
	[tilespmem:$0x1E800] =	vst v63  }
0x2c4: {  	_ =	swait.ge [sflag:s28], $0x2000  }
0x2c5: {  	s13 =	sld [smem:$0x7FD]  }
0x2c6: {  	[sflag:s28] =	ssyncset.done $0x0  }
0x2c7: {  	[sflag:s28] =	ssyncadd.s32 $0xFFFFE000  }
0x2c8: {  	[spmem:s2] =	stream.indirect.scatter.add.f32 [tilespmem:s23], [sflag:$0xA], $0x80, s13, s16, $0xb8;
	[tilespmem:$0x1E800] =	vst v63  }
0x2c9: {  	_ =	swait.ge [sflag:s29], $0x2000  }
0x2ca: {  	[sflag:s29] =	ssyncset.done $0x0  }
0x2cb: {  	[sflag:s29] =	ssyncadd.s32 $0xFFFFE000  }
0x2cc: {  	_ =	swait.ge [sflag:s30], $0x2000  }
0x2cd: {  	[sflag:s30] =	ssyncset.done $0x0  }
0x2ce: {  	[sflag:s30] =	ssyncadd.s32 $0xFFFFE000  }
0x2cf: {  	_ =	swait.ge [sflag:s15], $0x800  }
0x2d0: {  	[sflag:s15] =	ssyncset.done $0x0  }
0x2d1: {  	[sflag:s15] =	ssyncadd.s32 $0xFFFFF800  }
0x2d2: {  	_ =	swait.ge [sflag:s15], $0x800  }
0x2d3: {  	[sflag:s15] =	ssyncset.done $0x0  }
0x2d4: {  	[sflag:s15] =	ssyncadd.s32 $0xFFFFF800  }
0x2d5: {  	[tilespmem:s17], [sflag:$0x3] =	stream.indirect.gather [hbm4b:s4+s16], $0x80, s3, s16, $0xb8;
	[tilespmem:$0x1E800] =	vst v63  }
0x2d6: {  	p0 =	sne.s32 s6, $0x8  }
0x2d7: {  	[tilespmem:s19], [sflag:$0x4] =	stream.indirect.gather [hbm4b:s4+s16], $0x80, s18, s16, $0xb8;
	[tilespmem:$0x1E800] =	vst v63  }
.Ltmp2:
0x2d8: {  	_ =	swait.ge [sflag:s31], $0x2000;
	(pc) =	sbr.rel @p0 .LBB2_6-.Ltmp2, $4  }
0x2d9: {  	[sflag:s31] =	ssyncset.done $0x0  }
0x2da: {  	[sflag:s31] =	ssyncadd.s32 $0xFFFFE000  }
0x2db: {  	_ =	swait.ge [sflag:s1], $0x2000  }
0x2dc: {  	s6 =	sadd.s32 $0x2, s6;
	s10 =	sadd.s32 $0x200, s10;
	[sflag:s1] =	ssyncset.done $0x0  }
0x2dd: {  	s6 =	sadd.s32 $0xFFFEC000, s10;
	[sflag:s1] =	ssyncadd.s32 $0xFFFFE000  }
0x2de: {  	[tilespmem:s20], [sflag:$0x2] =	stream.linear.gather [hbm4b:s6+s3], $0x800, $0x38;
	[tilespmem:$0x1E800] =	vst v63  }
0x2df: {  	_ = 	snop  }
0x2e0: {  	[tilespmem:s21], [sflag:$0x2] =	stream.linear.gather [hbm4b:s10+s3], $0x800, $0x38;
	[tilespmem:$0x1E800] =	vst v63  }
0x2e1: {  	s13 =	rddreg [dreg:$0x4]  }
0x2e2: {  	[tilespmem:s22], [sflag:$0x5] =	stream.indirect.gather [hbm4b:s4+s16], $0x80, s13, s16, $0xb8;
	[tilespmem:$0x1E800] =	vst v63  }
0x2e3: {  	s7 =	rddreg [dreg:$0x5]  }
0x2e4: {  	[tilespmem:s23], [sflag:$0x6] =	stream.indirect.gather [hbm4b:s4+s16], $0x80, s7, s16, $0xb8;
	[tilespmem:$0x1E800] =	vst v63  }
0x2e5: {  	_ =	swait.ge [sflag:s24], $0x2000  }
0x2e6: {  	[sflag:s24] =	ssyncset.done $0x0  }
0x2e7: {  	[sflag:s24] =	ssyncadd.s32 $0xFFFFE000  }
0x2e8: {  	[spmem:s2] =	stream.indirect.scatter.add.f32 [tilespmem:s17], [sflag:$0x7], $0x80, s12, s16, $0xb8;
	[tilespmem:$0x1E800] =	vst v63  }
0x2e9: {  	_ =	swait.ge [sflag:s25], $0x2000  }
0x2ea: {  	[sflag:s25] =	ssyncset.done $0x0  }
0x2eb: {  	s10 =	rddreg [dreg:$0x6];
	[sflag:s25] =	ssyncadd.s32 $0xFFFFE000  }
0x2ec: {  	[spmem:s2] =	stream.indirect.scatter.add.f32 [tilespmem:s19], [sflag:$0x8], $0x80, s10, s16, $0xb8;
	[tilespmem:$0x1E800] =	vst v63  }
0x2ed: {  	_ =	swait.ge [sflag:s26], $0x2000  }
0x2ee: {  	[sflag:s26] =	ssyncset.done $0x0  }
0x2ef: {  	s11 =	rddreg [dreg:$0x7];
	[sflag:s26] =	ssyncadd.s32 $0xFFFFE000  }
0x2f0: {  	[spmem:s2] =	stream.indirect.scatter.add.f32 [tilespmem:s22], [sflag:$0x9], $0x80, s11, s16, $0xb8;
	[tilespmem:$0x1E800] =	vst v63  }
0x2f1: {  	_ =	swait.ge [sflag:s28], $0x2000  }
0x2f2: {  	[sflag:s28] =	ssyncset.done $0x0  }
0x2f3: {  	s13 =	rddreg [dreg:$0x8];
	[sflag:s28] =	ssyncadd.s32 $0xFFFFE000  }
0x2f4: {  	[spmem:s2] =	stream.indirect.scatter.add.f32 [tilespmem:s23], [sflag:$0xA], $0x80, s13, s16, $0xb8;
	[tilespmem:$0x1E800] =	vst v63  }
0x2f5: {  	_ =	swait.ge [sflag:s29], $0x2000  }
0x2f6: {  	[sflag:s29] =	ssyncset.done $0x0  }
0x2f7: {  	[sflag:s29] =	ssyncadd.s32 $0xFFFFE000  }
0x2f8: {  	_ =	swait.ge [sflag:s30], $0x2000  }
0x2f9: {  	[sflag:s30] =	ssyncset.done $0x0  }
0x2fa: {  	s7 =	rddreg [dreg:$0x9];
	[sflag:s30] =	ssyncadd.s32 $0xFFFFE000  }
0x2fb: {  	[tilespmem:s17], [sflag:$0x3] =	stream.indirect.gather [hbm4b:s4+s16], $0x80, s7, s16, $0xb8;
	[tilespmem:$0x1E800] =	vst v63  }
0x2fc: {  	s10 =	rddreg [dreg:$0xa]  }
0x2fd: {  	[tilespmem:s19], [sflag:$0x4] =	stream.indirect.gather [hbm4b:s4+s16], $0x80, s10, s16, $0xb8;
	[tilespmem:$0x1E800] =	vst v63  }
0x2fe: {  	_ =	swait.ge [sflag:s31], $0x2000  }
0x2ff: {  	[sflag:s31] =	ssyncset.done $0x0  }
0x300: {  	[sflag:s31] =	ssyncadd.s32 $0xFFFFE000  }
0x301: {  	_ =	swait.ge [sflag:s1], $0x2000  }
0x302: {  	[sflag:s1] =	ssyncset.done $0x0  }
0x303: {  	s11 =	rddreg [dreg:$0xb];
	[sflag:s1] =	ssyncadd.s32 $0xFFFFE000  }
0x304: {  	[tilespmem:s22], [sflag:$0x5] =	stream.indirect.gather [hbm4b:s4+s16], $0x80, s11, s16, $0xb8;
	[tilespmem:$0x1E800] =	vst v63  }
0x305: {  	s13 =	rddreg [dreg:$0xc]  }
0x306: {  	[tilespmem:s23], [sflag:$0x6] =	stream.indirect.gather [hbm4b:s4+s16], $0x80, s13, s16, $0xb8;
	[tilespmem:$0x1E800] =	vst v63  }
0x307: {  	_ =	swait.ge [sflag:s24], $0x2000  }
0x308: {  	[sflag:s24] =	ssyncset.done $0x0  }
0x309: {  	s7 =	rddreg [dreg:$0xd];
	[sflag:s24] =	ssyncadd.s32 $0xFFFFE000  }
0x30a: {  	[spmem:s2] =	stream.indirect.scatter.add.f32 [tilespmem:s17], [sflag:$0x7], $0x80, s7, s16, $0xb8;
	[tilespmem:$0x1E800] =	vst v63  }
0x30b: {  	_ =	swait.ge [sflag:s25], $0x2000  }
0x30c: {  	[sflag:s25] =	ssyncset.done $0x0  }
0x30d: {  	s10 =	rddreg [dreg:$0xe];
	[sflag:s25] =	ssyncadd.s32 $0xFFFFE000  }
0x30e: {  	[spmem:s2] =	stream.indirect.scatter.add.f32 [tilespmem:s19], [sflag:$0x8], $0x80, s10, s16, $0xb8;
	[tilespmem:$0x1E800] =	vst v63  }
0x30f: {  	_ =	swait.ge [sflag:s26], $0x2000  }
0x310: {  	[sflag:s26] =	ssyncset.done $0x0  }
0x311: {  	s11 =	rddreg [dreg:$0xf];
	[sflag:s26] =	ssyncadd.s32 $0xFFFFE000  }
0x312: {  	[spmem:s2] =	stream.indirect.scatter.add.f32 [tilespmem:s22], [sflag:$0x9], $0x80, s11, s16, $0xb8;
	[tilespmem:$0x1E800] =	vst v63  }
0x313: {  	_ =	swait.ge [sflag:s28], $0x2000  }
0x314: {  	[sflag:s28] =	ssyncset.done $0x0  }
0x315: {  	s13 =	rddreg [dreg:$0x10];
	[sflag:s28] =	ssyncadd.s32 $0xFFFFE000  }
0x316: {  	[spmem:s2] =	stream.indirect.scatter.add.f32 [tilespmem:s23], [sflag:$0xA], $0x80, s13, s16, $0xb8;
	[tilespmem:$0x1E800] =	vst v63  }
0x317: {  	_ =	swait.ge [sflag:s29], $0x2000  }
0x318: {  	[sflag:s29] =	ssyncset.done $0x0  }
0x319: {  	[sflag:s29] =	ssyncadd.s32 $0xFFFFE000  }
0x31a: {  	_ =	swait.ge [sflag:s30], $0x2000  }
0x31b: {  	[sflag:s30] =	ssyncset.done $0x0  }
0x31c: {  	s7 =	rddreg [dreg:$0x11];
	[sflag:s30] =	ssyncadd.s32 $0xFFFFE000  }
0x31d: {  	[tilespmem:s17], [sflag:$0x3] =	stream.indirect.gather [hbm4b:s4+s16], $0x80, s7, s16, $0xb8;
	[tilespmem:$0x1E800] =	vst v63  }
0x31e: {  	s10 =	rddreg [dreg:$0x12]  }
0x31f: {  	[tilespmem:s19], [sflag:$0x4] =	stream.indirect.gather [hbm4b:s4+s16], $0x80, s10, s16, $0xb8;
	[tilespmem:$0x1E800] =	vst v63  }
0x320: {  	_ =	swait.ge [sflag:s31], $0x2000  }
0x321: {  	[sflag:s31] =	ssyncset.done $0x0  }
0x322: {  	[sflag:s31] =	ssyncadd.s32 $0xFFFFE000  }
0x323: {  	_ =	swait.ge [sflag:s1], $0x2000  }
0x324: {  	[sflag:s1] =	ssyncset.done $0x0  }
0x325: {  	s11 =	rddreg [dreg:$0x13];
	[sflag:s1] =	ssyncadd.s32 $0xFFFFE000  }
0x326: {  	[tilespmem:s22], [sflag:$0x5] =	stream.indirect.gather [hbm4b:s4+s16], $0x80, s11, s16, $0xb8;
	[tilespmem:$0x1E800] =	vst v63  }
0x327: {  	s13 =	rddreg [dreg:$0x14]  }
0x328: {  	[tilespmem:s23], [sflag:$0x6] =	stream.indirect.gather [hbm4b:s4+s16], $0x80, s13, s16, $0xb8;
	[tilespmem:$0x1E800] =	vst v63  }
0x329: {  	_ =	swait.ge [sflag:s24], $0x2000  }
0x32a: {  	[sflag:s24] =	ssyncset.done $0x0  }
0x32b: {  	s7 =	rddreg [dreg:$0x15];
	[sflag:s24] =	ssyncadd.s32 $0xFFFFE000  }
0x32c: {  	[spmem:s2] =	stream.indirect.scatter.add.f32 [tilespmem:s17], [sflag:$0x7], $0x80, s7, s16, $0xb8;
	[tilespmem:$0x1E800] =	vst v63  }
0x32d: {  	_ =	swait.ge [sflag:s25], $0x2000  }
0x32e: {  	[sflag:s25] =	ssyncset.done $0x0  }
0x32f: {  	s10 =	rddreg [dreg:$0x16];
	[sflag:s25] =	ssyncadd.s32 $0xFFFFE000  }
0x330: {  	[spmem:s2] =	stream.indirect.scatter.add.f32 [tilespmem:s19], [sflag:$0x8], $0x80, s10, s16, $0xb8;
	[tilespmem:$0x1E800] =	vst v63  }
0x331: {  	_ =	swait.ge [sflag:s26], $0x2000  }
0x332: {  	[sflag:s26] =	ssyncset.done $0x0  }
0x333: {  	s11 =	rddreg [dreg:$0x17];
	[sflag:s26] =	ssyncadd.s32 $0xFFFFE000  }
0x334: {  	[spmem:s2] =	stream.indirect.scatter.add.f32 [tilespmem:s22], [sflag:$0x9], $0x80, s11, s16, $0xb8;
	[tilespmem:$0x1E800] =	vst v63  }
0x335: {  	_ =	swait.ge [sflag:s28], $0x2000  }
0x336: {  	[sflag:s28] =	ssyncset.done $0x0  }
0x337: {  	s13 =	rddreg [dreg:$0x18];
	[sflag:s28] =	ssyncadd.s32 $0xFFFFE000  }
0x338: {  	[spmem:s2] =	stream.indirect.scatter.add.f32 [tilespmem:s23], [sflag:$0xA], $0x80, s13, s16, $0xb8;
	[tilespmem:$0x1E800] =	vst v63  }
0x339: {  	_ =	swait.ge [sflag:s29], $0x2000  }
0x33a: {  	[sflag:s29] =	ssyncset.done $0x0  }
0x33b: {  	[sflag:s29] =	ssyncadd.s32 $0xFFFFE000  }
0x33c: {  	_ =	swait.ge [sflag:s30], $0x2000  }
0x33d: {  	[sflag:s30] =	ssyncset.done $0x0  }
0x33e: {  	s7 =	rddreg [dreg:$0x19];
	[sflag:s30] =	ssyncadd.s32 $0xFFFFE000  }
0x33f: {  	[tilespmem:s17], [sflag:$0x3] =	stream.indirect.gather [hbm4b:s4+s16], $0x80, s7, s16, $0xb8;
	[tilespmem:$0x1E800] =	vst v63  }
0x340: {  	s10 =	rddreg [dreg:$0x1a]  }
0x341: {  	[tilespmem:s19], [sflag:$0x4] =	stream.indirect.gather [hbm4b:s4+s16], $0x80, s10, s16, $0xb8;
	[tilespmem:$0x1E800] =	vst v63  }
0x342: {  	_ =	swait.ge [sflag:s31], $0x2000  }
0x343: {  	[sflag:s31] =	ssyncset.done $0x0  }
0x344: {  	[sflag:s31] =	ssyncadd.s32 $0xFFFFE000  }
0x345: {  	_ =	swait.ge [sflag:s1], $0x2000  }
0x346: {  	[sflag:s1] =	ssyncset.done $0x0  }
0x347: {  	s11 =	rddreg [dreg:$0x1b];
	[sflag:s1] =	ssyncadd.s32 $0xFFFFE000  }
0x348: {  	[tilespmem:s22], [sflag:$0x5] =	stream.indirect.gather [hbm4b:s4+s16], $0x80, s11, s16, $0xb8;
	[tilespmem:$0x1E800] =	vst v63  }
0x349: {  	s13 =	rddreg [dreg:$0x1c]  }
0x34a: {  	[tilespmem:s23], [sflag:$0x6] =	stream.indirect.gather [hbm4b:s4+s16], $0x80, s13, s16, $0xb8;
	[tilespmem:$0x1E800] =	vst v63  }
0x34b: {  	_ =	swait.ge [sflag:s24], $0x2000  }
0x34c: {  	[sflag:s24] =	ssyncset.done $0x0  }
0x34d: {  	s7 =	rddreg [dreg:$0x1d];
	[sflag:s24] =	ssyncadd.s32 $0xFFFFE000  }
0x34e: {  	[spmem:s2] =	stream.indirect.scatter.add.f32 [tilespmem:s17], [sflag:$0x7], $0x80, s7, s16, $0xb8;
	[tilespmem:$0x1E800] =	vst v63  }
0x34f: {  	_ =	swait.ge [sflag:s25], $0x2000  }
0x350: {  	[sflag:s25] =	ssyncset.done $0x0  }
0x351: {  	s10 =	rddreg [dreg:$0x1e];
	[sflag:s25] =	ssyncadd.s32 $0xFFFFE000  }
0x352: {  	[spmem:s2] =	stream.indirect.scatter.add.f32 [tilespmem:s19], [sflag:$0x8], $0x80, s10, s16, $0xb8;
	[tilespmem:$0x1E800] =	vst v63  }
0x353: {  	_ =	swait.ge [sflag:s26], $0x2000  }
0x354: {  	[sflag:s26] =	ssyncset.done $0x0  }
0x355: {  	s11 =	rddreg [dreg:$0x1f];
	[sflag:s26] =	ssyncadd.s32 $0xFFFFE000  }
0x356: {  	[spmem:s2] =	stream.indirect.scatter.add.f32 [tilespmem:s22], [sflag:$0x9], $0x80, s11, s16, $0xb8;
	[tilespmem:$0x1E800] =	vst v63  }
0x357: {  	_ =	swait.ge [sflag:s28], $0x2000  }
0x358: {  	s13 =	sld [smem:$0x7DA]  }
0x359: {  	[sflag:s28] =	ssyncset.done $0x0  }
0x35a: {  	[sflag:s28] =	ssyncadd.s32 $0xFFFFE000  }
0x35b: {  	[spmem:s2] =	stream.indirect.scatter.add.f32 [tilespmem:s23], [sflag:$0xA], $0x80, s13, s16, $0xb8;
	[tilespmem:$0x1E800] =	vst v63  }
0x35c: {  	_ =	swait.ge [sflag:s29], $0x2000  }
0x35d: {  	[sflag:s29] =	ssyncset.done $0x0  }
0x35e: {  	[sflag:s29] =	ssyncadd.s32 $0xFFFFE000  }
0x35f: {  	_ =	swait.ge [sflag:s30], $0x2000  }
0x360: {  	[sflag:s30] =	ssyncset.done $0x0  }
0x361: {  	[sflag:s30] =	ssyncadd.s32 $0xFFFFE000  }
0x362: {  	_ =	swait.ge [sflag:s0], $0x800  }
0x363: {  	[sflag:s0] =	ssyncset.done $0x0  }
0x364: {  	[sflag:s0] =	ssyncadd.s32 $0xFFFFF800  }
0x365: {  	_ =	swait.ge [sflag:s0], $0x800  }
0x366: {  	[sflag:s0] =	ssyncset.done $0x0  }
0x367: {  	s7 =	sld [smem:$0x7DB];
	[sflag:s0] =	ssyncadd.s32 $0xFFFFF800  }
0x368: {  	[tilespmem:s17], [sflag:$0x3] =	stream.indirect.gather [hbm4b:s4+s16], $0x80, s20, s16, $0xb8;
	[tilespmem:$0x1E800] =	vst v63  }
0x369: {  	_ = 	snop  }
0x36a: {  	[tilespmem:s19], [sflag:$0x4] =	stream.indirect.gather [hbm4b:s4+s16], $0x80, s7, s16, $0xb8;
	[tilespmem:$0x1E800] =	vst v63  }
0x36b: {  	_ =	swait.ge [sflag:s31], $0x2000  }
0x36c: {  	[sflag:s31] =	ssyncset.done $0x0  }
0x36d: {  	p0 =	slt.s32 s9, $0x7;
	[sflag:s31] =	ssyncadd.s32 $0xFFFFE000  }
0x36e: {  	s9 =	simm.s32 @!p0 $0x7;
	_ =	swait.ge [sflag:s1], $0x2000  }
0x36f: {  	s11 =	sshll.u32 s9, $0xB;
	s10 =	rddreg [dreg:$0x3]  }
0x370: {  	s6 =	sadd.s32 s11, s10  }
0x371: {  	[sflag:s1] =	ssyncset.done $0x0;
	s6 =	sshrl.u32 s6, $0x3  }
0x372: {  	[sflag:s1] =	ssyncadd.s32 $0xFFFFE000;
	s6 =	sadd.s32 s5, s6  }
0x373: {  	[tilespmem:s3], [sflag:$0x1] =	stream.linear.gather [hbm4b:s6+s3], $0x800, $0x38;
	[tilespmem:$0x1E800] =	vst v63  }
0x374: {  	s13 =	sld [smem:$0x7DC];
	s6 =	sadd.s32 $0x14000, s6  }
0x375: {  	[tilespmem:s12], [sflag:$0x1] =	stream.linear.gather [hbm4b:s6+s3], $0x800, $0x38;
	[tilespmem:$0x1E800] =	vst v63  }
0x376: {  	s9 =	sld [smem:$0x7DD]  }
0x377: {  	[tilespmem:s22], [sflag:$0x5] =	stream.indirect.gather [hbm4b:s4+s16], $0x80, s13, s16, $0xb8;
	[tilespmem:$0x1E800] =	vst v63  }
0x378: {  	_ = 	snop  }
0x379: {  	[tilespmem:s23], [sflag:$0x6] =	stream.indirect.gather [hbm4b:s4+s16], $0x80, s9, s16, $0xb8;
	[tilespmem:$0x1E800] =	vst v63  }
0x37a: {  	_ =	swait.ge [sflag:s24], $0x2000  }
0x37b: {  	[sflag:s24] =	ssyncset.done $0x0  }
0x37c: {  	[sflag:s24] =	ssyncadd.s32 $0xFFFFE000  }
0x37d: {  	[spmem:s2] =	stream.indirect.scatter.add.f32 [tilespmem:s17], [sflag:$0x7], $0x80, s21, s16, $0xb8;
	[tilespmem:$0x1E800] =	vst v63  }
0x37e: {  	_ =	swait.ge [sflag:s25], $0x2000  }
0x37f: {  	s10 =	sld [smem:$0x7DE]  }
0x380: {  	[sflag:s25] =	ssyncset.done $0x0  }
0x381: {  	[sflag:s25] =	ssyncadd.s32 $0xFFFFE000  }
0x382: {  	[spmem:s2] =	stream.indirect.scatter.add.f32 [tilespmem:s19], [sflag:$0x8], $0x80, s10, s16, $0xb8;
	[tilespmem:$0x1E800] =	vst v63  }
0x383: {  	_ =	swait.ge [sflag:s26], $0x2000  }
0x384: {  	s11 =	sld [smem:$0x7DF]  }
0x385: {  	[sflag:s26] =	ssyncset.done $0x0  }
0x386: {  	[sflag:s26] =	ssyncadd.s32 $0xFFFFE000  }
0x387: {  	[spmem:s2] =	stream.indirect.scatter.add.f32 [tilespmem:s22], [sflag:$0x9], $0x80, s11, s16, $0xb8;
	[tilespmem:$0x1E800] =	vst v63  }
0x388: {  	_ =	swait.ge [sflag:s28], $0x2000  }
0x389: {  	s13 =	sld [smem:$0x7E0]  }
0x38a: {  	[sflag:s28] =	ssyncset.done $0x0  }
0x38b: {  	[sflag:s28] =	ssyncadd.s32 $0xFFFFE000  }
0x38c: {  	[spmem:s2] =	stream.indirect.scatter.add.f32 [tilespmem:s23], [sflag:$0xA], $0x80, s13, s16, $0xb8;
	[tilespmem:$0x1E800] =	vst v63  }
0x38d: {  	_ =	swait.ge [sflag:s29], $0x2000  }
0x38e: {  	[sflag:s29] =	ssyncset.done $0x0  }
0x38f: {  	[sflag:s29] =	ssyncadd.s32 $0xFFFFE000  }
0x390: {  	_ =	swait.ge [sflag:s30], $0x2000  }
0x391: {  	s7 =	sld [smem:$0x7E1]  }
0x392: {  	[sflag:s30] =	ssyncset.done $0x0  }
0x393: {  	s9 =	sld [smem:$0x7E2];
	[sflag:s30] =	ssyncadd.s32 $0xFFFFE000  }
0x394: {  	[tilespmem:s17], [sflag:$0x3] =	stream.indirect.gather [hbm4b:s4+s16], $0x80, s7, s16, $0xb8;
	[tilespmem:$0x1E800] =	vst v63  }
0x395: {  	_ = 	snop  }
0x396: {  	[tilespmem:s19], [sflag:$0x4] =	stream.indirect.gather [hbm4b:s4+s16], $0x80, s9, s16, $0xb8;
	[tilespmem:$0x1E800] =	vst v63  }
0x397: {  	_ =	swait.ge [sflag:s31], $0x2000  }
0x398: {  	[sflag:s31] =	ssyncset.done $0x0  }
0x399: {  	[sflag:s31] =	ssyncadd.s32 $0xFFFFE000  }
0x39a: {  	_ =	swait.ge [sflag:s1], $0x2000  }
0x39b: {  	s10 =	sld [smem:$0x7E5]  }
0x39c: {  	[sflag:s1] =	ssyncset.done $0x0  }
0x39d: {  	s11 =	sld [smem:$0x7E6];
	[sflag:s1] =	ssyncadd.s32 $0xFFFFE000  }
0x39e: {  	[tilespmem:s22], [sflag:$0x5] =	stream.indirect.gather [hbm4b:s4+s16], $0x80, s10, s16, $0xb8;
	[tilespmem:$0x1E800] =	vst v63  }
0x39f: {  	_ = 	snop  }
0x3a0: {  	[tilespmem:s23], [sflag:$0x6] =	stream.indirect.gather [hbm4b:s4+s16], $0x80, s11, s16, $0xb8;
	[tilespmem:$0x1E800] =	vst v63  }
0x3a1: {  	_ =	swait.ge [sflag:s24], $0x2000  }
0x3a2: {  	s13 =	sld [smem:$0x7E7]  }
0x3a3: {  	[sflag:s24] =	ssyncset.done $0x0  }
0x3a4: {  	[sflag:s24] =	ssyncadd.s32 $0xFFFFE000  }
0x3a5: {  	[spmem:s2] =	stream.indirect.scatter.add.f32 [tilespmem:s17], [sflag:$0x7], $0x80, s13, s16, $0xb8;
	[tilespmem:$0x1E800] =	vst v63  }
0x3a6: {  	_ =	swait.ge [sflag:s25], $0x2000  }
0x3a7: {  	s7 =	sld [smem:$0x7E9]  }
0x3a8: {  	[sflag:s25] =	ssyncset.done $0x0  }
0x3a9: {  	[sflag:s25] =	ssyncadd.s32 $0xFFFFE000  }
0x3aa: {  	[spmem:s2] =	stream.indirect.scatter.add.f32 [tilespmem:s19], [sflag:$0x8], $0x80, s7, s16, $0xb8;
	[tilespmem:$0x1E800] =	vst v63  }
0x3ab: {  	_ =	swait.ge [sflag:s26], $0x2000  }
0x3ac: {  	s9 =	sld [smem:$0x7EB]  }
0x3ad: {  	[sflag:s26] =	ssyncset.done $0x0  }
0x3ae: {  	[sflag:s26] =	ssyncadd.s32 $0xFFFFE000  }
0x3af: {  	[spmem:s2] =	stream.indirect.scatter.add.f32 [tilespmem:s22], [sflag:$0x9], $0x80, s9, s16, $0xb8;
	[tilespmem:$0x1E800] =	vst v63  }
0x3b0: {  	_ =	swait.ge [sflag:s28], $0x2000  }
0x3b1: {  	s10 =	sld [smem:$0x7EC]  }
0x3b2: {  	[sflag:s28] =	ssyncset.done $0x0  }
0x3b3: {  	[sflag:s28] =	ssyncadd.s32 $0xFFFFE000  }
0x3b4: {  	[spmem:s2] =	stream.indirect.scatter.add.f32 [tilespmem:s23], [sflag:$0xA], $0x80, s10, s16, $0xb8;
	[tilespmem:$0x1E800] =	vst v63  }
0x3b5: {  	_ =	swait.ge [sflag:s29], $0x2000  }
0x3b6: {  	[sflag:s29] =	ssyncset.done $0x0  }
0x3b7: {  	[sflag:s29] =	ssyncadd.s32 $0xFFFFE000  }
0x3b8: {  	_ =	swait.ge [sflag:s30], $0x2000  }
0x3b9: {  	s11 =	sld [smem:$0x7ED]  }
0x3ba: {  	[sflag:s30] =	ssyncset.done $0x0  }
0x3bb: {  	s13 =	sld [smem:$0x7EE];
	[sflag:s30] =	ssyncadd.s32 $0xFFFFE000  }
0x3bc: {  	[tilespmem:s17], [sflag:$0x3] =	stream.indirect.gather [hbm4b:s4+s16], $0x80, s11, s16, $0xb8;
	[tilespmem:$0x1E800] =	vst v63  }
0x3bd: {  	_ = 	snop  }
0x3be: {  	[tilespmem:s19], [sflag:$0x4] =	stream.indirect.gather [hbm4b:s4+s16], $0x80, s13, s16, $0xb8;
	[tilespmem:$0x1E800] =	vst v63  }
0x3bf: {  	_ =	swait.ge [sflag:s31], $0x2000  }
0x3c0: {  	[sflag:s31] =	ssyncset.done $0x0  }
0x3c1: {  	[sflag:s31] =	ssyncadd.s32 $0xFFFFE000  }
0x3c2: {  	_ =	swait.ge [sflag:s1], $0x2000  }
0x3c3: {  	s7 =	sld [smem:$0x7EF]  }
0x3c4: {  	[sflag:s1] =	ssyncset.done $0x0  }
0x3c5: {  	s9 =	sld [smem:$0x7F1];
	[sflag:s1] =	ssyncadd.s32 $0xFFFFE000  }
0x3c6: {  	[tilespmem:s22], [sflag:$0x5] =	stream.indirect.gather [hbm4b:s4+s16], $0x80, s7, s16, $0xb8;
	[tilespmem:$0x1E800] =	vst v63  }
0x3c7: {  	_ = 	snop  }
0x3c8: {  	[tilespmem:s23], [sflag:$0x6] =	stream.indirect.gather [hbm4b:s4+s16], $0x80, s9, s16, $0xb8;
	[tilespmem:$0x1E800] =	vst v63  }
0x3c9: {  	_ =	swait.ge [sflag:s24], $0x2000  }
0x3ca: {  	s10 =	sld [smem:$0x7F2]  }
0x3cb: {  	[sflag:s24] =	ssyncset.done $0x0  }
0x3cc: {  	[sflag:s24] =	ssyncadd.s32 $0xFFFFE000  }
0x3cd: {  	[spmem:s2] =	stream.indirect.scatter.add.f32 [tilespmem:s17], [sflag:$0x7], $0x80, s10, s16, $0xb8;
	[tilespmem:$0x1E800] =	vst v63  }
0x3ce: {  	_ =	swait.ge [sflag:s25], $0x2000  }
0x3cf: {  	s11 =	sld [smem:$0x7F3]  }
0x3d0: {  	[sflag:s25] =	ssyncset.done $0x0  }
0x3d1: {  	[sflag:s25] =	ssyncadd.s32 $0xFFFFE000  }
0x3d2: {  	[spmem:s2] =	stream.indirect.scatter.add.f32 [tilespmem:s19], [sflag:$0x8], $0x80, s11, s16, $0xb8;
	[tilespmem:$0x1E800] =	vst v63  }
0x3d3: {  	_ =	swait.ge [sflag:s26], $0x2000  }
0x3d4: {  	s13 =	sld [smem:$0x7F4]  }
0x3d5: {  	[sflag:s26] =	ssyncset.done $0x0  }
0x3d6: {  	[sflag:s26] =	ssyncadd.s32 $0xFFFFE000  }
0x3d7: {  	[spmem:s2] =	stream.indirect.scatter.add.f32 [tilespmem:s22], [sflag:$0x9], $0x80, s13, s16, $0xb8;
	[tilespmem:$0x1E800] =	vst v63  }
0x3d8: {  	_ =	swait.ge [sflag:s28], $0x2000  }
0x3d9: {  	s7 =	sld [smem:$0x7F5]  }
0x3da: {  	[sflag:s28] =	ssyncset.done $0x0  }
0x3db: {  	[sflag:s28] =	ssyncadd.s32 $0xFFFFE000  }
0x3dc: {  	[spmem:s2] =	stream.indirect.scatter.add.f32 [tilespmem:s23], [sflag:$0xA], $0x80, s7, s16, $0xb8;
	[tilespmem:$0x1E800] =	vst v63  }
0x3dd: {  	_ =	swait.ge [sflag:s29], $0x2000  }
0x3de: {  	[sflag:s29] =	ssyncset.done $0x0  }
0x3df: {  	[sflag:s29] =	ssyncadd.s32 $0xFFFFE000  }
0x3e0: {  	_ =	swait.ge [sflag:s30], $0x2000  }
0x3e1: {  	s9 =	sld [smem:$0x7F6]  }
0x3e2: {  	[sflag:s30] =	ssyncset.done $0x0  }
0x3e3: {  	s10 =	sld [smem:$0x7F7];
	[sflag:s30] =	ssyncadd.s32 $0xFFFFE000  }
0x3e4: {  	[tilespmem:s17], [sflag:$0x3] =	stream.indirect.gather [hbm4b:s4+s16], $0x80, s9, s16, $0xb8;
	[tilespmem:$0x1E800] =	vst v63  }
0x3e5: {  	_ = 	snop  }
0x3e6: {  	[tilespmem:s19], [sflag:$0x4] =	stream.indirect.gather [hbm4b:s4+s16], $0x80, s10, s16, $0xb8;
	[tilespmem:$0x1E800] =	vst v63  }
0x3e7: {  	_ =	swait.ge [sflag:s31], $0x2000  }
0x3e8: {  	[sflag:s31] =	ssyncset.done $0x0  }
0x3e9: {  	[sflag:s31] =	ssyncadd.s32 $0xFFFFE000  }
0x3ea: {  	_ =	swait.ge [sflag:s1], $0x2000  }
0x3eb: {  	s11 =	sld [smem:$0x7F8]  }
0x3ec: {  	[sflag:s1] =	ssyncset.done $0x0  }
0x3ed: {  	s13 =	sld [smem:$0x7F9];
	[sflag:s1] =	ssyncadd.s32 $0xFFFFE000  }
0x3ee: {  	[tilespmem:s22], [sflag:$0x5] =	stream.indirect.gather [hbm4b:s4+s16], $0x80, s11, s16, $0xb8;
	[tilespmem:$0x1E800] =	vst v63  }
0x3ef: {  	_ = 	snop  }
0x3f0: {  	[tilespmem:s23], [sflag:$0x6] =	stream.indirect.gather [hbm4b:s4+s16], $0x80, s13, s16, $0xb8;
	[tilespmem:$0x1E800] =	vst v63  }
0x3f1: {  	_ =	swait.ge [sflag:s24], $0x2000  }
0x3f2: {  	s9 =	sld [smem:$0x7FA]  }
0x3f3: {  	[sflag:s24] =	ssyncset.done $0x0  }
0x3f4: {  	[sflag:s24] =	ssyncadd.s32 $0xFFFFE000  }
0x3f5: {  	[spmem:s2] =	stream.indirect.scatter.add.f32 [tilespmem:s17], [sflag:$0x7], $0x80, s9, s16, $0xb8;
	[tilespmem:$0x1E800] =	vst v63  }
0x3f6: {  	_ =	swait.ge [sflag:s25], $0x2000  }
0x3f7: {  	s10 =	sld [smem:$0x7FB]  }
0x3f8: {  	[sflag:s25] =	ssyncset.done $0x0  }
0x3f9: {  	[sflag:s25] =	ssyncadd.s32 $0xFFFFE000  }
0x3fa: {  	[spmem:s2] =	stream.indirect.scatter.add.f32 [tilespmem:s19], [sflag:$0x8], $0x80, s10, s16, $0xb8;
	[tilespmem:$0x1E800] =	vst v63  }
0x3fb: {  	_ =	swait.ge [sflag:s26], $0x2000  }
0x3fc: {  	s11 =	sld [smem:$0x7FC]  }
0x3fd: {  	[sflag:s26] =	ssyncset.done $0x0  }
0x3fe: {  	[sflag:s26] =	ssyncadd.s32 $0xFFFFE000  }
0x3ff: {  	[spmem:s2] =	stream.indirect.scatter.add.f32 [tilespmem:s22], [sflag:$0x9], $0x80, s11, s16, $0xb8;
	[tilespmem:$0x1E800] =	vst v63  }
0x400: {  	_ =	swait.ge [sflag:s28], $0x2000  }
0x401: {  	s13 =	sld [smem:$0x7FD]  }
0x402: {  	[sflag:s28] =	ssyncset.done $0x0  }
0x403: {  	[sflag:s28] =	ssyncadd.s32 $0xFFFFE000  }
0x404: {  	[spmem:s2] =	stream.indirect.scatter.add.f32 [tilespmem:s23], [sflag:$0xA], $0x80, s13, s16, $0xb8;
	[tilespmem:$0x1E800] =	vst v63  }
0x405: {  	_ =	swait.ge [sflag:s29], $0x2000  }
0x406: {  	[sflag:s29] =	ssyncset.done $0x0  }
0x407: {  	[sflag:s29] =	ssyncadd.s32 $0xFFFFE000  }
0x408: {  	_ =	swait.ge [sflag:s30], $0x2000  }
0x409: {  	[sflag:s30] =	ssyncset.done $0x0  }
0x40a: {  	[sflag:s30] =	ssyncadd.s32 $0xFFFFE000  }
0x40b: {  	_ =	swait.ge [sflag:s15], $0x800  }
0x40c: {  	[sflag:s15] =	ssyncset.done $0x0  }
0x40d: {  	[sflag:s15] =	ssyncadd.s32 $0xFFFFF800  }
0x40e: {  	_ =	swait.ge [sflag:s15], $0x800  }
0x40f: {  	[sflag:s15] =	ssyncset.done $0x0  }
0x410: {  	[sflag:s15] =	ssyncadd.s32 $0xFFFFF800  }
0x411: {  	[tilespmem:s17], [sflag:$0x3] =	stream.indirect.gather [hbm4b:s4+s16], $0x80, s3, s16, $0xb8;
	[tilespmem:$0x1E800] =	vst v63  }
0x412: {  	_ = 	snop  }
0x413: {  	[tilespmem:s19], [sflag:$0x4] =	stream.indirect.gather [hbm4b:s4+s16], $0x80, s18, s16, $0xb8;
	[tilespmem:$0x1E800] =	vst v63  }
0x414: {  	_ =	swait.ge [sflag:s31], $0x2000  }
0x415: {  	[sflag:s31] =	ssyncset.done $0x0  }
0x416: {  	[sflag:s31] =	ssyncadd.s32 $0xFFFFE000  }
0x417: {  	_ =	swait.ge [sflag:s1], $0x2000  }
0x418: {  	[sflag:s1] =	ssyncset.done $0x0  }
0x419: {  	[sflag:s1] =	ssyncadd.s32 $0xFFFFE000  }
0x41a: {  	_ =	swait.ge [sflag:s24], $0x2000  }
0x41b: {  	[sflag:s24] =	ssyncset.done $0x0  }
0x41c: {  	[sflag:s24] =	ssyncadd.s32 $0xFFFFE000  }
0x41d: {  	_ =	swait.ge [sflag:s25], $0x2000  }
0x41e: {  	[sflag:s25] =	ssyncset.done $0x0  }
0x41f: {  	[sflag:s25] =	ssyncadd.s32 $0xFFFFE000  }
0x420: {  	[bflag:$0x0] =	sbarrier.arrive $0xFFFF  }
0x421: {  	s7 =	stileid.u32;
	s10 =	sld [smem:$0x7E8]  }
0x422: {  	s6 =	sshll.u32 s7, $0x6  }
0x423: {  	s6 =	sor.u32 $0x1C0B, s6;
	s9 =	sshrl.u32 s8, $0x3  }
0x424: {  	[hbm:s10], [sflag:s6] =	dma.local [spmem:s9], $0x2800  }
0x425: {  	_ =	swait.ge [sflag:s14], $0x2800  }
0x426: {  	s11 =	sld [smem:$0x7D9]  }
0x427: {  	s13 =	sld [smem:$0x7EA];
	_ =	sdelay $0x1  }
0x428: {  	s9 =	sadd.s32 $0x1, s11  }
0x429: {  	p0 =	sne.s32 s9, s13  }
.Ltmp3:
0x42a: {  	_ = 	snop;
	(pc) =	sbr.rel @p0 .LBB2_1-.Ltmp3, $3  }
0x42b: {  	_ =	sdelay $0x1  }
0x42c: {  	[sflag:s14] =	ssyncset.done $0x0  }
0x42d: {  	s7 =	simm.s32 $0xA000;
	[sflag:s14] =	ssyncadd.s32 $0xFFFFD800  }
0x42e: {  	_ =	sfence.sel $0x180000  }
0x42f: {  	[bflag:$0x0] =	sbarrier.arrive $0xFFFF  }
0x430: {  	_ =	strace $0x9000004A  }
0x431: {  	s0 =	stileid.u32;
	[bflag:$0x2] =	sbarrier.arrive $0xFFFF  }
0x432: {  	p0 =	sne.s32 s0, $0x0;
	s0 =	rddreg [dreg:$0x2]  }
0x433: {  	s0 =	sadd.s32 @!p0 $0x100000, s0  }
0x434: {  	[sflag:s0] =	ssyncadd.tile.s32 @!p0 $0x1;
	_ =	shalt  }
.Lfunc_end2:
_tile_overlayer_lowered:
.L_overlay_start_2:
0x435: {  	(tag) =	ssettag $0x2  }
0x436: {  	s0 =	rddreg [dreg:$0x0];
	s2 =	stileid.u32  }
0x437: {  	s1 =	rddreg [dreg:$0x1];
	p0 =	sne.s32 s2, $0x0  }
0x438: {  	s3 =	rddreg [dreg:$0x2];
	[bflag:$0x3] =	sbarrier.arrive $0xFFFF;
	s2 =	simm.s32 @!p0 $0x1C0B  }
0x439: {  	[timem:s3], [sflag:s2] =	dma.local @!p0 [hbm:s0], s1  }
0x43a: {  	s0 =	simm.s32 @!p0 $0xB  }
0x43b: {  	_ =	swait.ge @!p0 [sflag:s0], s1  }
0x43c: {  	s1 =	ssub.s32 @!p0 $0x0, s1;
	[sflag:s0] =	ssyncset.done @!p0 $0x0  }
0x43d: {  	[sflag:s0] =	ssyncadd.s32 @!p0 s1  }
0x43e: {  	[bflag:$0x3] =	sbarrier.arrive $0xFFFF  }
0x43f: {  	_ =	shalt  }

// kernel: kernel.15.cloned.1.call-start
scs
__scs_entry_jumppad:
0x0: {  	(pc) =	sbr.rel $0x88, $3  }
0x1: {  	(tag) =	ssettag $0x0;
	lr =	simm.s32 $0x1  }
0x2: {  	[smem:$0x3F9B] =	sst lr;
	_ =	strace $0xD0000000  }
0x3: {  	_ = 	snop  }
0x4: {  	_ = 	snop  }
0x5: {  	_ = 	snop  }
0x6: {  	_ = 	snop  }
0x7: {  	_ = 	snop  }
__scs_overlays_trampoline_lowered:
0x8: {  	[smem:$0x3FAA] =	sst s0  }
0x9: {  	[smem:$0x3FAB] =	sst s1  }
0xa: {  	[smem:$0x3FAC] =	sst s2  }
0xb: {  	[smem:$0x3FAD] =	sst s3  }
0xc: {  	[smem:$0x3FAE] =	sst s4  }
0xd: {  	[smem:$0x3FAF] =	sst s5  }
0xe: {  	[smem:$0x3FB0] =	sst s6  }
0xf: {  	[smem:$0x3FB1] =	sst s7  }
0x10: {  	[smem:$0x3FB2] =	sst s8  }
0x11: {  	[smem:$0x3FB3] =	sst s9;
	s0 =	simm.s32 @!p0 $0x0  }
0x12: {  	s1 =	sld [smem:$0x3F99];
	s0 =	simm.s32 @p0 $0x1  }
0x13: {  	[smem:$0x3FB4] =	sst s0;
	s0 =	simm.s32 @!p1 $0x0  }
0x14: {  	s2 =	sld [smem:$0x3F98];
	s0 =	simm.s32 @p1 $0x1  }
0x15: {  	[smem:$0x3FB5] =	sst s0;
	s0 =	simm.s32 @!p2 $0x0  }
0x16: {  	s3 =	sld [smem:$0x3FDB];
	s0 =	simm.s32 @p2 $0x1  }
0x17: {  	s4 =	simm.s32 $0x1BF5;
	[smem:$0x3FB7] =	sst s0  }
0x18: {  	s0 =	sld [smem:$0x3F9A];
	_ =	swait.ge [sflag:s4], $0x0  }
0x19: {  	s7 =	sld [smem:$0x3F9B]  }
0x1a: {  	s8 =	sadd.s32 $0xFFFFE003, lr  }
0x1b: {  	s9 =	sadd.s32 $0xFFFFFEF7, lr;
	s5 =	simm.s32 $0xFFFFFFFF;
	p2 =	slt.u32 s8, $0xFFFFF086  }
0x1c: {  	p1 =	slt.u32 s9, $0xF7A;
	s5 =	simm.s32 @!p2 $0x0  }
0x1d: {  	s5 =	simm.s32 @p1 $0x1;
	p0 =	seq.s32 s7, s2  }
0x1e: {  	s7 =	smul.u32 @!p0 $0xF7A, s2;
	p2 =	seq.s32 @!p0 s5, $0x0  }
0x1f: {  	s9 =	smul.u32 $0xF7A, s1;
	s8 =	simm.s32 @!p0 $0x1BF5;
	p2 =	por !p2, p0  }
0x20: {  	[sflag:s8] =	ssyncset.s32 @!p0 $0xFFFFF086;
	s6 =	sadd.s32 @!p0 s3, s7;
	s7 =	simm.s32 @!p0 $0x108  }
0x21: {  	s3 =	sadd.s32 s3, s9;
	s6 =	sadd.s32 @!p0 $0x88, s6;
	s7 =	simm.s32 @p2 $0x1082  }
0x22: {  	[simem:s7], [sflag:s8] =	dma.local @!p0 [hbm:s6], $0xF7A  }
0x23: {  	s9 =	sor.u32 $0xD0000000, s2;
	s6 =	simm.s32 $0x108;
	_ =	swait.ge @!p0 [sflag:s8], $0x0  }
0x24: {  	s3 =	sadd.s32 $0x88, s3;
	s6 =	simm.s32 @!p1 $0x1082;
	[sflag:s4] =	ssyncset.s32 $0xFFFFF086  }
0x25: {  	[simem:s6], [sflag:s4] =	dma.local [hbm:s3], $0xF7A  }
0x26: {  	[smem:$0x3F9B] =	sst s1;
	(tag) =	ssettag s2;
	_ =	strace s9  }
0x27: {  	s1 =	sld [smem:$0x3FAB]  }
0x28: {  	s2 =	sld [smem:$0x3FAC]  }
0x29: {  	s4 =	sld [smem:$0x3FAE]  }
0x2a: {  	p0 =	seq.s32 s5, $0x0;
	s5 =	sld [smem:$0x3FAF]  }
0x2b: {  	s6 =	sld [smem:$0x3FB0]  }
0x2c: {  	s7 =	sld [smem:$0x3FB1]  }
0x2d: {  	s3 =	simm.s32 $0x108;
	s8 =	sld [smem:$0x3FB2]  }
0x2e: {  	s3 =	simm.s32 @!p0 $0x1082;
	s9 =	sld [smem:$0x3FB3]  }
0x2f: {  	lr =	sadd.s32 s0, s3;
	s0 =	sld [smem:$0x3FAA]  }
0x30: {  	s3 =	sld [smem:$0x3FAD]  }
0x31: {  	[smem:$0x3FB6] =	sst s10  }
0x32: {  	s10 =	sld [smem:$0x3FB4];
	_ =	sdelay $0x3  }
0x33: {  	p0 =	seq.s32 s10, $0x1;
	s10 =	sld [smem:$0x3FB6];
	_ =	sdelay $0x3  }
0x34: {  	[smem:$0x3FB6] =	sst s10  }
0x35: {  	s10 =	sld [smem:$0x3FB5];
	_ =	sdelay $0x3  }
0x36: {  	p1 =	seq.s32 s10, $0x1;
	s10 =	sld [smem:$0x3FB6];
	_ =	sdelay $0x3  }
0x37: {  	[smem:$0x3FB6] =	sst s10  }
0x38: {  	s10 =	sld [smem:$0x3FB7]  }
0x39: {  	_ = 	snop;
	(pc) =	sbr.ind lr, $3  }
0x3a: {  	_ = 	snop  }
0x3b: {  	_ = 	snop  }
0x3c: {  	p2 =	seq.s32 s10, $0x1;
	s10 =	sld [smem:$0x3FB6]  }
0x3d: {  	_ =	shalt  }
0x3e: {  	_ =	shalt  }
0x3f: {  	_ =	shalt  }
0x40: {  	_ =	shalt  }
0x41: {  	_ =	shalt  }
0x42: {  	_ =	shalt  }
0x43: {  	_ =	shalt  }
0x44: {  	_ =	shalt  }
0x45: {  	_ =	shalt  }
0x46: {  	_ =	shalt  }
0x47: {  	_ =	shalt  }
0x48: {  	_ =	shalt  }
0x49: {  	_ =	shalt  }
0x4a: {  	_ =	shalt  }
0x4b: {  	_ =	shalt  }
0x4c: {  	_ =	shalt  }
0x4d: {  	_ =	shalt  }
0x4e: {  	_ =	shalt  }
0x4f: {  	_ =	shalt  }
0x50: {  	_ =	shalt  }
0x51: {  	_ =	shalt  }
0x52: {  	_ =	shalt  }
0x53: {  	_ =	shalt  }
0x54: {  	_ =	shalt  }
0x55: {  	_ =	shalt  }
0x56: {  	_ =	shalt  }
0x57: {  	_ =	shalt  }
0x58: {  	_ =	shalt  }
0x59: {  	_ =	shalt  }
0x5a: {  	_ =	shalt  }
0x5b: {  	_ =	shalt  }
0x5c: {  	_ =	shalt  }
0x5d: {  	_ =	shalt  }
0x5e: {  	_ =	shalt  }
0x5f: {  	_ =	shalt  }
0x60: {  	_ =	shalt  }
0x61: {  	_ =	shalt  }
0x62: {  	_ =	shalt  }
0x63: {  	_ =	shalt  }
0x64: {  	_ =	shalt  }
0x65: {  	_ =	shalt  }
0x66: {  	_ =	shalt  }
0x67: {  	_ =	shalt  }
0x68: {  	_ =	shalt  }
0x69: {  	_ =	shalt  }
0x6a: {  	_ =	shalt  }
0x6b: {  	_ =	shalt  }
0x6c: {  	_ =	shalt  }
0x6d: {  	_ =	shalt  }
0x6e: {  	_ =	shalt  }
0x6f: {  	_ =	shalt  }
0x70: {  	_ =	shalt  }
0x71: {  	_ =	shalt  }
0x72: {  	_ =	shalt  }
0x73: {  	_ =	shalt  }
0x74: {  	_ =	shalt  }
0x75: {  	_ =	shalt  }
0x76: {  	_ =	shalt  }
0x77: {  	_ =	shalt  }
0x78: {  	_ =	shalt  }
0x79: {  	_ =	shalt  }
0x7a: {  	_ =	shalt  }
0x7b: {  	_ =	shalt  }
0x7c: {  	_ =	shalt  }
0x7d: {  	_ =	shalt  }
0x7e: {  	_ =	shalt  }
0x7f: {  	_ =	shalt  }
0x80: {  	_ =	shalt  }
0x81: {  	_ =	shalt  }
0x82: {  	_ =	shalt  }
0x83: {  	_ =	shalt  }
0x84: {  	_ =	shalt  }
0x85: {  	_ =	shalt  }
0x86: {  	_ =	shalt  }
0x87: {  	_ =	shalt  }
.Lfunc_end0:
.L_simem_size_0:
called_computation.2_lowered:
.L_overlay_start_0:
0x88: {  	s2 =	sld [smem:$0x3FD9]  }
0x89: {  	s3 =	sld [smem:$0x3FFE];
	_ =	sdelay $0x1  }
0x8a: {  	s1 =	srdreg.scid  }
0x8b: {  	s0 =	sand.u32 $0x1, s1  }
0x8c: {  	s16 =	sshll.u32 s0, $0xA;
	s2 =	sadd.s32 s3, s2  }
0x8d: {  	s2 =	sadd.s32 s2, s16  }
0x8e: {  	[smem:$0x3FC2] =	sst s2  }
0x8f: {  	_ = 	snop  }
0x90: {  	(tm) =	ssettm $0x1  }
0x91: {  	s17 =	sld [smem:$0x3FFB];
	_ =	sdelay $0x3  }
0x92: {  	_ =	strace s17  }
0x93: {  	s2 =	sld [smem:$0x3FFC];
	_ =	sdelay $0x3  }
0x94: {  	_ =	strace s2  }
0x95: {  	s2 =	sld [smem:$0x3FFD];
	_ =	sdelay $0x3  }
0x96: {  	_ =	strace s2  }
0x97: {  	_ =	strace $0x8FFFFFFF  }
0x98: {  	s18 =	sld [smem:$0x3FDB];
	_ =	sdelay $0x1  }
0x99: {  	s19 =	simm.s32 $_scs_section_size  }
0x9a: {  	s4 =	simm.s32 $_size__tile_overlayer_lowered;
	s5 =	simm.s32 $_tile_overlayer_lowered  }
0x9b: {  	s22 =	simm.s32 $0x1BFF;
	s21 =	sshll.u32 s5, $0x1;
	s2 =	sadd.s32 s19, s18  }
0x9c: {  	s6 =	simm.s32 $0x0;
	s20 =	sshll.u32 s4, $0x1;
	s4 =	sadd.s32 s21, s2  }
0x9d: {  	[timem:s6], [sflag:s22] =	dma.local [hbm:s4], s20  }
0x9e: {  	_ =	swait.ge [sflag:s22], s20  }
0x9f: {  	s3 =	ssub.s32 $0x0, s20;
	[sflag:s22] =	ssyncset.done $0x0  }
0xa0: {  	[sflag:s22] =	ssyncadd.s32 s3;
	_ =	sdelay $0x1  }
0xa1: {  	s23 =	simm.s32 $0x1B8B  }
0xa2: {  	_ =	swait.ge [sflag:s23], $0x1  }
0xa3: {  	[sflag:s23] =	ssyncset.done $0x0  }
0xa4: {  	s25 =	simm.s32 $0x1B8E;
	s24 =	sld [smem:$0x3FFE];
	[sflag:s23] =	ssyncadd.s32 $0xFFFFFFFF  }
0xa5: {  	s26 =	simm.s32 $execute0_lowered;
	[smem:$0x3FD2] =	sst s25  }
0xa6: {  	s4 =	sshll.u32 s26, $0x1;
	_ =	strace $0x8000004C;
	[dreg:$0x1] =	wrdreg $0xFFFFFFFF  }
0xa7: {  	s28 =	simm.s32 $_size_execute0_lowered;
	s2 =	sadd.s32 s2, s4;
	[dreg:$0x0] =	wrdreg $0x0  }
0xa8: {  	s4 =	sshll.u32 s28, $0x1;
	[dreg:$0x2] =	wrdreg s2  }
0xa9: {  	[dreg:$0x3] =	wrdreg s4  }
0xaa: {  	[dreg:$0x4] =	wrdreg $0xC0  }
0xab: {  	_ =	task [dreg:s6], $0x5FFFF  }
0xac: {  	[dreg:$0x1] =	wrdreg $0xFFFFFFFF  }
0xad: {  	[dreg:$0x0] =	wrdreg $0x60  }
0xae: {  	[dreg:$0x2] =	wrdreg s24  }
0xaf: {  	[dreg:$0x3] =	wrdreg $0xAC000  }
0xb0: {  	[dreg:$0x4] =	wrdreg $0x9  }
0xb1: {  	_ =	task.clear_ibuf [dreg:s6], $0x5FFFF;
	_ =	strace $0x9000004C  }
0xb2: {  	s29 =	simm.s32 $0x9;
	_ =	strace $0x8000004E  }
0xb3: {  	_ =	swait.ge [sflag:s29], $0x1  }
0xb4: {  	[sflag:s29] =	ssyncadd.s32 $0xFFFFFFFF  }
0xb5: {  	_ =	strace $0x9000004E  }
0xb6: {  	_ =	sfence  }
0xb7: {  	s30 =	sld [smem:$0x0];
	_ =	sdelay $0x2  }
0xb8: {  	s31 =	sshll.u32 s1, $0xD;
	s1 =	sshrl.u32 s1, $0x2  }
0xb9: {  	s3 =	sand.u32 $0x4000, s31;
	s1 =	sadd.s32 s1, s30  }
0xba: {  	s0 =	sor.u32 s3, s0;
	s1 =	sshll.u32 s1, $0x11  }
0xbb: {  	s0 =	sor.u32 s1, s0  }
0xbc: {  	s0 =	sadd.s32 $0x8F2B, s0  }
0xbd: {  	[sflag:s0] =	ssyncadd.remote.s32 $0x1  }
0xbe: {  	_ =	sfence.sel $0xFFFF  }
0xbf: {  	[dreg:$0x0] =	wrdreg $0xFFFFFFFF;
	(pc) =	sbr.abs _section_cstart, $3  }
0xc0: {  	[dreg:$0x1] =	wrdreg $0xFFFFFFFF  }
0xc1: {  	_ =	task.clear_ibuf [dreg:s6], $0x2FFFF;
	_ =	strace $0x9FFFFFFF  }
0xc2: {  	(tm) =	ssettm $0x7FFFFFFF  }
0xc3: {  	_ =	shalt  }
tec
execute0_lowered:
.L_overlay_start_1:
0x0: {  	(tag) =	ssettag $0x1  }
0x1: {  	s0 =	rddreg [dreg:$0x0]  }
0x2: {  	s1 =	rddreg [dreg:$0x1];
	s2 =	srdreg.scid  }
0x3: {  	s3 =	simm.s32 $0x0;
	s10 =	stileid.u32;
	s14 =	simm.s32 $0xA00  }
0x4: {  	s15 =	simm.s32 $0xA800;
	s16 =	simm.s32 $0xB;
	s18 =	simm.s32 $0x80  }
0x5: {  	s19 =	simm.s32 $0x2800;
	s20 =	simm.s32 $0x4800;
	s21 =	simm.s32 $0x1400  }
0x6: {  	s22 =	simm.s32 $0x1E00;
	s28 =	simm.s32 $0x8800;
	s29 =	simm.s32 $0x3  }
0x7: {  	s30 =	simm.s32 $0x4;
	s13 =	simm.s32 $0x7;
	s6 =	smul.u32 $0xA000, s10  }
0x8: {  	s31 =	simm.s32 $0x2;
	s2 =	sand.u32 $0x1, s2;
	s23 =	smul.u32 $0x28000, s10  }
0x9: {  	[smem:$0x7FF] =	sst s3;
	s4 =	sadd.s32 $0x16800, s0;
	s5 =	smul.u32 $0xA0000, s2  }
0xa: {  	_ =	strace $0x8000004D;
	s7 =	sshll.u32 s2, $0x4;
	s2 =	ssub.s32 $0x2, s2  }
0xb: {  	s7 =	sor.u32 s10, s7;
	s24 =	sshrl.u32 s2, $0x1;
	s10 =	sadd.s32 $0xC800, s0  }
0xc: {  	s26 =	sadd.s32 s6, s1;
	s8 =	sadd.s32 s6, s5;
	s9 =	smul.u32 $0x2800, s7  }
0xd: {  	s5 =	sadd.s32 $0x2800, s0;
	s7 =	smul.u32 $0x50, s7;
	s2 =	ssub.s32 s2, s24  }
0xe: {  	s24 =	simm.s32 $0x6800;
	s6 =	simm.s32 $0x8;
	s8 =	sshrl.u32 s8, $0x3  }
0xf: {  	s2 =	smax.u32 s2, $0x1;
	s12 =	sadd.s32 s8, s0;
	s9 =	sshrl.u32 s9, $0x3  }
0x10: {  	s8 =	sshrl.u32 s23, $0x2;
	s11 =	sadd.s32 $0x28, s7;
	[dreg:$0x6] =	wrdreg s2  }
0x11: {  	s0 =	sshrl.u32 s26, $0x3;
	s23 =	simm.s32 $0x9;
	s26 =	simm.s32 $0xA  }
0x12: {  	s9 =	sadd.s32 s5, s9;
	s8 =	sadd.s32 s8, s1;
	[dreg:$0x7] =	wrdreg s0  }
0x13: {  	s25 =	sadd.s32 $0x2A800, s12;
	s0 =	simm.s32 $0x5;
	[dreg:$0x3] =	wrdreg s9  }
0x14: {  	s12 =	simm.s32 $0x0;
	s9 =	sadd.s32 $0xA000, s9;
	[dreg:$0x5] =	wrdreg s25  }
0x15: {  	v0 =	vimm.f32 $0.0e+00;
	[dreg:$0x4] =	wrdreg s9;
	s9 =	sadd.s32 $0x14, s7;
	s7 =	simm.s32 $0x6  }
.LBB2_1:
0x16: {  	s2 =	rddreg [dreg:$0x3]  }
0x17: {  	[tilespmem:s3], [sflag:$0x1] =	stream.linear.gather [hbm4b:s2+s3], $0xA00, $0x38;
	[tilespmem:$0x14C00] =	vst v63  }
0x18: {  	s25 =	rddreg [dreg:$0x4]  }
0x19: {  	[tilespmem:s14], [sflag:$0x1] =	stream.linear.gather [hbm4b:s25+s3], $0xA00, $0x38;
	[tilespmem:$0x14C00] =	vst v63  }
0x1a: {  	[dreg:$0x8] =	wrdreg s12;
	s17 =	simm.s32 $0x0;
	s25 =	simm.s32 $0x0  }
.LBB2_2:
0x1b: {  	p0 =	sne.s32 s17, $0xFC0  }
.Ltmp0:
0x1c: {  	_ = 	snop;
	(pc) =	sbr.rel @p0 .LBB2_2-.Ltmp0, $4  }
0x1d: {  	s2 =	sand.u32 $0xF00, s17  }
0x1e: {  	s12 =	sand.u32 $0x30, s25;
	s2 =	sshrl.u32 s2, $0x2  }
0x1f: {  	s2 =	sor.u32 s12, s2  }
0x20: {  	s25 =	sadd.s32 $0x10, s25;
	s17 =	sadd.s32 $0x40, s17;
	[tilespmem:s2+$0xA800] =	vst v0  }
0x21: {  	s2 =	sadd.s32 $0x0, s8  }
0x22: {  	[spmem:s2] =	stream.linear.scatter [tilespmem:s15], [sflag:$0xB], $0x400, $0x38;
	[tilespmem:$0x14C00] =	vst v63  }
0x23: {  	s25 =	simm.s32 $0x1000;
	_ =	swait.ge [sflag:s16], $0x400  }
.LBB2_4:
0x24: {  	s2 =	sshra.s32 s25, $0x2;
	[sflag:s16] =	ssyncset.done $0x0;
	p0 =	sne.s32 s25, $0x27000  }
.Ltmp1:
0x25: {  	s2 =	sadd.s32 s2, s8;
	[sflag:s16] =	ssyncadd.s32 $0xFFFFFC00;
	(pc) =	sbr.rel @p0 .LBB2_4-.Ltmp1, $3  }
0x26: {  	[spmem:s2] =	stream.linear.scatter [tilespmem:s15], [sflag:$0xB], $0x400, $0x38;
	[tilespmem:$0x14C00] =	vst v63  }
0x27: {  	s25 =	sadd.s32 $0x1000, s25;
	_ =	sdelay $0x1  }
0x28: {  	_ =	swait.ge [sflag:s16], $0x400  }
0x29: {  	[sflag:s16] =	ssyncset.done $0x0  }
0x2a: {  	[sflag:s16] =	ssyncadd.s32 $0xFFFFFC00  }
0x2b: {  	s2 =	simm.s32 $0x1;
	[bflag:$0x0] =	sbarrier.arrive $0xFFFF  }
0x2c: {  	_ =	swait.ge [sflag:s2], $0xA00  }
0x2d: {  	[sflag:s2] =	ssyncset.done $0x0  }
0x2e: {  	[sflag:s2] =	ssyncadd.s32 $0xFFFFF600  }
0x2f: {  	_ =	swait.ge [sflag:s2], $0xA00  }
0x30: {  	[sflag:s2] =	ssyncset.done $0x0  }
0x31: {  	s25 =	simm.s32 $0x0;
	[sflag:s2] =	ssyncadd.s32 $0xFFFFF600  }
0x32: {  	[tilespmem:s19], [sflag:$0x3] =	stream.indirect.gather [hbm4b:s4+s18], $0x40, s25, s18, $0xb8;
	[tilespmem:$0x14C00] =	vst v63  }
0x33: {  	p0 =	por $0x1, $0x1;
	s17 =	simm.s32 $0x2780  }
0x34: {  	[tilespmem:s20], [sflag:$0x4] =	stream.indirect.gather [hbm4b:s4+s18], $0x40, s18, s18, $0xb8;
	[tilespmem:$0x14C00] =	vst v63  }
.LBB2_6:
0x35: {  	s2 =	smul.u32 $0x28, s25;
	_ =	sdelay $0x1  }
0x36: {  	s2 =	sadd.s32 s2, s9  }
0x37: {  	s2 =	sshll.u32 s2, $0x4  }
0x38: {  	s12 =	sadd.s32 s5, s2  }
0x39: {  	[tilespmem:s21], [sflag:$0x2] =	stream.linear.gather [hbm4b:s12+s3], $0xA00, $0x38;
	[tilespmem:$0x14C00] =	vst v63  }
0x3a: {  	s2 =	sadd.s32 s2, s10  }
0x3b: {  	[tilespmem:s22], [sflag:$0x2] =	stream.linear.gather [hbm4b:s2+s3], $0xA00, $0x38;
	[tilespmem:$0x14C00] =	vst v63  }
0x3c: {  	s12 =	simm.s32 $0x100  }
0x3d: {  	[tilespmem:s24], [sflag:$0x5] =	stream.indirect.gather [hbm4b:s4+s18], $0x40, s12, s18, $0xb8;
	[tilespmem:$0x14C00] =	vst v63  }
0x3e: {  	s12 =	simm.s32 $0x180  }
0x3f: {  	[tilespmem:s28], [sflag:$0x6] =	stream.indirect.gather [hbm4b:s4+s18], $0x40, s12, s18, $0xb8;
	[tilespmem:$0x14C00] =	vst v63  }
0x40: {  	_ =	swait.ge [sflag:s29], $0x2000  }
0x41: {  	[sflag:s29] =	ssyncset.done $0x0  }
0x42: {  	[sflag:s29] =	ssyncadd.s32 $0xFFFFE000  }
0x43: {  	[spmem:s1] =	stream.indirect.scatter.add.f32 [tilespmem:s19], [sflag:$0x7], $0x40, s14, s18, $0xb8;
	[tilespmem:$0x14C00] =	vst v63  }
0x44: {  	_ =	swait.ge [sflag:s30], $0x2000  }
0x45: {  	[sflag:s30] =	ssyncset.done $0x0  }
0x46: {  	s12 =	simm.s32 $0xA80;
	[sflag:s30] =	ssyncadd.s32 $0xFFFFE000  }
0x47: {  	[spmem:s1] =	stream.indirect.scatter.add.f32 [tilespmem:s20], [sflag:$0x8], $0x40, s12, s18, $0xb8;
	[tilespmem:$0x14C00] =	vst v63  }
0x48: {  	_ =	swait.ge [sflag:s0], $0x2000  }
0x49: {  	[sflag:s0] =	ssyncset.done $0x0  }
0x4a: {  	s12 =	simm.s32 $0xB00;
	[sflag:s0] =	ssyncadd.s32 $0xFFFFE000  }
0x4b: {  	[spmem:s1] =	stream.indirect.scatter.add.f32 [tilespmem:s24], [sflag:$0x9], $0x40, s12, s18, $0xb8;
	[tilespmem:$0x14C00] =	vst v63  }
0x4c: {  	_ =	swait.ge [sflag:s7], $0x2000  }
0x4d: {  	[sflag:s7] =	ssyncset.done $0x0  }
0x4e: {  	s12 =	simm.s32 $0xB80;
	[sflag:s7] =	ssyncadd.s32 $0xFFFFE000  }
0x4f: {  	[spmem:s1] =	stream.indirect.scatter.add.f32 [tilespmem:s28], [sflag:$0xA], $0x40, s12, s18, $0xb8;
	[tilespmem:$0x14C00] =	vst v63  }
0x50: {  	_ =	swait.ge [sflag:s13], $0x2000  }
0x51: {  	[sflag:s13] =	ssyncset.done $0x0  }
0x52: {  	[sflag:s13] =	ssyncadd.s32 $0xFFFFE000  }
0x53: {  	_ =	swait.ge [sflag:s6], $0x2000  }
0x54: {  	[sflag:s6] =	ssyncset.done $0x0  }
0x55: {  	s12 =	simm.s32 $0x200;
	[sflag:s6] =	ssyncadd.s32 $0xFFFFE000  }
0x56: {  	[tilespmem:s19], [sflag:$0x3] =	stream.indirect.gather [hbm4b:s4+s18], $0x40, s12, s18, $0xb8;
	[tilespmem:$0x14C00] =	vst v63  }
0x57: {  	s12 =	simm.s32 $0x280  }
0x58: {  	[tilespmem:s20], [sflag:$0x4] =	stream.indirect.gather [hbm4b:s4+s18], $0x40, s12, s18, $0xb8;
	[tilespmem:$0x14C00] =	vst v63  }
0x59: {  	_ =	swait.ge [sflag:s23], $0x2000  }
0x5a: {  	[sflag:s23] =	ssyncset.done $0x0  }
0x5b: {  	[sflag:s23] =	ssyncadd.s32 $0xFFFFE000  }
0x5c: {  	_ =	swait.ge [sflag:s26], $0x2000  }
0x5d: {  	[sflag:s26] =	ssyncset.done $0x0  }
0x5e: {  	s12 =	simm.s32 $0x300;
	[sflag:s26] =	ssyncadd.s32 $0xFFFFE000  }
0x5f: {  	[tilespmem:s24], [sflag:$0x5] =	stream.indirect.gather [hbm4b:s4+s18], $0x40, s12, s18, $0xb8;
	[tilespmem:$0x14C00] =	vst v63  }
0x60: {  	s12 =	simm.s32 $0x380  }
0x61: {  	[tilespmem:s28], [sflag:$0x6] =	stream.indirect.gather [hbm4b:s4+s18], $0x40, s12, s18, $0xb8;
	[tilespmem:$0x14C00] =	vst v63  }
0x62: {  	_ =	swait.ge [sflag:s29], $0x2000  }
0x63: {  	[sflag:s29] =	ssyncset.done $0x0  }
0x64: {  	s12 =	simm.s32 $0xC00;
	[sflag:s29] =	ssyncadd.s32 $0xFFFFE000  }
0x65: {  	[spmem:s1] =	stream.indirect.scatter.add.f32 [tilespmem:s19], [sflag:$0x7], $0x40, s12, s18, $0xb8;
	[tilespmem:$0x14C00] =	vst v63  }
0x66: {  	_ =	swait.ge [sflag:s30], $0x2000  }
0x67: {  	[sflag:s30] =	ssyncset.done $0x0  }
0x68: {  	s12 =	simm.s32 $0xC80;
	[sflag:s30] =	ssyncadd.s32 $0xFFFFE000  }
0x69: {  	[spmem:s1] =	stream.indirect.scatter.add.f32 [tilespmem:s20], [sflag:$0x8], $0x40, s12, s18, $0xb8;
	[tilespmem:$0x14C00] =	vst v63  }
0x6a: {  	_ =	swait.ge [sflag:s0], $0x2000  }
0x6b: {  	[sflag:s0] =	ssyncset.done $0x0  }
0x6c: {  	s12 =	simm.s32 $0xD00;
	[sflag:s0] =	ssyncadd.s32 $0xFFFFE000  }
0x6d: {  	[spmem:s1] =	stream.indirect.scatter.add.f32 [tilespmem:s24], [sflag:$0x9], $0x40, s12, s18, $0xb8;
	[tilespmem:$0x14C00] =	vst v63  }
0x6e: {  	_ =	swait.ge [sflag:s7], $0x2000  }
0x6f: {  	[sflag:s7] =	ssyncset.done $0x0  }
0x70: {  	s12 =	simm.s32 $0xD80;
	[sflag:s7] =	ssyncadd.s32 $0xFFFFE000  }
0x71: {  	[spmem:s1] =	stream.indirect.scatter.add.f32 [tilespmem:s28], [sflag:$0xA], $0x40, s12, s18, $0xb8;
	[tilespmem:$0x14C00] =	vst v63  }
0x72: {  	_ =	swait.ge [sflag:s13], $0x2000  }
0x73: {  	[sflag:s13] =	ssyncset.done $0x0  }
0x74: {  	[sflag:s13] =	ssyncadd.s32 $0xFFFFE000  }
0x75: {  	_ =	swait.ge [sflag:s6], $0x2000  }
0x76: {  	[sflag:s6] =	ssyncset.done $0x0  }
0x77: {  	s12 =	simm.s32 $0x400;
	[sflag:s6] =	ssyncadd.s32 $0xFFFFE000  }
0x78: {  	[tilespmem:s19], [sflag:$0x3] =	stream.indirect.gather [hbm4b:s4+s18], $0x40, s12, s18, $0xb8;
	[tilespmem:$0x14C00] =	vst v63  }
0x79: {  	s12 =	simm.s32 $0x480  }
0x7a: {  	[tilespmem:s20], [sflag:$0x4] =	stream.indirect.gather [hbm4b:s4+s18], $0x40, s12, s18, $0xb8;
	[tilespmem:$0x14C00] =	vst v63  }
0x7b: {  	_ =	swait.ge [sflag:s23], $0x2000  }
0x7c: {  	[sflag:s23] =	ssyncset.done $0x0  }
0x7d: {  	[sflag:s23] =	ssyncadd.s32 $0xFFFFE000  }
0x7e: {  	_ =	swait.ge [sflag:s26], $0x2000  }
0x7f: {  	[sflag:s26] =	ssyncset.done $0x0  }
0x80: {  	s12 =	simm.s32 $0x500;
	[sflag:s26] =	ssyncadd.s32 $0xFFFFE000  }
0x81: {  	[tilespmem:s24], [sflag:$0x5] =	stream.indirect.gather [hbm4b:s4+s18], $0x40, s12, s18, $0xb8;
	[tilespmem:$0x14C00] =	vst v63  }
0x82: {  	s12 =	simm.s32 $0x580  }
0x83: {  	[tilespmem:s28], [sflag:$0x6] =	stream.indirect.gather [hbm4b:s4+s18], $0x40, s12, s18, $0xb8;
	[tilespmem:$0x14C00] =	vst v63  }
0x84: {  	_ =	swait.ge [sflag:s29], $0x2000  }
0x85: {  	[sflag:s29] =	ssyncset.done $0x0  }
0x86: {  	s12 =	simm.s32 $0xE00;
	[sflag:s29] =	ssyncadd.s32 $0xFFFFE000  }
0x87: {  	[spmem:s1] =	stream.indirect.scatter.add.f32 [tilespmem:s19], [sflag:$0x7], $0x40, s12, s18, $0xb8;
	[tilespmem:$0x14C00] =	vst v63  }
0x88: {  	_ =	swait.ge [sflag:s30], $0x2000  }
0x89: {  	[sflag:s30] =	ssyncset.done $0x0  }
0x8a: {  	s12 =	simm.s32 $0xE80;
	[sflag:s30] =	ssyncadd.s32 $0xFFFFE000  }
0x8b: {  	[spmem:s1] =	stream.indirect.scatter.add.f32 [tilespmem:s20], [sflag:$0x8], $0x40, s12, s18, $0xb8;
	[tilespmem:$0x14C00] =	vst v63  }
0x8c: {  	_ =	swait.ge [sflag:s0], $0x2000  }
0x8d: {  	[sflag:s0] =	ssyncset.done $0x0  }
0x8e: {  	s12 =	simm.s32 $0xF00;
	[sflag:s0] =	ssyncadd.s32 $0xFFFFE000  }
0x8f: {  	[spmem:s1] =	stream.indirect.scatter.add.f32 [tilespmem:s24], [sflag:$0x9], $0x40, s12, s18, $0xb8;
	[tilespmem:$0x14C00] =	vst v63  }
0x90: {  	_ =	swait.ge [sflag:s7], $0x2000  }
0x91: {  	[sflag:s7] =	ssyncset.done $0x0  }
0x92: {  	s12 =	simm.s32 $0xF80;
	[sflag:s7] =	ssyncadd.s32 $0xFFFFE000  }
0x93: {  	[spmem:s1] =	stream.indirect.scatter.add.f32 [tilespmem:s28], [sflag:$0xA], $0x40, s12, s18, $0xb8;
	[tilespmem:$0x14C00] =	vst v63  }
0x94: {  	_ =	swait.ge [sflag:s13], $0x2000  }
0x95: {  	[sflag:s13] =	ssyncset.done $0x0  }
0x96: {  	[sflag:s13] =	ssyncadd.s32 $0xFFFFE000  }
0x97: {  	_ =	swait.ge [sflag:s6], $0x2000  }
0x98: {  	[sflag:s6] =	ssyncset.done $0x0  }
0x99: {  	s12 =	simm.s32 $0x600;
	[sflag:s6] =	ssyncadd.s32 $0xFFFFE000  }
0x9a: {  	[tilespmem:s19], [sflag:$0x3] =	stream.indirect.gather [hbm4b:s4+s18], $0x40, s12, s18, $0xb8;
	[tilespmem:$0x14C00] =	vst v63  }
0x9b: {  	s12 =	simm.s32 $0x680  }
0x9c: {  	[tilespmem:s20], [sflag:$0x4] =	stream.indirect.gather [hbm4b:s4+s18], $0x40, s12, s18, $0xb8;
	[tilespmem:$0x14C00] =	vst v63  }
0x9d: {  	_ =	swait.ge [sflag:s23], $0x2000  }
0x9e: {  	[sflag:s23] =	ssyncset.done $0x0  }
0x9f: {  	[sflag:s23] =	ssyncadd.s32 $0xFFFFE000  }
0xa0: {  	_ =	swait.ge [sflag:s26], $0x2000  }
0xa1: {  	[sflag:s26] =	ssyncset.done $0x0  }
0xa2: {  	s12 =	simm.s32 $0x700;
	[sflag:s26] =	ssyncadd.s32 $0xFFFFE000  }
0xa3: {  	[tilespmem:s24], [sflag:$0x5] =	stream.indirect.gather [hbm4b:s4+s18], $0x40, s12, s18, $0xb8;
	[tilespmem:$0x14C00] =	vst v63  }
0xa4: {  	s12 =	simm.s32 $0x780  }
0xa5: {  	[tilespmem:s28], [sflag:$0x6] =	stream.indirect.gather [hbm4b:s4+s18], $0x40, s12, s18, $0xb8;
	[tilespmem:$0x14C00] =	vst v63  }
0xa6: {  	_ =	swait.ge [sflag:s29], $0x2000  }
0xa7: {  	[sflag:s29] =	ssyncset.done $0x0  }
0xa8: {  	s12 =	simm.s32 $0x1000;
	[sflag:s29] =	ssyncadd.s32 $0xFFFFE000  }
0xa9: {  	[spmem:s1] =	stream.indirect.scatter.add.f32 [tilespmem:s19], [sflag:$0x7], $0x40, s12, s18, $0xb8;
	[tilespmem:$0x14C00] =	vst v63  }
0xaa: {  	_ =	swait.ge [sflag:s30], $0x2000  }
0xab: {  	[sflag:s30] =	ssyncset.done $0x0  }
0xac: {  	s12 =	simm.s32 $0x1080;
	[sflag:s30] =	ssyncadd.s32 $0xFFFFE000  }
0xad: {  	[spmem:s1] =	stream.indirect.scatter.add.f32 [tilespmem:s20], [sflag:$0x8], $0x40, s12, s18, $0xb8;
	[tilespmem:$0x14C00] =	vst v63  }
0xae: {  	_ =	swait.ge [sflag:s0], $0x2000  }
0xaf: {  	[sflag:s0] =	ssyncset.done $0x0  }
0xb0: {  	s12 =	simm.s32 $0x1100;
	[sflag:s0] =	ssyncadd.s32 $0xFFFFE000  }
0xb1: {  	[spmem:s1] =	stream.indirect.scatter.add.f32 [tilespmem:s24], [sflag:$0x9], $0x40, s12, s18, $0xb8;
	[tilespmem:$0x14C00] =	vst v63  }
0xb2: {  	_ =	swait.ge [sflag:s7], $0x2000  }
0xb3: {  	[sflag:s7] =	ssyncset.done $0x0  }
0xb4: {  	s12 =	simm.s32 $0x1180;
	[sflag:s7] =	ssyncadd.s32 $0xFFFFE000  }
0xb5: {  	[spmem:s1] =	stream.indirect.scatter.add.f32 [tilespmem:s28], [sflag:$0xA], $0x40, s12, s18, $0xb8;
	[tilespmem:$0x14C00] =	vst v63  }
0xb6: {  	_ =	swait.ge [sflag:s13], $0x2000  }
0xb7: {  	[sflag:s13] =	ssyncset.done $0x0  }
0xb8: {  	[sflag:s13] =	ssyncadd.s32 $0xFFFFE000  }
0xb9: {  	_ =	swait.ge [sflag:s6], $0x2000  }
0xba: {  	[sflag:s6] =	ssyncset.done $0x0  }
0xbb: {  	s12 =	simm.s32 $0x800;
	[sflag:s6] =	ssyncadd.s32 $0xFFFFE000  }
0xbc: {  	[tilespmem:s19], [sflag:$0x3] =	stream.indirect.gather [hbm4b:s4+s18], $0x40, s12, s18, $0xb8;
	[tilespmem:$0x14C00] =	vst v63  }
0xbd: {  	s12 =	simm.s32 $0x880  }
0xbe: {  	[tilespmem:s20], [sflag:$0x4] =	stream.indirect.gather [hbm4b:s4+s18], $0x40, s12, s18, $0xb8;
	[tilespmem:$0x14C00] =	vst v63  }
0xbf: {  	_ =	swait.ge [sflag:s23], $0x2000  }
0xc0: {  	[sflag:s23] =	ssyncset.done $0x0  }
0xc1: {  	[sflag:s23] =	ssyncadd.s32 $0xFFFFE000  }
0xc2: {  	_ =	swait.ge [sflag:s26], $0x2000  }
0xc3: {  	[sflag:s26] =	ssyncset.done $0x0  }
0xc4: {  	s12 =	simm.s32 $0x900;
	[sflag:s26] =	ssyncadd.s32 $0xFFFFE000  }
0xc5: {  	[tilespmem:s24], [sflag:$0x5] =	stream.indirect.gather [hbm4b:s4+s18], $0x40, s12, s18, $0xb8;
	[tilespmem:$0x14C00] =	vst v63  }
0xc6: {  	s12 =	simm.s32 $0x980  }
0xc7: {  	[tilespmem:s28], [sflag:$0x6] =	stream.indirect.gather [hbm4b:s4+s18], $0x40, s12, s18, $0xb8;
	[tilespmem:$0x14C00] =	vst v63  }
0xc8: {  	_ =	swait.ge [sflag:s29], $0x2000  }
0xc9: {  	[sflag:s29] =	ssyncset.done $0x0  }
0xca: {  	s12 =	simm.s32 $0x1200;
	[sflag:s29] =	ssyncadd.s32 $0xFFFFE000  }
0xcb: {  	[spmem:s1] =	stream.indirect.scatter.add.f32 [tilespmem:s19], [sflag:$0x7], $0x40, s12, s18, $0xb8;
	[tilespmem:$0x14C00] =	vst v63  }
0xcc: {  	_ =	swait.ge [sflag:s30], $0x2000  }
0xcd: {  	[sflag:s30] =	ssyncset.done $0x0  }
0xce: {  	s12 =	simm.s32 $0x1280;
	[sflag:s30] =	ssyncadd.s32 $0xFFFFE000  }
0xcf: {  	[spmem:s1] =	stream.indirect.scatter.add.f32 [tilespmem:s20], [sflag:$0x8], $0x40, s12, s18, $0xb8;
	[tilespmem:$0x14C00] =	vst v63  }
0xd0: {  	_ =	swait.ge [sflag:s0], $0x2000  }
0xd1: {  	[sflag:s0] =	ssyncset.done $0x0  }
0xd2: {  	s12 =	simm.s32 $0x1300;
	[sflag:s0] =	ssyncadd.s32 $0xFFFFE000  }
0xd3: {  	[spmem:s1] =	stream.indirect.scatter.add.f32 [tilespmem:s24], [sflag:$0x9], $0x40, s12, s18, $0xb8;
	[tilespmem:$0x14C00] =	vst v63  }
0xd4: {  	_ =	swait.ge [sflag:s7], $0x2000  }
0xd5: {  	[sflag:s7] =	ssyncset.done $0x0  }
0xd6: {  	s12 =	simm.s32 $0x1380;
	[sflag:s7] =	ssyncadd.s32 $0xFFFFE000  }
0xd7: {  	[spmem:s1] =	stream.indirect.scatter.add.f32 [tilespmem:s28], [sflag:$0xA], $0x40, s12, s18, $0xb8;
	[tilespmem:$0x14C00] =	vst v63  }
0xd8: {  	_ =	swait.ge [sflag:s13], $0x2000  }
0xd9: {  	[sflag:s13] =	ssyncset.done $0x0  }
0xda: {  	[sflag:s13] =	ssyncadd.s32 $0xFFFFE000  }
0xdb: {  	_ =	swait.ge [sflag:s6], $0x2000  }
0xdc: {  	[sflag:s6] =	ssyncset.done $0x0  }
0xdd: {  	[sflag:s6] =	ssyncadd.s32 $0xFFFFE000  }
0xde: {  	_ =	swait.ge [sflag:s31], $0xA00  }
0xdf: {  	[sflag:s31] =	ssyncset.done $0x0  }
0xe0: {  	[sflag:s31] =	ssyncadd.s32 $0xFFFFF600  }
0xe1: {  	_ =	swait.ge [sflag:s31], $0xA00  }
0xe2: {  	[sflag:s31] =	ssyncset.done $0x0  }
0xe3: {  	[sflag:s31] =	ssyncadd.s32 $0xFFFFF600  }
0xe4: {  	[tilespmem:s19], [sflag:$0x3] =	stream.indirect.gather [hbm4b:s4+s18], $0x40, s21, s18, $0xb8;
	[tilespmem:$0x14C00] =	vst v63  }
0xe5: {  	s12 =	simm.s32 $0x1480  }
0xe6: {  	[tilespmem:s20], [sflag:$0x4] =	stream.indirect.gather [hbm4b:s4+s18], $0x40, s12, s18, $0xb8;
	[tilespmem:$0x14C00] =	vst v63  }
0xe7: {  	_ =	swait.ge [sflag:s23], $0x2000  }
0xe8: {  	s12 =	smul.u32 $0x14, s25;
	[sflag:s23] =	ssyncset.done $0x0  }
0xe9: {  	[sflag:s23] =	ssyncadd.s32 $0xFFFFE000  }
0xea: {  	s2 =	sadd.s32 s12, s11;
	_ =	swait.ge [sflag:s26], $0x2000  }
0xeb: {  	s2 =	sshll.u32 s2, $0x4;
	[sflag:s26] =	ssyncset.done $0x0  }
0xec: {  	s25 =	sadd.s32 s5, s2;
	[sflag:s26] =	ssyncadd.s32 $0xFFFFE000  }
0xed: {  	[tilespmem:s3], [sflag:$0x1] =	stream.linear.gather [hbm4b:s25+s3], $0xA00, $0x38;
	[tilespmem:$0x14C00] =	vst v63  }
0xee: {  	s2 =	sadd.s32 s2, s10  }
0xef: {  	[tilespmem:s14], [sflag:$0x1] =	stream.linear.gather [hbm4b:s2+s3], $0xA00, $0x38;
	[tilespmem:$0x14C00] =	vst v63  }
0xf0: {  	s12 =	simm.s32 $0x1500  }
0xf1: {  	[tilespmem:s24], [sflag:$0x5] =	stream.indirect.gather [hbm4b:s4+s18], $0x40, s12, s18, $0xb8;
	[tilespmem:$0x14C00] =	vst v63  }
0xf2: {  	s25 =	simm.s32 $0x1580  }
0xf3: {  	[tilespmem:s28], [sflag:$0x6] =	stream.indirect.gather [hbm4b:s4+s18], $0x40, s25, s18, $0xb8;
	[tilespmem:$0x14C00] =	vst v63  }
0xf4: {  	_ =	swait.ge [sflag:s29], $0x2000  }
0xf5: {  	[sflag:s29] =	ssyncset.done $0x0  }
0xf6: {  	[sflag:s29] =	ssyncadd.s32 $0xFFFFE000  }
0xf7: {  	[spmem:s1] =	stream.indirect.scatter.add.f32 [tilespmem:s19], [sflag:$0x7], $0x40, s22, s18, $0xb8;
	[tilespmem:$0x14C00] =	vst v63  }
0xf8: {  	_ =	swait.ge [sflag:s30], $0x2000  }
0xf9: {  	[sflag:s30] =	ssyncset.done $0x0  }
0xfa: {  	s12 =	simm.s32 $0x1E80;
	[sflag:s30] =	ssyncadd.s32 $0xFFFFE000  }
0xfb: {  	[spmem:s1] =	stream.indirect.scatter.add.f32 [tilespmem:s20], [sflag:$0x8], $0x40, s12, s18, $0xb8;
	[tilespmem:$0x14C00] =	vst v63  }
0xfc: {  	_ =	swait.ge [sflag:s0], $0x2000  }
0xfd: {  	[sflag:s0] =	ssyncset.done $0x0  }
0xfe: {  	s25 =	simm.s32 $0x1F00;
	[sflag:s0] =	ssyncadd.s32 $0xFFFFE000  }
0xff: {  	[spmem:s1] =	stream.indirect.scatter.add.f32 [tilespmem:s24], [sflag:$0x9], $0x40, s25, s18, $0xb8;
	[tilespmem:$0x14C00] =	vst v63  }
0x100: {  	_ =	swait.ge [sflag:s7], $0x2000  }
0x101: {  	[sflag:s7] =	ssyncset.done $0x0  }
0x102: {  	s12 =	simm.s32 $0x1F80;
	[sflag:s7] =	ssyncadd.s32 $0xFFFFE000  }
0x103: {  	[spmem:s1] =	stream.indirect.scatter.add.f32 [tilespmem:s28], [sflag:$0xA], $0x40, s12, s18, $0xb8;
	[tilespmem:$0x14C00] =	vst v63  }
0x104: {  	_ =	swait.ge [sflag:s13], $0x2000  }
0x105: {  	[sflag:s13] =	ssyncset.done $0x0  }
0x106: {  	[sflag:s13] =	ssyncadd.s32 $0xFFFFE000  }
0x107: {  	_ =	swait.ge [sflag:s6], $0x2000  }
0x108: {  	[sflag:s6] =	ssyncset.done $0x0  }
0x109: {  	s25 =	simm.s32 $0x1600;
	[sflag:s6] =	ssyncadd.s32 $0xFFFFE000  }
0x10a: {  	[tilespmem:s19], [sflag:$0x3] =	stream.indirect.gather [hbm4b:s4+s18], $0x40, s25, s18, $0xb8;
	[tilespmem:$0x14C00] =	vst v63  }
0x10b: {  	s12 =	simm.s32 $0x1680  }
0x10c: {  	[tilespmem:s20], [sflag:$0x4] =	stream.indirect.gather [hbm4b:s4+s18], $0x40, s12, s18, $0xb8;
	[tilespmem:$0x14C00] =	vst v63  }
0x10d: {  	_ =	swait.ge [sflag:s23], $0x2000  }
0x10e: {  	[sflag:s23] =	ssyncset.done $0x0  }
0x10f: {  	[sflag:s23] =	ssyncadd.s32 $0xFFFFE000  }
0x110: {  	_ =	swait.ge [sflag:s26], $0x2000  }
0x111: {  	[sflag:s26] =	ssyncset.done $0x0  }
0x112: {  	s25 =	simm.s32 $0x1700;
	[sflag:s26] =	ssyncadd.s32 $0xFFFFE000  }
0x113: {  	[tilespmem:s24], [sflag:$0x5] =	stream.indirect.gather [hbm4b:s4+s18], $0x40, s25, s18, $0xb8;
	[tilespmem:$0x14C00] =	vst v63  }
0x114: {  	s12 =	simm.s32 $0x1780  }
0x115: {  	[tilespmem:s28], [sflag:$0x6] =	stream.indirect.gather [hbm4b:s4+s18], $0x40, s12, s18, $0xb8;
	[tilespmem:$0x14C00] =	vst v63  }
0x116: {  	_ =	swait.ge [sflag:s29], $0x2000  }
0x117: {  	[sflag:s29] =	ssyncset.done $0x0  }
0x118: {  	s25 =	simm.s32 $0x2000;
	[sflag:s29] =	ssyncadd.s32 $0xFFFFE000  }
0x119: {  	[spmem:s1] =	stream.indirect.scatter.add.f32 [tilespmem:s19], [sflag:$0x7], $0x40, s25, s18, $0xb8;
	[tilespmem:$0x14C00] =	vst v63  }
0x11a: {  	_ =	swait.ge [sflag:s30], $0x2000  }
0x11b: {  	[sflag:s30] =	ssyncset.done $0x0  }
0x11c: {  	s12 =	simm.s32 $0x2080;
	[sflag:s30] =	ssyncadd.s32 $0xFFFFE000  }
0x11d: {  	[spmem:s1] =	stream.indirect.scatter.add.f32 [tilespmem:s20], [sflag:$0x8], $0x40, s12, s18, $0xb8;
	[tilespmem:$0x14C00] =	vst v63  }
0x11e: {  	_ =	swait.ge [sflag:s0], $0x2000  }
0x11f: {  	[sflag:s0] =	ssyncset.done $0x0  }
0x120: {  	s25 =	simm.s32 $0x2100;
	[sflag:s0] =	ssyncadd.s32 $0xFFFFE000  }
0x121: {  	[spmem:s1] =	stream.indirect.scatter.add.f32 [tilespmem:s24], [sflag:$0x9], $0x40, s25, s18, $0xb8;
	[tilespmem:$0x14C00] =	vst v63  }
0x122: {  	_ =	swait.ge [sflag:s7], $0x2000  }
0x123: {  	[sflag:s7] =	ssyncset.done $0x0  }
0x124: {  	s12 =	simm.s32 $0x2180;
	[sflag:s7] =	ssyncadd.s32 $0xFFFFE000  }
0x125: {  	[spmem:s1] =	stream.indirect.scatter.add.f32 [tilespmem:s28], [sflag:$0xA], $0x40, s12, s18, $0xb8;
	[tilespmem:$0x14C00] =	vst v63  }
0x126: {  	_ =	swait.ge [sflag:s13], $0x2000  }
0x127: {  	[sflag:s13] =	ssyncset.done $0x0  }
0x128: {  	[sflag:s13] =	ssyncadd.s32 $0xFFFFE000  }
0x129: {  	_ =	swait.ge [sflag:s6], $0x2000  }
0x12a: {  	[sflag:s6] =	ssyncset.done $0x0  }
0x12b: {  	s25 =	simm.s32 $0x1800;
	[sflag:s6] =	ssyncadd.s32 $0xFFFFE000  }
0x12c: {  	[tilespmem:s19], [sflag:$0x3] =	stream.indirect.gather [hbm4b:s4+s18], $0x40, s25, s18, $0xb8;
	[tilespmem:$0x14C00] =	vst v63  }
0x12d: {  	s12 =	simm.s32 $0x1880  }
0x12e: {  	[tilespmem:s20], [sflag:$0x4] =	stream.indirect.gather [hbm4b:s4+s18], $0x40, s12, s18, $0xb8;
	[tilespmem:$0x14C00] =	vst v63  }
0x12f: {  	_ =	swait.ge [sflag:s23], $0x2000  }
0x130: {  	[sflag:s23] =	ssyncset.done $0x0  }
0x131: {  	[sflag:s23] =	ssyncadd.s32 $0xFFFFE000  }
0x132: {  	_ =	swait.ge [sflag:s26], $0x2000  }
0x133: {  	[sflag:s26] =	ssyncset.done $0x0  }
0x134: {  	s25 =	simm.s32 $0x1900;
	[sflag:s26] =	ssyncadd.s32 $0xFFFFE000  }
0x135: {  	[tilespmem:s24], [sflag:$0x5] =	stream.indirect.gather [hbm4b:s4+s18], $0x40, s25, s18, $0xb8;
	[tilespmem:$0x14C00] =	vst v63  }
0x136: {  	s12 =	simm.s32 $0x1980  }
0x137: {  	[tilespmem:s28], [sflag:$0x6] =	stream.indirect.gather [hbm4b:s4+s18], $0x40, s12, s18, $0xb8;
	[tilespmem:$0x14C00] =	vst v63  }
0x138: {  	_ =	swait.ge [sflag:s29], $0x2000  }
0x139: {  	[sflag:s29] =	ssyncset.done $0x0  }
0x13a: {  	s25 =	simm.s32 $0x2200;
	[sflag:s29] =	ssyncadd.s32 $0xFFFFE000  }
0x13b: {  	[spmem:s1] =	stream.indirect.scatter.add.f32 [tilespmem:s19], [sflag:$0x7], $0x40, s25, s18, $0xb8;
	[tilespmem:$0x14C00] =	vst v63  }
0x13c: {  	_ =	swait.ge [sflag:s30], $0x2000  }
0x13d: {  	[sflag:s30] =	ssyncset.done $0x0  }
0x13e: {  	s12 =	simm.s32 $0x2280;
	[sflag:s30] =	ssyncadd.s32 $0xFFFFE000  }
0x13f: {  	[spmem:s1] =	stream.indirect.scatter.add.f32 [tilespmem:s20], [sflag:$0x8], $0x40, s12, s18, $0xb8;
	[tilespmem:$0x14C00] =	vst v63  }
0x140: {  	_ =	swait.ge [sflag:s0], $0x2000  }
0x141: {  	[sflag:s0] =	ssyncset.done $0x0  }
0x142: {  	s25 =	simm.s32 $0x2300;
	[sflag:s0] =	ssyncadd.s32 $0xFFFFE000  }
0x143: {  	[spmem:s1] =	stream.indirect.scatter.add.f32 [tilespmem:s24], [sflag:$0x9], $0x40, s25, s18, $0xb8;
	[tilespmem:$0x14C00] =	vst v63  }
0x144: {  	_ =	swait.ge [sflag:s7], $0x2000  }
0x145: {  	[sflag:s7] =	ssyncset.done $0x0  }
0x146: {  	s12 =	simm.s32 $0x2380;
	[sflag:s7] =	ssyncadd.s32 $0xFFFFE000  }
0x147: {  	[spmem:s1] =	stream.indirect.scatter.add.f32 [tilespmem:s28], [sflag:$0xA], $0x40, s12, s18, $0xb8;
	[tilespmem:$0x14C00] =	vst v63  }
0x148: {  	_ =	swait.ge [sflag:s13], $0x2000  }
0x149: {  	[sflag:s13] =	ssyncset.done $0x0  }
0x14a: {  	[sflag:s13] =	ssyncadd.s32 $0xFFFFE000  }
0x14b: {  	_ =	swait.ge [sflag:s6], $0x2000  }
0x14c: {  	[sflag:s6] =	ssyncset.done $0x0  }
0x14d: {  	s25 =	simm.s32 $0x1A00;
	[sflag:s6] =	ssyncadd.s32 $0xFFFFE000  }
0x14e: {  	[tilespmem:s19], [sflag:$0x3] =	stream.indirect.gather [hbm4b:s4+s18], $0x40, s25, s18, $0xb8;
	[tilespmem:$0x14C00] =	vst v63  }
0x14f: {  	s12 =	simm.s32 $0x1A80  }
0x150: {  	[tilespmem:s20], [sflag:$0x4] =	stream.indirect.gather [hbm4b:s4+s18], $0x40, s12, s18, $0xb8;
	[tilespmem:$0x14C00] =	vst v63  }
0x151: {  	_ =	swait.ge [sflag:s23], $0x2000  }
0x152: {  	[sflag:s23] =	ssyncset.done $0x0  }
0x153: {  	[sflag:s23] =	ssyncadd.s32 $0xFFFFE000  }
0x154: {  	_ =	swait.ge [sflag:s26], $0x2000  }
0x155: {  	[sflag:s26] =	ssyncset.done $0x0  }
0x156: {  	s25 =	simm.s32 $0x1B00;
	[sflag:s26] =	ssyncadd.s32 $0xFFFFE000  }
0x157: {  	[tilespmem:s24], [sflag:$0x5] =	stream.indirect.gather [hbm4b:s4+s18], $0x40, s25, s18, $0xb8;
	[tilespmem:$0x14C00] =	vst v63  }
0x158: {  	s12 =	simm.s32 $0x1B80  }
0x159: {  	[tilespmem:s28], [sflag:$0x6] =	stream.indirect.gather [hbm4b:s4+s18], $0x40, s12, s18, $0xb8;
	[tilespmem:$0x14C00] =	vst v63  }
0x15a: {  	_ =	swait.ge [sflag:s29], $0x2000  }
0x15b: {  	[sflag:s29] =	ssyncset.done $0x0  }
0x15c: {  	s25 =	simm.s32 $0x2400;
	[sflag:s29] =	ssyncadd.s32 $0xFFFFE000  }
0x15d: {  	[spmem:s1] =	stream.indirect.scatter.add.f32 [tilespmem:s19], [sflag:$0x7], $0x40, s25, s18, $0xb8;
	[tilespmem:$0x14C00] =	vst v63  }
0x15e: {  	_ =	swait.ge [sflag:s30], $0x2000  }
0x15f: {  	[sflag:s30] =	ssyncset.done $0x0  }
0x160: {  	s12 =	simm.s32 $0x2480;
	[sflag:s30] =	ssyncadd.s32 $0xFFFFE000  }
0x161: {  	[spmem:s1] =	stream.indirect.scatter.add.f32 [tilespmem:s20], [sflag:$0x8], $0x40, s12, s18, $0xb8;
	[tilespmem:$0x14C00] =	vst v63  }
0x162: {  	_ =	swait.ge [sflag:s0], $0x2000  }
0x163: {  	[sflag:s0] =	ssyncset.done $0x0  }
0x164: {  	s25 =	simm.s32 $0x2500;
	[sflag:s0] =	ssyncadd.s32 $0xFFFFE000  }
0x165: {  	[spmem:s1] =	stream.indirect.scatter.add.f32 [tilespmem:s24], [sflag:$0x9], $0x40, s25, s18, $0xb8;
	[tilespmem:$0x14C00] =	vst v63  }
0x166: {  	_ =	swait.ge [sflag:s7], $0x2000  }
0x167: {  	[sflag:s7] =	ssyncset.done $0x0  }
0x168: {  	s12 =	simm.s32 $0x2580;
	[sflag:s7] =	ssyncadd.s32 $0xFFFFE000  }
0x169: {  	[spmem:s1] =	stream.indirect.scatter.add.f32 [tilespmem:s28], [sflag:$0xA], $0x40, s12, s18, $0xb8;
	[tilespmem:$0x14C00] =	vst v63  }
0x16a: {  	_ =	swait.ge [sflag:s13], $0x2000  }
0x16b: {  	[sflag:s13] =	ssyncset.done $0x0  }
0x16c: {  	[sflag:s13] =	ssyncadd.s32 $0xFFFFE000  }
0x16d: {  	_ =	swait.ge [sflag:s6], $0x2000  }
0x16e: {  	[sflag:s6] =	ssyncset.done $0x0  }
0x16f: {  	s25 =	simm.s32 $0x1C00;
	[sflag:s6] =	ssyncadd.s32 $0xFFFFE000  }
0x170: {  	[tilespmem:s19], [sflag:$0x3] =	stream.indirect.gather [hbm4b:s4+s18], $0x40, s25, s18, $0xb8;
	[tilespmem:$0x14C00] =	vst v63  }
0x171: {  	s12 =	simm.s32 $0x1C80  }
0x172: {  	[tilespmem:s20], [sflag:$0x4] =	stream.indirect.gather [hbm4b:s4+s18], $0x40, s12, s18, $0xb8;
	[tilespmem:$0x14C00] =	vst v63  }
0x173: {  	_ =	swait.ge [sflag:s23], $0x2000  }
0x174: {  	[sflag:s23] =	ssyncset.done $0x0  }
0x175: {  	[sflag:s23] =	ssyncadd.s32 $0xFFFFE000  }
0x176: {  	_ =	swait.ge [sflag:s26], $0x2000  }
0x177: {  	[sflag:s26] =	ssyncset.done $0x0  }
0x178: {  	s25 =	simm.s32 $0x1D00;
	[sflag:s26] =	ssyncadd.s32 $0xFFFFE000  }
0x179: {  	[tilespmem:s24], [sflag:$0x5] =	stream.indirect.gather [hbm4b:s4+s18], $0x40, s25, s18, $0xb8;
	[tilespmem:$0x14C00] =	vst v63  }
0x17a: {  	s12 =	simm.s32 $0x1D80  }
0x17b: {  	[tilespmem:s28], [sflag:$0x6] =	stream.indirect.gather [hbm4b:s4+s18], $0x40, s12, s18, $0xb8;
	[tilespmem:$0x14C00] =	vst v63  }
0x17c: {  	_ =	swait.ge [sflag:s29], $0x2000  }
0x17d: {  	[sflag:s29] =	ssyncset.done $0x0  }
0x17e: {  	s25 =	simm.s32 $0x2600;
	[sflag:s29] =	ssyncadd.s32 $0xFFFFE000  }
0x17f: {  	[spmem:s1] =	stream.indirect.scatter.add.f32 [tilespmem:s19], [sflag:$0x7], $0x40, s25, s18, $0xb8;
	[tilespmem:$0x14C00] =	vst v63  }
0x180: {  	_ =	swait.ge [sflag:s30], $0x2000  }
0x181: {  	[sflag:s30] =	ssyncset.done $0x0  }
0x182: {  	s12 =	simm.s32 $0x2680;
	[sflag:s30] =	ssyncadd.s32 $0xFFFFE000  }
0x183: {  	[spmem:s1] =	stream.indirect.scatter.add.f32 [tilespmem:s20], [sflag:$0x8], $0x40, s12, s18, $0xb8;
	[tilespmem:$0x14C00] =	vst v63  }
0x184: {  	_ =	swait.ge [sflag:s0], $0x2000  }
0x185: {  	[sflag:s0] =	ssyncset.done $0x0  }
0x186: {  	s25 =	simm.s32 $0x2700;
	[sflag:s0] =	ssyncadd.s32 $0xFFFFE000  }
0x187: {  	[spmem:s1] =	stream.indirect.scatter.add.f32 [tilespmem:s24], [sflag:$0x9], $0x40, s25, s18, $0xb8;
	[tilespmem:$0x14C00] =	vst v63  }
0x188: {  	_ =	swait.ge [sflag:s7], $0x2000  }
0x189: {  	[sflag:s7] =	ssyncset.done $0x0  }
0x18a: {  	[sflag:s7] =	ssyncadd.s32 $0xFFFFE000  }
0x18b: {  	[spmem:s1] =	stream.indirect.scatter.add.f32 [tilespmem:s28], [sflag:$0xA], $0x40, s17, s18, $0xb8;
	[tilespmem:$0x14C00] =	vst v63  }
0x18c: {  	_ =	swait.ge [sflag:s13], $0x2000  }
0x18d: {  	[sflag:s13] =	ssyncset.done $0x0  }
0x18e: {  	[sflag:s13] =	ssyncadd.s32 $0xFFFFE000  }
0x18f: {  	_ =	swait.ge [sflag:s6], $0x2000  }
0x190: {  	[sflag:s6] =	ssyncset.done $0x0  }
0x191: {  	s25 =	simm.s32 $0x1;
	[sflag:s6] =	ssyncadd.s32 $0xFFFFE000  }
0x192: {  	_ =	swait.ge [sflag:s25], $0xA00  }
0x193: {  	[sflag:s25] =	ssyncset.done $0x0  }
0x194: {  	[sflag:s25] =	ssyncadd.s32 $0xFFFFF600  }
0x195: {  	_ =	swait.ge [sflag:s25], $0xA00  }
0x196: {  	[sflag:s25] =	ssyncset.done $0x0  }
0x197: {  	[sflag:s25] =	ssyncadd.s32 $0xFFFFF600  }
0x198: {  	[tilespmem:s19], [sflag:$0x3] =	stream.indirect.gather [hbm4b:s4+s18], $0x40, s3, s18, $0xb8;
	[tilespmem:$0x14C00] =	vst v63  }
0x199: {  	_ = 	snop  }
0x19a: {  	[tilespmem:s20], [sflag:$0x4] =	stream.indirect.gather [hbm4b:s4+s18], $0x40, s18, s18, $0xb8;
	[tilespmem:$0x14C00] =	vst v63  }
0x19b: {  	p1 =	por p0, p0;
	_ =	swait.ge [sflag:s23], $0x2000  }
.Ltmp2:
0x19c: {  	[sflag:s23] =	ssyncset.done $0x0;
	(pc) =	sbr.rel @p1 .LBB2_6-.Ltmp2, $4  }
0x19d: {  	[sflag:s23] =	ssyncadd.s32 $0xFFFFE000  }
0x19e: {  	_ =	swait.ge [sflag:s26], $0x2000  }
0x19f: {  	[sflag:s26] =	ssyncset.done $0x0  }
0x1a0: {  	p0 =	por $0x0, $0x0;
	[sflag:s26] =	ssyncadd.s32 $0xFFFFE000  }
0x1a1: {  	_ =	swait.ge [sflag:s29], $0x2000  }
0x1a2: {  	[sflag:s29] =	ssyncset.done $0x0  }
0x1a3: {  	[sflag:s29] =	ssyncadd.s32 $0xFFFFE000  }
0x1a4: {  	_ =	swait.ge [sflag:s30], $0x2000  }
0x1a5: {  	[sflag:s30] =	ssyncset.done $0x0  }
0x1a6: {  	[sflag:s30] =	ssyncadd.s32 $0xFFFFE000  }
0x1a7: {  	s2 =	stileid.u32;
	[bflag:$0x0] =	sbarrier.arrive $0xFFFF  }
0x1a8: {  	s2 =	sshll.u32 s2, $0x6;
	s12 =	rddreg [dreg:$0x5]  }
0x1a9: {  	s2 =	sor.u32 $0x1C0B, s2;
	s17 =	rddreg [dreg:$0x7]  }
0x1aa: {  	[hbm:s12], [sflag:s2] =	dma.local [spmem:s17], $0x1400  }
0x1ab: {  	_ =	swait.ge [sflag:s16], $0x1400  }
0x1ac: {  	s17 =	rddreg [dreg:$0x8]  }
0x1ad: {  	s25 =	rddreg [dreg:$0x6];
	s12 =	sadd.s32 $0x1, s17  }
0x1ae: {  	p0 =	sne.s32 s12, s25  }
.Ltmp3:
0x1af: {  	_ = 	snop;
	(pc) =	sbr.rel @p0 .LBB2_1-.Ltmp3, $3  }
0x1b0: {  	_ =	sdelay $0x1  }
0x1b1: {  	[sflag:s16] =	ssyncset.done $0x0  }
0x1b2: {  	[sflag:s16] =	ssyncadd.s32 $0xFFFFEC00  }
0x1b3: {  	_ =	sfence.sel $0x180000  }
0x1b4: {  	[bflag:$0x0] =	sbarrier.arrive $0xFFFF  }
0x1b5: {  	_ =	strace $0x9000004D  }
0x1b6: {  	s0 =	stileid.u32;
	[bflag:$0x2] =	sbarrier.arrive $0xFFFF  }
0x1b7: {  	p0 =	sne.s32 s0, $0x0;
	s0 =	rddreg [dreg:$0x2]  }
0x1b8: {  	s0 =	sadd.s32 @!p0 $0x100000, s0  }
0x1b9: {  	[sflag:s0] =	ssyncadd.tile.s32 @!p0 $0x1;
	_ =	shalt  }
.Lfunc_end2:
_tile_overlayer_lowered:
.L_overlay_start_2:
0x1ba: {  	(tag) =	ssettag $0x2  }
0x1bb: {  	s0 =	rddreg [dreg:$0x0];
	s2 =	stileid.u32  }
0x1bc: {  	s1 =	rddreg [dreg:$0x1];
	p0 =	sne.s32 s2, $0x0  }
0x1bd: {  	s3 =	rddreg [dreg:$0x2];
	[bflag:$0x3] =	sbarrier.arrive $0xFFFF;
	s2 =	simm.s32 @!p0 $0x1C0B  }
0x1be: {  	[timem:s3], [sflag:s2] =	dma.local @!p0 [hbm:s0], s1  }
0x1bf: {  	s0 =	simm.s32 @!p0 $0xB  }
0x1c0: {  	_ =	swait.ge @!p0 [sflag:s0], s1  }
0x1c1: {  	s1 =	ssub.s32 @!p0 $0x0, s1;
	[sflag:s0] =	ssyncset.done @!p0 $0x0  }
0x1c2: {  	[sflag:s0] =	ssyncadd.s32 @!p0 s1  }
0x1c3: {  	[bflag:$0x3] =	sbarrier.arrive $0xFFFF  }
0x1c4: {  	_ =	shalt  }

// kernel: kernel.9.cloned.1.call-start
scs
__scs_entry_jumppad:
0x0: {  	(pc) =	sbr.rel $0x88, $3  }
0x1: {  	(tag) =	ssettag $0x0;
	lr =	simm.s32 $0x1  }
0x2: {  	[smem:$0x3F9B] =	sst lr;
	_ =	strace $0xD0000000  }
0x3: {  	_ = 	snop  }
0x4: {  	_ = 	snop  }
0x5: {  	_ = 	snop  }
0x6: {  	_ = 	snop  }
0x7: {  	_ = 	snop  }
__scs_overlays_trampoline_lowered:
0x8: {  	[smem:$0x3FAA] =	sst s0  }
0x9: {  	[smem:$0x3FAB] =	sst s1  }
0xa: {  	[smem:$0x3FAC] =	sst s2  }
0xb: {  	[smem:$0x3FAD] =	sst s3  }
0xc: {  	[smem:$0x3FAE] =	sst s4  }
0xd: {  	[smem:$0x3FAF] =	sst s5  }
0xe: {  	[smem:$0x3FB0] =	sst s6  }
0xf: {  	[smem:$0x3FB1] =	sst s7  }
0x10: {  	[smem:$0x3FB2] =	sst s8  }
0x11: {  	[smem:$0x3FB3] =	sst s9;
	s0 =	simm.s32 @!p0 $0x0  }
0x12: {  	s1 =	sld [smem:$0x3F99];
	s0 =	simm.s32 @p0 $0x1  }
0x13: {  	[smem:$0x3FB4] =	sst s0;
	s0 =	simm.s32 @!p1 $0x0  }
0x14: {  	s2 =	sld [smem:$0x3F98];
	s0 =	simm.s32 @p1 $0x1  }
0x15: {  	[smem:$0x3FB5] =	sst s0;
	s0 =	simm.s32 @!p2 $0x0  }
0x16: {  	s3 =	sld [smem:$0x3FDB];
	s0 =	simm.s32 @p2 $0x1  }
0x17: {  	s4 =	simm.s32 $0x1BF5;
	[smem:$0x3FB7] =	sst s0  }
0x18: {  	s0 =	sld [smem:$0x3F9A];
	_ =	swait.ge [sflag:s4], $0x0  }
0x19: {  	s7 =	sld [smem:$0x3F9B]  }
0x1a: {  	s8 =	sadd.s32 $0xFFFFE003, lr  }
0x1b: {  	s9 =	sadd.s32 $0xFFFFFEF7, lr;
	s5 =	simm.s32 $0xFFFFFFFF;
	p2 =	slt.u32 s8, $0xFFFFF086  }
0x1c: {  	p1 =	slt.u32 s9, $0xF7A;
	s5 =	simm.s32 @!p2 $0x0  }
0x1d: {  	s5 =	simm.s32 @p1 $0x1;
	p0 =	seq.s32 s7, s2  }
0x1e: {  	s7 =	smul.u32 @!p0 $0xF7A, s2;
	p2 =	seq.s32 @!p0 s5, $0x0  }
0x1f: {  	s9 =	smul.u32 $0xF7A, s1;
	s8 =	simm.s32 @!p0 $0x1BF5;
	p2 =	por !p2, p0  }
0x20: {  	[sflag:s8] =	ssyncset.s32 @!p0 $0xFFFFF086;
	s6 =	sadd.s32 @!p0 s3, s7;
	s7 =	simm.s32 @!p0 $0x108  }
0x21: {  	s3 =	sadd.s32 s3, s9;
	s6 =	sadd.s32 @!p0 $0x88, s6;
	s7 =	simm.s32 @p2 $0x1082  }
0x22: {  	[simem:s7], [sflag:s8] =	dma.local @!p0 [hbm:s6], $0xF7A  }
0x23: {  	s9 =	sor.u32 $0xD0000000, s2;
	s6 =	simm.s32 $0x108;
	_ =	swait.ge @!p0 [sflag:s8], $0x0  }
0x24: {  	s3 =	sadd.s32 $0x88, s3;
	s6 =	simm.s32 @!p1 $0x1082;
	[sflag:s4] =	ssyncset.s32 $0xFFFFF086  }
0x25: {  	[simem:s6], [sflag:s4] =	dma.local [hbm:s3], $0xF7A  }
0x26: {  	[smem:$0x3F9B] =	sst s1;
	(tag) =	ssettag s2;
	_ =	strace s9  }
0x27: {  	s1 =	sld [smem:$0x3FAB]  }
0x28: {  	s2 =	sld [smem:$0x3FAC]  }
0x29: {  	s4 =	sld [smem:$0x3FAE]  }
0x2a: {  	p0 =	seq.s32 s5, $0x0;
	s5 =	sld [smem:$0x3FAF]  }
0x2b: {  	s6 =	sld [smem:$0x3FB0]  }
0x2c: {  	s7 =	sld [smem:$0x3FB1]  }
0x2d: {  	s3 =	simm.s32 $0x108;
	s8 =	sld [smem:$0x3FB2]  }
0x2e: {  	s3 =	simm.s32 @!p0 $0x1082;
	s9 =	sld [smem:$0x3FB3]  }
0x2f: {  	lr =	sadd.s32 s0, s3;
	s0 =	sld [smem:$0x3FAA]  }
0x30: {  	s3 =	sld [smem:$0x3FAD]  }
0x31: {  	[smem:$0x3FB6] =	sst s10  }
0x32: {  	s10 =	sld [smem:$0x3FB4];
	_ =	sdelay $0x3  }
0x33: {  	p0 =	seq.s32 s10, $0x1;
	s10 =	sld [smem:$0x3FB6];
	_ =	sdelay $0x3  }
0x34: {  	[smem:$0x3FB6] =	sst s10  }
0x35: {  	s10 =	sld [smem:$0x3FB5];
	_ =	sdelay $0x3  }
0x36: {  	p1 =	seq.s32 s10, $0x1;
	s10 =	sld [smem:$0x3FB6];
	_ =	sdelay $0x3  }
0x37: {  	[smem:$0x3FB6] =	sst s10  }
0x38: {  	s10 =	sld [smem:$0x3FB7]  }
0x39: {  	_ = 	snop;
	(pc) =	sbr.ind lr, $3  }
0x3a: {  	_ = 	snop  }
0x3b: {  	_ = 	snop  }
0x3c: {  	p2 =	seq.s32 s10, $0x1;
	s10 =	sld [smem:$0x3FB6]  }
0x3d: {  	_ =	shalt  }
0x3e: {  	_ =	shalt  }
0x3f: {  	_ =	shalt  }
0x40: {  	_ =	shalt  }
0x41: {  	_ =	shalt  }
0x42: {  	_ =	shalt  }
0x43: {  	_ =	shalt  }
0x44: {  	_ =	shalt  }
0x45: {  	_ =	shalt  }
0x46: {  	_ =	shalt  }
0x47: {  	_ =	shalt  }
0x48: {  	_ =	shalt  }
0x49: {  	_ =	shalt  }
0x4a: {  	_ =	shalt  }
0x4b: {  	_ =	shalt  }
0x4c: {  	_ =	shalt  }
0x4d: {  	_ =	shalt  }
0x4e: {  	_ =	shalt  }
0x4f: {  	_ =	shalt  }
0x50: {  	_ =	shalt  }
0x51: {  	_ =	shalt  }
0x52: {  	_ =	shalt  }
0x53: {  	_ =	shalt  }
0x54: {  	_ =	shalt  }
0x55: {  	_ =	shalt  }
0x56: {  	_ =	shalt  }
0x57: {  	_ =	shalt  }
0x58: {  	_ =	shalt  }
0x59: {  	_ =	shalt  }
0x5a: {  	_ =	shalt  }
0x5b: {  	_ =	shalt  }
0x5c: {  	_ =	shalt  }
0x5d: {  	_ =	shalt  }
0x5e: {  	_ =	shalt  }
0x5f: {  	_ =	shalt  }
0x60: {  	_ =	shalt  }
0x61: {  	_ =	shalt  }
0x62: {  	_ =	shalt  }
0x63: {  	_ =	shalt  }
0x64: {  	_ =	shalt  }
0x65: {  	_ =	shalt  }
0x66: {  	_ =	shalt  }
0x67: {  	_ =	shalt  }
0x68: {  	_ =	shalt  }
0x69: {  	_ =	shalt  }
0x6a: {  	_ =	shalt  }
0x6b: {  	_ =	shalt  }
0x6c: {  	_ =	shalt  }
0x6d: {  	_ =	shalt  }
0x6e: {  	_ =	shalt  }
0x6f: {  	_ =	shalt  }
0x70: {  	_ =	shalt  }
0x71: {  	_ =	shalt  }
0x72: {  	_ =	shalt  }
0x73: {  	_ =	shalt  }
0x74: {  	_ =	shalt  }
0x75: {  	_ =	shalt  }
0x76: {  	_ =	shalt  }
0x77: {  	_ =	shalt  }
0x78: {  	_ =	shalt  }
0x79: {  	_ =	shalt  }
0x7a: {  	_ =	shalt  }
0x7b: {  	_ =	shalt  }
0x7c: {  	_ =	shalt  }
0x7d: {  	_ =	shalt  }
0x7e: {  	_ =	shalt  }
0x7f: {  	_ =	shalt  }
0x80: {  	_ =	shalt  }
0x81: {  	_ =	shalt  }
0x82: {  	_ =	shalt  }
0x83: {  	_ =	shalt  }
0x84: {  	_ =	shalt  }
0x85: {  	_ =	shalt  }
0x86: {  	_ =	shalt  }
0x87: {  	_ =	shalt  }
.Lfunc_end0:
.L_simem_size_0:
called_computation_lowered:
.L_overlay_start_0:
0x88: {  	s2 =	sld [smem:$0x3FD9]  }
0x89: {  	s3 =	sld [smem:$0x3FFE];
	_ =	sdelay $0x1  }
0x8a: {  	s1 =	srdreg.scid  }
0x8b: {  	s0 =	sand.u32 $0x1, s1  }
0x8c: {  	s17 =	sshll.u32 s0, $0xA;
	s2 =	sadd.s32 s3, s2  }
0x8d: {  	s2 =	sadd.s32 s2, s17  }
0x8e: {  	[smem:$0x3FC2] =	sst s2  }
0x8f: {  	_ = 	snop  }
0x90: {  	s2 =	sld [smem:$0x3FD0];
	(tm) =	ssettm $0x1  }
0x91: {  	s18 =	sld [smem:$0x3FFB];
	_ =	sdelay $0x3  }
0x92: {  	_ =	strace s18  }
0x93: {  	s3 =	sld [smem:$0x3FFC];
	_ =	sdelay $0x3  }
0x94: {  	_ =	strace s3  }
0x95: {  	s3 =	sld [smem:$0x3FFD];
	_ =	sdelay $0x3  }
0x96: {  	_ =	strace s3  }
0x97: {  	_ =	strace $0x8FFFFFFF  }
0x98: {  	s19 =	sld [smem:$0x3FDB];
	_ =	sdelay $0x1  }
0x99: {  	s4 =	simm.s32 $_scs_section_size  }
0x9a: {  	s5 =	simm.s32 $_size__tile_overlayer_lowered;
	s6 =	simm.s32 $_tile_overlayer_lowered  }
0x9b: {  	s22 =	simm.s32 $0x1BFF;
	s21 =	sshll.u32 s6, $0x1;
	s3 =	sadd.s32 s4, s19  }
0x9c: {  	s7 =	simm.s32 $0x0;
	s20 =	sshll.u32 s5, $0x1;
	s5 =	sadd.s32 s21, s3  }
0x9d: {  	[timem:s7], [sflag:s22] =	dma.local [hbm:s5], s20  }
0x9e: {  	_ =	swait.ge [sflag:s22], s20  }
0x9f: {  	s4 =	ssub.s32 $0x0, s20;
	[sflag:s22] =	ssyncset.done $0x0  }
0xa0: {  	[sflag:s22] =	ssyncadd.s32 s4;
	_ =	sdelay $0x1  }
0xa1: {  	s23 =	simm.s32 $0x1B8B  }
0xa2: {  	_ =	swait.ge [sflag:s23], $0x1  }
0xa3: {  	[sflag:s23] =	ssyncset.done $0x0  }
0xa4: {  	s25 =	simm.s32 $0x1B8E;
	s24 =	sld [smem:$0x3FFE];
	[sflag:s23] =	ssyncadd.s32 $0xFFFFFFFF  }
0xa5: {  	s26 =	simm.s32 $execute0_lowered;
	[smem:$0x3FD2] =	sst s25  }
0xa6: {  	s5 =	sshll.u32 s26, $0x1;
	_ =	strace $0x80000046;
	[dreg:$0x1] =	wrdreg $0xFFFFFFFF  }
0xa7: {  	s28 =	simm.s32 $_size_execute0_lowered;
	s3 =	sadd.s32 s3, s5;
	[dreg:$0x0] =	wrdreg $0x0  }
0xa8: {  	s5 =	sshll.u32 s28, $0x1;
	[dreg:$0x2] =	wrdreg s3  }
0xa9: {  	[dreg:$0x3] =	wrdreg s5  }
0xaa: {  	[dreg:$0x4] =	wrdreg $0xC0  }
0xab: {  	_ =	task [dreg:s7], $0x5FFFF  }
0xac: {  	[dreg:$0x1] =	wrdreg $0xFFFFFFFF  }
0xad: {  	[dreg:$0x0] =	wrdreg $0x60  }
0xae: {  	[dreg:$0x2] =	wrdreg s24  }
0xaf: {  	[dreg:$0x3] =	wrdreg s2  }
0xb0: {  	[dreg:$0x4] =	wrdreg $0x2B000  }
0xb1: {  	[dreg:$0x5] =	wrdreg $0x9  }
0xb2: {  	_ =	task.clear_ibuf [dreg:s7], $0x6FFFF;
	_ =	strace $0x90000046  }
0xb3: {  	s29 =	simm.s32 $0x9;
	_ =	strace $0x80000048  }
0xb4: {  	_ =	swait.ge [sflag:s29], $0x1  }
0xb5: {  	[sflag:s29] =	ssyncadd.s32 $0xFFFFFFFF  }
0xb6: {  	_ =	strace $0x90000048  }
0xb7: {  	_ =	sfence  }
0xb8: {  	s30 =	sld [smem:$0x0];
	_ =	sdelay $0x2  }
0xb9: {  	s31 =	sshll.u32 s1, $0xD;
	s1 =	sshrl.u32 s1, $0x2  }
0xba: {  	s3 =	sand.u32 $0x4000, s31;
	s1 =	sadd.s32 s1, s30  }
0xbb: {  	s0 =	sor.u32 s3, s0;
	s1 =	sshll.u32 s1, $0x11  }
0xbc: {  	s0 =	sor.u32 s1, s0  }
0xbd: {  	s0 =	sadd.s32 $0x8F2B, s0  }
0xbe: {  	[sflag:s0] =	ssyncadd.remote.s32 $0x1  }
0xbf: {  	_ =	sfence.sel $0xFFFF  }
0xc0: {  	[dreg:$0x0] =	wrdreg $0xFFFFFFFF;
	(pc) =	sbr.abs _section_cstart, $3  }
0xc1: {  	[dreg:$0x1] =	wrdreg $0xFFFFFFFF  }
0xc2: {  	_ =	task.clear_ibuf [dreg:s7], $0x2FFFF;
	_ =	strace $0x9FFFFFFF  }
0xc3: {  	(tm) =	ssettm $0x7FFFFFFF  }
tec
execute0_lowered:
.L_overlay_start_1:
0x0: {  	(tag) =	ssettag $0x1  }
0x1: {  	s4 =	rddreg [dreg:$0x0]  }
0x2: {  	s0 =	srdreg.scid;
	s6 =	rddreg [dreg:$0x1]  }
0x3: {  	s2 =	rddreg [dreg:$0x2];
	s1 =	stileid.u32;
	s3 =	simm.s32 $0x0  }
0x4: {  	s12 =	simm.s32 $0x1;
	s15 =	simm.s32 $0x20;
	s16 =	simm.s32 $0x10  }
0x5: {  	s5 =	sand.u32 $0x1, s0;
	s0 =	rddreg [dreg:$0x3];
	s9 =	smul.u32 $0x500, s1  }
0x6: {  	s17 =	simm.s32 $0x0;
	[smem:$0x7FF] =	sst s3;
	s11 =	smul.u32 $0xA00, s1  }
0x7: {  	s13 =	sshll.u32 s1, $0x6;
	s7 =	sshll.u32 s5, $0x4;
	_ =	strace $0x80000047  }
0x8: {  	s8 =	ssub.s32 $0x2, s5;
	s5 =	sshll.u32 s5, $0x7;
	s13 =	sor.u32 $0x1C02, s13  }
0x9: {  	s7 =	sor.u32 s1, s7;
	s10 =	sshrl.u32 s8, $0x1;
	s5 =	sor.u32 s5, s9  }
0xa: {  	s31 =	sshrl.u32 s11, $0x2;
	s11 =	simm.s32 $0x2800;
	s7 =	smul.u32 $0x2800, s7  }
0xb: {  	s8 =	ssub.s32 s8, s10;
	s9 =	sshrl.u32 s5, $0x3;
	s5 =	sadd.s32 s31, s2  }
0xc: {  	s10 =	simm.s32 $0x80;
	s6 =	sadd.s32 s6, s9;
	s7 =	sshrl.u32 s7, $0x3  }
0xd: {  	s9 =	simm.s32 $0x2880;
	s14 =	sshrl.u32 s5, $0x3;
	s4 =	sadd.s32 s4, s7  }
0xe: {  	v0 =	vimm.f32 $1.000000000e+00;
	v1 =	vimm.f32 $0.0e+00;
	s7 =	smax.u32 s8, $0x1;
	s8 =	simm.s32 $0x2;
	s4 =	sadd.s32 $0xC800, s4  }
.LBB2_1:
0xf: {  	[tilespmem:$0x2800] =	vst v0  }
0x10: {  	[tilespmem:$0x2810] =	vst v0  }
0x11: {  	[tilespmem:$0x2820] =	vst v0  }
0x12: {  	[tilespmem:$0x2830] =	vst v0  }
0x13: {  	[tilespmem:$0x2840] =	vst v0  }
0x14: {  	[tilespmem:$0x2850] =	vst v0  }
0x15: {  	[tilespmem:$0x2860] =	vst v0  }
0x16: {  	[tilespmem:$0x2870] =	vst v0  }
0x17: {  	[tilespmem:$0x2880] =	vst v1  }
0x18: {  	[tilespmem:$0x2890] =	vst v1  }
0x19: {  	[tilespmem:$0x28A0] =	vst v1  }
0x1a: {  	[tilespmem:$0x28B0] =	vst v1  }
0x1b: {  	[tilespmem:$0x28C0] =	vst v1  }
0x1c: {  	[tilespmem:$0x28D0] =	vst v1  }
0x1d: {  	[tilespmem:$0x28E0] =	vst v1  }
0x1e: {  	[tilespmem:$0x28F0] =	vst v1  }
0x1f: {  	[tilespmem:$0x2900] =	vst v1  }
0x20: {  	[tilespmem:$0x2910] =	vst v1  }
0x21: {  	[tilespmem:$0x2920] =	vst v1  }
0x22: {  	[tilespmem:$0x2930] =	vst v1  }
0x23: {  	[tilespmem:$0x2940] =	vst v1  }
0x24: {  	[tilespmem:$0x2950] =	vst v1  }
0x25: {  	[tilespmem:$0x2960] =	vst v1  }
0x26: {  	[tilespmem:$0x2970] =	vst v1  }
0x27: {  	[tilespmem:$0x2980] =	vst v1  }
0x28: {  	[tilespmem:$0x2990] =	vst v1  }
0x29: {  	[tilespmem:$0x29A0] =	vst v1  }
0x2a: {  	[tilespmem:$0x29B0] =	vst v1  }
0x2b: {  	[tilespmem:$0x29C0] =	vst v1  }
0x2c: {  	[tilespmem:$0x29D0] =	vst v1  }
0x2d: {  	[tilespmem:$0x29E0] =	vst v1  }
0x2e: {  	[tilespmem:$0x29F0] =	vst v1  }
0x2f: {  	[tilespmem:$0x2A00] =	vst v1  }
0x30: {  	[tilespmem:$0x2A10] =	vst v1  }
0x31: {  	[tilespmem:$0x2A20] =	vst v1  }
0x32: {  	[tilespmem:$0x2A30] =	vst v1  }
0x33: {  	[tilespmem:$0x2A40] =	vst v1  }
0x34: {  	[tilespmem:$0x2A50] =	vst v1  }
0x35: {  	[tilespmem:$0x2A60] =	vst v1  }
0x36: {  	[tilespmem:$0x2A70] =	vst v1  }
0x37: {  	[tilespmem:$0x2A80] =	vst v1  }
0x38: {  	[tilespmem:$0x2A90] =	vst v1  }
0x39: {  	[tilespmem:$0x2AA0] =	vst v1  }
0x3a: {  	[tilespmem:$0x2AB0] =	vst v1  }
0x3b: {  	[tilespmem:$0x2AC0] =	vst v1  }
0x3c: {  	[tilespmem:$0x2AD0] =	vst v1  }
0x3d: {  	[tilespmem:$0x2AE0] =	vst v1  }
0x3e: {  	[tilespmem:$0x2AF0] =	vst v1  }
0x3f: {  	[tilespmem:s3], [sflag:$0x2] =	stream.linear.gather [hbm4b:s4+s3], $0x2800, $0x38;
	[tilespmem:$0x2D80] =	vst v63  }
0x40: {  	_ =	swait.ge [sflag:s8], $0x2800  }
0x41: {  	[sflag:s8] =	ssyncset.done $0x0  }
0x42: {  	[sflag:s8] =	ssyncadd.s32 $0xFFFFD800  }
0x43: {  	[spmem:s5] =	stream.linear.scatter [tilespmem:s9], [sflag:$0x2], $0x280, $0x38;
	[tilespmem:$0x2D80] =	vst v63  }
0x44: {  	_ =	swait.ge [sflag:s8], $0x280  }
0x45: {  	[sflag:s8] =	ssyncset.done $0x0  }
0x46: {  	[sflag:s8] =	ssyncadd.s32 $0xFFFFFD80  }
0x47: {  	s18 =	simm.s32 $0x0;
	[bflag:$0x0] =	sbarrier.arrive $0xFFFF  }
0x48: {  	[spmem:s2] =	stream.indirect.scatter.add.f32 [tilespmem:s11], [sflag:$0x1], $0x1, s18, s10, $0xb8;
	[tilespmem:$0x2D80] =	vst v63  }
0x49: {  	s24 =	simm.s32 $0x80  }
0x4a: {  	[spmem:s2] =	stream.indirect.scatter.add.f32 [tilespmem:s11], [sflag:$0x1], $0x1, s24, s10, $0xb8;
	[tilespmem:$0x2D80] =	vst v63  }
0x4b: {  	s25 =	simm.s32 $0x100  }
0x4c: {  	[spmem:s2] =	stream.indirect.scatter.add.f32 [tilespmem:s11], [sflag:$0x1], $0x1, s25, s10, $0xb8;
	[tilespmem:$0x2D80] =	vst v63  }
0x4d: {  	s26 =	simm.s32 $0x180  }
0x4e: {  	[spmem:s2] =	stream.indirect.scatter.add.f32 [tilespmem:s11], [sflag:$0x1], $0x1, s26, s10, $0xb8;
	[tilespmem:$0x2D80] =	vst v63  }
0x4f: {  	s28 =	simm.s32 $0x200  }
0x50: {  	[spmem:s2] =	stream.indirect.scatter.add.f32 [tilespmem:s11], [sflag:$0x1], $0x1, s28, s10, $0xb8;
	[tilespmem:$0x2D80] =	vst v63  }
0x51: {  	s29 =	simm.s32 $0x280  }
0x52: {  	[spmem:s2] =	stream.indirect.scatter.add.f32 [tilespmem:s11], [sflag:$0x1], $0x1, s29, s10, $0xb8;
	[tilespmem:$0x2D80] =	vst v63  }
0x53: {  	s30 =	simm.s32 $0x300  }
0x54: {  	[spmem:s2] =	stream.indirect.scatter.add.f32 [tilespmem:s11], [sflag:$0x1], $0x1, s30, s10, $0xb8;
	[tilespmem:$0x2D80] =	vst v63  }
0x55: {  	s31 =	simm.s32 $0x380  }
0x56: {  	[spmem:s2] =	stream.indirect.scatter.add.f32 [tilespmem:s11], [sflag:$0x1], $0x1, s31, s10, $0xb8;
	[tilespmem:$0x2D80] =	vst v63  }
0x57: {  	_ =	swait.ge [sflag:s12], $0x80  }
0x58: {  	[sflag:s12] =	ssyncset.done $0x0  }
0x59: {  	[sflag:s12] =	ssyncadd.s32 $0xFFFFFF80  }
0x5a: {  	_ =	swait.ge [sflag:s12], $0x80  }
0x5b: {  	[sflag:s12] =	ssyncset.done $0x0  }
0x5c: {  	[sflag:s12] =	ssyncadd.s32 $0xFFFFFF80  }
0x5d: {  	_ =	swait.ge [sflag:s12], $0x80  }
0x5e: {  	[sflag:s12] =	ssyncset.done $0x0  }
0x5f: {  	[sflag:s12] =	ssyncadd.s32 $0xFFFFFF80  }
0x60: {  	_ =	swait.ge [sflag:s12], $0x80  }
0x61: {  	[sflag:s12] =	ssyncset.done $0x0  }
0x62: {  	[sflag:s12] =	ssyncadd.s32 $0xFFFFFF80  }
0x63: {  	_ =	swait.ge [sflag:s12], $0x80  }
0x64: {  	[sflag:s12] =	ssyncset.done $0x0  }
0x65: {  	[sflag:s12] =	ssyncadd.s32 $0xFFFFFF80  }
0x66: {  	_ =	swait.ge [sflag:s12], $0x80  }
0x67: {  	[sflag:s12] =	ssyncset.done $0x0  }
0x68: {  	[sflag:s12] =	ssyncadd.s32 $0xFFFFFF80  }
0x69: {  	_ =	swait.ge [sflag:s12], $0x80  }
0x6a: {  	[sflag:s12] =	ssyncset.done $0x0  }
0x6b: {  	[sflag:s12] =	ssyncadd.s32 $0xFFFFFF80  }
0x6c: {  	_ =	swait.ge [sflag:s12], $0x80  }
0x6d: {  	s20 =	simm.s32 $0x2000;
	s18 =	simm.s32 $0x1000;
	[sflag:s12] =	ssyncset.done $0x0  }
.LBB2_2:
0x6e: {  	s21 =	sshra.s32 s18, $0x2  }
0x6f: {  	[sflag:s12] =	ssyncadd.s32 $0xFFFFFF80;
	s18 =	smov.u32 s20;
	s19 =	sadd.s32 $0x1000, s20  }
0x70: {  	[spmem:s2] =	stream.indirect.scatter.add.f32 [tilespmem:s11], [sflag:$0x1], $0x1, s21, s10, $0xb8;
	[tilespmem:$0x2D80] =	vst v63  }
0x71: {  	p0 =	sne.s32 s20, $0x9000;
	s20 =	sadd.s32 $0x80, s21  }
0x72: {  	[spmem:s2] =	stream.indirect.scatter.add.f32 [tilespmem:s11], [sflag:$0x1], $0x1, s20, s10, $0xb8;
	[tilespmem:$0x2D80] =	vst v63  }
0x73: {  	s20 =	sadd.s32 $0x100, s21  }
0x74: {  	[spmem:s2] =	stream.indirect.scatter.add.f32 [tilespmem:s11], [sflag:$0x1], $0x1, s20, s10, $0xb8;
	[tilespmem:$0x2D80] =	vst v63  }
0x75: {  	s20 =	sadd.s32 $0x180, s21  }
0x76: {  	[spmem:s2] =	stream.indirect.scatter.add.f32 [tilespmem:s11], [sflag:$0x1], $0x1, s20, s10, $0xb8;
	[tilespmem:$0x2D80] =	vst v63  }
0x77: {  	s20 =	sadd.s32 $0x200, s21  }
0x78: {  	[spmem:s2] =	stream.indirect.scatter.add.f32 [tilespmem:s11], [sflag:$0x1], $0x1, s20, s10, $0xb8;
	[tilespmem:$0x2D80] =	vst v63  }
0x79: {  	s20 =	sadd.s32 $0x280, s21  }
0x7a: {  	[spmem:s2] =	stream.indirect.scatter.add.f32 [tilespmem:s11], [sflag:$0x1], $0x1, s20, s10, $0xb8;
	[tilespmem:$0x2D80] =	vst v63  }
0x7b: {  	s20 =	sadd.s32 $0x300, s21  }
0x7c: {  	[spmem:s2] =	stream.indirect.scatter.add.f32 [tilespmem:s11], [sflag:$0x1], $0x1, s20, s10, $0xb8;
	[tilespmem:$0x2D80] =	vst v63  }
0x7d: {  	s20 =	sadd.s32 $0x380, s21  }
0x7e: {  	[spmem:s2] =	stream.indirect.scatter.add.f32 [tilespmem:s11], [sflag:$0x1], $0x1, s20, s10, $0xb8;
	[tilespmem:$0x2D80] =	vst v63  }
0x7f: {  	_ =	swait.ge [sflag:s12], $0x80  }
0x80: {  	[sflag:s12] =	ssyncset.done $0x0  }
0x81: {  	[sflag:s12] =	ssyncadd.s32 $0xFFFFFF80  }
0x82: {  	_ =	swait.ge [sflag:s12], $0x80  }
0x83: {  	[sflag:s12] =	ssyncset.done $0x0  }
0x84: {  	[sflag:s12] =	ssyncadd.s32 $0xFFFFFF80  }
0x85: {  	_ =	swait.ge [sflag:s12], $0x80  }
0x86: {  	[sflag:s12] =	ssyncset.done $0x0  }
0x87: {  	[sflag:s12] =	ssyncadd.s32 $0xFFFFFF80  }
0x88: {  	_ =	swait.ge [sflag:s12], $0x80  }
0x89: {  	[sflag:s12] =	ssyncset.done $0x0  }
0x8a: {  	[sflag:s12] =	ssyncadd.s32 $0xFFFFFF80  }
0x8b: {  	_ =	swait.ge [sflag:s12], $0x80  }
0x8c: {  	[sflag:s12] =	ssyncset.done $0x0  }
0x8d: {  	[sflag:s12] =	ssyncadd.s32 $0xFFFFFF80  }
0x8e: {  	_ =	swait.ge [sflag:s12], $0x80  }
0x8f: {  	[sflag:s12] =	ssyncset.done $0x0  }
0x90: {  	[sflag:s12] =	ssyncadd.s32 $0xFFFFFF80  }
.Ltmp0:
0x91: {  	_ =	swait.ge [sflag:s12], $0x80;
	(pc) =	sbr.rel @p0 .LBB2_2-.Ltmp0, $4  }
0x92: {  	[sflag:s12] =	ssyncset.done $0x0  }
0x93: {  	[sflag:s12] =	ssyncadd.s32 $0xFFFFFF80  }
0x94: {  	_ =	swait.ge [sflag:s12], $0x80  }
0x95: {  	s20 =	smov.u32 s19;
	[sflag:s12] =	ssyncset.done $0x0  }
0x96: {  	s18 =	sshra.s32 s18, $0x2;
	[sflag:s12] =	ssyncadd.s32 $0xFFFFFF80  }
0x97: {  	[spmem:s2] =	stream.indirect.scatter.add.f32 [tilespmem:s11], [sflag:$0x1], $0x1, s18, s10, $0xb8;
	[tilespmem:$0x2D80] =	vst v63  }
0x98: {  	s19 =	sadd.s32 $0x80, s18  }
0x99: {  	[spmem:s2] =	stream.indirect.scatter.add.f32 [tilespmem:s11], [sflag:$0x1], $0x1, s19, s10, $0xb8;
	[tilespmem:$0x2D80] =	vst v63  }
0x9a: {  	s26 =	sadd.s32 $0x100, s18  }
0x9b: {  	[spmem:s2] =	stream.indirect.scatter.add.f32 [tilespmem:s11], [sflag:$0x1], $0x1, s26, s10, $0xb8;
	[tilespmem:$0x2D80] =	vst v63  }
0x9c: {  	s28 =	sadd.s32 $0x180, s18  }
0x9d: {  	[spmem:s2] =	stream.indirect.scatter.add.f32 [tilespmem:s11], [sflag:$0x1], $0x1, s28, s10, $0xb8;
	[tilespmem:$0x2D80] =	vst v63  }
0x9e: {  	s29 =	sadd.s32 $0x200, s18  }
0x9f: {  	[spmem:s2] =	stream.indirect.scatter.add.f32 [tilespmem:s11], [sflag:$0x1], $0x1, s29, s10, $0xb8;
	[tilespmem:$0x2D80] =	vst v63  }
0xa0: {  	s30 =	sadd.s32 $0x280, s18  }
0xa1: {  	[spmem:s2] =	stream.indirect.scatter.add.f32 [tilespmem:s11], [sflag:$0x1], $0x1, s30, s10, $0xb8;
	[tilespmem:$0x2D80] =	vst v63  }
0xa2: {  	s31 =	sadd.s32 $0x300, s18  }
0xa3: {  	[spmem:s2] =	stream.indirect.scatter.add.f32 [tilespmem:s11], [sflag:$0x1], $0x1, s31, s10, $0xb8;
	[tilespmem:$0x2D80] =	vst v63  }
0xa4: {  	s18 =	sadd.s32 $0x380, s18  }
0xa5: {  	[spmem:s2] =	stream.indirect.scatter.add.f32 [tilespmem:s11], [sflag:$0x1], $0x1, s18, s10, $0xb8;
	[tilespmem:$0x2D80] =	vst v63  }
0xa6: {  	_ =	swait.ge [sflag:s12], $0x80  }
0xa7: {  	[sflag:s12] =	ssyncset.done $0x0  }
0xa8: {  	[sflag:s12] =	ssyncadd.s32 $0xFFFFFF80  }
0xa9: {  	_ =	swait.ge [sflag:s12], $0x80  }
0xaa: {  	[sflag:s12] =	ssyncset.done $0x0  }
0xab: {  	[sflag:s12] =	ssyncadd.s32 $0xFFFFFF80  }
0xac: {  	_ =	swait.ge [sflag:s12], $0x80  }
0xad: {  	[sflag:s12] =	ssyncset.done $0x0  }
0xae: {  	[sflag:s12] =	ssyncadd.s32 $0xFFFFFF80  }
0xaf: {  	_ =	swait.ge [sflag:s12], $0x80  }
0xb0: {  	[sflag:s12] =	ssyncset.done $0x0  }
0xb1: {  	[sflag:s12] =	ssyncadd.s32 $0xFFFFFF80  }
0xb2: {  	_ =	swait.ge [sflag:s12], $0x80  }
0xb3: {  	[sflag:s12] =	ssyncset.done $0x0  }
0xb4: {  	[sflag:s12] =	ssyncadd.s32 $0xFFFFFF80  }
0xb5: {  	_ =	swait.ge [sflag:s12], $0x80  }
0xb6: {  	[sflag:s12] =	ssyncset.done $0x0  }
0xb7: {  	[sflag:s12] =	ssyncadd.s32 $0xFFFFFF80  }
0xb8: {  	_ =	swait.ge [sflag:s12], $0x80  }
0xb9: {  	[sflag:s12] =	ssyncset.done $0x0  }
0xba: {  	[sflag:s12] =	ssyncadd.s32 $0xFFFFFF80  }
0xbb: {  	_ =	swait.ge [sflag:s12], $0x80  }
0xbc: {  	s17 =	sadd.s32 $0x1, s17;
	[sflag:s12] =	ssyncset.done $0x0  }
0xbd: {  	p0 =	sne.s32 s17, s7;
	[sflag:s12] =	ssyncadd.s32 $0xFFFFFF80  }
.Ltmp1:
0xbe: {  	[bflag:$0x0] =	sbarrier.arrive $0xFFFF;
	(pc) =	sbr.rel @p0 .LBB2_1-.Ltmp1, $4  }
0xbf: {  	[hbm:s6@s15], [sflag:s13] =	dma.strided [spmem:s14@s16], $0x50, s12, $0x10   }
0xc0: {  	_ =	swait.ge [sflag:s8], $0x50  }
0xc1: {  	[sflag:s8] =	ssyncset.done $0x0  }
0xc2: {  	[sflag:s8] =	ssyncadd.s32 $0xFFFFFFB0  }
0xc3: {  	_ =	sfence.sel $0x180000  }
0xc4: {  	[bflag:$0x0] =	sbarrier.arrive $0xFFFF  }
0xc5: {  	p0 =	sne.s32 s1, $0x0;
	_ =	strace $0x90000047  }
0xc6: {  	s0 =	sadd.s32 @!p0 $0x100000, s0;
	[bflag:$0x2] =	sbarrier.arrive $0xFFFF  }
0xc7: {  	[sflag:s0] =	ssyncadd.tile.s32 @!p0 $0x1;
	_ =	shalt  }
.Lfunc_end2:
_tile_overlayer_lowered:
.L_overlay_start_2:
0xc8: {  	(tag) =	ssettag $0x2  }
0xc9: {  	s0 =	rddreg [dreg:$0x0];
	s2 =	stileid.u32  }
0xca: {  	s1 =	rddreg [dreg:$0x1];
	p0 =	sne.s32 s2, $0x0  }
0xcb: {  	s3 =	rddreg [dreg:$0x2];
	[bflag:$0x3] =	sbarrier.arrive $0xFFFF;
	s2 =	simm.s32 @!p0 $0x1C02  }
0xcc: {  	[timem:s3], [sflag:s2] =	dma.local @!p0 [hbm:s0], s1  }
0xcd: {  	s0 =	simm.s32 @!p0 $0x2  }
0xce: {  	_ =	swait.ge @!p0 [sflag:s0], s1  }
0xcf: {  	s1 =	ssub.s32 @!p0 $0x0, s1;
	[sflag:s0] =	ssyncset.done @!p0 $0x0  }
0xd0: {  	[sflag:s0] =	ssyncadd.s32 @!p0 s1  }
0xd1: {  	[bflag:$0x3] =	sbarrier.arrive $0xFFFF  }
0xd2: {  	_ =	shalt  }

</sc_bundles>
